<compile_context>
chip_gen: v7x
topology: tpu7x:2x2x1
jax: 0.10.2.dev20260603
libtpu: 0.0.44.dev20260713+nightly
codegen_flags: <defaults>
</compile_context>

<pallas_src>
import functools

import jax
import jax.numpy as jnp
from jax import lax
from jax.experimental import pallas as pl
from jax.experimental.pallas import tpu as pltpu
from jax.experimental.pallas import tpu_sc as plsc

D = 128
K = 10
KP = 16
M = 64
HE = 514
HN = 256
RB = 256
RBK = 512
RBL = 512
GR = 128
NW = 32
BF = jnp.bfloat16
F32 = jnp.float32


def _dot(a, b):
    return jnp.dot(a, b, preferred_element_type=F32)


def _silu(x):
    return (0.5 * x) * (jnp.tanh(0.5 * x) + 1.0)



def _knn_l1_body(xi_ref, xj_ref, e_ref, wi_ref, wj_ref, wd_ref, be1_ref,
                 we2_ref, be2_ref, wn1a_ref, wn1b_ref, bn1_ref, wn2_ref,
                 bn2_ref, idx_ref, dst_ref, o_ref):
    nloc = xj_ref.shape[2]
    xi = xi_ref[0]
    xj = xj_ref[0]
    dx = xi[:, 0:1] - xj[0:1, :]
    dy = xi[:, 1:2] - xj[1:2, :]
    dz = xi[:, 2:3] - xj[2:3, :]
    d = (dx * dx + dy * dy) + dz * dz
    cols = lax.broadcasted_iota(jnp.int32, d.shape, 1)

    e = e_ref[...]
    eb = e.astype(BF)
    c0 = _dot(eb, wi_ref[...]) + _dot(eb, wj_ref[...]) + be1_ref[...]
    wd = wd_ref[...]
    we2 = we2_ref[...]
    be2 = be2_ref[...]
    msum = jnp.zeros((RBK, M), F32)
    for t in range(K):
        m = jnp.min(d, axis=1, keepdims=True)
        idx = jnp.min(jnp.where(d == m, cols, nloc), axis=1, keepdims=True)
        idx_ref[0, :, t:t + 1] = idx
        dst_ref[0, :, t:t + 1] = m
        d = jnp.where(cols == idx, jnp.inf, d)
        h1 = _silu(c0 + m * wd)
        msum = msum + _silu(_dot(h1.astype(BF), we2) + be2)

    u = _silu(_dot(eb, wn1a_ref[...])
              + _dot(msum.astype(BF), wn1b_ref[...]) + bn1_ref[...])
    o_ref[0] = _dot(u.astype(BF), wn2_ref[...]) + bn2_ref[...] + e


def _knn_l1(x, e, w, l):
    xj = jnp.transpose(x, (0, 2, 1))
    wspecs = [pl.BlockSpec(a.shape, lambda i: (0, 0)) for a in w]
    return pl.pallas_call(
        _knn_l1_body,
        grid=(l // RBK,),
        in_specs=[
            pl.BlockSpec((1, RBK, 3), lambda i: (0, i, 0)),
            pl.BlockSpec((1, 3, l), lambda i: (0, 0, 0)),
            pl.BlockSpec((1, D), lambda i: (0, 0)),
        ] + wspecs,
        out_specs=[
            pl.BlockSpec((1, RBK, KP), lambda i: (0, i, 0)),
            pl.BlockSpec((1, RBK, KP), lambda i: (0, i, 0)),
            pl.BlockSpec((1, RBK, D), lambda i: (0, i, 0)),
        ],
        out_shape=[
            jax.ShapeDtypeStruct((1, l, KP), jnp.int32),
            jax.ShapeDtypeStruct((1, l, KP), F32),
            jax.ShapeDtypeStruct((1, l, D), F32),
        ],
    )(x, xj, e, *w)



def _gather_rows(table, idx3):
    nw, nch, _ = idx3.shape
    mesh = plsc.VectorSubcoreMesh(core_axis_name="c", subcore_axis_name="s")

    @functools.partial(
        pl.kernel,
        mesh=mesh,
        out_type=jax.ShapeDtypeStruct((nw * nch * GR, D), F32),
        scratch_types=[
            pltpu.VMEM((nch, GR), jnp.int32),
            pltpu.VMEM((GR, D), F32),
            pltpu.VMEM((GR, D), F32),
            pltpu.SemaphoreType.DMA,
            pltpu.SemaphoreType.DMA,
        ],
    )
    def run(table_hbm, idx_hbm, out_hbm, idx_v, rows0, rows1, sem0, sem1):
        wid = lax.axis_index("s") * 2 + lax.axis_index("c")
        pltpu.sync_copy(idx_hbm.at[wid], idx_v)
        bufs = (rows0, rows1)
        sems = (sem0, sem1)
        cps = [None, None]
        cps[0] = pltpu.async_copy(table_hbm.at[idx_v.at[0]], rows0, sem0)
        for ch in range(1, nch):
            cps[ch % 2] = pltpu.async_copy(
                table_hbm.at[idx_v.at[ch]], bufs[ch % 2], sems[ch % 2])
            prev = ch - 1
            cps[prev % 2].wait()
            pltpu.sync_copy(bufs[prev % 2],
                            out_hbm.at[pl.ds((wid * nch + prev) * GR, GR)])
        cps[(nch - 1) % 2].wait()
        pltpu.sync_copy(bufs[(nch - 1) % 2],
                        out_hbm.at[pl.ds((wid * nch + nch - 1) * GR, GR)])

    return run(table, idx3)



def _layer_body(f_ref, g_ref, d_ref, wi_ref, wj_ref, wd_ref, be1_ref,
                we2_ref, be2_ref, wn1a_ref, wn1b_ref, bn1_ref, wn2_ref,
                bn2_ref, *rest):
    *ln_refs, o_ref = rest
    f = f_ref[0]
    fb = f.astype(BF)
    a = _dot(fb, wi_ref[...]) + be1_ref[...]
    wj = wj_ref[...]
    wd = wd_ref[...]
    we2 = we2_ref[...]
    be2 = be2_ref[...]
    msum = jnp.zeros((RBL, M), F32)
    for t in range(K):
        pre = a + _dot(g_ref[0, t].astype(BF), wj) + d_ref[0, :, t:t + 1] * wd
        h1 = _silu(pre)
        msum = msum + _silu(_dot(h1.astype(BF), we2) + be2)

    u = _silu(_dot(fb, wn1a_ref[...])
              + _dot(msum.astype(BF), wn1b_ref[...]) + bn1_ref[...])
    out = _dot(u.astype(BF), wn2_ref[...]) + bn2_ref[...] + f
    if ln_refs:
        gamma_ref, beta_ref = ln_refs
        mu = jnp.mean(out, axis=1, keepdims=True)
        var = jnp.mean((out - mu) ** 2, axis=1, keepdims=True)
        out = ((out - mu) * lax.rsqrt(var + 1e-5) * gamma_ref[...]
               + beta_ref[...])
    o_ref[0] = out


def _prep_weights(p):
    we1 = p['W_e1']
    wn1 = p['W_n1']
    c = lambda a: a.astype(BF)
    return (c(we1[:D]), c(we1[D:2 * D]), we1[2 * D:2 * D + 1],
            p['b_e1'][None, :], c(p['W_e2']), p['b_e2'][None, :],
            c(wn1[:D]), c(wn1[D:]), p['b_n1'][None, :],
            c(p['W_n2']), p['b_n2'][None, :])


def _layer(f, g, dist_k, w, ln, l):
    wspecs = [pl.BlockSpec(a.shape, lambda i: (0, 0)) for a in w]
    extra_specs = []
    extra_args = ()
    if ln is not None:
        extra_specs = [pl.BlockSpec((1, D), lambda i: (0, 0)),
                       pl.BlockSpec((1, D), lambda i: (0, 0))]
        extra_args = (ln[0][None, :], ln[1][None, :])
    return pl.pallas_call(
        _layer_body,
        grid=(l // RBL,),
        in_specs=[pl.BlockSpec((1, RBL, D), lambda i: (0, i, 0)),
                  pl.BlockSpec((1, K, RBL, D), lambda i: (0, 0, i, 0)),
                  pl.BlockSpec((1, RBL, KP), lambda i: (0, i, 0))]
                 + wspecs + extra_specs,
        out_specs=pl.BlockSpec((1, RBL, D), lambda i: (0, i, 0)),
        out_shape=jax.ShapeDtypeStruct((1, l, D), F32),
    )(f, g, dist_k, *w, *extra_args)



def kernel(coords, params):
    b, l = coords.shape[0], coords.shape[1]
    e = params['node_embedding'].reshape(1, D)
    ws = [_prep_weights(p) for p in params['layers']]
    ln = (params['ln_gamma'], params['ln_beta'])
    nch = (K * l) // (NW * GR)

    nbhd = [None] * b
    dist_k = [None] * b
    h = [None] * b
    idx3 = [None] * b
    g = [None] * b

    def gather(bi):
        return _gather_rows(h[bi].reshape(l, D), idx3[bi]).reshape(1, K, l, D)

    for bi in range(b):
        x = coords[bi:bi + 1, :, 1, :]
        nbhd[bi], dist_k[bi], h[bi] = _knn_l1(x, e, ws[0], l)
        idx3[bi] = jnp.transpose(nbhd[bi][0, :, :K], (1, 0)).reshape(NW, nch, GR)
        g[bi] = gather(bi)
    for bi in range(b):
        h[bi] = _layer(h[bi], g[bi], dist_k[bi], ws[1], None, l)
        g[bi] = gather(bi)
    for bi in range(b):
        h[bi] = _layer(h[bi], g[bi], dist_k[bi], ws[2], ln, l)
    return jnp.concatenate(h, axis=0)

# --- scband reference (transcript-rebuilt; emitter-appended) ---
"""Pipeline reference for scband-egnnstructure-encoder-7902739825039 (READ-ONLY COPY).

The authoritative reference and input builder live on the scoring server;
editing this copy changes nothing except your own understanding.
"""

import jax, jax.numpy as jnp
import numpy as np

D_MODEL = 128
N_LAYERS = 3
M_DIM = D_MODEL // 2
K_NN = 10
B, L = 2, 2048


def _dense(key, fan_in, fan_out):
    k1, k2 = jax.random.split(key)
    W = jax.random.normal(k1, (fan_in, fan_out), dtype=jnp.float32) / np.sqrt(fan_in)
    b = jax.random.normal(k2, (fan_out,), dtype=jnp.float32) * 0.01
    return W, b


def _layer_params(key):
    edge_in = 2 * D_MODEL + 1
    ks = jax.random.split(key, 6)
    p = {}
    p['W_e1'], p['b_e1'] = _dense(ks[0], edge_in, edge_in * 2)
    p['W_e2'], p['b_e2'] = _dense(ks[1], edge_in * 2, M_DIM)
    p['W_c1'], p['b_c1'] = _dense(ks[2], M_DIM, M_DIM * 4)
    p['W_c2'], p['b_c2'] = _dense(ks[3], M_DIM * 4, 1)
    p['W_n1'], p['b_n1'] = _dense(ks[4], D_MODEL + M_DIM, D_MODEL * 2)
    p['W_n2'], p['b_n2'] = _dense(ks[5], D_MODEL * 2, D_MODEL)
    return p


def setup_inputs(seed: int = 0) -> dict:
    key = jax.random.key(seed)
    ks = jax.random.split(key, 2 + N_LAYERS)
    coords = jax.random.normal(ks[0], (B, L, 3, 3), dtype=jnp.float32) * 4.0
    params = {
        'node_embedding': jax.random.normal(ks[1], (1, 1, D_MODEL), dtype=jnp.float32),
        'layers': [_layer_params(k) for k in ks[2:]],
        'ln_gamma': jnp.ones((D_MODEL,), jnp.float32),
        'ln_beta': jnp.zeros((D_MODEL,), jnp.float32),
    }
    return {'coords': coords, 'params': params}


def _egnn_layer(p, feats, coors):
    # dense pairwise relative coords / squared distances (as in egnn-pytorch)
    rel_coors = coors[:, :, None, :] - coors[:, None, :, :]            # [b, n, n, 3]
    rel_dist = jnp.sum(rel_coors ** 2, axis=-1, keepdims=True)          # [b, n, n, 1]
    ranking = rel_dist[..., 0]                                          # [b, n, n]
    # torch.topk(..., largest=False) -> k nearest (self included, dist 0)
    _, nbhd_idx = jax.lax.top_k(-ranking, K_NN)                         # [b, n, k]
    gather2 = jax.vmap(jax.vmap(lambda rows, idx: rows[idx]))
    rel_coors_k = gather2(rel_coors, nbhd_idx)                          # [b, n, k, 3]
    rel_dist_k = gather2(rel_dist, nbhd_idx)                            # [b, n, k, 1]
    feats_j = jax.vmap(lambda f, idx: f[idx])(feats, nbhd_idx)          # [b, n, k, d]
    feats_i = jnp.broadcast_to(feats[:, :, None, :], feats_j.shape)
    edge_input = jnp.concatenate([feats_i, feats_j, rel_dist_k], axis=-1)  # [b, n, k, 2d+1]
    # edge_mlp: Linear -> SiLU -> Linear -> SiLU
    h = jax.nn.silu(edge_input @ p['W_e1'] + p['b_e1'])
    m_ij = jax.nn.silu(h @ p['W_e2'] + p['b_e2'])                       # [b, n, k, m_dim]
    # coors_mlp: Linear -> SiLU -> Linear
    cw = jax.nn.silu(m_ij @ p['W_c1'] + p['b_c1']) @ p['W_c2'] + p['b_c2']
    coor_weights = cw[..., 0]                                           # [b, n, k]
    coors_out = jnp.einsum('bij,bijc->bic', coor_weights, rel_coors_k) + coors
    # node update: sum-pool messages, Linear -> SiLU -> Linear, residual
    m_i = jnp.sum(m_ij, axis=-2)                                        # [b, n, m_dim]
    node_in = jnp.concatenate([feats, m_i], axis=-1)
    node_out = jax.nn.silu(node_in @ p['W_n1'] + p['b_n1']) @ p['W_n2'] + p['b_n2'] + feats
    return node_out, coors_out


def reference(coords, params):
    Bc, Lc = coords.shape[0], coords.shape[1]
    x = coords[:, :, 1, :]                                              # CA atom coords
    h = jnp.broadcast_to(params['node_embedding'], (Bc, Lc, D_MODEL))
    for p in params['layers']:
        h, _ = _egnn_layer(p, h, x)  # coords not updated across layers (torch drops coors_out)
    mu = jnp.mean(h, axis=-1, keepdims=True)
    var = jnp.var(h, axis=-1, keepdims=True)
    hn = (h - mu) / jnp.sqrt(var + 1e-5)
    return hn * params['ln_gamma'] + params['ln_beta']

if __name__ == "__main__":
    import jax
    _d = setup_inputs()
    print(jax.jit(kernel)(*tuple(_d.values())))

</pallas_src>

<mosaic_0001>
#map = affine_map<(d0, d1) -> (0, 0)>
#map1 = affine_map<(d0, d1) -> (0, 0, 0)>
module attributes {stable_mosaic.version = 14 : i64} {
  func.func @run(%arg0: i32, %arg1: i32, %arg2: memref<2048x128xf32, #tpu.memory_space<hbm>>, %arg3: memref<32x5x128xi32, #tpu.memory_space<hbm>>, %arg4: memref<20480x128xf32, #tpu.memory_space<hbm>>, %arg5: memref<5x128xi32, #tpu.memory_space<vmem>>, %arg6: memref<128x128xf32, #tpu.memory_space<vmem>>, %arg7: memref<128x128xf32, #tpu.memory_space<vmem>>, %arg8: memref<!tpu.dma_semaphore, #tpu.memory_space<semaphore_mem>>, %arg9: memref<!tpu.dma_semaphore, #tpu.memory_space<semaphore_mem>>) attributes {dimension_semantics = [#tpu.dimension_semantics<core_parallel>, #tpu.dimension_semantics<subcore_parallel>], iteration_bounds = array<i64: 2, 16>, scalar_prefetch = 0 : i64, scratch_operands = 5 : i64, tpu.core_type = #tpu.core_type<sc_vector_subcore>, window_params = [{transform_indices = #map}, {transform_indices = #map1}, {transform_indices = #map}]} {
    %mul3A = arith.constant 2 : i32
    %mul3A_0 = arith.muli %arg1, %mul3A : i32
    %add3A = arith.addi %mul3A_0, %arg0 : i32
    "tpu.region"() ({
      %run_scoped3A = tpu.sem_alloc : memref<!tpu.dma_semaphore, #tpu.memory_space<semaphore_mem>>
      %dma_start3A_100 = arith.constant 0 : i32
      %dma_start3A_101 = arith.constant 0 : i32
      %dma_start3A_102 = tpu.memref_slice %arg3[%add3A, %dma_start3A_100, %dma_start3A_101] : memref<32x5x128xi32, #tpu.memory_space<hbm>> -> memref<1x5x128xi32, #tpu.memory_space<hbm>>
      %dma_start3A_103 = tpu.memref_squeeze %dma_start3A_102 : memref<1x5x128xi32, #tpu.memory_space<hbm>> -> memref<5x128xi32, #tpu.memory_space<hbm>>
      %dma_start3A_104 = arith.constant 0 : i32
      %dma_start3A_105 = arith.constant 0 : i32
      %dma_start3A_106 = tpu.memref_slice %arg3[%add3A, %dma_start3A_104, %dma_start3A_105] : memref<32x5x128xi32, #tpu.memory_space<hbm>> -> memref<1x5x128xi32, #tpu.memory_space<hbm>>
      %dma_start3A_107 = tpu.memref_squeeze %dma_start3A_106 : memref<1x5x128xi32, #tpu.memory_space<hbm>> -> memref<5x128xi32, #tpu.memory_space<hbm>>
      tpu.enqueue_dma source(%dma_start3A_107 : memref<5x128xi32, #tpu.memory_space<hbm>>) target(%arg5 : memref<5x128xi32, #tpu.memory_space<vmem>>) target_semaphore(%run_scoped3A : memref<!tpu.dma_semaphore, #tpu.memory_space<semaphore_mem>>)
      %dma_wait3A_108 = arith.constant 0 : i32
      %dma_wait3A_109 = arith.constant 0 : i32
      %dma_wait3A_110 = tpu.memref_slice %arg3[%add3A, %dma_wait3A_108, %dma_wait3A_109] : memref<32x5x128xi32, #tpu.memory_space<hbm>> -> memref<1x5x128xi32, #tpu.memory_space<hbm>>
      %dma_wait3A_111 = tpu.memref_squeeze %dma_wait3A_110 : memref<1x5x128xi32, #tpu.memory_space<hbm>> -> memref<5x128xi32, #tpu.memory_space<hbm>>
      %dma_wait3A_112 = arith.constant 0 : i32
      %dma_wait3A_113 = arith.constant 0 : i32
      %dma_wait3A_114 = tpu.memref_slice %arg3[%add3A, %dma_wait3A_112, %dma_wait3A_113] : memref<32x5x128xi32, #tpu.memory_space<hbm>> -> memref<1x5x128xi32, #tpu.memory_space<hbm>>
      %dma_wait3A_115 = tpu.memref_squeeze %dma_wait3A_114 : memref<1x5x128xi32, #tpu.memory_space<hbm>> -> memref<5x128xi32, #tpu.memory_space<hbm>>
      tpu.wait_dma2 semaphore(%run_scoped3A : memref<!tpu.dma_semaphore, #tpu.memory_space<semaphore_mem>>) src(%dma_wait3A_115 : memref<5x128xi32, #tpu.memory_space<hbm>>) dst(%arg5 : memref<5x128xi32, #tpu.memory_space<vmem>>)
      tpu.yield
    }) : () -> ()
    %dma_start3A = arith.constant 0 : i32
    %dma_start3A_1 = arith.constant 0 : i32
    %dma_start3A_2 = tpu.memref_slice %arg5[%dma_start3A, %dma_start3A_1] : memref<5x128xi32, #tpu.memory_space<vmem>> -> memref<1x128xi32, #tpu.memory_space<vmem>>
    %dma_start3A_3 = tpu.memref_squeeze %dma_start3A_2 : memref<1x128xi32, #tpu.memory_space<vmem>> -> memref<128xi32, #tpu.memory_space<vmem>>
    %dma_start3A_4 = arith.constant 0 : i32
    %dma_start3A_5 = arith.constant 0 : i32
    %dma_start3A_6 = tpu.memref_slice %arg2[%dma_start3A_4, %dma_start3A_5] : memref<2048x128xf32, #tpu.memory_space<hbm>> -> memref<2048x128xf32, #tpu.memory_space<hbm>>
    tpu.enqueue_indirect_dma source(%dma_start3A_6 : memref<2048x128xf32, #tpu.memory_space<hbm>>) target(%arg6 : memref<128x128xf32, #tpu.memory_space<vmem>>) offsets(%dma_start3A_3 : memref<128xi32, #tpu.memory_space<vmem>>) semaphore(%arg8 : memref<!tpu.dma_semaphore, #tpu.memory_space<semaphore_mem>>)
    %dma_start3A_7 = arith.constant 1 : i32
    %dma_start3A_8 = arith.constant 0 : i32
    %dma_start3A_9 = tpu.memref_slice %arg5[%dma_start3A_7, %dma_start3A_8] : memref<5x128xi32, #tpu.memory_space<vmem>> -> memref<1x128xi32, #tpu.memory_space<vmem>>
    %dma_start3A_10 = tpu.memref_squeeze %dma_start3A_9 : memref<1x128xi32, #tpu.memory_space<vmem>> -> memref<128xi32, #tpu.memory_space<vmem>>
    %dma_start3A_11 = arith.constant 0 : i32
    %dma_start3A_12 = arith.constant 0 : i32
    %dma_start3A_13 = tpu.memref_slice %arg2[%dma_start3A_11, %dma_start3A_12] : memref<2048x128xf32, #tpu.memory_space<hbm>> -> memref<2048x128xf32, #tpu.memory_space<hbm>>
    tpu.enqueue_indirect_dma source(%dma_start3A_13 : memref<2048x128xf32, #tpu.memory_space<hbm>>) target(%arg7 : memref<128x128xf32, #tpu.memory_space<vmem>>) offsets(%dma_start3A_10 : memref<128xi32, #tpu.memory_space<vmem>>) semaphore(%arg9 : memref<!tpu.dma_semaphore, #tpu.memory_space<semaphore_mem>>)
    %dma_wait3A = arith.constant 0 : i32
    %dma_wait3A_14 = arith.constant 0 : i32
    %dma_wait3A_15 = tpu.memref_slice %arg5[%dma_wait3A, %dma_wait3A_14] : memref<5x128xi32, #tpu.memory_space<vmem>> -> memref<1x128xi32, #tpu.memory_space<vmem>>
    %dma_wait3A_16 = tpu.memref_squeeze %dma_wait3A_15 : memref<1x128xi32, #tpu.memory_space<vmem>> -> memref<128xi32, #tpu.memory_space<vmem>>
    %dma_wait3A_17 = arith.constant 0 : i32
    %dma_wait3A_18 = arith.constant 0 : i32
    %dma_wait3A_19 = tpu.memref_slice %arg2[%dma_wait3A_17, %dma_wait3A_18] : memref<2048x128xf32, #tpu.memory_space<hbm>> -> memref<2048x128xf32, #tpu.memory_space<hbm>>
    tpu.wait_indirect_dma semaphore(%arg8 : memref<!tpu.dma_semaphore, #tpu.memory_space<semaphore_mem>>) src(%dma_wait3A_19 : memref<2048x128xf32, #tpu.memory_space<hbm>>) dst(%arg6 : memref<128x128xf32, #tpu.memory_space<vmem>>)
    %mul3A_20 = arith.constant 5 : i32
    %mul3A_21 = arith.muli %add3A, %mul3A_20 : i32
    %add3A_22 = arith.constant 0 : i32
    %add3A_23 = arith.addi %mul3A_21, %add3A_22 : i32
    %mul3A_24 = arith.constant 128 : i32
    %mul3A_25 = arith.muli %add3A_23, %mul3A_24 : i32
    "tpu.region"() ({
      %run_scoped3A = tpu.sem_alloc : memref<!tpu.dma_semaphore, #tpu.memory_space<semaphore_mem>>
      %dma_start3A_100 = arith.constant 0 : i32
      %dma_start3A_101 = tpu.memref_slice %arg4[%mul3A_25, %dma_start3A_100] : memref<20480x128xf32, #tpu.memory_space<hbm>> -> memref<128x128xf32, #tpu.memory_space<hbm>>
      %dma_start3A_102 = arith.constant 0 : i32
      %dma_start3A_103 = tpu.memref_slice %arg4[%mul3A_25, %dma_start3A_102] : memref<20480x128xf32, #tpu.memory_space<hbm>> -> memref<128x128xf32, #tpu.memory_space<hbm>>
      tpu.enqueue_dma source(%arg6 : memref<128x128xf32, #tpu.memory_space<vmem>>) target(%dma_start3A_103 : memref<128x128xf32, #tpu.memory_space<hbm>>) target_semaphore(%run_scoped3A : memref<!tpu.dma_semaphore, #tpu.memory_space<semaphore_mem>>)
      %dma_wait3A_104 = arith.constant 0 : i32
      %dma_wait3A_105 = tpu.memref_slice %arg4[%mul3A_25, %dma_wait3A_104] : memref<20480x128xf32, #tpu.memory_space<hbm>> -> memref<128x128xf32, #tpu.memory_space<hbm>>
      %dma_wait3A_106 = arith.constant 0 : i32
      %dma_wait3A_107 = tpu.memref_slice %arg4[%mul3A_25, %dma_wait3A_106] : memref<20480x128xf32, #tpu.memory_space<hbm>> -> memref<128x128xf32, #tpu.memory_space<hbm>>
      tpu.wait_dma2 semaphore(%run_scoped3A : memref<!tpu.dma_semaphore, #tpu.memory_space<semaphore_mem>>) src(%arg6 : memref<128x128xf32, #tpu.memory_space<vmem>>) dst(%dma_wait3A_107 : memref<128x128xf32, #tpu.memory_space<hbm>>)
      tpu.yield
    }) : () -> ()
    %dma_start3A_26 = arith.constant 2 : i32
    %dma_start3A_27 = arith.constant 0 : i32
    %dma_start3A_28 = tpu.memref_slice %arg5[%dma_start3A_26, %dma_start3A_27] : memref<5x128xi32, #tpu.memory_space<vmem>> -> memref<1x128xi32, #tpu.memory_space<vmem>>
    %dma_start3A_29 = tpu.memref_squeeze %dma_start3A_28 : memref<1x128xi32, #tpu.memory_space<vmem>> -> memref<128xi32, #tpu.memory_space<vmem>>
    %dma_start3A_30 = arith.constant 0 : i32
    %dma_start3A_31 = arith.constant 0 : i32
    %dma_start3A_32 = tpu.memref_slice %arg2[%dma_start3A_30, %dma_start3A_31] : memref<2048x128xf32, #tpu.memory_space<hbm>> -> memref<2048x128xf32, #tpu.memory_space<hbm>>
    tpu.enqueue_indirect_dma source(%dma_start3A_32 : memref<2048x128xf32, #tpu.memory_space<hbm>>) target(%arg6 : memref<128x128xf32, #tpu.memory_space<vmem>>) offsets(%dma_start3A_29 : memref<128xi32, #tpu.memory_space<vmem>>) semaphore(%arg8 : memref<!tpu.dma_semaphore, #tpu.memory_space<semaphore_mem>>)
    %dma_wait3A_33 = arith.constant 1 : i32
    %dma_wait3A_34 = arith.constant 0 : i32
    %dma_wait3A_35 = tpu.memref_slice %arg5[%dma_wait3A_33, %dma_wait3A_34] : memref<5x128xi32, #tpu.memory_space<vmem>> -> memref<1x128xi32, #tpu.memory_space<vmem>>
    %dma_wait3A_36 = tpu.memref_squeeze %dma_wait3A_35 : memref<1x128xi32, #tpu.memory_space<vmem>> -> memref<128xi32, #tpu.memory_space<vmem>>
    %dma_wait3A_37 = arith.constant 0 : i32
    %dma_wait3A_38 = arith.constant 0 : i32
    %dma_wait3A_39 = tpu.memref_slice %arg2[%dma_wait3A_37, %dma_wait3A_38] : memref<2048x128xf32, #tpu.memory_space<hbm>> -> memref<2048x128xf32, #tpu.memory_space<hbm>>
    tpu.wait_indirect_dma semaphore(%arg9 : memref<!tpu.dma_semaphore, #tpu.memory_space<semaphore_mem>>) src(%dma_wait3A_39 : memref<2048x128xf32, #tpu.memory_space<hbm>>) dst(%arg7 : memref<128x128xf32, #tpu.memory_space<vmem>>)
    %mul3A_40 = arith.constant 5 : i32
    %mul3A_41 = arith.muli %add3A, %mul3A_40 : i32
    %add3A_42 = arith.constant 1 : i32
    %add3A_43 = arith.addi %mul3A_41, %add3A_42 : i32
    %mul3A_44 = arith.constant 128 : i32
    %mul3A_45 = arith.muli %add3A_43, %mul3A_44 : i32
    "tpu.region"() ({
      %run_scoped3A = tpu.sem_alloc : memref<!tpu.dma_semaphore, #tpu.memory_space<semaphore_mem>>
      %dma_start3A_100 = arith.constant 0 : i32
      %dma_start3A_101 = tpu.memref_slice %arg4[%mul3A_45, %dma_start3A_100] : memref<20480x128xf32, #tpu.memory_space<hbm>> -> memref<128x128xf32, #tpu.memory_space<hbm>>
      %dma_start3A_102 = arith.constant 0 : i32
      %dma_start3A_103 = tpu.memref_slice %arg4[%mul3A_45, %dma_start3A_102] : memref<20480x128xf32, #tpu.memory_space<hbm>> -> memref<128x128xf32, #tpu.memory_space<hbm>>
      tpu.enqueue_dma source(%arg7 : memref<128x128xf32, #tpu.memory_space<vmem>>) target(%dma_start3A_103 : memref<128x128xf32, #tpu.memory_space<hbm>>) target_semaphore(%run_scoped3A : memref<!tpu.dma_semaphore, #tpu.memory_space<semaphore_mem>>)
      %dma_wait3A_104 = arith.constant 0 : i32
      %dma_wait3A_105 = tpu.memref_slice %arg4[%mul3A_45, %dma_wait3A_104] : memref<20480x128xf32, #tpu.memory_space<hbm>> -> memref<128x128xf32, #tpu.memory_space<hbm>>
      %dma_wait3A_106 = arith.constant 0 : i32
      %dma_wait3A_107 = tpu.memref_slice %arg4[%mul3A_45, %dma_wait3A_106] : memref<20480x128xf32, #tpu.memory_space<hbm>> -> memref<128x128xf32, #tpu.memory_space<hbm>>
      tpu.wait_dma2 semaphore(%run_scoped3A : memref<!tpu.dma_semaphore, #tpu.memory_space<semaphore_mem>>) src(%arg7 : memref<128x128xf32, #tpu.memory_space<vmem>>) dst(%dma_wait3A_107 : memref<128x128xf32, #tpu.memory_space<hbm>>)
      tpu.yield
    }) : () -> ()
    %dma_start3A_46 = arith.constant 3 : i32
    %dma_start3A_47 = arith.constant 0 : i32
    %dma_start3A_48 = tpu.memref_slice %arg5[%dma_start3A_46, %dma_start3A_47] : memref<5x128xi32, #tpu.memory_space<vmem>> -> memref<1x128xi32, #tpu.memory_space<vmem>>
    %dma_start3A_49 = tpu.memref_squeeze %dma_start3A_48 : memref<1x128xi32, #tpu.memory_space<vmem>> -> memref<128xi32, #tpu.memory_space<vmem>>
    %dma_start3A_50 = arith.constant 0 : i32
    %dma_start3A_51 = arith.constant 0 : i32
    %dma_start3A_52 = tpu.memref_slice %arg2[%dma_start3A_50, %dma_start3A_51] : memref<2048x128xf32, #tpu.memory_space<hbm>> -> memref<2048x128xf32, #tpu.memory_space<hbm>>
    tpu.enqueue_indirect_dma source(%dma_start3A_52 : memref<2048x128xf32, #tpu.memory_space<hbm>>) target(%arg7 : memref<128x128xf32, #tpu.memory_space<vmem>>) offsets(%dma_start3A_49 : memref<128xi32, #tpu.memory_space<vmem>>) semaphore(%arg9 : memref<!tpu.dma_semaphore, #tpu.memory_space<semaphore_mem>>)
    %dma_wait3A_53 = arith.constant 2 : i32
    %dma_wait3A_54 = arith.constant 0 : i32
    %dma_wait3A_55 = tpu.memref_slice %arg5[%dma_wait3A_53, %dma_wait3A_54] : memref<5x128xi32, #tpu.memory_space<vmem>> -> memref<1x128xi32, #tpu.memory_space<vmem>>
    %dma_wait3A_56 = tpu.memref_squeeze %dma_wait3A_55 : memref<1x128xi32, #tpu.memory_space<vmem>> -> memref<128xi32, #tpu.memory_space<vmem>>
    %dma_wait3A_57 = arith.constant 0 : i32
    %dma_wait3A_58 = arith.constant 0 : i32
    %dma_wait3A_59 = tpu.memref_slice %arg2[%dma_wait3A_57, %dma_wait3A_58] : memref<2048x128xf32, #tpu.memory_space<hbm>> -> memref<2048x128xf32, #tpu.memory_space<hbm>>
    tpu.wait_indirect_dma semaphore(%arg8 : memref<!tpu.dma_semaphore, #tpu.memory_space<semaphore_mem>>) src(%dma_wait3A_59 : memref<2048x128xf32, #tpu.memory_space<hbm>>) dst(%arg6 : memref<128x128xf32, #tpu.memory_space<vmem>>)
    %mul3A_60 = arith.constant 5 : i32
    %mul3A_61 = arith.muli %add3A, %mul3A_60 : i32
    %add3A_62 = arith.constant 2 : i32
    %add3A_63 = arith.addi %mul3A_61, %add3A_62 : i32
    %mul3A_64 = arith.constant 128 : i32
    %mul3A_65 = arith.muli %add3A_63, %mul3A_64 : i32
    "tpu.region"() ({
      %run_scoped3A = tpu.sem_alloc : memref<!tpu.dma_semaphore, #tpu.memory_space<semaphore_mem>>
      %dma_start3A_100 = arith.constant 0 : i32
      %dma_start3A_101 = tpu.memref_slice %arg4[%mul3A_65, %dma_start3A_100] : memref<20480x128xf32, #tpu.memory_space<hbm>> -> memref<128x128xf32, #tpu.memory_space<hbm>>
      %dma_start3A_102 = arith.constant 0 : i32
      %dma_start3A_103 = tpu.memref_slice %arg4[%mul3A_65, %dma_start3A_102] : memref<20480x128xf32, #tpu.memory_space<hbm>> -> memref<128x128xf32, #tpu.memory_space<hbm>>
      tpu.enqueue_dma source(%arg6 : memref<128x128xf32, #tpu.memory_space<vmem>>) target(%dma_start3A_103 : memref<128x128xf32, #tpu.memory_space<hbm>>) target_semaphore(%run_scoped3A : memref<!tpu.dma_semaphore, #tpu.memory_space<semaphore_mem>>)
      %dma_wait3A_104 = arith.constant 0 : i32
      %dma_wait3A_105 = tpu.memref_slice %arg4[%mul3A_65, %dma_wait3A_104] : memref<20480x128xf32, #tpu.memory_space<hbm>> -> memref<128x128xf32, #tpu.memory_space<hbm>>
      %dma_wait3A_106 = arith.constant 0 : i32
      %dma_wait3A_107 = tpu.memref_slice %arg4[%mul3A_65, %dma_wait3A_106] : memref<20480x128xf32, #tpu.memory_space<hbm>> -> memref<128x128xf32, #tpu.memory_space<hbm>>
      tpu.wait_dma2 semaphore(%run_scoped3A : memref<!tpu.dma_semaphore, #tpu.memory_space<semaphore_mem>>) src(%arg6 : memref<128x128xf32, #tpu.memory_space<vmem>>) dst(%dma_wait3A_107 : memref<128x128xf32, #tpu.memory_space<hbm>>)
      tpu.yield
    }) : () -> ()
    %dma_start3A_66 = arith.constant 4 : i32
    %dma_start3A_67 = arith.constant 0 : i32
    %dma_start3A_68 = tpu.memref_slice %arg5[%dma_start3A_66, %dma_start3A_67] : memref<5x128xi32, #tpu.memory_space<vmem>> -> memref<1x128xi32, #tpu.memory_space<vmem>>
    %dma_start3A_69 = tpu.memref_squeeze %dma_start3A_68 : memref<1x128xi32, #tpu.memory_space<vmem>> -> memref<128xi32, #tpu.memory_space<vmem>>
    %dma_start3A_70 = arith.constant 0 : i32
    %dma_start3A_71 = arith.constant 0 : i32
    %dma_start3A_72 = tpu.memref_slice %arg2[%dma_start3A_70, %dma_start3A_71] : memref<2048x128xf32, #tpu.memory_space<hbm>> -> memref<2048x128xf32, #tpu.memory_space<hbm>>
    tpu.enqueue_indirect_dma source(%dma_start3A_72 : memref<2048x128xf32, #tpu.memory_space<hbm>>) target(%arg6 : memref<128x128xf32, #tpu.memory_space<vmem>>) offsets(%dma_start3A_69 : memref<128xi32, #tpu.memory_space<vmem>>) semaphore(%arg8 : memref<!tpu.dma_semaphore, #tpu.memory_space<semaphore_mem>>)
    %dma_wait3A_73 = arith.constant 3 : i32
    %dma_wait3A_74 = arith.constant 0 : i32
    %dma_wait3A_75 = tpu.memref_slice %arg5[%dma_wait3A_73, %dma_wait3A_74] : memref<5x128xi32, #tpu.memory_space<vmem>> -> memref<1x128xi32, #tpu.memory_space<vmem>>
    %dma_wait3A_76 = tpu.memref_squeeze %dma_wait3A_75 : memref<1x128xi32, #tpu.memory_space<vmem>> -> memref<128xi32, #tpu.memory_space<vmem>>
    %dma_wait3A_77 = arith.constant 0 : i32
    %dma_wait3A_78 = arith.constant 0 : i32
    %dma_wait3A_79 = tpu.memref_slice %arg2[%dma_wait3A_77, %dma_wait3A_78] : memref<2048x128xf32, #tpu.memory_space<hbm>> -> memref<2048x128xf32, #tpu.memory_space<hbm>>
    tpu.wait_indirect_dma semaphore(%arg9 : memref<!tpu.dma_semaphore, #tpu.memory_space<semaphore_mem>>) src(%dma_wait3A_79 : memref<2048x128xf32, #tpu.memory_space<hbm>>) dst(%arg7 : memref<128x128xf32, #tpu.memory_space<vmem>>)
    %mul3A_80 = arith.constant 5 : i32
    %mul3A_81 = arith.muli %add3A, %mul3A_80 : i32
    %add3A_82 = arith.constant 3 : i32
    %add3A_83 = arith.addi %mul3A_81, %add3A_82 : i32
    %mul3A_84 = arith.constant 128 : i32
    %mul3A_85 = arith.muli %add3A_83, %mul3A_84 : i32
    "tpu.region"() ({
      %run_scoped3A = tpu.sem_alloc : memref<!tpu.dma_semaphore, #tpu.memory_space<semaphore_mem>>
      %dma_start3A_100 = arith.constant 0 : i32
      %dma_start3A_101 = tpu.memref_slice %arg4[%mul3A_85, %dma_start3A_100] : memref<20480x128xf32, #tpu.memory_space<hbm>> -> memref<128x128xf32, #tpu.memory_space<hbm>>
      %dma_start3A_102 = arith.constant 0 : i32
      %dma_start3A_103 = tpu.memref_slice %arg4[%mul3A_85, %dma_start3A_102] : memref<20480x128xf32, #tpu.memory_space<hbm>> -> memref<128x128xf32, #tpu.memory_space<hbm>>
      tpu.enqueue_dma source(%arg7 : memref<128x128xf32, #tpu.memory_space<vmem>>) target(%dma_start3A_103 : memref<128x128xf32, #tpu.memory_space<hbm>>) target_semaphore(%run_scoped3A : memref<!tpu.dma_semaphore, #tpu.memory_space<semaphore_mem>>)
      %dma_wait3A_104 = arith.constant 0 : i32
      %dma_wait3A_105 = tpu.memref_slice %arg4[%mul3A_85, %dma_wait3A_104] : memref<20480x128xf32, #tpu.memory_space<hbm>> -> memref<128x128xf32, #tpu.memory_space<hbm>>
      %dma_wait3A_106 = arith.constant 0 : i32
      %dma_wait3A_107 = tpu.memref_slice %arg4[%mul3A_85, %dma_wait3A_106] : memref<20480x128xf32, #tpu.memory_space<hbm>> -> memref<128x128xf32, #tpu.memory_space<hbm>>
      tpu.wait_dma2 semaphore(%run_scoped3A : memref<!tpu.dma_semaphore, #tpu.memory_space<semaphore_mem>>) src(%arg7 : memref<128x128xf32, #tpu.memory_space<vmem>>) dst(%dma_wait3A_107 : memref<128x128xf32, #tpu.memory_space<hbm>>)
      tpu.yield
    }) : () -> ()
    %dma_wait3A_86 = arith.constant 4 : i32
    %dma_wait3A_87 = arith.constant 0 : i32
    %dma_wait3A_88 = tpu.memref_slice %arg5[%dma_wait3A_86, %dma_wait3A_87] : memref<5x128xi32, #tpu.memory_space<vmem>> -> memref<1x128xi32, #tpu.memory_space<vmem>>
    %dma_wait3A_89 = tpu.memref_squeeze %dma_wait3A_88 : memref<1x128xi32, #tpu.memory_space<vmem>> -> memref<128xi32, #tpu.memory_space<vmem>>
    %dma_wait3A_90 = arith.constant 0 : i32
    %dma_wait3A_91 = arith.constant 0 : i32
    %dma_wait3A_92 = tpu.memref_slice %arg2[%dma_wait3A_90, %dma_wait3A_91] : memref<2048x128xf32, #tpu.memory_space<hbm>> -> memref<2048x128xf32, #tpu.memory_space<hbm>>
    tpu.wait_indirect_dma semaphore(%arg8 : memref<!tpu.dma_semaphore, #tpu.memory_space<semaphore_mem>>) src(%dma_wait3A_92 : memref<2048x128xf32, #tpu.memory_space<hbm>>) dst(%arg6 : memref<128x128xf32, #tpu.memory_space<vmem>>)
    %mul3A_93 = arith.constant 5 : i32
    %mul3A_94 = arith.muli %add3A, %mul3A_93 : i32
    %add3A_95 = arith.constant 5 : i32
    %add3A_96 = arith.addi %mul3A_94, %add3A_95 : i32
    %sub3A = arith.constant 1 : i32
    %sub3A_97 = arith.subi %add3A_96, %sub3A : i32
    %mul3A_98 = arith.constant 128 : i32
    %mul3A_99 = arith.muli %sub3A_97, %mul3A_98 : i32
    "tpu.region"() ({
      %run_scoped3A = tpu.sem_alloc : memref<!tpu.dma_semaphore, #tpu.memory_space<semaphore_mem>>
      %dma_start3A_100 = arith.constant 0 : i32
      %dma_start3A_101 = tpu.memref_slice %arg4[%mul3A_99, %dma_start3A_100] : memref<20480x128xf32, #tpu.memory_space<hbm>> -> memref<128x128xf32, #tpu.memory_space<hbm>>
      %dma_start3A_102 = arith.constant 0 : i32
      %dma_start3A_103 = tpu.memref_slice %arg4[%mul3A_99, %dma_start3A_102] : memref<20480x128xf32, #tpu.memory_space<hbm>> -> memref<128x128xf32, #tpu.memory_space<hbm>>
      tpu.enqueue_dma source(%arg6 : memref<128x128xf32, #tpu.memory_space<vmem>>) target(%dma_start3A_103 : memref<128x128xf32, #tpu.memory_space<hbm>>) target_semaphore(%run_scoped3A : memref<!tpu.dma_semaphore, #tpu.memory_space<semaphore_mem>>)
      %dma_wait3A_104 = arith.constant 0 : i32
      %dma_wait3A_105 = tpu.memref_slice %arg4[%mul3A_99, %dma_wait3A_104] : memref<20480x128xf32, #tpu.memory_space<hbm>> -> memref<128x128xf32, #tpu.memory_space<hbm>>
      %dma_wait3A_106 = arith.constant 0 : i32
      %dma_wait3A_107 = tpu.memref_slice %arg4[%mul3A_99, %dma_wait3A_106] : memref<20480x128xf32, #tpu.memory_space<hbm>> -> memref<128x128xf32, #tpu.memory_space<hbm>>
      tpu.wait_dma2 semaphore(%run_scoped3A : memref<!tpu.dma_semaphore, #tpu.memory_space<semaphore_mem>>) src(%arg6 : memref<128x128xf32, #tpu.memory_space<vmem>>) dst(%dma_wait3A_107 : memref<128x128xf32, #tpu.memory_space<hbm>>)
      tpu.yield
    }) : () -> ()
    return
  }
}

#map = affine_map<(d0, d1) -> (0, 0)>
#map1 = affine_map<(d0, d1) -> (0, 0, 0)>
module attributes {stable_mosaic.version = 14 : i64} {
  func.func @run(%arg0: i32, %arg1: i32, %arg2: memref<2048x128xf32, #tpu.memory_space<hbm>>, %arg3: memref<32x5x128xi32, #tpu.memory_space<hbm>>, %arg4: memref<20480x128xf32, #tpu.memory_space<hbm>>, %arg5: memref<5x128xi32, #tpu.memory_space<vmem>>, %arg6: memref<128x128xf32, #tpu.memory_space<vmem>>, %arg7: memref<128x128xf32, #tpu.memory_space<vmem>>, %arg8: memref<!tpu.dma_semaphore, #tpu.memory_space<semaphore_mem>>, %arg9: memref<!tpu.dma_semaphore, #tpu.memory_space<semaphore_mem>>) attributes {dimension_semantics = [#tpu.dimension_semantics<core_parallel>, #tpu.dimension_semantics<subcore_parallel>], iteration_bounds = array<i64: 2, 16>, scalar_prefetch = 0 : i64, scratch_operands = 5 : i64, tpu.core_type = #tpu.core_type<sc_vector_subcore>, window_params = [{transform_indices = #map}, {transform_indices = #map1}, {transform_indices = #map}]} {
    %mul3A = arith.constant 2 : i32
    %mul3A_0 = arith.muli %arg1, %mul3A : i32
    %add3A = arith.addi %mul3A_0, %arg0 : i32
    "tpu.region"() ({
      %run_scoped3A = tpu.sem_alloc : memref<!tpu.dma_semaphore, #tpu.memory_space<semaphore_mem>>
      %dma_start3A_100 = arith.constant 0 : i32
      %dma_start3A_101 = arith.constant 0 : i32
      %dma_start3A_102 = tpu.memref_slice %arg3[%add3A, %dma_start3A_100, %dma_start3A_101] : memref<32x5x128xi32, #tpu.memory_space<hbm>> -> memref<1x5x128xi32, #tpu.memory_space<hbm>>
      %dma_start3A_103 = tpu.memref_squeeze %dma_start3A_102 : memref<1x5x128xi32, #tpu.memory_space<hbm>> -> memref<5x128xi32, #tpu.memory_space<hbm>>
      %dma_start3A_104 = arith.constant 0 : i32
      %dma_start3A_105 = arith.constant 0 : i32
      %dma_start3A_106 = tpu.memref_slice %arg3[%add3A, %dma_start3A_104, %dma_start3A_105] : memref<32x5x128xi32, #tpu.memory_space<hbm>> -> memref<1x5x128xi32, #tpu.memory_space<hbm>>
      %dma_start3A_107 = tpu.memref_squeeze %dma_start3A_106 : memref<1x5x128xi32, #tpu.memory_space<hbm>> -> memref<5x128xi32, #tpu.memory_space<hbm>>
      tpu.enqueue_dma source(%dma_start3A_107 : memref<5x128xi32, #tpu.memory_space<hbm>>) target(%arg5 : memref<5x128xi32, #tpu.memory_space<vmem>>) target_semaphore(%run_scoped3A : memref<!tpu.dma_semaphore, #tpu.memory_space<semaphore_mem>>)
      %dma_wait3A_108 = arith.constant 0 : i32
      %dma_wait3A_109 = arith.constant 0 : i32
      %dma_wait3A_110 = tpu.memref_slice %arg3[%add3A, %dma_wait3A_108, %dma_wait3A_109] : memref<32x5x128xi32, #tpu.memory_space<hbm>> -> memref<1x5x128xi32, #tpu.memory_space<hbm>>
      %dma_wait3A_111 = tpu.memref_squeeze %dma_wait3A_110 : memref<1x5x128xi32, #tpu.memory_space<hbm>> -> memref<5x128xi32, #tpu.memory_space<hbm>>
      %dma_wait3A_112 = arith.constant 0 : i32
      %dma_wait3A_113 = arith.constant 0 : i32
      %dma_wait3A_114 = tpu.memref_slice %arg3[%add3A, %dma_wait3A_112, %dma_wait3A_113] : memref<32x5x128xi32, #tpu.memory_space<hbm>> -> memref<1x5x128xi32, #tpu.memory_space<hbm>>
      %dma_wait3A_115 = tpu.memref_squeeze %dma_wait3A_114 : memref<1x5x128xi32, #tpu.memory_space<hbm>> -> memref<5x128xi32, #tpu.memory_space<hbm>>
      tpu.wait_dma2 semaphore(%run_scoped3A : memref<!tpu.dma_semaphore, #tpu.memory_space<semaphore_mem>>) src(%dma_wait3A_115 : memref<5x128xi32, #tpu.memory_space<hbm>>) dst(%arg5 : memref<5x128xi32, #tpu.memory_space<vmem>>)
      tpu.yield
    }) : () -> ()
    %dma_start3A = arith.constant 0 : i32
    %dma_start3A_1 = arith.constant 0 : i32
    %dma_start3A_2 = tpu.memref_slice %arg5[%dma_start3A, %dma_start3A_1] : memref<5x128xi32, #tpu.memory_space<vmem>> -> memref<1x128xi32, #tpu.memory_space<vmem>>
    %dma_start3A_3 = tpu.memref_squeeze %dma_start3A_2 : memref<1x128xi32, #tpu.memory_space<vmem>> -> memref<128xi32, #tpu.memory_space<vmem>>
    %dma_start3A_4 = arith.constant 0 : i32
    %dma_start3A_5 = arith.constant 0 : i32
    %dma_start3A_6 = tpu.memref_slice %arg2[%dma_start3A_4, %dma_start3A_5] : memref<2048x128xf32, #tpu.memory_space<hbm>> -> memref<2048x128xf32, #tpu.memory_space<hbm>>
    tpu.enqueue_indirect_dma source(%dma_start3A_6 : memref<2048x128xf32, #tpu.memory_space<hbm>>) target(%arg6 : memref<128x128xf32, #tpu.memory_space<vmem>>) offsets(%dma_start3A_3 : memref<128xi32, #tpu.memory_space<vmem>>) semaphore(%arg8 : memref<!tpu.dma_semaphore, #tpu.memory_space<semaphore_mem>>)
    %dma_start3A_7 = arith.constant 1 : i32
    %dma_start3A_8 = arith.constant 0 : i32
    %dma_start3A_9 = tpu.memref_slice %arg5[%dma_start3A_7, %dma_start3A_8] : memref<5x128xi32, #tpu.memory_space<vmem>> -> memref<1x128xi32, #tpu.memory_space<vmem>>
    %dma_start3A_10 = tpu.memref_squeeze %dma_start3A_9 : memref<1x128xi32, #tpu.memory_space<vmem>> -> memref<128xi32, #tpu.memory_space<vmem>>
    %dma_start3A_11 = arith.constant 0 : i32
    %dma_start3A_12 = arith.constant 0 : i32
    %dma_start3A_13 = tpu.memref_slice %arg2[%dma_start3A_11, %dma_start3A_12] : memref<2048x128xf32, #tpu.memory_space<hbm>> -> memref<2048x128xf32, #tpu.memory_space<hbm>>
    tpu.enqueue_indirect_dma source(%dma_start3A_13 : memref<2048x128xf32, #tpu.memory_space<hbm>>) target(%arg7 : memref<128x128xf32, #tpu.memory_space<vmem>>) offsets(%dma_start3A_10 : memref<128xi32, #tpu.memory_space<vmem>>) semaphore(%arg9 : memref<!tpu.dma_semaphore, #tpu.memory_space<semaphore_mem>>)
    %dma_wait3A = arith.constant 0 : i32
    %dma_wait3A_14 = arith.constant 0 : i32
    %dma_wait3A_15 = tpu.memref_slice %arg5[%dma_wait3A, %dma_wait3A_14] : memref<5x128xi32, #tpu.memory_space<vmem>> -> memref<1x128xi32, #tpu.memory_space<vmem>>
    %dma_wait3A_16 = tpu.memref_squeeze %dma_wait3A_15 : memref<1x128xi32, #tpu.memory_space<vmem>> -> memref<128xi32, #tpu.memory_space<vmem>>
    %dma_wait3A_17 = arith.constant 0 : i32
    %dma_wait3A_18 = arith.constant 0 : i32
    %dma_wait3A_19 = tpu.memref_slice %arg2[%dma_wait3A_17, %dma_wait3A_18] : memref<2048x128xf32, #tpu.memory_space<hbm>> -> memref<2048x128xf32, #tpu.memory_space<hbm>>
    tpu.wait_indirect_dma semaphore(%arg8 : memref<!tpu.dma_semaphore, #tpu.memory_space<semaphore_mem>>) src(%dma_wait3A_19 : memref<2048x128xf32, #tpu.memory_space<hbm>>) dst(%arg6 : memref<128x128xf32, #tpu.memory_space<vmem>>)
    %mul3A_20 = arith.constant 5 : i32
    %mul3A_21 = arith.muli %add3A, %mul3A_20 : i32
    %add3A_22 = arith.constant 0 : i32
    %add3A_23 = arith.addi %mul3A_21, %add3A_22 : i32
    %mul3A_24 = arith.constant 128 : i32
    %mul3A_25 = arith.muli %add3A_23, %mul3A_24 : i32
    "tpu.region"() ({
      %run_scoped3A = tpu.sem_alloc : memref<!tpu.dma_semaphore, #tpu.memory_space<semaphore_mem>>
      %dma_start3A_100 = arith.constant 0 : i32
      %dma_start3A_101 = tpu.memref_slice %arg4[%mul3A_25, %dma_start3A_100] : memref<20480x128xf32, #tpu.memory_space<hbm>> -> memref<128x128xf32, #tpu.memory_space<hbm>>
      %dma_start3A_102 = arith.constant 0 : i32
      %dma_start3A_103 = tpu.memref_slice %arg4[%mul3A_25, %dma_start3A_102] : memref<20480x128xf32, #tpu.memory_space<hbm>> -> memref<128x128xf32, #tpu.memory_space<hbm>>
      tpu.enqueue_dma source(%arg6 : memref<128x128xf32, #tpu.memory_space<vmem>>) target(%dma_start3A_103 : memref<128x128xf32, #tpu.memory_space<hbm>>) target_semaphore(%run_scoped3A : memref<!tpu.dma_semaphore, #tpu.memory_space<semaphore_mem>>)
      %dma_wait3A_104 = arith.constant 0 : i32
      %dma_wait3A_105 = tpu.memref_slice %arg4[%mul3A_25, %dma_wait3A_104] : memref<20480x128xf32, #tpu.memory_space<hbm>> -> memref<128x128xf32, #tpu.memory_space<hbm>>
      %dma_wait3A_106 = arith.constant 0 : i32
      %dma_wait3A_107 = tpu.memref_slice %arg4[%mul3A_25, %dma_wait3A_106] : memref<20480x128xf32, #tpu.memory_space<hbm>> -> memref<128x128xf32, #tpu.memory_space<hbm>>
      tpu.wait_dma2 semaphore(%run_scoped3A : memref<!tpu.dma_semaphore, #tpu.memory_space<semaphore_mem>>) src(%arg6 : memref<128x128xf32, #tpu.memory_space<vmem>>) dst(%dma_wait3A_107 : memref<128x128xf32, #tpu.memory_space<hbm>>)
      tpu.yield
    }) : () -> ()
    %dma_start3A_26 = arith.constant 2 : i32
    %dma_start3A_27 = arith.constant 0 : i32
    %dma_start3A_28 = tpu.memref_slice %arg5[%dma_start3A_26, %dma_start3A_27] : memref<5x128xi32, #tpu.memory_space<vmem>> -> memref<1x128xi32, #tpu.memory_space<vmem>>
    %dma_start3A_29 = tpu.memref_squeeze %dma_start3A_28 : memref<1x128xi32, #tpu.memory_space<vmem>> -> memref<128xi32, #tpu.memory_space<vmem>>
    %dma_start3A_30 = arith.constant 0 : i32
    %dma_start3A_31 = arith.constant 0 : i32
    %dma_start3A_32 = tpu.memref_slice %arg2[%dma_start3A_30, %dma_start3A_31] : memref<2048x128xf32, #tpu.memory_space<hbm>> -> memref<2048x128xf32, #tpu.memory_space<hbm>>
    tpu.enqueue_indirect_dma source(%dma_start3A_32 : memref<2048x128xf32, #tpu.memory_space<hbm>>) target(%arg6 : memref<128x128xf32, #tpu.memory_space<vmem>>) offsets(%dma_start3A_29 : memref<128xi32, #tpu.memory_space<vmem>>) semaphore(%arg8 : memref<!tpu.dma_semaphore, #tpu.memory_space<semaphore_mem>>)
    %dma_wait3A_33 = arith.constant 1 : i32
    %dma_wait3A_34 = arith.constant 0 : i32
    %dma_wait3A_35 = tpu.memref_slice %arg5[%dma_wait3A_33, %dma_wait3A_34] : memref<5x128xi32, #tpu.memory_space<vmem>> -> memref<1x128xi32, #tpu.memory_space<vmem>>
    %dma_wait3A_36 = tpu.memref_squeeze %dma_wait3A_35 : memref<1x128xi32, #tpu.memory_space<vmem>> -> memref<128xi32, #tpu.memory_space<vmem>>
    %dma_wait3A_37 = arith.constant 0 : i32
    %dma_wait3A_38 = arith.constant 0 : i32
    %dma_wait3A_39 = tpu.memref_slice %arg2[%dma_wait3A_37, %dma_wait3A_38] : memref<2048x128xf32, #tpu.memory_space<hbm>> -> memref<2048x128xf32, #tpu.memory_space<hbm>>
    tpu.wait_indirect_dma semaphore(%arg9 : memref<!tpu.dma_semaphore, #tpu.memory_space<semaphore_mem>>) src(%dma_wait3A_39 : memref<2048x128xf32, #tpu.memory_space<hbm>>) dst(%arg7 : memref<128x128xf32, #tpu.memory_space<vmem>>)
    %mul3A_40 = arith.constant 5 : i32
    %mul3A_41 = arith.muli %add3A, %mul3A_40 : i32
    %add3A_42 = arith.constant 1 : i32
    %add3A_43 = arith.addi %mul3A_41, %add3A_42 : i32
    %mul3A_44 = arith.constant 128 : i32
    %mul3A_45 = arith.muli %add3A_43, %mul3A_44 : i32
    "tpu.region"() ({
      %run_scoped3A = tpu.sem_alloc : memref<!tpu.dma_semaphore, #tpu.memory_space<semaphore_mem>>
      %dma_start3A_100 = arith.constant 0 : i32
      %dma_start3A_101 = tpu.memref_slice %arg4[%mul3A_45, %dma_start3A_100] : memref<20480x128xf32, #tpu.memory_space<hbm>> -> memref<128x128xf32, #tpu.memory_space<hbm>>
      %dma_start3A_102 = arith.constant 0 : i32
      %dma_start3A_103 = tpu.memref_slice %arg4[%mul3A_45, %dma_start3A_102] : memref<20480x128xf32, #tpu.memory_space<hbm>> -> memref<128x128xf32, #tpu.memory_space<hbm>>
      tpu.enqueue_dma source(%arg7 : memref<128x128xf32, #tpu.memory_space<vmem>>) target(%dma_start3A_103 : memref<128x128xf32, #tpu.memory_space<hbm>>) target_semaphore(%run_scoped3A : memref<!tpu.dma_semaphore, #tpu.memory_space<semaphore_mem>>)
      %dma_wait3A_104 = arith.constant 0 : i32
      %dma_wait3A_105 = tpu.memref_slice %arg4[%mul3A_45, %dma_wait3A_104] : memref<20480x128xf32, #tpu.memory_space<hbm>> -> memref<128x128xf32, #tpu.memory_space<hbm>>
      %dma_wait3A_106 = arith.constant 0 : i32
      %dma_wait3A_107 = tpu.memref_slice %arg4[%mul3A_45, %dma_wait3A_106] : memref<20480x128xf32, #tpu.memory_space<hbm>> -> memref<128x128xf32, #tpu.memory_space<hbm>>
      tpu.wait_dma2 semaphore(%run_scoped3A : memref<!tpu.dma_semaphore, #tpu.memory_space<semaphore_mem>>) src(%arg7 : memref<128x128xf32, #tpu.memory_space<vmem>>) dst(%dma_wait3A_107 : memref<128x128xf32, #tpu.memory_space<hbm>>)
      tpu.yield
    }) : () -> ()
    %dma_start3A_46 = arith.constant 3 : i32
    %dma_start3A_47 = arith.constant 0 : i32
    %dma_start3A_48 = tpu.memref_slice %arg5[%dma_start3A_46, %dma_start3A_47] : memref<5x128xi32, #tpu.memory_space<vmem>> -> memref<1x128xi32, #tpu.memory_space<vmem>>
    %dma_start3A_49 = tpu.memref_squeeze %dma_start3A_48 : memref<1x128xi32, #tpu.memory_space<vmem>> -> memref<128xi32, #tpu.memory_space<vmem>>
    %dma_start3A_50 = arith.constant 0 : i32
    %dma_start3A_51 = arith.constant 0 : i32
    %dma_start3A_52 = tpu.memref_slice %arg2[%dma_start3A_50, %dma_start3A_51] : memref<2048x128xf32, #tpu.memory_space<hbm>> -> memref<2048x128xf32, #tpu.memory_space<hbm>>
    tpu.enqueue_indirect_dma source(%dma_start3A_52 : memref<2048x128xf32, #tpu.memory_space<hbm>>) target(%arg7 : memref<128x128xf32, #tpu.memory_space<vmem>>) offsets(%dma_start3A_49 : memref<128xi32, #tpu.memory_space<vmem>>) semaphore(%arg9 : memref<!tpu.dma_semaphore, #tpu.memory_space<semaphore_mem>>)
    %dma_wait3A_53 = arith.constant 2 : i32
    %dma_wait3A_54 = arith.constant 0 : i32
    %dma_wait3A_55 = tpu.memref_slice %arg5[%dma_wait3A_53, %dma_wait3A_54] : memref<5x128xi32, #tpu.memory_space<vmem>> -> memref<1x128xi32, #tpu.memory_space<vmem>>
    %dma_wait3A_56 = tpu.memref_squeeze %dma_wait3A_55 : memref<1x128xi32, #tpu.memory_space<vmem>> -> memref<128xi32, #tpu.memory_space<vmem>>
    %dma_wait3A_57 = arith.constant 0 : i32
    %dma_wait3A_58 = arith.constant 0 : i32
    %dma_wait3A_59 = tpu.memref_slice %arg2[%dma_wait3A_57, %dma_wait3A_58] : memref<2048x128xf32, #tpu.memory_space<hbm>> -> memref<2048x128xf32, #tpu.memory_space<hbm>>
    tpu.wait_indirect_dma semaphore(%arg8 : memref<!tpu.dma_semaphore, #tpu.memory_space<semaphore_mem>>) src(%dma_wait3A_59 : memref<2048x128xf32, #tpu.memory_space<hbm>>) dst(%arg6 : memref<128x128xf32, #tpu.memory_space<vmem>>)
    %mul3A_60 = arith.constant 5 : i32
    %mul3A_61 = arith.muli %add3A, %mul3A_60 : i32
    %add3A_62 = arith.constant 2 : i32
    %add3A_63 = arith.addi %mul3A_61, %add3A_62 : i32
    %mul3A_64 = arith.constant 128 : i32
    %mul3A_65 = arith.muli %add3A_63, %mul3A_64 : i32
    "tpu.region"() ({
      %run_scoped3A = tpu.sem_alloc : memref<!tpu.dma_semaphore, #tpu.memory_space<semaphore_mem>>
      %dma_start3A_100 = arith.constant 0 : i32
      %dma_start3A_101 = tpu.memref_slice %arg4[%mul3A_65, %dma_start3A_100] : memref<20480x128xf32, #tpu.memory_space<hbm>> -> memref<128x128xf32, #tpu.memory_space<hbm>>
      %dma_start3A_102 = arith.constant 0 : i32
      %dma_start3A_103 = tpu.memref_slice %arg4[%mul3A_65, %dma_start3A_102] : memref<20480x128xf32, #tpu.memory_space<hbm>> -> memref<128x128xf32, #tpu.memory_space<hbm>>
      tpu.enqueue_dma source(%arg6 : memref<128x128xf32, #tpu.memory_space<vmem>>) target(%dma_start3A_103 : memref<128x128xf32, #tpu.memory_space<hbm>>) target_semaphore(%run_scoped3A : memref<!tpu.dma_semaphore, #tpu.memory_space<semaphore_mem>>)
      %dma_wait3A_104 = arith.constant 0 : i32
      %dma_wait3A_105 = tpu.memref_slice %arg4[%mul3A_65, %dma_wait3A_104] : memref<20480x128xf32, #tpu.memory_space<hbm>> -> memref<128x128xf32, #tpu.memory_space<hbm>>
      %dma_wait3A_106 = arith.constant 0 : i32
      %dma_wait3A_107 = tpu.memref_slice %arg4[%mul3A_65, %dma_wait3A_106] : memref<20480x128xf32, #tpu.memory_space<hbm>> -> memref<128x128xf32, #tpu.memory_space<hbm>>
      tpu.wait_dma2 semaphore(%run_scoped3A : memref<!tpu.dma_semaphore, #tpu.memory_space<semaphore_mem>>) src(%arg6 : memref<128x128xf32, #tpu.memory_space<vmem>>) dst(%dma_wait3A_107 : memref<128x128xf32, #tpu.memory_space<hbm>>)
      tpu.yield
    }) : () -> ()
    %dma_start3A_66 = arith.constant 4 : i32
    %dma_start3A_67 = arith.constant 0 : i32
    %dma_start3A_68 = tpu.memref_slice %arg5[%dma_start3A_66, %dma_start3A_67] : memref<5x128xi32, #tpu.memory_space<vmem>> -> memref<1x128xi32, #tpu.memory_space<vmem>>
    %dma_start3A_69 = tpu.memref_squeeze %dma_start3A_68 : memref<1x128xi32, #tpu.memory_space<vmem>> -> memref<128xi32, #tpu.memory_space<vmem>>
    %dma_start3A_70 = arith.constant 0 : i32
    %dma_start3A_71 = arith.constant 0 : i32
    %dma_start3A_72 = tpu.memref_slice %arg2[%dma_start3A_70, %dma_start3A_71] : memref<2048x128xf32, #tpu.memory_space<hbm>> -> memref<2048x128xf32, #tpu.memory_space<hbm>>
    tpu.enqueue_indirect_dma source(%dma_start3A_72 : memref<2048x128xf32, #tpu.memory_space<hbm>>) target(%arg6 : memref<128x128xf32, #tpu.memory_space<vmem>>) offsets(%dma_start3A_69 : memref<128xi32, #tpu.memory_space<vmem>>) semaphore(%arg8 : memref<!tpu.dma_semaphore, #tpu.memory_space<semaphore_mem>>)
    %dma_wait3A_73 = arith.constant 3 : i32
    %dma_wait3A_74 = arith.constant 0 : i32
    %dma_wait3A_75 = tpu.memref_slice %arg5[%dma_wait3A_73, %dma_wait3A_74] : memref<5x128xi32, #tpu.memory_space<vmem>> -> memref<1x128xi32, #tpu.memory_space<vmem>>
    %dma_wait3A_76 = tpu.memref_squeeze %dma_wait3A_75 : memref<1x128xi32, #tpu.memory_space<vmem>> -> memref<128xi32, #tpu.memory_space<vmem>>
    %dma_wait3A_77 = arith.constant 0 : i32
    %dma_wait3A_78 = arith.constant 0 : i32
    %dma_wait3A_79 = tpu.memref_slice %arg2[%dma_wait3A_77, %dma_wait3A_78] : memref<2048x128xf32, #tpu.memory_space<hbm>> -> memref<2048x128xf32, #tpu.memory_space<hbm>>
    tpu.wait_indirect_dma semaphore(%arg9 : memref<!tpu.dma_semaphore, #tpu.memory_space<semaphore_mem>>) src(%dma_wait3A_79 : memref<2048x128xf32, #tpu.memory_space<hbm>>) dst(%arg7 : memref<128x128xf32, #tpu.memory_space<vmem>>)
    %mul3A_80 = arith.constant 5 : i32
    %mul3A_81 = arith.muli %add3A, %mul3A_80 : i32
    %add3A_82 = arith.constant 3 : i32
    %add3A_83 = arith.addi %mul3A_81, %add3A_82 : i32
    %mul3A_84 = arith.constant 128 : i32
    %mul3A_85 = arith.muli %add3A_83, %mul3A_84 : i32
    "tpu.region"() ({
      %run_scoped3A = tpu.sem_alloc : memref<!tpu.dma_semaphore, #tpu.memory_space<semaphore_mem>>
      %dma_start3A_100 = arith.constant 0 : i32
      %dma_start3A_101 = tpu.memref_slice %arg4[%mul3A_85, %dma_start3A_100] : memref<20480x128xf32, #tpu.memory_space<hbm>> -> memref<128x128xf32, #tpu.memory_space<hbm>>
      %dma_start3A_102 = arith.constant 0 : i32
      %dma_start3A_103 = tpu.memref_slice %arg4[%mul3A_85, %dma_start3A_102] : memref<20480x128xf32, #tpu.memory_space<hbm>> -> memref<128x128xf32, #tpu.memory_space<hbm>>
      tpu.enqueue_dma source(%arg7 : memref<128x128xf32, #tpu.memory_space<vmem>>) target(%dma_start3A_103 : memref<128x128xf32, #tpu.memory_space<hbm>>) target_semaphore(%run_scoped3A : memref<!tpu.dma_semaphore, #tpu.memory_space<semaphore_mem>>)
      %dma_wait3A_104 = arith.constant 0 : i32
      %dma_wait3A_105 = tpu.memref_slice %arg4[%mul3A_85, %dma_wait3A_104] : memref<20480x128xf32, #tpu.memory_space<hbm>> -> memref<128x128xf32, #tpu.memory_space<hbm>>
      %dma_wait3A_106 = arith.constant 0 : i32
      %dma_wait3A_107 = tpu.memref_slice %arg4[%mul3A_85, %dma_wait3A_106] : memref<20480x128xf32, #tpu.memory_space<hbm>> -> memref<128x128xf32, #tpu.memory_space<hbm>>
      tpu.wait_dma2 semaphore(%run_scoped3A : memref<!tpu.dma_semaphore, #tpu.memory_space<semaphore_mem>>) src(%arg7 : memref<128x128xf32, #tpu.memory_space<vmem>>) dst(%dma_wait3A_107 : memref<128x128xf32, #tpu.memory_space<hbm>>)
      tpu.yield
    }) : () -> ()
    %dma_wait3A_86 = arith.constant 4 : i32
    %dma_wait3A_87 = arith.constant 0 : i32
    %dma_wait3A_88 = tpu.memref_slice %arg5[%dma_wait3A_86, %dma_wait3A_87] : memref<5x128xi32, #tpu.memory_space<vmem>> -> memref<1x128xi32, #tpu.memory_space<vmem>>
    %dma_wait3A_89 = tpu.memref_squeeze %dma_wait3A_88 : memref<1x128xi32, #tpu.memory_space<vmem>> -> memref<128xi32, #tpu.memory_space<vmem>>
    %dma_wait3A_90 = arith.constant 0 : i32
    %dma_wait3A_91 = arith.constant 0 : i32
    %dma_wait3A_92 = tpu.memref_slice %arg2[%dma_wait3A_90, %dma_wait3A_91] : memref<2048x128xf32, #tpu.memory_space<hbm>> -> memref<2048x128xf32, #tpu.memory_space<hbm>>
    tpu.wait_indirect_dma semaphore(%arg8 : memref<!tpu.dma_semaphore, #tpu.memory_space<semaphore_mem>>) src(%dma_wait3A_92 : memref<2048x128xf32, #tpu.memory_space<hbm>>) dst(%arg6 : memref<128x128xf32, #tpu.memory_space<vmem>>)
    %mul3A_93 = arith.constant 5 : i32
    %mul3A_94 = arith.muli %add3A, %mul3A_93 : i32
    %add3A_95 = arith.constant 5 : i32
    %add3A_96 = arith.addi %mul3A_94, %add3A_95 : i32
    %sub3A = arith.constant 1 : i32
    %sub3A_97 = arith.subi %add3A_96, %sub3A : i32
    %mul3A_98 = arith.constant 128 : i32
    %mul3A_99 = arith.muli %sub3A_97, %mul3A_98 : i32
    "tpu.region"() ({
      %run_scoped3A = tpu.sem_alloc : memref<!tpu.dma_semaphore, #tpu.memory_space<semaphore_mem>>
      %dma_start3A_100 = arith.constant 0 : i32
      %dma_start3A_101 = tpu.memref_slice %arg4[%mul3A_99, %dma_start3A_100] : memref<20480x128xf32, #tpu.memory_space<hbm>> -> memref<128x128xf32, #tpu.memory_space<hbm>>
      %dma_start3A_102 = arith.constant 0 : i32
      %dma_start3A_103 = tpu.memref_slice %arg4[%mul3A_99, %dma_start3A_102] : memref<20480x128xf32, #tpu.memory_space<hbm>> -> memref<128x128xf32, #tpu.memory_space<hbm>>
      tpu.enqueue_dma source(%arg6 : memref<128x128xf32, #tpu.memory_space<vmem>>) target(%dma_start3A_103 : memref<128x128xf32, #tpu.memory_space<hbm>>) target_semaphore(%run_scoped3A : memref<!tpu.dma_semaphore, #tpu.memory_space<semaphore_mem>>)
      %dma_wait3A_104 = arith.constant 0 : i32
      %dma_wait3A_105 = tpu.memref_slice %arg4[%mul3A_99, %dma_wait3A_104] : memref<20480x128xf32, #tpu.memory_space<hbm>> -> memref<128x128xf32, #tpu.memory_space<hbm>>
      %dma_wait3A_106 = arith.constant 0 : i32
      %dma_wait3A_107 = tpu.memref_slice %arg4[%mul3A_99, %dma_wait3A_106] : memref<20480x128xf32, #tpu.memory_space<hbm>> -> memref<128x128xf32, #tpu.memory_space<hbm>>
      tpu.wait_dma2 semaphore(%run_scoped3A : memref<!tpu.dma_semaphore, #tpu.memory_space<semaphore_mem>>) src(%arg6 : memref<128x128xf32, #tpu.memory_space<vmem>>) dst(%dma_wait3A_107 : memref<128x128xf32, #tpu.memory_space<hbm>>)
      tpu.yield
    }) : () -> ()
    return
  }
}

#map = affine_map<(d0, d1) -> (0, 0)>
#map1 = affine_map<(d0, d1) -> (0, 0, 0)>
module attributes {stable_mosaic.version = 14 : i64} {
  func.func @run(%arg0: i32, %arg1: i32, %arg2: memref<2048x128xf32, #tpu.memory_space<hbm>>, %arg3: memref<32x5x128xi32, #tpu.memory_space<hbm>>, %arg4: memref<20480x128xf32, #tpu.memory_space<hbm>>, %arg5: memref<5x128xi32, #tpu.memory_space<vmem>>, %arg6: memref<128x128xf32, #tpu.memory_space<vmem>>, %arg7: memref<128x128xf32, #tpu.memory_space<vmem>>, %arg8: memref<!tpu.dma_semaphore, #tpu.memory_space<semaphore_mem>>, %arg9: memref<!tpu.dma_semaphore, #tpu.memory_space<semaphore_mem>>) attributes {dimension_semantics = [#tpu.dimension_semantics<core_parallel>, #tpu.dimension_semantics<subcore_parallel>], iteration_bounds = array<i64: 2, 16>, scalar_prefetch = 0 : i64, scratch_operands = 5 : i64, tpu.core_type = #tpu.core_type<sc_vector_subcore>, window_params = [{transform_indices = #map}, {transform_indices = #map1}, {transform_indices = #map}]} {
    %mul3A = arith.constant 2 : i32
    %mul3A_0 = arith.muli %arg1, %mul3A : i32
    %add3A = arith.addi %mul3A_0, %arg0 : i32
    "tpu.region"() ({
      %run_scoped3A = tpu.sem_alloc : memref<!tpu.dma_semaphore, #tpu.memory_space<semaphore_mem>>
      %dma_start3A_100 = arith.constant 0 : i32
      %dma_start3A_101 = arith.constant 0 : i32
      %dma_start3A_102 = tpu.memref_slice %arg3[%add3A, %dma_start3A_100, %dma_start3A_101] : memref<32x5x128xi32, #tpu.memory_space<hbm>> -> memref<1x5x128xi32, #tpu.memory_space<hbm>>
      %dma_start3A_103 = tpu.memref_squeeze %dma_start3A_102 : memref<1x5x128xi32, #tpu.memory_space<hbm>> -> memref<5x128xi32, #tpu.memory_space<hbm>>
      %dma_start3A_104 = arith.constant 0 : i32
      %dma_start3A_105 = arith.constant 0 : i32
      %dma_start3A_106 = tpu.memref_slice %arg3[%add3A, %dma_start3A_104, %dma_start3A_105] : memref<32x5x128xi32, #tpu.memory_space<hbm>> -> memref<1x5x128xi32, #tpu.memory_space<hbm>>
      %dma_start3A_107 = tpu.memref_squeeze %dma_start3A_106 : memref<1x5x128xi32, #tpu.memory_space<hbm>> -> memref<5x128xi32, #tpu.memory_space<hbm>>
      tpu.enqueue_dma source(%dma_start3A_107 : memref<5x128xi32, #tpu.memory_space<hbm>>) target(%arg5 : memref<5x128xi32, #tpu.memory_space<vmem>>) target_semaphore(%run_scoped3A : memref<!tpu.dma_semaphore, #tpu.memory_space<semaphore_mem>>)
      %dma_wait3A_108 = arith.constant 0 : i32
      %dma_wait3A_109 = arith.constant 0 : i32
      %dma_wait3A_110 = tpu.memref_slice %arg3[%add3A, %dma_wait3A_108, %dma_wait3A_109] : memref<32x5x128xi32, #tpu.memory_space<hbm>> -> memref<1x5x128xi32, #tpu.memory_space<hbm>>
      %dma_wait3A_111 = tpu.memref_squeeze %dma_wait3A_110 : memref<1x5x128xi32, #tpu.memory_space<hbm>> -> memref<5x128xi32, #tpu.memory_space<hbm>>
      %dma_wait3A_112 = arith.constant 0 : i32
      %dma_wait3A_113 = arith.constant 0 : i32
      %dma_wait3A_114 = tpu.memref_slice %arg3[%add3A, %dma_wait3A_112, %dma_wait3A_113] : memref<32x5x128xi32, #tpu.memory_space<hbm>> -> memref<1x5x128xi32, #tpu.memory_space<hbm>>
      %dma_wait3A_115 = tpu.memref_squeeze %dma_wait3A_114 : memref<1x5x128xi32, #tpu.memory_space<hbm>> -> memref<5x128xi32, #tpu.memory_space<hbm>>
      tpu.wait_dma2 semaphore(%run_scoped3A : memref<!tpu.dma_semaphore, #tpu.memory_space<semaphore_mem>>) src(%dma_wait3A_115 : memref<5x128xi32, #tpu.memory_space<hbm>>) dst(%arg5 : memref<5x128xi32, #tpu.memory_space<vmem>>)
      tpu.yield
    }) : () -> ()
    %dma_start3A = arith.constant 0 : i32
    %dma_start3A_1 = arith.constant 0 : i32
    %dma_start3A_2 = tpu.memref_slice %arg5[%dma_start3A, %dma_start3A_1] : memref<5x128xi32, #tpu.memory_space<vmem>> -> memref<1x128xi32, #tpu.memory_space<vmem>>
    %dma_start3A_3 = tpu.memref_squeeze %dma_start3A_2 : memref<1x128xi32, #tpu.memory_space<vmem>> -> memref<128xi32, #tpu.memory_space<vmem>>
    %dma_start3A_4 = arith.constant 0 : i32
    %dma_start3A_5 = arith.constant 0 : i32
    %dma_start3A_6 = tpu.memref_slice %arg2[%dma_start3A_4, %dma_start3A_5] : memref<2048x128xf32, #tpu.memory_space<hbm>> -> memref<2048x128xf32, #tpu.memory_space<hbm>>
    tpu.enqueue_indirect_dma source(%dma_start3A_6 : memref<2048x128xf32, #tpu.memory_space<hbm>>) target(%arg6 : memref<128x128xf32, #tpu.memory_space<vmem>>) offsets(%dma_start3A_3 : memref<128xi32, #tpu.memory_space<vmem>>) semaphore(%arg8 : memref<!tpu.dma_semaphore, #tpu.memory_space<semaphore_mem>>)
    %dma_start3A_7 = arith.constant 1 : i32
    %dma_start3A_8 = arith.constant 0 : i32
    %dma_start3A_9 = tpu.memref_slice %arg5[%dma_start3A_7, %dma_start3A_8] : memref<5x128xi32, #tpu.memory_space<vmem>> -> memref<1x128xi32, #tpu.memory_space<vmem>>
    %dma_start3A_10 = tpu.memref_squeeze %dma_start3A_9 : memref<1x128xi32, #tpu.memory_space<vmem>> -> memref<128xi32, #tpu.memory_space<vmem>>
    %dma_start3A_11 = arith.constant 0 : i32
    %dma_start3A_12 = arith.constant 0 : i32
    %dma_start3A_13 = tpu.memref_slice %arg2[%dma_start3A_11, %dma_start3A_12] : memref<2048x128xf32, #tpu.memory_space<hbm>> -> memref<2048x128xf32, #tpu.memory_space<hbm>>
    tpu.enqueue_indirect_dma source(%dma_start3A_13 : memref<2048x128xf32, #tpu.memory_space<hbm>>) target(%arg7 : memref<128x128xf32, #tpu.memory_space<vmem>>) offsets(%dma_start3A_10 : memref<128xi32, #tpu.memory_space<vmem>>) semaphore(%arg9 : memref<!tpu.dma_semaphore, #tpu.memory_space<semaphore_mem>>)
    %dma_wait3A = arith.constant 0 : i32
    %dma_wait3A_14 = arith.constant 0 : i32
    %dma_wait3A_15 = tpu.memref_slice %arg5[%dma_wait3A, %dma_wait3A_14] : memref<5x128xi32, #tpu.memory_space<vmem>> -> memref<1x128xi32, #tpu.memory_space<vmem>>
    %dma_wait3A_16 = tpu.memref_squeeze %dma_wait3A_15 : memref<1x128xi32, #tpu.memory_space<vmem>> -> memref<128xi32, #tpu.memory_space<vmem>>
    %dma_wait3A_17 = arith.constant 0 : i32
    %dma_wait3A_18 = arith.constant 0 : i32
    %dma_wait3A_19 = tpu.memref_slice %arg2[%dma_wait3A_17, %dma_wait3A_18] : memref<2048x128xf32, #tpu.memory_space<hbm>> -> memref<2048x128xf32, #tpu.memory_space<hbm>>
    tpu.wait_indirect_dma semaphore(%arg8 : memref<!tpu.dma_semaphore, #tpu.memory_space<semaphore_mem>>) src(%dma_wait3A_19 : memref<2048x128xf32, #tpu.memory_space<hbm>>) dst(%arg6 : memref<128x128xf32, #tpu.memory_space<vmem>>)
    %mul3A_20 = arith.constant 5 : i32
    %mul3A_21 = arith.muli %add3A, %mul3A_20 : i32
    %add3A_22 = arith.constant 0 : i32
    %add3A_23 = arith.addi %mul3A_21, %add3A_22 : i32
    %mul3A_24 = arith.constant 128 : i32
    %mul3A_25 = arith.muli %add3A_23, %mul3A_24 : i32
    "tpu.region"() ({
      %run_scoped3A = tpu.sem_alloc : memref<!tpu.dma_semaphore, #tpu.memory_space<semaphore_mem>>
      %dma_start3A_100 = arith.constant 0 : i32
      %dma_start3A_101 = tpu.memref_slice %arg4[%mul3A_25, %dma_start3A_100] : memref<20480x128xf32, #tpu.memory_space<hbm>> -> memref<128x128xf32, #tpu.memory_space<hbm>>
      %dma_start3A_102 = arith.constant 0 : i32
      %dma_start3A_103 = tpu.memref_slice %arg4[%mul3A_25, %dma_start3A_102] : memref<20480x128xf32, #tpu.memory_space<hbm>> -> memref<128x128xf32, #tpu.memory_space<hbm>>
      tpu.enqueue_dma source(%arg6 : memref<128x128xf32, #tpu.memory_space<vmem>>) target(%dma_start3A_103 : memref<128x128xf32, #tpu.memory_space<hbm>>) target_semaphore(%run_scoped3A : memref<!tpu.dma_semaphore, #tpu.memory_space<semaphore_mem>>)
      %dma_wait3A_104 = arith.constant 0 : i32
      %dma_wait3A_105 = tpu.memref_slice %arg4[%mul3A_25, %dma_wait3A_104] : memref<20480x128xf32, #tpu.memory_space<hbm>> -> memref<128x128xf32, #tpu.memory_space<hbm>>
      %dma_wait3A_106 = arith.constant 0 : i32
      %dma_wait3A_107 = tpu.memref_slice %arg4[%mul3A_25, %dma_wait3A_106] : memref<20480x128xf32, #tpu.memory_space<hbm>> -> memref<128x128xf32, #tpu.memory_space<hbm>>
      tpu.wait_dma2 semaphore(%run_scoped3A : memref<!tpu.dma_semaphore, #tpu.memory_space<semaphore_mem>>) src(%arg6 : memref<128x128xf32, #tpu.memory_space<vmem>>) dst(%dma_wait3A_107 : memref<128x128xf32, #tpu.memory_space<hbm>>)
      tpu.yield
    }) : () -> ()
    %dma_start3A_26 = arith.constant 2 : i32
    %dma_start3A_27 = arith.constant 0 : i32
    %dma_start3A_28 = tpu.memref_slice %arg5[%dma_start3A_26, %dma_start3A_27] : memref<5x128xi32, #tpu.memory_space<vmem>> -> memref<1x128xi32, #tpu.memory_space<vmem>>
    %dma_start3A_29 = tpu.memref_squeeze %dma_start3A_28 : memref<1x128xi32, #tpu.memory_space<vmem>> -> memref<128xi32, #tpu.memory_space<vmem>>
    %dma_start3A_30 = arith.constant 0 : i32
    %dma_start3A_31 = arith.constant 0 : i32
    %dma_start3A_32 = tpu.memref_slice %arg2[%dma_start3A_30, %dma_start3A_31] : memref<2048x128xf32, #tpu.memory_space<hbm>> -> memref<2048x128xf32, #tpu.memory_space<hbm>>
    tpu.enqueue_indirect_dma source(%dma_start3A_32 : memref<2048x128xf32, #tpu.memory_space<hbm>>) target(%arg6 : memref<128x128xf32, #tpu.memory_space<vmem>>) offsets(%dma_start3A_29 : memref<128xi32, #tpu.memory_space<vmem>>) semaphore(%arg8 : memref<!tpu.dma_semaphore, #tpu.memory_space<semaphore_mem>>)
    %dma_wait3A_33 = arith.constant 1 : i32
    %dma_wait3A_34 = arith.constant 0 : i32
    %dma_wait3A_35 = tpu.memref_slice %arg5[%dma_wait3A_33, %dma_wait3A_34] : memref<5x128xi32, #tpu.memory_space<vmem>> -> memref<1x128xi32, #tpu.memory_space<vmem>>
    %dma_wait3A_36 = tpu.memref_squeeze %dma_wait3A_35 : memref<1x128xi32, #tpu.memory_space<vmem>> -> memref<128xi32, #tpu.memory_space<vmem>>
    %dma_wait3A_37 = arith.constant 0 : i32
    %dma_wait3A_38 = arith.constant 0 : i32
    %dma_wait3A_39 = tpu.memref_slice %arg2[%dma_wait3A_37, %dma_wait3A_38] : memref<2048x128xf32, #tpu.memory_space<hbm>> -> memref<2048x128xf32, #tpu.memory_space<hbm>>
    tpu.wait_indirect_dma semaphore(%arg9 : memref<!tpu.dma_semaphore, #tpu.memory_space<semaphore_mem>>) src(%dma_wait3A_39 : memref<2048x128xf32, #tpu.memory_space<hbm>>) dst(%arg7 : memref<128x128xf32, #tpu.memory_space<vmem>>)
    %mul3A_40 = arith.constant 5 : i32
    %mul3A_41 = arith.muli %add3A, %mul3A_40 : i32
    %add3A_42 = arith.constant 1 : i32
    %add3A_43 = arith.addi %mul3A_41, %add3A_42 : i32
    %mul3A_44 = arith.constant 128 : i32
    %mul3A_45 = arith.muli %add3A_43, %mul3A_44 : i32
    "tpu.region"() ({
      %run_scoped3A = tpu.sem_alloc : memref<!tpu.dma_semaphore, #tpu.memory_space<semaphore_mem>>
      %dma_start3A_100 = arith.constant 0 : i32
      %dma_start3A_101 = tpu.memref_slice %arg4[%mul3A_45, %dma_start3A_100] : memref<20480x128xf32, #tpu.memory_space<hbm>> -> memref<128x128xf32, #tpu.memory_space<hbm>>
      %dma_start3A_102 = arith.constant 0 : i32
      %dma_start3A_103 = tpu.memref_slice %arg4[%mul3A_45, %dma_start3A_102] : memref<20480x128xf32, #tpu.memory_space<hbm>> -> memref<128x128xf32, #tpu.memory_space<hbm>>
      tpu.enqueue_dma source(%arg7 : memref<128x128xf32, #tpu.memory_space<vmem>>) target(%dma_start3A_103 : memref<128x128xf32, #tpu.memory_space<hbm>>) target_semaphore(%run_scoped3A : memref<!tpu.dma_semaphore, #tpu.memory_space<semaphore_mem>>)
      %dma_wait3A_104 = arith.constant 0 : i32
      %dma_wait3A_105 = tpu.memref_slice %arg4[%mul3A_45, %dma_wait3A_104] : memref<20480x128xf32, #tpu.memory_space<hbm>> -> memref<128x128xf32, #tpu.memory_space<hbm>>
      %dma_wait3A_106 = arith.constant 0 : i32
      %dma_wait3A_107 = tpu.memref_slice %arg4[%mul3A_45, %dma_wait3A_106] : memref<20480x128xf32, #tpu.memory_space<hbm>> -> memref<128x128xf32, #tpu.memory_space<hbm>>
      tpu.wait_dma2 semaphore(%run_scoped3A : memref<!tpu.dma_semaphore, #tpu.memory_space<semaphore_mem>>) src(%arg7 : memref<128x128xf32, #tpu.memory_space<vmem>>) dst(%dma_wait3A_107 : memref<128x128xf32, #tpu.memory_space<hbm>>)
      tpu.yield
    }) : () -> ()
    %dma_start3A_46 = arith.constant 3 : i32
    %dma_start3A_47 = arith.constant 0 : i32
    %dma_start3A_48 = tpu.memref_slice %arg5[%dma_start3A_46, %dma_start3A_47] : memref<5x128xi32, #tpu.memory_space<vmem>> -> memref<1x128xi32, #tpu.memory_space<vmem>>
    %dma_start3A_49 = tpu.memref_squeeze %dma_start3A_48 : memref<1x128xi32, #tpu.memory_space<vmem>> -> memref<128xi32, #tpu.memory_space<vmem>>
    %dma_start3A_50 = arith.constant 0 : i32
    %dma_start3A_51 = arith.constant 0 : i32
    %dma_start3A_52 = tpu.memref_slice %arg2[%dma_start3A_50, %dma_start3A_51] : memref<2048x128xf32, #tpu.memory_space<hbm>> -> memref<2048x128xf32, #tpu.memory_space<hbm>>
    tpu.enqueue_indirect_dma source(%dma_start3A_52 : memref<2048x128xf32, #tpu.memory_space<hbm>>) target(%arg7 : memref<128x128xf32, #tpu.memory_space<vmem>>) offsets(%dma_start3A_49 : memref<128xi32, #tpu.memory_space<vmem>>) semaphore(%arg9 : memref<!tpu.dma_semaphore, #tpu.memory_space<semaphore_mem>>)
    %dma_wait3A_53 = arith.constant 2 : i32
    %dma_wait3A_54 = arith.constant 0 : i32
    %dma_wait3A_55 = tpu.memref_slice %arg5[%dma_wait3A_53, %dma_wait3A_54] : memref<5x128xi32, #tpu.memory_space<vmem>> -> memref<1x128xi32, #tpu.memory_space<vmem>>
    %dma_wait3A_56 = tpu.memref_squeeze %dma_wait3A_55 : memref<1x128xi32, #tpu.memory_space<vmem>> -> memref<128xi32, #tpu.memory_space<vmem>>
    %dma_wait3A_57 = arith.constant 0 : i32
    %dma_wait3A_58 = arith.constant 0 : i32
    %dma_wait3A_59 = tpu.memref_slice %arg2[%dma_wait3A_57, %dma_wait3A_58] : memref<2048x128xf32, #tpu.memory_space<hbm>> -> memref<2048x128xf32, #tpu.memory_space<hbm>>
    tpu.wait_indirect_dma semaphore(%arg8 : memref<!tpu.dma_semaphore, #tpu.memory_space<semaphore_mem>>) src(%dma_wait3A_59 : memref<2048x128xf32, #tpu.memory_space<hbm>>) dst(%arg6 : memref<128x128xf32, #tpu.memory_space<vmem>>)
    %mul3A_60 = arith.constant 5 : i32
    %mul3A_61 = arith.muli %add3A, %mul3A_60 : i32
    %add3A_62 = arith.constant 2 : i32
    %add3A_63 = arith.addi %mul3A_61, %add3A_62 : i32
    %mul3A_64 = arith.constant 128 : i32
    %mul3A_65 = arith.muli %add3A_63, %mul3A_64 : i32
    "tpu.region"() ({
      %run_scoped3A = tpu.sem_alloc : memref<!tpu.dma_semaphore, #tpu.memory_space<semaphore_mem>>
      %dma_start3A_100 = arith.constant 0 : i32
      %dma_start3A_101 = tpu.memref_slice %arg4[%mul3A_65, %dma_start3A_100] : memref<20480x128xf32, #tpu.memory_space<hbm>> -> memref<128x128xf32, #tpu.memory_space<hbm>>
      %dma_start3A_102 = arith.constant 0 : i32
      %dma_start3A_103 = tpu.memref_slice %arg4[%mul3A_65, %dma_start3A_102] : memref<20480x128xf32, #tpu.memory_space<hbm>> -> memref<128x128xf32, #tpu.memory_space<hbm>>
      tpu.enqueue_dma source(%arg6 : memref<128x128xf32, #tpu.memory_space<vmem>>) target(%dma_start3A_103 : memref<128x128xf32, #tpu.memory_space<hbm>>) target_semaphore(%run_scoped3A : memref<!tpu.dma_semaphore, #tpu.memory_space<semaphore_mem>>)
      %dma_wait3A_104 = arith.constant 0 : i32
      %dma_wait3A_105 = tpu.memref_slice %arg4[%mul3A_65, %dma_wait3A_104] : memref<20480x128xf32, #tpu.memory_space<hbm>> -> memref<128x128xf32, #tpu.memory_space<hbm>>
      %dma_wait3A_106 = arith.constant 0 : i32
      %dma_wait3A_107 = tpu.memref_slice %arg4[%mul3A_65, %dma_wait3A_106] : memref<20480x128xf32, #tpu.memory_space<hbm>> -> memref<128x128xf32, #tpu.memory_space<hbm>>
      tpu.wait_dma2 semaphore(%run_scoped3A : memref<!tpu.dma_semaphore, #tpu.memory_space<semaphore_mem>>) src(%arg6 : memref<128x128xf32, #tpu.memory_space<vmem>>) dst(%dma_wait3A_107 : memref<128x128xf32, #tpu.memory_space<hbm>>)
      tpu.yield
    }) : () -> ()
    %dma_start3A_66 = arith.constant 4 : i32
    %dma_start3A_67 = arith.constant 0 : i32
    %dma_start3A_68 = tpu.memref_slice %arg5[%dma_start3A_66, %dma_start3A_67] : memref<5x128xi32, #tpu.memory_space<vmem>> -> memref<1x128xi32, #tpu.memory_space<vmem>>
    %dma_start3A_69 = tpu.memref_squeeze %dma_start3A_68 : memref<1x128xi32, #tpu.memory_space<vmem>> -> memref<128xi32, #tpu.memory_space<vmem>>
    %dma_start3A_70 = arith.constant 0 : i32
    %dma_start3A_71 = arith.constant 0 : i32
    %dma_start3A_72 = tpu.memref_slice %arg2[%dma_start3A_70, %dma_start3A_71] : memref<2048x128xf32, #tpu.memory_space<hbm>> -> memref<2048x128xf32, #tpu.memory_space<hbm>>
    tpu.enqueue_indirect_dma source(%dma_start3A_72 : memref<2048x128xf32, #tpu.memory_space<hbm>>) target(%arg6 : memref<128x128xf32, #tpu.memory_space<vmem>>) offsets(%dma_start3A_69 : memref<128xi32, #tpu.memory_space<vmem>>) semaphore(%arg8 : memref<!tpu.dma_semaphore, #tpu.memory_space<semaphore_mem>>)
    %dma_wait3A_73 = arith.constant 3 : i32
    %dma_wait3A_74 = arith.constant 0 : i32
    %dma_wait3A_75 = tpu.memref_slice %arg5[%dma_wait3A_73, %dma_wait3A_74] : memref<5x128xi32, #tpu.memory_space<vmem>> -> memref<1x128xi32, #tpu.memory_space<vmem>>
    %dma_wait3A_76 = tpu.memref_squeeze %dma_wait3A_75 : memref<1x128xi32, #tpu.memory_space<vmem>> -> memref<128xi32, #tpu.memory_space<vmem>>
    %dma_wait3A_77 = arith.constant 0 : i32
    %dma_wait3A_78 = arith.constant 0 : i32
    %dma_wait3A_79 = tpu.memref_slice %arg2[%dma_wait3A_77, %dma_wait3A_78] : memref<2048x128xf32, #tpu.memory_space<hbm>> -> memref<2048x128xf32, #tpu.memory_space<hbm>>
    tpu.wait_indirect_dma semaphore(%arg9 : memref<!tpu.dma_semaphore, #tpu.memory_space<semaphore_mem>>) src(%dma_wait3A_79 : memref<2048x128xf32, #tpu.memory_space<hbm>>) dst(%arg7 : memref<128x128xf32, #tpu.memory_space<vmem>>)
    %mul3A_80 = arith.constant 5 : i32
    %mul3A_81 = arith.muli %add3A, %mul3A_80 : i32
    %add3A_82 = arith.constant 3 : i32
    %add3A_83 = arith.addi %mul3A_81, %add3A_82 : i32
    %mul3A_84 = arith.constant 128 : i32
    %mul3A_85 = arith.muli %add3A_83, %mul3A_84 : i32
    "tpu.region"() ({
      %run_scoped3A = tpu.sem_alloc : memref<!tpu.dma_semaphore, #tpu.memory_space<semaphore_mem>>
      %dma_start3A_100 = arith.constant 0 : i32
      %dma_start3A_101 = tpu.memref_slice %arg4[%mul3A_85, %dma_start3A_100] : memref<20480x128xf32, #tpu.memory_space<hbm>> -> memref<128x128xf32, #tpu.memory_space<hbm>>
      %dma_start3A_102 = arith.constant 0 : i32
      %dma_start3A_103 = tpu.memref_slice %arg4[%mul3A_85, %dma_start3A_102] : memref<20480x128xf32, #tpu.memory_space<hbm>> -> memref<128x128xf32, #tpu.memory_space<hbm>>
      tpu.enqueue_dma source(%arg7 : memref<128x128xf32, #tpu.memory_space<vmem>>) target(%dma_start3A_103 : memref<128x128xf32, #tpu.memory_space<hbm>>) target_semaphore(%run_scoped3A : memref<!tpu.dma_semaphore, #tpu.memory_space<semaphore_mem>>)
      %dma_wait3A_104 = arith.constant 0 : i32
      %dma_wait3A_105 = tpu.memref_slice %arg4[%mul3A_85, %dma_wait3A_104] : memref<20480x128xf32, #tpu.memory_space<hbm>> -> memref<128x128xf32, #tpu.memory_space<hbm>>
      %dma_wait3A_106 = arith.constant 0 : i32
      %dma_wait3A_107 = tpu.memref_slice %arg4[%mul3A_85, %dma_wait3A_106] : memref<20480x128xf32, #tpu.memory_space<hbm>> -> memref<128x128xf32, #tpu.memory_space<hbm>>
      tpu.wait_dma2 semaphore(%run_scoped3A : memref<!tpu.dma_semaphore, #tpu.memory_space<semaphore_mem>>) src(%arg7 : memref<128x128xf32, #tpu.memory_space<vmem>>) dst(%dma_wait3A_107 : memref<128x128xf32, #tpu.memory_space<hbm>>)
      tpu.yield
    }) : () -> ()
    %dma_wait3A_86 = arith.constant 4 : i32
    %dma_wait3A_87 = arith.constant 0 : i32
    %dma_wait3A_88 = tpu.memref_slice %arg5[%dma_wait3A_86, %dma_wait3A_87] : memref<5x128xi32, #tpu.memory_space<vmem>> -> memref<1x128xi32, #tpu.memory_space<vmem>>
    %dma_wait3A_89 = tpu.memref_squeeze %dma_wait3A_88 : memref<1x128xi32, #tpu.memory_space<vmem>> -> memref<128xi32, #tpu.memory_space<vmem>>
    %dma_wait3A_90 = arith.constant 0 : i32
    %dma_wait3A_91 = arith.constant 0 : i32
    %dma_wait3A_92 = tpu.memref_slice %arg2[%dma_wait3A_90, %dma_wait3A_91] : memref<2048x128xf32, #tpu.memory_space<hbm>> -> memref<2048x128xf32, #tpu.memory_space<hbm>>
    tpu.wait_indirect_dma semaphore(%arg8 : memref<!tpu.dma_semaphore, #tpu.memory_space<semaphore_mem>>) src(%dma_wait3A_92 : memref<2048x128xf32, #tpu.memory_space<hbm>>) dst(%arg6 : memref<128x128xf32, #tpu.memory_space<vmem>>)
    %mul3A_93 = arith.constant 5 : i32
    %mul3A_94 = arith.muli %add3A, %mul3A_93 : i32
    %add3A_95 = arith.constant 5 : i32
    %add3A_96 = arith.addi %mul3A_94, %add3A_95 : i32
    %sub3A = arith.constant 1 : i32
    %sub3A_97 = arith.subi %add3A_96, %sub3A : i32
    %mul3A_98 = arith.constant 128 : i32
    %mul3A_99 = arith.muli %sub3A_97, %mul3A_98 : i32
    "tpu.region"() ({
      %run_scoped3A = tpu.sem_alloc : memref<!tpu.dma_semaphore, #tpu.memory_space<semaphore_mem>>
      %dma_start3A_100 = arith.constant 0 : i32
      %dma_start3A_101 = tpu.memref_slice %arg4[%mul3A_99, %dma_start3A_100] : memref<20480x128xf32, #tpu.memory_space<hbm>> -> memref<128x128xf32, #tpu.memory_space<hbm>>
      %dma_start3A_102 = arith.constant 0 : i32
      %dma_start3A_103 = tpu.memref_slice %arg4[%mul3A_99, %dma_start3A_102] : memref<20480x128xf32, #tpu.memory_space<hbm>> -> memref<128x128xf32, #tpu.memory_space<hbm>>
      tpu.enqueue_dma source(%arg6 : memref<128x128xf32, #tpu.memory_space<vmem>>) target(%dma_start3A_103 : memref<128x128xf32, #tpu.memory_space<hbm>>) target_semaphore(%run_scoped3A : memref<!tpu.dma_semaphore, #tpu.memory_space<semaphore_mem>>)
      %dma_wait3A_104 = arith.constant 0 : i32
      %dma_wait3A_105 = tpu.memref_slice %arg4[%mul3A_99, %dma_wait3A_104] : memref<20480x128xf32, #tpu.memory_space<hbm>> -> memref<128x128xf32, #tpu.memory_space<hbm>>
      %dma_wait3A_106 = arith.constant 0 : i32
      %dma_wait3A_107 = tpu.memref_slice %arg4[%mul3A_99, %dma_wait3A_106] : memref<20480x128xf32, #tpu.memory_space<hbm>> -> memref<128x128xf32, #tpu.memory_space<hbm>>
      tpu.wait_dma2 semaphore(%run_scoped3A : memref<!tpu.dma_semaphore, #tpu.memory_space<semaphore_mem>>) src(%arg6 : memref<128x128xf32, #tpu.memory_space<vmem>>) dst(%dma_wait3A_107 : memref<128x128xf32, #tpu.memory_space<hbm>>)
      tpu.yield
    }) : () -> ()
    return
  }
}

#map = affine_map<(d0, d1) -> (0, 0)>
#map1 = affine_map<(d0, d1) -> (0, 0, 0)>
module attributes {stable_mosaic.version = 14 : i64} {
  func.func @run(%arg0: i32, %arg1: i32, %arg2: memref<2048x128xf32, #tpu.memory_space<hbm>>, %arg3: memref<32x5x128xi32, #tpu.memory_space<hbm>>, %arg4: memref<20480x128xf32, #tpu.memory_space<hbm>>, %arg5: memref<5x128xi32, #tpu.memory_space<vmem>>, %arg6: memref<128x128xf32, #tpu.memory_space<vmem>>, %arg7: memref<128x128xf32, #tpu.memory_space<vmem>>, %arg8: memref<!tpu.dma_semaphore, #tpu.memory_space<semaphore_mem>>, %arg9: memref<!tpu.dma_semaphore, #tpu.memory_space<semaphore_mem>>) attributes {dimension_semantics = [#tpu.dimension_semantics<core_parallel>, #tpu.dimension_semantics<subcore_parallel>], iteration_bounds = array<i64: 2, 16>, scalar_prefetch = 0 : i64, scratch_operands = 5 : i64, tpu.core_type = #tpu.core_type<sc_vector_subcore>, window_params = [{transform_indices = #map}, {transform_indices = #map1}, {transform_indices = #map}]} {
    %mul3A = arith.constant 2 : i32
    %mul3A_0 = arith.muli %arg1, %mul3A : i32
    %add3A = arith.addi %mul3A_0, %arg0 : i32
    "tpu.region"() ({
      %run_scoped3A = tpu.sem_alloc : memref<!tpu.dma_semaphore, #tpu.memory_space<semaphore_mem>>
      %dma_start3A_100 = arith.constant 0 : i32
      %dma_start3A_101 = arith.constant 0 : i32
      %dma_start3A_102 = tpu.memref_slice %arg3[%add3A, %dma_start3A_100, %dma_start3A_101] : memref<32x5x128xi32, #tpu.memory_space<hbm>> -> memref<1x5x128xi32, #tpu.memory_space<hbm>>
      %dma_start3A_103 = tpu.memref_squeeze %dma_start3A_102 : memref<1x5x128xi32, #tpu.memory_space<hbm>> -> memref<5x128xi32, #tpu.memory_space<hbm>>
      %dma_start3A_104 = arith.constant 0 : i32
      %dma_start3A_105 = arith.constant 0 : i32
      %dma_start3A_106 = tpu.memref_slice %arg3[%add3A, %dma_start3A_104, %dma_start3A_105] : memref<32x5x128xi32, #tpu.memory_space<hbm>> -> memref<1x5x128xi32, #tpu.memory_space<hbm>>
      %dma_start3A_107 = tpu.memref_squeeze %dma_start3A_106 : memref<1x5x128xi32, #tpu.memory_space<hbm>> -> memref<5x128xi32, #tpu.memory_space<hbm>>
      tpu.enqueue_dma source(%dma_start3A_107 : memref<5x128xi32, #tpu.memory_space<hbm>>) target(%arg5 : memref<5x128xi32, #tpu.memory_space<vmem>>) target_semaphore(%run_scoped3A : memref<!tpu.dma_semaphore, #tpu.memory_space<semaphore_mem>>)
      %dma_wait3A_108 = arith.constant 0 : i32
      %dma_wait3A_109 = arith.constant 0 : i32
      %dma_wait3A_110 = tpu.memref_slice %arg3[%add3A, %dma_wait3A_108, %dma_wait3A_109] : memref<32x5x128xi32, #tpu.memory_space<hbm>> -> memref<1x5x128xi32, #tpu.memory_space<hbm>>
      %dma_wait3A_111 = tpu.memref_squeeze %dma_wait3A_110 : memref<1x5x128xi32, #tpu.memory_space<hbm>> -> memref<5x128xi32, #tpu.memory_space<hbm>>
      %dma_wait3A_112 = arith.constant 0 : i32
      %dma_wait3A_113 = arith.constant 0 : i32
      %dma_wait3A_114 = tpu.memref_slice %arg3[%add3A, %dma_wait3A_112, %dma_wait3A_113] : memref<32x5x128xi32, #tpu.memory_space<hbm>> -> memref<1x5x128xi32, #tpu.memory_space<hbm>>
      %dma_wait3A_115 = tpu.memref_squeeze %dma_wait3A_114 : memref<1x5x128xi32, #tpu.memory_space<hbm>> -> memref<5x128xi32, #tpu.memory_space<hbm>>
      tpu.wait_dma2 semaphore(%run_scoped3A : memref<!tpu.dma_semaphore, #tpu.memory_space<semaphore_mem>>) src(%dma_wait3A_115 : memref<5x128xi32, #tpu.memory_space<hbm>>) dst(%arg5 : memref<5x128xi32, #tpu.memory_space<vmem>>)
      tpu.yield
    }) : () -> ()
    %dma_start3A = arith.constant 0 : i32
    %dma_start3A_1 = arith.constant 0 : i32
    %dma_start3A_2 = tpu.memref_slice %arg5[%dma_start3A, %dma_start3A_1] : memref<5x128xi32, #tpu.memory_space<vmem>> -> memref<1x128xi32, #tpu.memory_space<vmem>>
    %dma_start3A_3 = tpu.memref_squeeze %dma_start3A_2 : memref<1x128xi32, #tpu.memory_space<vmem>> -> memref<128xi32, #tpu.memory_space<vmem>>
    %dma_start3A_4 = arith.constant 0 : i32
    %dma_start3A_5 = arith.constant 0 : i32
    %dma_start3A_6 = tpu.memref_slice %arg2[%dma_start3A_4, %dma_start3A_5] : memref<2048x128xf32, #tpu.memory_space<hbm>> -> memref<2048x128xf32, #tpu.memory_space<hbm>>
    tpu.enqueue_indirect_dma source(%dma_start3A_6 : memref<2048x128xf32, #tpu.memory_space<hbm>>) target(%arg6 : memref<128x128xf32, #tpu.memory_space<vmem>>) offsets(%dma_start3A_3 : memref<128xi32, #tpu.memory_space<vmem>>) semaphore(%arg8 : memref<!tpu.dma_semaphore, #tpu.memory_space<semaphore_mem>>)
    %dma_start3A_7 = arith.constant 1 : i32
    %dma_start3A_8 = arith.constant 0 : i32
    %dma_start3A_9 = tpu.memref_slice %arg5[%dma_start3A_7, %dma_start3A_8] : memref<5x128xi32, #tpu.memory_space<vmem>> -> memref<1x128xi32, #tpu.memory_space<vmem>>
    %dma_start3A_10 = tpu.memref_squeeze %dma_start3A_9 : memref<1x128xi32, #tpu.memory_space<vmem>> -> memref<128xi32, #tpu.memory_space<vmem>>
    %dma_start3A_11 = arith.constant 0 : i32
    %dma_start3A_12 = arith.constant 0 : i32
    %dma_start3A_13 = tpu.memref_slice %arg2[%dma_start3A_11, %dma_start3A_12] : memref<2048x128xf32, #tpu.memory_space<hbm>> -> memref<2048x128xf32, #tpu.memory_space<hbm>>
    tpu.enqueue_indirect_dma source(%dma_start3A_13 : memref<2048x128xf32, #tpu.memory_space<hbm>>) target(%arg7 : memref<128x128xf32, #tpu.memory_space<vmem>>) offsets(%dma_start3A_10 : memref<128xi32, #tpu.memory_space<vmem>>) semaphore(%arg9 : memref<!tpu.dma_semaphore, #tpu.memory_space<semaphore_mem>>)
    %dma_wait3A = arith.constant 0 : i32
    %dma_wait3A_14 = arith.constant 0 : i32
    %dma_wait3A_15 = tpu.memref_slice %arg5[%dma_wait3A, %dma_wait3A_14] : memref<5x128xi32, #tpu.memory_space<vmem>> -> memref<1x128xi32, #tpu.memory_space<vmem>>
    %dma_wait3A_16 = tpu.memref_squeeze %dma_wait3A_15 : memref<1x128xi32, #tpu.memory_space<vmem>> -> memref<128xi32, #tpu.memory_space<vmem>>
    %dma_wait3A_17 = arith.constant 0 : i32
    %dma_wait3A_18 = arith.constant 0 : i32
    %dma_wait3A_19 = tpu.memref_slice %arg2[%dma_wait3A_17, %dma_wait3A_18] : memref<2048x128xf32, #tpu.memory_space<hbm>> -> memref<2048x128xf32, #tpu.memory_space<hbm>>
    tpu.wait_indirect_dma semaphore(%arg8 : memref<!tpu.dma_semaphore, #tpu.memory_space<semaphore_mem>>) src(%dma_wait3A_19 : memref<2048x128xf32, #tpu.memory_space<hbm>>) dst(%arg6 : memref<128x128xf32, #tpu.memory_space<vmem>>)
    %mul3A_20 = arith.constant 5 : i32
    %mul3A_21 = arith.muli %add3A, %mul3A_20 : i32
    %add3A_22 = arith.constant 0 : i32
    %add3A_23 = arith.addi %mul3A_21, %add3A_22 : i32
    %mul3A_24 = arith.constant 128 : i32
    %mul3A_25 = arith.muli %add3A_23, %mul3A_24 : i32
    "tpu.region"() ({
      %run_scoped3A = tpu.sem_alloc : memref<!tpu.dma_semaphore, #tpu.memory_space<semaphore_mem>>
      %dma_start3A_100 = arith.constant 0 : i32
      %dma_start3A_101 = tpu.memref_slice %arg4[%mul3A_25, %dma_start3A_100] : memref<20480x128xf32, #tpu.memory_space<hbm>> -> memref<128x128xf32, #tpu.memory_space<hbm>>
      %dma_start3A_102 = arith.constant 0 : i32
      %dma_start3A_103 = tpu.memref_slice %arg4[%mul3A_25, %dma_start3A_102] : memref<20480x128xf32, #tpu.memory_space<hbm>> -> memref<128x128xf32, #tpu.memory_space<hbm>>
      tpu.enqueue_dma source(%arg6 : memref<128x128xf32, #tpu.memory_space<vmem>>) target(%dma_start3A_103 : memref<128x128xf32, #tpu.memory_space<hbm>>) target_semaphore(%run_scoped3A : memref<!tpu.dma_semaphore, #tpu.memory_space<semaphore_mem>>)
      %dma_wait3A_104 = arith.constant 0 : i32
      %dma_wait3A_105 = tpu.memref_slice %arg4[%mul3A_25, %dma_wait3A_104] : memref<20480x128xf32, #tpu.memory_space<hbm>> -> memref<128x128xf32, #tpu.memory_space<hbm>>
      %dma_wait3A_106 = arith.constant 0 : i32
      %dma_wait3A_107 = tpu.memref_slice %arg4[%mul3A_25, %dma_wait3A_106] : memref<20480x128xf32, #tpu.memory_space<hbm>> -> memref<128x128xf32, #tpu.memory_space<hbm>>
      tpu.wait_dma2 semaphore(%run_scoped3A : memref<!tpu.dma_semaphore, #tpu.memory_space<semaphore_mem>>) src(%arg6 : memref<128x128xf32, #tpu.memory_space<vmem>>) dst(%dma_wait3A_107 : memref<128x128xf32, #tpu.memory_space<hbm>>)
      tpu.yield
    }) : () -> ()
    %dma_start3A_26 = arith.constant 2 : i32
    %dma_start3A_27 = arith.constant 0 : i32
    %dma_start3A_28 = tpu.memref_slice %arg5[%dma_start3A_26, %dma_start3A_27] : memref<5x128xi32, #tpu.memory_space<vmem>> -> memref<1x128xi32, #tpu.memory_space<vmem>>
    %dma_start3A_29 = tpu.memref_squeeze %dma_start3A_28 : memref<1x128xi32, #tpu.memory_space<vmem>> -> memref<128xi32, #tpu.memory_space<vmem>>
    %dma_start3A_30 = arith.constant 0 : i32
    %dma_start3A_31 = arith.constant 0 : i32
    %dma_start3A_32 = tpu.memref_slice %arg2[%dma_start3A_30, %dma_start3A_31] : memref<2048x128xf32, #tpu.memory_space<hbm>> -> memref<2048x128xf32, #tpu.memory_space<hbm>>
    tpu.enqueue_indirect_dma source(%dma_start3A_32 : memref<2048x128xf32, #tpu.memory_space<hbm>>) target(%arg6 : memref<128x128xf32, #tpu.memory_space<vmem>>) offsets(%dma_start3A_29 : memref<128xi32, #tpu.memory_space<vmem>>) semaphore(%arg8 : memref<!tpu.dma_semaphore, #tpu.memory_space<semaphore_mem>>)
    %dma_wait3A_33 = arith.constant 1 : i32
    %dma_wait3A_34 = arith.constant 0 : i32
    %dma_wait3A_35 = tpu.memref_slice %arg5[%dma_wait3A_33, %dma_wait3A_34] : memref<5x128xi32, #tpu.memory_space<vmem>> -> memref<1x128xi32, #tpu.memory_space<vmem>>
    %dma_wait3A_36 = tpu.memref_squeeze %dma_wait3A_35 : memref<1x128xi32, #tpu.memory_space<vmem>> -> memref<128xi32, #tpu.memory_space<vmem>>
    %dma_wait3A_37 = arith.constant 0 : i32
    %dma_wait3A_38 = arith.constant 0 : i32
    %dma_wait3A_39 = tpu.memref_slice %arg2[%dma_wait3A_37, %dma_wait3A_38] : memref<2048x128xf32, #tpu.memory_space<hbm>> -> memref<2048x128xf32, #tpu.memory_space<hbm>>
    tpu.wait_indirect_dma semaphore(%arg9 : memref<!tpu.dma_semaphore, #tpu.memory_space<semaphore_mem>>) src(%dma_wait3A_39 : memref<2048x128xf32, #tpu.memory_space<hbm>>) dst(%arg7 : memref<128x128xf32, #tpu.memory_space<vmem>>)
    %mul3A_40 = arith.constant 5 : i32
    %mul3A_41 = arith.muli %add3A, %mul3A_40 : i32
    %add3A_42 = arith.constant 1 : i32
    %add3A_43 = arith.addi %mul3A_41, %add3A_42 : i32
    %mul3A_44 = arith.constant 128 : i32
    %mul3A_45 = arith.muli %add3A_43, %mul3A_44 : i32
    "tpu.region"() ({
      %run_scoped3A = tpu.sem_alloc : memref<!tpu.dma_semaphore, #tpu.memory_space<semaphore_mem>>
      %dma_start3A_100 = arith.constant 0 : i32
      %dma_start3A_101 = tpu.memref_slice %arg4[%mul3A_45, %dma_start3A_100] : memref<20480x128xf32, #tpu.memory_space<hbm>> -> memref<128x128xf32, #tpu.memory_space<hbm>>
      %dma_start3A_102 = arith.constant 0 : i32
      %dma_start3A_103 = tpu.memref_slice %arg4[%mul3A_45, %dma_start3A_102] : memref<20480x128xf32, #tpu.memory_space<hbm>> -> memref<128x128xf32, #tpu.memory_space<hbm>>
      tpu.enqueue_dma source(%arg7 : memref<128x128xf32, #tpu.memory_space<vmem>>) target(%dma_start3A_103 : memref<128x128xf32, #tpu.memory_space<hbm>>) target_semaphore(%run_scoped3A : memref<!tpu.dma_semaphore, #tpu.memory_space<semaphore_mem>>)
      %dma_wait3A_104 = arith.constant 0 : i32
      %dma_wait3A_105 = tpu.memref_slice %arg4[%mul3A_45, %dma_wait3A_104] : memref<20480x128xf32, #tpu.memory_space<hbm>> -> memref<128x128xf32, #tpu.memory_space<hbm>>
      %dma_wait3A_106 = arith.constant 0 : i32
      %dma_wait3A_107 = tpu.memref_slice %arg4[%mul3A_45, %dma_wait3A_106] : memref<20480x128xf32, #tpu.memory_space<hbm>> -> memref<128x128xf32, #tpu.memory_space<hbm>>
      tpu.wait_dma2 semaphore(%run_scoped3A : memref<!tpu.dma_semaphore, #tpu.memory_space<semaphore_mem>>) src(%arg7 : memref<128x128xf32, #tpu.memory_space<vmem>>) dst(%dma_wait3A_107 : memref<128x128xf32, #tpu.memory_space<hbm>>)
      tpu.yield
    }) : () -> ()
    %dma_start3A_46 = arith.constant 3 : i32
    %dma_start3A_47 = arith.constant 0 : i32
    %dma_start3A_48 = tpu.memref_slice %arg5[%dma_start3A_46, %dma_start3A_47] : memref<5x128xi32, #tpu.memory_space<vmem>> -> memref<1x128xi32, #tpu.memory_space<vmem>>
    %dma_start3A_49 = tpu.memref_squeeze %dma_start3A_48 : memref<1x128xi32, #tpu.memory_space<vmem>> -> memref<128xi32, #tpu.memory_space<vmem>>
    %dma_start3A_50 = arith.constant 0 : i32
    %dma_start3A_51 = arith.constant 0 : i32
    %dma_start3A_52 = tpu.memref_slice %arg2[%dma_start3A_50, %dma_start3A_51] : memref<2048x128xf32, #tpu.memory_space<hbm>> -> memref<2048x128xf32, #tpu.memory_space<hbm>>
    tpu.enqueue_indirect_dma source(%dma_start3A_52 : memref<2048x128xf32, #tpu.memory_space<hbm>>) target(%arg7 : memref<128x128xf32, #tpu.memory_space<vmem>>) offsets(%dma_start3A_49 : memref<128xi32, #tpu.memory_space<vmem>>) semaphore(%arg9 : memref<!tpu.dma_semaphore, #tpu.memory_space<semaphore_mem>>)
    %dma_wait3A_53 = arith.constant 2 : i32
    %dma_wait3A_54 = arith.constant 0 : i32
    %dma_wait3A_55 = tpu.memref_slice %arg5[%dma_wait3A_53, %dma_wait3A_54] : memref<5x128xi32, #tpu.memory_space<vmem>> -> memref<1x128xi32, #tpu.memory_space<vmem>>
    %dma_wait3A_56 = tpu.memref_squeeze %dma_wait3A_55 : memref<1x128xi32, #tpu.memory_space<vmem>> -> memref<128xi32, #tpu.memory_space<vmem>>
    %dma_wait3A_57 = arith.constant 0 : i32
    %dma_wait3A_58 = arith.constant 0 : i32
    %dma_wait3A_59 = tpu.memref_slice %arg2[%dma_wait3A_57, %dma_wait3A_58] : memref<2048x128xf32, #tpu.memory_space<hbm>> -> memref<2048x128xf32, #tpu.memory_space<hbm>>
    tpu.wait_indirect_dma semaphore(%arg8 : memref<!tpu.dma_semaphore, #tpu.memory_space<semaphore_mem>>) src(%dma_wait3A_59 : memref<2048x128xf32, #tpu.memory_space<hbm>>) dst(%arg6 : memref<128x128xf32, #tpu.memory_space<vmem>>)
    %mul3A_60 = arith.constant 5 : i32
    %mul3A_61 = arith.muli %add3A, %mul3A_60 : i32
    %add3A_62 = arith.constant 2 : i32
    %add3A_63 = arith.addi %mul3A_61, %add3A_62 : i32
    %mul3A_64 = arith.constant 128 : i32
    %mul3A_65 = arith.muli %add3A_63, %mul3A_64 : i32
    "tpu.region"() ({
      %run_scoped3A = tpu.sem_alloc : memref<!tpu.dma_semaphore, #tpu.memory_space<semaphore_mem>>
      %dma_start3A_100 = arith.constant 0 : i32
      %dma_start3A_101 = tpu.memref_slice %arg4[%mul3A_65, %dma_start3A_100] : memref<20480x128xf32, #tpu.memory_space<hbm>> -> memref<128x128xf32, #tpu.memory_space<hbm>>
      %dma_start3A_102 = arith.constant 0 : i32
      %dma_start3A_103 = tpu.memref_slice %arg4[%mul3A_65, %dma_start3A_102] : memref<20480x128xf32, #tpu.memory_space<hbm>> -> memref<128x128xf32, #tpu.memory_space<hbm>>
      tpu.enqueue_dma source(%arg6 : memref<128x128xf32, #tpu.memory_space<vmem>>) target(%dma_start3A_103 : memref<128x128xf32, #tpu.memory_space<hbm>>) target_semaphore(%run_scoped3A : memref<!tpu.dma_semaphore, #tpu.memory_space<semaphore_mem>>)
      %dma_wait3A_104 = arith.constant 0 : i32
      %dma_wait3A_105 = tpu.memref_slice %arg4[%mul3A_65, %dma_wait3A_104] : memref<20480x128xf32, #tpu.memory_space<hbm>> -> memref<128x128xf32, #tpu.memory_space<hbm>>
      %dma_wait3A_106 = arith.constant 0 : i32
      %dma_wait3A_107 = tpu.memref_slice %arg4[%mul3A_65, %dma_wait3A_106] : memref<20480x128xf32, #tpu.memory_space<hbm>> -> memref<128x128xf32, #tpu.memory_space<hbm>>
      tpu.wait_dma2 semaphore(%run_scoped3A : memref<!tpu.dma_semaphore, #tpu.memory_space<semaphore_mem>>) src(%arg6 : memref<128x128xf32, #tpu.memory_space<vmem>>) dst(%dma_wait3A_107 : memref<128x128xf32, #tpu.memory_space<hbm>>)
      tpu.yield
    }) : () -> ()
    %dma_start3A_66 = arith.constant 4 : i32
    %dma_start3A_67 = arith.constant 0 : i32
    %dma_start3A_68 = tpu.memref_slice %arg5[%dma_start3A_66, %dma_start3A_67] : memref<5x128xi32, #tpu.memory_space<vmem>> -> memref<1x128xi32, #tpu.memory_space<vmem>>
    %dma_start3A_69 = tpu.memref_squeeze %dma_start3A_68 : memref<1x128xi32, #tpu.memory_space<vmem>> -> memref<128xi32, #tpu.memory_space<vmem>>
    %dma_start3A_70 = arith.constant 0 : i32
    %dma_start3A_71 = arith.constant 0 : i32
    %dma_start3A_72 = tpu.memref_slice %arg2[%dma_start3A_70, %dma_start3A_71] : memref<2048x128xf32, #tpu.memory_space<hbm>> -> memref<2048x128xf32, #tpu.memory_space<hbm>>
    tpu.enqueue_indirect_dma source(%dma_start3A_72 : memref<2048x128xf32, #tpu.memory_space<hbm>>) target(%arg6 : memref<128x128xf32, #tpu.memory_space<vmem>>) offsets(%dma_start3A_69 : memref<128xi32, #tpu.memory_space<vmem>>) semaphore(%arg8 : memref<!tpu.dma_semaphore, #tpu.memory_space<semaphore_mem>>)
    %dma_wait3A_73 = arith.constant 3 : i32
    %dma_wait3A_74 = arith.constant 0 : i32
    %dma_wait3A_75 = tpu.memref_slice %arg5[%dma_wait3A_73, %dma_wait3A_74] : memref<5x128xi32, #tpu.memory_space<vmem>> -> memref<1x128xi32, #tpu.memory_space<vmem>>
    %dma_wait3A_76 = tpu.memref_squeeze %dma_wait3A_75 : memref<1x128xi32, #tpu.memory_space<vmem>> -> memref<128xi32, #tpu.memory_space<vmem>>
    %dma_wait3A_77 = arith.constant 0 : i32
    %dma_wait3A_78 = arith.constant 0 : i32
    %dma_wait3A_79 = tpu.memref_slice %arg2[%dma_wait3A_77, %dma_wait3A_78] : memref<2048x128xf32, #tpu.memory_space<hbm>> -> memref<2048x128xf32, #tpu.memory_space<hbm>>
    tpu.wait_indirect_dma semaphore(%arg9 : memref<!tpu.dma_semaphore, #tpu.memory_space<semaphore_mem>>) src(%dma_wait3A_79 : memref<2048x128xf32, #tpu.memory_space<hbm>>) dst(%arg7 : memref<128x128xf32, #tpu.memory_space<vmem>>)
    %mul3A_80 = arith.constant 5 : i32
    %mul3A_81 = arith.muli %add3A, %mul3A_80 : i32
    %add3A_82 = arith.constant 3 : i32
    %add3A_83 = arith.addi %mul3A_81, %add3A_82 : i32
    %mul3A_84 = arith.constant 128 : i32
    %mul3A_85 = arith.muli %add3A_83, %mul3A_84 : i32
    "tpu.region"() ({
      %run_scoped3A = tpu.sem_alloc : memref<!tpu.dma_semaphore, #tpu.memory_space<semaphore_mem>>
      %dma_start3A_100 = arith.constant 0 : i32
      %dma_start3A_101 = tpu.memref_slice %arg4[%mul3A_85, %dma_start3A_100] : memref<20480x128xf32, #tpu.memory_space<hbm>> -> memref<128x128xf32, #tpu.memory_space<hbm>>
      %dma_start3A_102 = arith.constant 0 : i32
      %dma_start3A_103 = tpu.memref_slice %arg4[%mul3A_85, %dma_start3A_102] : memref<20480x128xf32, #tpu.memory_space<hbm>> -> memref<128x128xf32, #tpu.memory_space<hbm>>
      tpu.enqueue_dma source(%arg7 : memref<128x128xf32, #tpu.memory_space<vmem>>) target(%dma_start3A_103 : memref<128x128xf32, #tpu.memory_space<hbm>>) target_semaphore(%run_scoped3A : memref<!tpu.dma_semaphore, #tpu.memory_space<semaphore_mem>>)
      %dma_wait3A_104 = arith.constant 0 : i32
      %dma_wait3A_105 = tpu.memref_slice %arg4[%mul3A_85, %dma_wait3A_104] : memref<20480x128xf32, #tpu.memory_space<hbm>> -> memref<128x128xf32, #tpu.memory_space<hbm>>
      %dma_wait3A_106 = arith.constant 0 : i32
      %dma_wait3A_107 = tpu.memref_slice %arg4[%mul3A_85, %dma_wait3A_106] : memref<20480x128xf32, #tpu.memory_space<hbm>> -> memref<128x128xf32, #tpu.memory_space<hbm>>
      tpu.wait_dma2 semaphore(%run_scoped3A : memref<!tpu.dma_semaphore, #tpu.memory_space<semaphore_mem>>) src(%arg7 : memref<128x128xf32, #tpu.memory_space<vmem>>) dst(%dma_wait3A_107 : memref<128x128xf32, #tpu.memory_space<hbm>>)
      tpu.yield
    }) : () -> ()
    %dma_wait3A_86 = arith.constant 4 : i32
    %dma_wait3A_87 = arith.constant 0 : i32
    %dma_wait3A_88 = tpu.memref_slice %arg5[%dma_wait3A_86, %dma_wait3A_87] : memref<5x128xi32, #tpu.memory_space<vmem>> -> memref<1x128xi32, #tpu.memory_space<vmem>>
    %dma_wait3A_89 = tpu.memref_squeeze %dma_wait3A_88 : memref<1x128xi32, #tpu.memory_space<vmem>> -> memref<128xi32, #tpu.memory_space<vmem>>
    %dma_wait3A_90 = arith.constant 0 : i32
    %dma_wait3A_91 = arith.constant 0 : i32
    %dma_wait3A_92 = tpu.memref_slice %arg2[%dma_wait3A_90, %dma_wait3A_91] : memref<2048x128xf32, #tpu.memory_space<hbm>> -> memref<2048x128xf32, #tpu.memory_space<hbm>>
    tpu.wait_indirect_dma semaphore(%arg8 : memref<!tpu.dma_semaphore, #tpu.memory_space<semaphore_mem>>) src(%dma_wait3A_92 : memref<2048x128xf32, #tpu.memory_space<hbm>>) dst(%arg6 : memref<128x128xf32, #tpu.memory_space<vmem>>)
    %mul3A_93 = arith.constant 5 : i32
    %mul3A_94 = arith.muli %add3A, %mul3A_93 : i32
    %add3A_95 = arith.constant 5 : i32
    %add3A_96 = arith.addi %mul3A_94, %add3A_95 : i32
    %sub3A = arith.constant 1 : i32
    %sub3A_97 = arith.subi %add3A_96, %sub3A : i32
    %mul3A_98 = arith.constant 128 : i32
    %mul3A_99 = arith.muli %sub3A_97, %mul3A_98 : i32
    "tpu.region"() ({
      %run_scoped3A = tpu.sem_alloc : memref<!tpu.dma_semaphore, #tpu.memory_space<semaphore_mem>>
      %dma_start3A_100 = arith.constant 0 : i32
      %dma_start3A_101 = tpu.memref_slice %arg4[%mul3A_99, %dma_start3A_100] : memref<20480x128xf32, #tpu.memory_space<hbm>> -> memref<128x128xf32, #tpu.memory_space<hbm>>
      %dma_start3A_102 = arith.constant 0 : i32
      %dma_start3A_103 = tpu.memref_slice %arg4[%mul3A_99, %dma_start3A_102] : memref<20480x128xf32, #tpu.memory_space<hbm>> -> memref<128x128xf32, #tpu.memory_space<hbm>>
      tpu.enqueue_dma source(%arg6 : memref<128x128xf32, #tpu.memory_space<vmem>>) target(%dma_start3A_103 : memref<128x128xf32, #tpu.memory_space<hbm>>) target_semaphore(%run_scoped3A : memref<!tpu.dma_semaphore, #tpu.memory_space<semaphore_mem>>)
      %dma_wait3A_104 = arith.constant 0 : i32
      %dma_wait3A_105 = tpu.memref_slice %arg4[%mul3A_99, %dma_wait3A_104] : memref<20480x128xf32, #tpu.memory_space<hbm>> -> memref<128x128xf32, #tpu.memory_space<hbm>>
      %dma_wait3A_106 = arith.constant 0 : i32
      %dma_wait3A_107 = tpu.memref_slice %arg4[%mul3A_99, %dma_wait3A_106] : memref<20480x128xf32, #tpu.memory_space<hbm>> -> memref<128x128xf32, #tpu.memory_space<hbm>>
      tpu.wait_dma2 semaphore(%run_scoped3A : memref<!tpu.dma_semaphore, #tpu.memory_space<semaphore_mem>>) src(%arg6 : memref<128x128xf32, #tpu.memory_space<vmem>>) dst(%dma_wait3A_107 : memref<128x128xf32, #tpu.memory_space<hbm>>)
      tpu.yield
    }) : () -> ()
    return
  }
}

module attributes {stable_mosaic.version = 14 : i64} {
  func.func @_knn_l1_body(%arg0: i32, %arg1: memref<1x512x3xf32, #tpu.memory_space<vmem>>, %arg2: memref<1x3x2048xf32, #tpu.memory_space<vmem>>, %arg3: memref<1x128xf32, #tpu.memory_space<vmem>>, %arg4: memref<128x514xbf16, #tpu.memory_space<vmem>>, %arg5: memref<128x514xbf16, #tpu.memory_space<vmem>>, %arg6: memref<1x514xf32, #tpu.memory_space<vmem>>, %arg7: memref<1x514xf32, #tpu.memory_space<vmem>>, %arg8: memref<514x64xbf16, #tpu.memory_space<vmem>>, %arg9: memref<1x64xf32, #tpu.memory_space<vmem>>, %arg10: memref<128x256xbf16, #tpu.memory_space<vmem>>, %arg11: memref<64x256xbf16, #tpu.memory_space<vmem>>, %arg12: memref<1x256xf32, #tpu.memory_space<vmem>>, %arg13: memref<256x128xbf16, #tpu.memory_space<vmem>>, %arg14: memref<1x128xf32, #tpu.memory_space<vmem>>, %arg15: memref<1x512x16xi32, #tpu.memory_space<vmem>>, %arg16: memref<1x512x16xf32, #tpu.memory_space<vmem>>, %arg17: memref<1x512x128xf32, #tpu.memory_space<vmem>>) attributes {dimension_semantics = [#tpu.dimension_semantics<arbitrary>], iteration_bounds = array<i64: 4>, scalar_prefetch = 0 : i64, scratch_operands = 0 : i64, tpu.core_type = #tpu.core_type<tc>, window_params = [{transform_indices = @transform_0, window_bounds = array<i64: 1, 512, 3>}, {pipeline_mode = #tpu.pipeline_mode<synchronous>, transform_indices = @transform_1, window_bounds = array<i64: 1, 3, 2048>}, {pipeline_mode = #tpu.pipeline_mode<synchronous>, transform_indices = @transform_2, window_bounds = array<i64: 1, 128>}, {pipeline_mode = #tpu.pipeline_mode<synchronous>, transform_indices = @transform_3, window_bounds = array<i64: 128, 514>}, {pipeline_mode = #tpu.pipeline_mode<synchronous>, transform_indices = @transform_4, window_bounds = array<i64: 128, 514>}, {pipeline_mode = #tpu.pipeline_mode<synchronous>, transform_indices = @transform_5, window_bounds = array<i64: 1, 514>}, {pipeline_mode = #tpu.pipeline_mode<synchronous>, transform_indices = @transform_6, window_bounds = array<i64: 1, 514>}, {pipeline_mode = #tpu.pipeline_mode<synchronous>, transform_indices = @transform_7, window_bounds = array<i64: 514, 64>}, {pipeline_mode = #tpu.pipeline_mode<synchronous>, transform_indices = @transform_8, window_bounds = array<i64: 1, 64>}, {pipeline_mode = #tpu.pipeline_mode<synchronous>, transform_indices = @transform_9, window_bounds = array<i64: 128, 256>}, {pipeline_mode = #tpu.pipeline_mode<synchronous>, transform_indices = @transform_10, window_bounds = array<i64: 64, 256>}, {pipeline_mode = #tpu.pipeline_mode<synchronous>, transform_indices = @transform_11, window_bounds = array<i64: 1, 256>}, {pipeline_mode = #tpu.pipeline_mode<synchronous>, transform_indices = @transform_12, window_bounds = array<i64: 256, 128>}, {pipeline_mode = #tpu.pipeline_mode<synchronous>, transform_indices = @transform_13, window_bounds = array<i64: 1, 128>}, {transform_indices = @transform_14, window_bounds = array<i64: 1, 512, 16>}, {transform_indices = @transform_15, window_bounds = array<i64: 1, 512, 16>}, {transform_indices = @transform_16, window_bounds = array<i64: 1, 512, 128>}]} {
    %get3A = arith.constant 0 : index
    %get3A_0 = arith.constant 0 : index
    %get3A_1 = arith.constant 0 : index
    %get3A_2 = vector.load %arg1[%get3A, %get3A_0, %get3A_1] : memref<1x512x3xf32, #tpu.memory_space<vmem>>, vector<1x512x3xf32>
    %get3A_3 = vector.shape_cast %get3A_2 : vector<1x512x3xf32> to vector<512x3xf32>
    %get3A_4 = arith.constant 0 : index
    %get3A_5 = arith.constant 0 : index
    %get3A_6 = arith.constant 0 : index
    %get3A_7 = vector.load %arg2[%get3A_4, %get3A_5, %get3A_6] : memref<1x3x2048xf32, #tpu.memory_space<vmem>>, vector<1x3x2048xf32>
    %get3A_8 = vector.shape_cast %get3A_7 : vector<1x3x2048xf32> to vector<3x2048xf32>
    %slice3A = vector.extract_strided_slice %get3A_3 {offsets = [0, 0], sizes = [512, 1], strides = [1, 1]} : vector<512x3xf32> to vector<512x1xf32>
    %slice3A_9 = vector.extract_strided_slice %get3A_8 {offsets = [0, 0], sizes = [1, 2048], strides = [1, 1]} : vector<3x2048xf32> to vector<1x2048xf32>
    %sub3A = vector.broadcast %slice3A : vector<512x1xf32> to vector<512x2048xf32>
    %sub3A_10 = vector.broadcast %slice3A_9 : vector<1x2048xf32> to vector<512x2048xf32>
    %sub3A_11 = arith.subf %sub3A, %sub3A_10 : vector<512x2048xf32>
    %slice3A_12 = vector.extract_strided_slice %get3A_3 {offsets = [0, 1], sizes = [512, 1], strides = [1, 1]} : vector<512x3xf32> to vector<512x1xf32>
    %slice3A_13 = vector.extract_strided_slice %get3A_8 {offsets = [1, 0], sizes = [1, 2048], strides = [1, 1]} : vector<3x2048xf32> to vector<1x2048xf32>
    %sub3A_14 = vector.broadcast %slice3A_12 : vector<512x1xf32> to vector<512x2048xf32>
    %sub3A_15 = vector.broadcast %slice3A_13 : vector<1x2048xf32> to vector<512x2048xf32>
    %sub3A_16 = arith.subf %sub3A_14, %sub3A_15 : vector<512x2048xf32>
    %slice3A_17 = vector.extract_strided_slice %get3A_3 {offsets = [0, 2], sizes = [512, 1], strides = [1, 1]} : vector<512x3xf32> to vector<512x1xf32>
    %slice3A_18 = vector.extract_strided_slice %get3A_8 {offsets = [2, 0], sizes = [1, 2048], strides = [1, 1]} : vector<3x2048xf32> to vector<1x2048xf32>
    %sub3A_19 = vector.broadcast %slice3A_17 : vector<512x1xf32> to vector<512x2048xf32>
    %sub3A_20 = vector.broadcast %slice3A_18 : vector<1x2048xf32> to vector<512x2048xf32>
    %sub3A_21 = arith.subf %sub3A_19, %sub3A_20 : vector<512x2048xf32>
    %mul3A = arith.mulf %sub3A_11, %sub3A_11 : vector<512x2048xf32>
    %mul3A_22 = arith.mulf %sub3A_16, %sub3A_16 : vector<512x2048xf32>
    %add3A = arith.addf %mul3A, %mul3A_22 : vector<512x2048xf32>
    %mul3A_23 = arith.mulf %sub3A_21, %sub3A_21 : vector<512x2048xf32>
    %add3A_24 = arith.addf %add3A, %mul3A_23 : vector<512x2048xf32>
    %iota3A = tpu.iota {dimensions = array<i32: 1>} : vector<512x2048xi32>
    %get3A_25 = arith.constant 0 : index
    %get3A_26 = arith.constant 0 : index
    %get3A_27 = vector.load %arg3[%get3A_25, %get3A_26] : memref<1x128xf32, #tpu.memory_space<vmem>>, vector<1x128xf32>
    %convert_element_type3A = arith.truncf %get3A_27 : vector<1x128xf32> to vector<1x128xbf16>
    %get3A_28 = arith.constant 0 : index
    %get3A_29 = arith.constant 0 : index
    %get3A_30 = vector.load %arg4[%get3A_28, %get3A_29] : memref<128x514xbf16, #tpu.memory_space<vmem>>, vector<128x514xbf16>
    %dot_general3A = arith.constant dense<0.000000e+00> : vector<1x514xf32>
    %dot_general3A_31 = tpu.matmul %convert_element_type3A, %get3A_30, %dot_general3A {dimension_numbers = #tpu.dot_dimension_numbers<[1], [0], [0], [1], [0, 0, 1, 1], [], []>, transpose_lhs_hint = false} : vector<1x128xbf16>, vector<128x514xbf16>, vector<1x514xf32> -> vector<1x514xf32>
    %get3A_32 = arith.constant 0 : index
    %get3A_33 = arith.constant 0 : index
    %get3A_34 = vector.load %arg5[%get3A_32, %get3A_33] : memref<128x514xbf16, #tpu.memory_space<vmem>>, vector<128x514xbf16>
    %dot_general3A_35 = arith.constant dense<0.000000e+00> : vector<1x514xf32>
    %dot_general3A_36 = tpu.matmul %convert_element_type3A, %get3A_34, %dot_general3A_35 {dimension_numbers = #tpu.dot_dimension_numbers<[1], [0], [0], [1], [0, 0, 1, 1], [], []>, transpose_lhs_hint = false} : vector<1x128xbf16>, vector<128x514xbf16>, vector<1x514xf32> -> vector<1x514xf32>
    %add3A_37 = arith.addf %dot_general3A_31, %dot_general3A_36 : vector<1x514xf32>
    %get3A_38 = arith.constant 0 : index
    %get3A_39 = arith.constant 0 : index
    %get3A_40 = vector.load %arg7[%get3A_38, %get3A_39] : memref<1x514xf32, #tpu.memory_space<vmem>>, vector<1x514xf32>
    %add3A_41 = arith.addf %add3A_37, %get3A_40 : vector<1x514xf32>
    %get3A_42 = arith.constant 0 : index
    %get3A_43 = arith.constant 0 : index
    %get3A_44 = vector.load %arg6[%get3A_42, %get3A_43] : memref<1x514xf32, #tpu.memory_space<vmem>>, vector<1x514xf32>
    %get3A_45 = arith.constant 0 : index
    %get3A_46 = arith.constant 0 : index
    %get3A_47 = vector.load %arg8[%get3A_45, %get3A_46] : memref<514x64xbf16, #tpu.memory_space<vmem>>, vector<514x64xbf16>
    %get3A_48 = arith.constant 0 : index
    %get3A_49 = arith.constant 0 : index
    %get3A_50 = vector.load %arg9[%get3A_48, %get3A_49] : memref<1x64xf32, #tpu.memory_space<vmem>>, vector<1x64xf32>
    %broadcast_in_dim3A = arith.constant 0.000000e+00 : f32
    %broadcast_in_dim3A_51 = vector.broadcast %broadcast_in_dim3A : f32 to vector<512x64xf32>
    %reduce_min3A = arith.constant dense<0x7F800000> : vector<512xf32>
    %reduce_min3A_52 = vector.multi_reduction <minimumf>, %add3A_24, %reduce_min3A [1] : vector<512x2048xf32> to vector<512xf32>
    %broadcast_in_dim3A_53 = vector.shape_cast %reduce_min3A_52 : vector<512xf32> to vector<512x1xf32>
    %eq3A = vector.broadcast %broadcast_in_dim3A_53 : vector<512x1xf32> to vector<512x2048xf32>
    %eq3A_54 = arith.cmpf oeq, %add3A_24, %eq3A : vector<512x2048xf32>
    %jit3A = arith.constant 2048 : i32
    %broadcast_in_dim3A_55 = vector.broadcast %jit3A : i32 to vector<512x2048xi32>
    %select_n3A = arith.select %eq3A_54, %iota3A, %broadcast_in_dim3A_55 : vector<512x2048xi1>, vector<512x2048xi32>
    %reduce_min3A_56 = arith.constant dense<2147483647> : vector<512xi32>
    %reduce_min3A_57 = vector.multi_reduction <minsi>, %select_n3A, %reduce_min3A_56 [1] : vector<512x2048xi32> to vector<512xi32>
    %broadcast_in_dim3A_58 = vector.shape_cast %reduce_min3A_57 : vector<512xi32> to vector<512x1xi32>
    %swap3A = arith.constant 0 : index
    %swap3A_59 = arith.constant 0 : index
    %swap3A_60 = arith.constant 0 : index
    %swap3A_61 = vector.load %arg15[%swap3A, %swap3A_59, %swap3A_60] : memref<1x512x16xi32, #tpu.memory_space<vmem>>, vector<1x512x1xi32>
    %swap3A_62 = vector.shape_cast %swap3A_61 : vector<1x512x1xi32> to vector<512x1xi32>
    %swap3A_63 = vector.shape_cast %broadcast_in_dim3A_58 : vector<512x1xi32> to vector<1x512x1xi32>
    tpu.vector_store %arg15[%swap3A, %swap3A_59, %swap3A_60], %swap3A_63 {strides = array<i32>} : memref<1x512x16xi32, #tpu.memory_space<vmem>>, vector<1x512x1xi32>,
    %swap3A_64 = arith.constant 0 : index
    %swap3A_65 = arith.constant 0 : index
    %swap3A_66 = arith.constant 0 : index
    %swap3A_67 = vector.load %arg16[%swap3A_64, %swap3A_65, %swap3A_66] : memref<1x512x16xf32, #tpu.memory_space<vmem>>, vector<1x512x1xf32>
    %swap3A_68 = vector.shape_cast %swap3A_67 : vector<1x512x1xf32> to vector<512x1xf32>
    %swap3A_69 = vector.shape_cast %broadcast_in_dim3A_53 : vector<512x1xf32> to vector<1x512x1xf32>
    tpu.vector_store %arg16[%swap3A_64, %swap3A_65, %swap3A_66], %swap3A_69 {strides = array<i32>} : memref<1x512x16xf32, #tpu.memory_space<vmem>>, vector<1x512x1xf32>,
    %eq3A_70 = vector.broadcast %broadcast_in_dim3A_58 : vector<512x1xi32> to vector<512x2048xi32>
    %eq3A_71 = arith.cmpi eq, %iota3A, %eq3A_70 : vector<512x2048xi32>
    %jit3A_72 = arith.constant 0x7F800000 : f32
    %broadcast_in_dim3A_73 = vector.broadcast %jit3A_72 : f32 to vector<512x2048xf32>
    %select_n3A_74 = arith.select %eq3A_71, %broadcast_in_dim3A_73, %add3A_24 : vector<512x2048xi1>, vector<512x2048xf32>
    %mul3A_75 = vector.broadcast %broadcast_in_dim3A_53 : vector<512x1xf32> to vector<512x514xf32>
    %mul3A_76 = vector.broadcast %get3A_44 : vector<1x514xf32> to vector<512x514xf32>
    %mul3A_77 = arith.mulf %mul3A_75, %mul3A_76 : vector<512x514xf32>
    %add3A_78 = vector.broadcast %add3A_41 : vector<1x514xf32> to vector<512x514xf32>
    %add3A_79 = arith.addf %add3A_78, %mul3A_77 : vector<512x514xf32>
    %mul3A_80 = arith.constant 5.000000e-01 : f32
    %mul3A_81 = vector.broadcast %mul3A_80 : f32 to vector<512x514xf32>
    %mul3A_82 = arith.mulf %mul3A_81, %add3A_79 : vector<512x514xf32>
    %mul3A_83 = arith.constant 5.000000e-01 : f32
    %mul3A_84 = vector.broadcast %mul3A_83 : f32 to vector<512x514xf32>
    %mul3A_85 = arith.mulf %mul3A_84, %add3A_79 : vector<512x514xf32>
    %tanh3A = math.tanh %mul3A_85 : vector<512x514xf32>
    %add3A_86 = arith.constant 1.000000e+00 : f32
    %add3A_87 = vector.broadcast %add3A_86 : f32 to vector<512x514xf32>
    %add3A_88 = arith.addf %tanh3A, %add3A_87 : vector<512x514xf32>
    %mul3A_89 = arith.mulf %mul3A_82, %add3A_88 : vector<512x514xf32>
    %convert_element_type3A_90 = arith.truncf %mul3A_89 : vector<512x514xf32> to vector<512x514xbf16>
    %dot_general3A_91 = arith.constant dense<0.000000e+00> : vector<512x64xf32>
    %dot_general3A_92 = tpu.matmul %convert_element_type3A_90, %get3A_47, %dot_general3A_91 {dimension_numbers = #tpu.dot_dimension_numbers<[1], [0], [0], [1], [0, 0, 1, 1], [], []>, transpose_lhs_hint = false} : vector<512x514xbf16>, vector<514x64xbf16>, vector<512x64xf32> -> vector<512x64xf32>
    %add3A_93 = vector.broadcast %get3A_50 : vector<1x64xf32> to vector<512x64xf32>
    %add3A_94 = arith.addf %dot_general3A_92, %add3A_93 : vector<512x64xf32>
    %mul3A_95 = arith.constant 5.000000e-01 : f32
    %mul3A_96 = vector.broadcast %mul3A_95 : f32 to vector<512x64xf32>
    %mul3A_97 = arith.mulf %mul3A_96, %add3A_94 : vector<512x64xf32>
    %mul3A_98 = arith.constant 5.000000e-01 : f32
    %mul3A_99 = vector.broadcast %mul3A_98 : f32 to vector<512x64xf32>
    %mul3A_100 = arith.mulf %mul3A_99, %add3A_94 : vector<512x64xf32>
    %tanh3A_101 = math.tanh %mul3A_100 : vector<512x64xf32>
    %add3A_102 = arith.constant 1.000000e+00 : f32
    %add3A_103 = vector.broadcast %add3A_102 : f32 to vector<512x64xf32>
    %add3A_104 = arith.addf %tanh3A_101, %add3A_103 : vector<512x64xf32>
    %mul3A_105 = arith.mulf %mul3A_97, %add3A_104 : vector<512x64xf32>
    %add3A_106 = arith.addf %broadcast_in_dim3A_51, %mul3A_105 : vector<512x64xf32>
    %reduce_min3A_107 = arith.constant dense<0x7F800000> : vector<512xf32>
    %reduce_min3A_108 = vector.multi_reduction <minimumf>, %select_n3A_74, %reduce_min3A_107 [1] : vector<512x2048xf32> to vector<512xf32>
    %broadcast_in_dim3A_109 = vector.shape_cast %reduce_min3A_108 : vector<512xf32> to vector<512x1xf32>
    %eq3A_110 = vector.broadcast %broadcast_in_dim3A_109 : vector<512x1xf32> to vector<512x2048xf32>
    %eq3A_111 = arith.cmpf oeq, %select_n3A_74, %eq3A_110 : vector<512x2048xf32>
    %jit3A_112 = arith.constant 2048 : i32
    %broadcast_in_dim3A_113 = vector.broadcast %jit3A_112 : i32 to vector<512x2048xi32>
    %select_n3A_114 = arith.select %eq3A_111, %iota3A, %broadcast_in_dim3A_113 : vector<512x2048xi1>, vector<512x2048xi32>
    %reduce_min3A_115 = arith.constant dense<2147483647> : vector<512xi32>
    %reduce_min3A_116 = vector.multi_reduction <minsi>, %select_n3A_114, %reduce_min3A_115 [1] : vector<512x2048xi32> to vector<512xi32>
    %broadcast_in_dim3A_117 = vector.shape_cast %reduce_min3A_116 : vector<512xi32> to vector<512x1xi32>
    %swap3A_118 = arith.constant 0 : index
    %swap3A_119 = arith.constant 0 : index
    %swap3A_120 = arith.constant 1 : index
    %swap3A_121 = vector.load %arg15[%swap3A_118, %swap3A_119, %swap3A_120] : memref<1x512x16xi32, #tpu.memory_space<vmem>>, vector<1x512x1xi32>
    %swap3A_122 = vector.shape_cast %swap3A_121 : vector<1x512x1xi32> to vector<512x1xi32>
    %swap3A_123 = vector.shape_cast %broadcast_in_dim3A_117 : vector<512x1xi32> to vector<1x512x1xi32>
    tpu.vector_store %arg15[%swap3A_118, %swap3A_119, %swap3A_120], %swap3A_123 {strides = array<i32>} : memref<1x512x16xi32, #tpu.memory_space<vmem>>, vector<1x512x1xi32>,
    %swap3A_124 = arith.constant 0 : index
    %swap3A_125 = arith.constant 0 : index
    %swap3A_126 = arith.constant 1 : index
    %swap3A_127 = vector.load %arg16[%swap3A_124, %swap3A_125, %swap3A_126] : memref<1x512x16xf32, #tpu.memory_space<vmem>>, vector<1x512x1xf32>
    %swap3A_128 = vector.shape_cast %swap3A_127 : vector<1x512x1xf32> to vector<512x1xf32>
    %swap3A_129 = vector.shape_cast %broadcast_in_dim3A_109 : vector<512x1xf32> to vector<1x512x1xf32>
    tpu.vector_store %arg16[%swap3A_124, %swap3A_125, %swap3A_126], %swap3A_129 {strides = array<i32>} : memref<1x512x16xf32, #tpu.memory_space<vmem>>, vector<1x512x1xf32>,
    %eq3A_130 = vector.broadcast %broadcast_in_dim3A_117 : vector<512x1xi32> to vector<512x2048xi32>
    %eq3A_131 = arith.cmpi eq, %iota3A, %eq3A_130 : vector<512x2048xi32>
    %jit3A_132 = arith.constant 0x7F800000 : f32
    %broadcast_in_dim3A_133 = vector.broadcast %jit3A_132 : f32 to vector<512x2048xf32>
    %select_n3A_134 = arith.select %eq3A_131, %broadcast_in_dim3A_133, %select_n3A_74 : vector<512x2048xi1>, vector<512x2048xf32>
    %mul3A_135 = vector.broadcast %broadcast_in_dim3A_109 : vector<512x1xf32> to vector<512x514xf32>
    %mul3A_136 = vector.broadcast %get3A_44 : vector<1x514xf32> to vector<512x514xf32>
    %mul3A_137 = arith.mulf %mul3A_135, %mul3A_136 : vector<512x514xf32>
    %add3A_138 = vector.broadcast %add3A_41 : vector<1x514xf32> to vector<512x514xf32>
    %add3A_139 = arith.addf %add3A_138, %mul3A_137 : vector<512x514xf32>
    %mul3A_140 = arith.constant 5.000000e-01 : f32
    %mul3A_141 = vector.broadcast %mul3A_140 : f32 to vector<512x514xf32>
    %mul3A_142 = arith.mulf %mul3A_141, %add3A_139 : vector<512x514xf32>
    %mul3A_143 = arith.constant 5.000000e-01 : f32
    %mul3A_144 = vector.broadcast %mul3A_143 : f32 to vector<512x514xf32>
    %mul3A_145 = arith.mulf %mul3A_144, %add3A_139 : vector<512x514xf32>
    %tanh3A_146 = math.tanh %mul3A_145 : vector<512x514xf32>
    %add3A_147 = arith.constant 1.000000e+00 : f32
    %add3A_148 = vector.broadcast %add3A_147 : f32 to vector<512x514xf32>
    %add3A_149 = arith.addf %tanh3A_146, %add3A_148 : vector<512x514xf32>
    %mul3A_150 = arith.mulf %mul3A_142, %add3A_149 : vector<512x514xf32>
    %convert_element_type3A_151 = arith.truncf %mul3A_150 : vector<512x514xf32> to vector<512x514xbf16>
    %dot_general3A_152 = arith.constant dense<0.000000e+00> : vector<512x64xf32>
    %dot_general3A_153 = tpu.matmul %convert_element_type3A_151, %get3A_47, %dot_general3A_152 {dimension_numbers = #tpu.dot_dimension_numbers<[1], [0], [0], [1], [0, 0, 1, 1], [], []>, transpose_lhs_hint = false} : vector<512x514xbf16>, vector<514x64xbf16>, vector<512x64xf32> -> vector<512x64xf32>
    %add3A_154 = vector.broadcast %get3A_50 : vector<1x64xf32> to vector<512x64xf32>
    %add3A_155 = arith.addf %dot_general3A_153, %add3A_154 : vector<512x64xf32>
    %mul3A_156 = arith.constant 5.000000e-01 : f32
    %mul3A_157 = vector.broadcast %mul3A_156 : f32 to vector<512x64xf32>
    %mul3A_158 = arith.mulf %mul3A_157, %add3A_155 : vector<512x64xf32>
    %mul3A_159 = arith.constant 5.000000e-01 : f32
    %mul3A_160 = vector.broadcast %mul3A_159 : f32 to vector<512x64xf32>
    %mul3A_161 = arith.mulf %mul3A_160, %add3A_155 : vector<512x64xf32>
    %tanh3A_162 = math.tanh %mul3A_161 : vector<512x64xf32>
    %add3A_163 = arith.constant 1.000000e+00 : f32
    %add3A_164 = vector.broadcast %add3A_163 : f32 to vector<512x64xf32>
    %add3A_165 = arith.addf %tanh3A_162, %add3A_164 : vector<512x64xf32>
    %mul3A_166 = arith.mulf %mul3A_158, %add3A_165 : vector<512x64xf32>
    %add3A_167 = arith.addf %add3A_106, %mul3A_166 : vector<512x64xf32>
    %reduce_min3A_168 = arith.constant dense<0x7F800000> : vector<512xf32>
    %reduce_min3A_169 = vector.multi_reduction <minimumf>, %select_n3A_134, %reduce_min3A_168 [1] : vector<512x2048xf32> to vector<512xf32>
    %broadcast_in_dim3A_170 = vector.shape_cast %reduce_min3A_169 : vector<512xf32> to vector<512x1xf32>
    %eq3A_171 = vector.broadcast %broadcast_in_dim3A_170 : vector<512x1xf32> to vector<512x2048xf32>
    %eq3A_172 = arith.cmpf oeq, %select_n3A_134, %eq3A_171 : vector<512x2048xf32>
    %jit3A_173 = arith.constant 2048 : i32
    %broadcast_in_dim3A_174 = vector.broadcast %jit3A_173 : i32 to vector<512x2048xi32>
    %select_n3A_175 = arith.select %eq3A_172, %iota3A, %broadcast_in_dim3A_174 : vector<512x2048xi1>, vector<512x2048xi32>
    %reduce_min3A_176 = arith.constant dense<2147483647> : vector<512xi32>
    %reduce_min3A_177 = vector.multi_reduction <minsi>, %select_n3A_175, %reduce_min3A_176 [1] : vector<512x2048xi32> to vector<512xi32>
    %broadcast_in_dim3A_178 = vector.shape_cast %reduce_min3A_177 : vector<512xi32> to vector<512x1xi32>
    %swap3A_179 = arith.constant 0 : index
    %swap3A_180 = arith.constant 0 : index
    %swap3A_181 = arith.constant 2 : index
    %swap3A_182 = vector.load %arg15[%swap3A_179, %swap3A_180, %swap3A_181] : memref<1x512x16xi32, #tpu.memory_space<vmem>>, vector<1x512x1xi32>
    %swap3A_183 = vector.shape_cast %swap3A_182 : vector<1x512x1xi32> to vector<512x1xi32>
    %swap3A_184 = vector.shape_cast %broadcast_in_dim3A_178 : vector<512x1xi32> to vector<1x512x1xi32>
    tpu.vector_store %arg15[%swap3A_179, %swap3A_180, %swap3A_181], %swap3A_184 {strides = array<i32>} : memref<1x512x16xi32, #tpu.memory_space<vmem>>, vector<1x512x1xi32>,
    %swap3A_185 = arith.constant 0 : index
    %swap3A_186 = arith.constant 0 : index
    %swap3A_187 = arith.constant 2 : index
    %swap3A_188 = vector.load %arg16[%swap3A_185, %swap3A_186, %swap3A_187] : memref<1x512x16xf32, #tpu.memory_space<vmem>>, vector<1x512x1xf32>
    %swap3A_189 = vector.shape_cast %swap3A_188 : vector<1x512x1xf32> to vector<512x1xf32>
    %swap3A_190 = vector.shape_cast %broadcast_in_dim3A_170 : vector<512x1xf32> to vector<1x512x1xf32>
    tpu.vector_store %arg16[%swap3A_185, %swap3A_186, %swap3A_187], %swap3A_190 {strides = array<i32>} : memref<1x512x16xf32, #tpu.memory_space<vmem>>, vector<1x512x1xf32>,
    %eq3A_191 = vector.broadcast %broadcast_in_dim3A_178 : vector<512x1xi32> to vector<512x2048xi32>
    %eq3A_192 = arith.cmpi eq, %iota3A, %eq3A_191 : vector<512x2048xi32>
    %jit3A_193 = arith.constant 0x7F800000 : f32
    %broadcast_in_dim3A_194 = vector.broadcast %jit3A_193 : f32 to vector<512x2048xf32>
    %select_n3A_195 = arith.select %eq3A_192, %broadcast_in_dim3A_194, %select_n3A_134 : vector<512x2048xi1>, vector<512x2048xf32>
    %mul3A_196 = vector.broadcast %broadcast_in_dim3A_170 : vector<512x1xf32> to vector<512x514xf32>
    %mul3A_197 = vector.broadcast %get3A_44 : vector<1x514xf32> to vector<512x514xf32>
    %mul3A_198 = arith.mulf %mul3A_196, %mul3A_197 : vector<512x514xf32>
    %add3A_199 = vector.broadcast %add3A_41 : vector<1x514xf32> to vector<512x514xf32>
    %add3A_200 = arith.addf %add3A_199, %mul3A_198 : vector<512x514xf32>
    %mul3A_201 = arith.constant 5.000000e-01 : f32
    %mul3A_202 = vector.broadcast %mul3A_201 : f32 to vector<512x514xf32>
    %mul3A_203 = arith.mulf %mul3A_202, %add3A_200 : vector<512x514xf32>
    %mul3A_204 = arith.constant 5.000000e-01 : f32
    %mul3A_205 = vector.broadcast %mul3A_204 : f32 to vector<512x514xf32>
    %mul3A_206 = arith.mulf %mul3A_205, %add3A_200 : vector<512x514xf32>
    %tanh3A_207 = math.tanh %mul3A_206 : vector<512x514xf32>
    %add3A_208 = arith.constant 1.000000e+00 : f32
    %add3A_209 = vector.broadcast %add3A_208 : f32 to vector<512x514xf32>
    %add3A_210 = arith.addf %tanh3A_207, %add3A_209 : vector<512x514xf32>
    %mul3A_211 = arith.mulf %mul3A_203, %add3A_210 : vector<512x514xf32>
    %convert_element_type3A_212 = arith.truncf %mul3A_211 : vector<512x514xf32> to vector<512x514xbf16>
    %dot_general3A_213 = arith.constant dense<0.000000e+00> : vector<512x64xf32>
    %dot_general3A_214 = tpu.matmul %convert_element_type3A_212, %get3A_47, %dot_general3A_213 {dimension_numbers = #tpu.dot_dimension_numbers<[1], [0], [0], [1], [0, 0, 1, 1], [], []>, transpose_lhs_hint = false} : vector<512x514xbf16>, vector<514x64xbf16>, vector<512x64xf32> -> vector<512x64xf32>
    %add3A_215 = vector.broadcast %get3A_50 : vector<1x64xf32> to vector<512x64xf32>
    %add3A_216 = arith.addf %dot_general3A_214, %add3A_215 : vector<512x64xf32>
    %mul3A_217 = arith.constant 5.000000e-01 : f32
    %mul3A_218 = vector.broadcast %mul3A_217 : f32 to vector<512x64xf32>
    %mul3A_219 = arith.mulf %mul3A_218, %add3A_216 : vector<512x64xf32>
    %mul3A_220 = arith.constant 5.000000e-01 : f32
    %mul3A_221 = vector.broadcast %mul3A_220 : f32 to vector<512x64xf32>
    %mul3A_222 = arith.mulf %mul3A_221, %add3A_216 : vector<512x64xf32>
    %tanh3A_223 = math.tanh %mul3A_222 : vector<512x64xf32>
    %add3A_224 = arith.constant 1.000000e+00 : f32
    %add3A_225 = vector.broadcast %add3A_224 : f32 to vector<512x64xf32>
    %add3A_226 = arith.addf %tanh3A_223, %add3A_225 : vector<512x64xf32>
    %mul3A_227 = arith.mulf %mul3A_219, %add3A_226 : vector<512x64xf32>
    %add3A_228 = arith.addf %add3A_167, %mul3A_227 : vector<512x64xf32>
    %reduce_min3A_229 = arith.constant dense<0x7F800000> : vector<512xf32>
    %reduce_min3A_230 = vector.multi_reduction <minimumf>, %select_n3A_195, %reduce_min3A_229 [1] : vector<512x2048xf32> to vector<512xf32>
    %broadcast_in_dim3A_231 = vector.shape_cast %reduce_min3A_230 : vector<512xf32> to vector<512x1xf32>
    %eq3A_232 = vector.broadcast %broadcast_in_dim3A_231 : vector<512x1xf32> to vector<512x2048xf32>
    %eq3A_233 = arith.cmpf oeq, %select_n3A_195, %eq3A_232 : vector<512x2048xf32>
    %jit3A_234 = arith.constant 2048 : i32
    %broadcast_in_dim3A_235 = vector.broadcast %jit3A_234 : i32 to vector<512x2048xi32>
    %select_n3A_236 = arith.select %eq3A_233, %iota3A, %broadcast_in_dim3A_235 : vector<512x2048xi1>, vector<512x2048xi32>
    %reduce_min3A_237 = arith.constant dense<2147483647> : vector<512xi32>
    %reduce_min3A_238 = vector.multi_reduction <minsi>, %select_n3A_236, %reduce_min3A_237 [1] : vector<512x2048xi32> to vector<512xi32>
    %broadcast_in_dim3A_239 = vector.shape_cast %reduce_min3A_238 : vector<512xi32> to vector<512x1xi32>
    %swap3A_240 = arith.constant 0 : index
    %swap3A_241 = arith.constant 0 : index
    %swap3A_242 = arith.constant 3 : index
    %swap3A_243 = vector.load %arg15[%swap3A_240, %swap3A_241, %swap3A_242] : memref<1x512x16xi32, #tpu.memory_space<vmem>>, vector<1x512x1xi32>
    %swap3A_244 = vector.shape_cast %swap3A_243 : vector<1x512x1xi32> to vector<512x1xi32>
    %swap3A_245 = vector.shape_cast %broadcast_in_dim3A_239 : vector<512x1xi32> to vector<1x512x1xi32>
    tpu.vector_store %arg15[%swap3A_240, %swap3A_241, %swap3A_242], %swap3A_245 {strides = array<i32>} : memref<1x512x16xi32, #tpu.memory_space<vmem>>, vector<1x512x1xi32>,
    %swap3A_246 = arith.constant 0 : index
    %swap3A_247 = arith.constant 0 : index
    %swap3A_248 = arith.constant 3 : index
    %swap3A_249 = vector.load %arg16[%swap3A_246, %swap3A_247, %swap3A_248] : memref<1x512x16xf32, #tpu.memory_space<vmem>>, vector<1x512x1xf32>
    %swap3A_250 = vector.shape_cast %swap3A_249 : vector<1x512x1xf32> to vector<512x1xf32>
    %swap3A_251 = vector.shape_cast %broadcast_in_dim3A_231 : vector<512x1xf32> to vector<1x512x1xf32>
    tpu.vector_store %arg16[%swap3A_246, %swap3A_247, %swap3A_248], %swap3A_251 {strides = array<i32>} : memref<1x512x16xf32, #tpu.memory_space<vmem>>, vector<1x512x1xf32>,
    %eq3A_252 = vector.broadcast %broadcast_in_dim3A_239 : vector<512x1xi32> to vector<512x2048xi32>
    %eq3A_253 = arith.cmpi eq, %iota3A, %eq3A_252 : vector<512x2048xi32>
    %jit3A_254 = arith.constant 0x7F800000 : f32
    %broadcast_in_dim3A_255 = vector.broadcast %jit3A_254 : f32 to vector<512x2048xf32>
    %select_n3A_256 = arith.select %eq3A_253, %broadcast_in_dim3A_255, %select_n3A_195 : vector<512x2048xi1>, vector<512x2048xf32>
    %mul3A_257 = vector.broadcast %broadcast_in_dim3A_231 : vector<512x1xf32> to vector<512x514xf32>
    %mul3A_258 = vector.broadcast %get3A_44 : vector<1x514xf32> to vector<512x514xf32>
    %mul3A_259 = arith.mulf %mul3A_257, %mul3A_258 : vector<512x514xf32>
    %add3A_260 = vector.broadcast %add3A_41 : vector<1x514xf32> to vector<512x514xf32>
    %add3A_261 = arith.addf %add3A_260, %mul3A_259 : vector<512x514xf32>
    %mul3A_262 = arith.constant 5.000000e-01 : f32
    %mul3A_263 = vector.broadcast %mul3A_262 : f32 to vector<512x514xf32>
    %mul3A_264 = arith.mulf %mul3A_263, %add3A_261 : vector<512x514xf32>
    %mul3A_265 = arith.constant 5.000000e-01 : f32
    %mul3A_266 = vector.broadcast %mul3A_265 : f32 to vector<512x514xf32>
    %mul3A_267 = arith.mulf %mul3A_266, %add3A_261 : vector<512x514xf32>
    %tanh3A_268 = math.tanh %mul3A_267 : vector<512x514xf32>
    %add3A_269 = arith.constant 1.000000e+00 : f32
    %add3A_270 = vector.broadcast %add3A_269 : f32 to vector<512x514xf32>
    %add3A_271 = arith.addf %tanh3A_268, %add3A_270 : vector<512x514xf32>
    %mul3A_272 = arith.mulf %mul3A_264, %add3A_271 : vector<512x514xf32>
    %convert_element_type3A_273 = arith.truncf %mul3A_272 : vector<512x514xf32> to vector<512x514xbf16>
    %dot_general3A_274 = arith.constant dense<0.000000e+00> : vector<512x64xf32>
    %dot_general3A_275 = tpu.matmul %convert_element_type3A_273, %get3A_47, %dot_general3A_274 {dimension_numbers = #tpu.dot_dimension_numbers<[1], [0], [0], [1], [0, 0, 1, 1], [], []>, transpose_lhs_hint = false} : vector<512x514xbf16>, vector<514x64xbf16>, vector<512x64xf32> -> vector<512x64xf32>
    %add3A_276 = vector.broadcast %get3A_50 : vector<1x64xf32> to vector<512x64xf32>
    %add3A_277 = arith.addf %dot_general3A_275, %add3A_276 : vector<512x64xf32>
    %mul3A_278 = arith.constant 5.000000e-01 : f32
    %mul3A_279 = vector.broadcast %mul3A_278 : f32 to vector<512x64xf32>
    %mul3A_280 = arith.mulf %mul3A_279, %add3A_277 : vector<512x64xf32>
    %mul3A_281 = arith.constant 5.000000e-01 : f32
    %mul3A_282 = vector.broadcast %mul3A_281 : f32 to vector<512x64xf32>
    %mul3A_283 = arith.mulf %mul3A_282, %add3A_277 : vector<512x64xf32>
    %tanh3A_284 = math.tanh %mul3A_283 : vector<512x64xf32>
    %add3A_285 = arith.constant 1.000000e+00 : f32
    %add3A_286 = vector.broadcast %add3A_285 : f32 to vector<512x64xf32>
    %add3A_287 = arith.addf %tanh3A_284, %add3A_286 : vector<512x64xf32>
    %mul3A_288 = arith.mulf %mul3A_280, %add3A_287 : vector<512x64xf32>
    %add3A_289 = arith.addf %add3A_228, %mul3A_288 : vector<512x64xf32>
    %reduce_min3A_290 = arith.constant dense<0x7F800000> : vector<512xf32>
    %reduce_min3A_291 = vector.multi_reduction <minimumf>, %select_n3A_256, %reduce_min3A_290 [1] : vector<512x2048xf32> to vector<512xf32>
    %broadcast_in_dim3A_292 = vector.shape_cast %reduce_min3A_291 : vector<512xf32> to vector<512x1xf32>
    %eq3A_293 = vector.broadcast %broadcast_in_dim3A_292 : vector<512x1xf32> to vector<512x2048xf32>
    %eq3A_294 = arith.cmpf oeq, %select_n3A_256, %eq3A_293 : vector<512x2048xf32>
    %jit3A_295 = arith.constant 2048 : i32
    %broadcast_in_dim3A_296 = vector.broadcast %jit3A_295 : i32 to vector<512x2048xi32>
    %select_n3A_297 = arith.select %eq3A_294, %iota3A, %broadcast_in_dim3A_296 : vector<512x2048xi1>, vector<512x2048xi32>
    %reduce_min3A_298 = arith.constant dense<2147483647> : vector<512xi32>
    %reduce_min3A_299 = vector.multi_reduction <minsi>, %select_n3A_297, %reduce_min3A_298 [1] : vector<512x2048xi32> to vector<512xi32>
    %broadcast_in_dim3A_300 = vector.shape_cast %reduce_min3A_299 : vector<512xi32> to vector<512x1xi32>
    %swap3A_301 = arith.constant 0 : index
    %swap3A_302 = arith.constant 0 : index
    %swap3A_303 = arith.constant 4 : index
    %swap3A_304 = vector.load %arg15[%swap3A_301, %swap3A_302, %swap3A_303] : memref<1x512x16xi32, #tpu.memory_space<vmem>>, vector<1x512x1xi32>
    %swap3A_305 = vector.shape_cast %swap3A_304 : vector<1x512x1xi32> to vector<512x1xi32>
    %swap3A_306 = vector.shape_cast %broadcast_in_dim3A_300 : vector<512x1xi32> to vector<1x512x1xi32>
    tpu.vector_store %arg15[%swap3A_301, %swap3A_302, %swap3A_303], %swap3A_306 {strides = array<i32>} : memref<1x512x16xi32, #tpu.memory_space<vmem>>, vector<1x512x1xi32>,
    %swap3A_307 = arith.constant 0 : index
    %swap3A_308 = arith.constant 0 : index
    %swap3A_309 = arith.constant 4 : index
    %swap3A_310 = vector.load %arg16[%swap3A_307, %swap3A_308, %swap3A_309] : memref<1x512x16xf32, #tpu.memory_space<vmem>>, vector<1x512x1xf32>
    %swap3A_311 = vector.shape_cast %swap3A_310 : vector<1x512x1xf32> to vector<512x1xf32>
    %swap3A_312 = vector.shape_cast %broadcast_in_dim3A_292 : vector<512x1xf32> to vector<1x512x1xf32>
    tpu.vector_store %arg16[%swap3A_307, %swap3A_308, %swap3A_309], %swap3A_312 {strides = array<i32>} : memref<1x512x16xf32, #tpu.memory_space<vmem>>, vector<1x512x1xf32>,
    %eq3A_313 = vector.broadcast %broadcast_in_dim3A_300 : vector<512x1xi32> to vector<512x2048xi32>
    %eq3A_314 = arith.cmpi eq, %iota3A, %eq3A_313 : vector<512x2048xi32>
    %jit3A_315 = arith.constant 0x7F800000 : f32
    %broadcast_in_dim3A_316 = vector.broadcast %jit3A_315 : f32 to vector<512x2048xf32>
    %select_n3A_317 = arith.select %eq3A_314, %broadcast_in_dim3A_316, %select_n3A_256 : vector<512x2048xi1>, vector<512x2048xf32>
    %mul3A_318 = vector.broadcast %broadcast_in_dim3A_292 : vector<512x1xf32> to vector<512x514xf32>
    %mul3A_319 = vector.broadcast %get3A_44 : vector<1x514xf32> to vector<512x514xf32>
    %mul3A_320 = arith.mulf %mul3A_318, %mul3A_319 : vector<512x514xf32>
    %add3A_321 = vector.broadcast %add3A_41 : vector<1x514xf32> to vector<512x514xf32>
    %add3A_322 = arith.addf %add3A_321, %mul3A_320 : vector<512x514xf32>
    %mul3A_323 = arith.constant 5.000000e-01 : f32
    %mul3A_324 = vector.broadcast %mul3A_323 : f32 to vector<512x514xf32>
    %mul3A_325 = arith.mulf %mul3A_324, %add3A_322 : vector<512x514xf32>
    %mul3A_326 = arith.constant 5.000000e-01 : f32
    %mul3A_327 = vector.broadcast %mul3A_326 : f32 to vector<512x514xf32>
    %mul3A_328 = arith.mulf %mul3A_327, %add3A_322 : vector<512x514xf32>
    %tanh3A_329 = math.tanh %mul3A_328 : vector<512x514xf32>
    %add3A_330 = arith.constant 1.000000e+00 : f32
    %add3A_331 = vector.broadcast %add3A_330 : f32 to vector<512x514xf32>
    %add3A_332 = arith.addf %tanh3A_329, %add3A_331 : vector<512x514xf32>
    %mul3A_333 = arith.mulf %mul3A_325, %add3A_332 : vector<512x514xf32>
    %convert_element_type3A_334 = arith.truncf %mul3A_333 : vector<512x514xf32> to vector<512x514xbf16>
    %dot_general3A_335 = arith.constant dense<0.000000e+00> : vector<512x64xf32>
    %dot_general3A_336 = tpu.matmul %convert_element_type3A_334, %get3A_47, %dot_general3A_335 {dimension_numbers = #tpu.dot_dimension_numbers<[1], [0], [0], [1], [0, 0, 1, 1], [], []>, transpose_lhs_hint = false} : vector<512x514xbf16>, vector<514x64xbf16>, vector<512x64xf32> -> vector<512x64xf32>
    %add3A_337 = vector.broadcast %get3A_50 : vector<1x64xf32> to vector<512x64xf32>
    %add3A_338 = arith.addf %dot_general3A_336, %add3A_337 : vector<512x64xf32>
    %mul3A_339 = arith.constant 5.000000e-01 : f32
    %mul3A_340 = vector.broadcast %mul3A_339 : f32 to vector<512x64xf32>
    %mul3A_341 = arith.mulf %mul3A_340, %add3A_338 : vector<512x64xf32>
    %mul3A_342 = arith.constant 5.000000e-01 : f32
    %mul3A_343 = vector.broadcast %mul3A_342 : f32 to vector<512x64xf32>
    %mul3A_344 = arith.mulf %mul3A_343, %add3A_338 : vector<512x64xf32>
    %tanh3A_345 = math.tanh %mul3A_344 : vector<512x64xf32>
    %add3A_346 = arith.constant 1.000000e+00 : f32
    %add3A_347 = vector.broadcast %add3A_346 : f32 to vector<512x64xf32>
    %add3A_348 = arith.addf %tanh3A_345, %add3A_347 : vector<512x64xf32>
    %mul3A_349 = arith.mulf %mul3A_341, %add3A_348 : vector<512x64xf32>
    %add3A_350 = arith.addf %add3A_289, %mul3A_349 : vector<512x64xf32>
    %reduce_min3A_351 = arith.constant dense<0x7F800000> : vector<512xf32>
    %reduce_min3A_352 = vector.multi_reduction <minimumf>, %select_n3A_317, %reduce_min3A_351 [1] : vector<512x2048xf32> to vector<512xf32>
    %broadcast_in_dim3A_353 = vector.shape_cast %reduce_min3A_352 : vector<512xf32> to vector<512x1xf32>
    %eq3A_354 = vector.broadcast %broadcast_in_dim3A_353 : vector<512x1xf32> to vector<512x2048xf32>
    %eq3A_355 = arith.cmpf oeq, %select_n3A_317, %eq3A_354 : vector<512x2048xf32>
    %jit3A_356 = arith.constant 2048 : i32
    %broadcast_in_dim3A_357 = vector.broadcast %jit3A_356 : i32 to vector<512x2048xi32>
    %select_n3A_358 = arith.select %eq3A_355, %iota3A, %broadcast_in_dim3A_357 : vector<512x2048xi1>, vector<512x2048xi32>
    %reduce_min3A_359 = arith.constant dense<2147483647> : vector<512xi32>
    %reduce_min3A_360 = vector.multi_reduction <minsi>, %select_n3A_358, %reduce_min3A_359 [1] : vector<512x2048xi32> to vector<512xi32>
    %broadcast_in_dim3A_361 = vector.shape_cast %reduce_min3A_360 : vector<512xi32> to vector<512x1xi32>
    %swap3A_362 = arith.constant 0 : index
    %swap3A_363 = arith.constant 0 : index
    %swap3A_364 = arith.constant 5 : index
    %swap3A_365 = vector.load %arg15[%swap3A_362, %swap3A_363, %swap3A_364] : memref<1x512x16xi32, #tpu.memory_space<vmem>>, vector<1x512x1xi32>
    %swap3A_366 = vector.shape_cast %swap3A_365 : vector<1x512x1xi32> to vector<512x1xi32>
    %swap3A_367 = vector.shape_cast %broadcast_in_dim3A_361 : vector<512x1xi32> to vector<1x512x1xi32>
    tpu.vector_store %arg15[%swap3A_362, %swap3A_363, %swap3A_364], %swap3A_367 {strides = array<i32>} : memref<1x512x16xi32, #tpu.memory_space<vmem>>, vector<1x512x1xi32>,
    %swap3A_368 = arith.constant 0 : index
    %swap3A_369 = arith.constant 0 : index
    %swap3A_370 = arith.constant 5 : index
    %swap3A_371 = vector.load %arg16[%swap3A_368, %swap3A_369, %swap3A_370] : memref<1x512x16xf32, #tpu.memory_space<vmem>>, vector<1x512x1xf32>
    %swap3A_372 = vector.shape_cast %swap3A_371 : vector<1x512x1xf32> to vector<512x1xf32>
    %swap3A_373 = vector.shape_cast %broadcast_in_dim3A_353 : vector<512x1xf32> to vector<1x512x1xf32>
    tpu.vector_store %arg16[%swap3A_368, %swap3A_369, %swap3A_370], %swap3A_373 {strides = array<i32>} : memref<1x512x16xf32, #tpu.memory_space<vmem>>, vector<1x512x1xf32>,
    %eq3A_374 = vector.broadcast %broadcast_in_dim3A_361 : vector<512x1xi32> to vector<512x2048xi32>
    %eq3A_375 = arith.cmpi eq, %iota3A, %eq3A_374 : vector<512x2048xi32>
    %jit3A_376 = arith.constant 0x7F800000 : f32
    %broadcast_in_dim3A_377 = vector.broadcast %jit3A_376 : f32 to vector<512x2048xf32>
    %select_n3A_378 = arith.select %eq3A_375, %broadcast_in_dim3A_377, %select_n3A_317 : vector<512x2048xi1>, vector<512x2048xf32>
    %mul3A_379 = vector.broadcast %broadcast_in_dim3A_353 : vector<512x1xf32> to vector<512x514xf32>
    %mul3A_380 = vector.broadcast %get3A_44 : vector<1x514xf32> to vector<512x514xf32>
    %mul3A_381 = arith.mulf %mul3A_379, %mul3A_380 : vector<512x514xf32>
    %add3A_382 = vector.broadcast %add3A_41 : vector<1x514xf32> to vector<512x514xf32>
    %add3A_383 = arith.addf %add3A_382, %mul3A_381 : vector<512x514xf32>
    %mul3A_384 = arith.constant 5.000000e-01 : f32
    %mul3A_385 = vector.broadcast %mul3A_384 : f32 to vector<512x514xf32>
    %mul3A_386 = arith.mulf %mul3A_385, %add3A_383 : vector<512x514xf32>
    %mul3A_387 = arith.constant 5.000000e-01 : f32
    %mul3A_388 = vector.broadcast %mul3A_387 : f32 to vector<512x514xf32>
    %mul3A_389 = arith.mulf %mul3A_388, %add3A_383 : vector<512x514xf32>
    %tanh3A_390 = math.tanh %mul3A_389 : vector<512x514xf32>
    %add3A_391 = arith.constant 1.000000e+00 : f32
    %add3A_392 = vector.broadcast %add3A_391 : f32 to vector<512x514xf32>
    %add3A_393 = arith.addf %tanh3A_390, %add3A_392 : vector<512x514xf32>
    %mul3A_394 = arith.mulf %mul3A_386, %add3A_393 : vector<512x514xf32>
    %convert_element_type3A_395 = arith.truncf %mul3A_394 : vector<512x514xf32> to vector<512x514xbf16>
    %dot_general3A_396 = arith.constant dense<0.000000e+00> : vector<512x64xf32>
    %dot_general3A_397 = tpu.matmul %convert_element_type3A_395, %get3A_47, %dot_general3A_396 {dimension_numbers = #tpu.dot_dimension_numbers<[1], [0], [0], [1], [0, 0, 1, 1], [], []>, transpose_lhs_hint = false} : vector<512x514xbf16>, vector<514x64xbf16>, vector<512x64xf32> -> vector<512x64xf32>
    %add3A_398 = vector.broadcast %get3A_50 : vector<1x64xf32> to vector<512x64xf32>
    %add3A_399 = arith.addf %dot_general3A_397, %add3A_398 : vector<512x64xf32>
    %mul3A_400 = arith.constant 5.000000e-01 : f32
    %mul3A_401 = vector.broadcast %mul3A_400 : f32 to vector<512x64xf32>
    %mul3A_402 = arith.mulf %mul3A_401, %add3A_399 : vector<512x64xf32>
    %mul3A_403 = arith.constant 5.000000e-01 : f32
    %mul3A_404 = vector.broadcast %mul3A_403 : f32 to vector<512x64xf32>
    %mul3A_405 = arith.mulf %mul3A_404, %add3A_399 : vector<512x64xf32>
    %tanh3A_406 = math.tanh %mul3A_405 : vector<512x64xf32>
    %add3A_407 = arith.constant 1.000000e+00 : f32
    %add3A_408 = vector.broadcast %add3A_407 : f32 to vector<512x64xf32>
    %add3A_409 = arith.addf %tanh3A_406, %add3A_408 : vector<512x64xf32>
    %mul3A_410 = arith.mulf %mul3A_402, %add3A_409 : vector<512x64xf32>
    %add3A_411 = arith.addf %add3A_350, %mul3A_410 : vector<512x64xf32>
    %reduce_min3A_412 = arith.constant dense<0x7F800000> : vector<512xf32>
    %reduce_min3A_413 = vector.multi_reduction <minimumf>, %select_n3A_378, %reduce_min3A_412 [1] : vector<512x2048xf32> to vector<512xf32>
    %broadcast_in_dim3A_414 = vector.shape_cast %reduce_min3A_413 : vector<512xf32> to vector<512x1xf32>
    %eq3A_415 = vector.broadcast %broadcast_in_dim3A_414 : vector<512x1xf32> to vector<512x2048xf32>
    %eq3A_416 = arith.cmpf oeq, %select_n3A_378, %eq3A_415 : vector<512x2048xf32>
    %jit3A_417 = arith.constant 2048 : i32
    %broadcast_in_dim3A_418 = vector.broadcast %jit3A_417 : i32 to vector<512x2048xi32>
    %select_n3A_419 = arith.select %eq3A_416, %iota3A, %broadcast_in_dim3A_418 : vector<512x2048xi1>, vector<512x2048xi32>
    %reduce_min3A_420 = arith.constant dense<2147483647> : vector<512xi32>
    %reduce_min3A_421 = vector.multi_reduction <minsi>, %select_n3A_419, %reduce_min3A_420 [1] : vector<512x2048xi32> to vector<512xi32>
    %broadcast_in_dim3A_422 = vector.shape_cast %reduce_min3A_421 : vector<512xi32> to vector<512x1xi32>
    %swap3A_423 = arith.constant 0 : index
    %swap3A_424 = arith.constant 0 : index
    %swap3A_425 = arith.constant 6 : index
    %swap3A_426 = vector.load %arg15[%swap3A_423, %swap3A_424, %swap3A_425] : memref<1x512x16xi32, #tpu.memory_space<vmem>>, vector<1x512x1xi32>
    %swap3A_427 = vector.shape_cast %swap3A_426 : vector<1x512x1xi32> to vector<512x1xi32>
    %swap3A_428 = vector.shape_cast %broadcast_in_dim3A_422 : vector<512x1xi32> to vector<1x512x1xi32>
    tpu.vector_store %arg15[%swap3A_423, %swap3A_424, %swap3A_425], %swap3A_428 {strides = array<i32>} : memref<1x512x16xi32, #tpu.memory_space<vmem>>, vector<1x512x1xi32>,
    %swap3A_429 = arith.constant 0 : index
    %swap3A_430 = arith.constant 0 : index
    %swap3A_431 = arith.constant 6 : index
    %swap3A_432 = vector.load %arg16[%swap3A_429, %swap3A_430, %swap3A_431] : memref<1x512x16xf32, #tpu.memory_space<vmem>>, vector<1x512x1xf32>
    %swap3A_433 = vector.shape_cast %swap3A_432 : vector<1x512x1xf32> to vector<512x1xf32>
    %swap3A_434 = vector.shape_cast %broadcast_in_dim3A_414 : vector<512x1xf32> to vector<1x512x1xf32>
    tpu.vector_store %arg16[%swap3A_429, %swap3A_430, %swap3A_431], %swap3A_434 {strides = array<i32>} : memref<1x512x16xf32, #tpu.memory_space<vmem>>, vector<1x512x1xf32>,
    %eq3A_435 = vector.broadcast %broadcast_in_dim3A_422 : vector<512x1xi32> to vector<512x2048xi32>
    %eq3A_436 = arith.cmpi eq, %iota3A, %eq3A_435 : vector<512x2048xi32>
    %jit3A_437 = arith.constant 0x7F800000 : f32
    %broadcast_in_dim3A_438 = vector.broadcast %jit3A_437 : f32 to vector<512x2048xf32>
    %select_n3A_439 = arith.select %eq3A_436, %broadcast_in_dim3A_438, %select_n3A_378 : vector<512x2048xi1>, vector<512x2048xf32>
    %mul3A_440 = vector.broadcast %broadcast_in_dim3A_414 : vector<512x1xf32> to vector<512x514xf32>
    %mul3A_441 = vector.broadcast %get3A_44 : vector<1x514xf32> to vector<512x514xf32>
    %mul3A_442 = arith.mulf %mul3A_440, %mul3A_441 : vector<512x514xf32>
    %add3A_443 = vector.broadcast %add3A_41 : vector<1x514xf32> to vector<512x514xf32>
    %add3A_444 = arith.addf %add3A_443, %mul3A_442 : vector<512x514xf32>
    %mul3A_445 = arith.constant 5.000000e-01 : f32
    %mul3A_446 = vector.broadcast %mul3A_445 : f32 to vector<512x514xf32>
    %mul3A_447 = arith.mulf %mul3A_446, %add3A_444 : vector<512x514xf32>
    %mul3A_448 = arith.constant 5.000000e-01 : f32
    %mul3A_449 = vector.broadcast %mul3A_448 : f32 to vector<512x514xf32>
    %mul3A_450 = arith.mulf %mul3A_449, %add3A_444 : vector<512x514xf32>
    %tanh3A_451 = math.tanh %mul3A_450 : vector<512x514xf32>
    %add3A_452 = arith.constant 1.000000e+00 : f32
    %add3A_453 = vector.broadcast %add3A_452 : f32 to vector<512x514xf32>
    %add3A_454 = arith.addf %tanh3A_451, %add3A_453 : vector<512x514xf32>
    %mul3A_455 = arith.mulf %mul3A_447, %add3A_454 : vector<512x514xf32>
    %convert_element_type3A_456 = arith.truncf %mul3A_455 : vector<512x514xf32> to vector<512x514xbf16>
    %dot_general3A_457 = arith.constant dense<0.000000e+00> : vector<512x64xf32>
    %dot_general3A_458 = tpu.matmul %convert_element_type3A_456, %get3A_47, %dot_general3A_457 {dimension_numbers = #tpu.dot_dimension_numbers<[1], [0], [0], [1], [0, 0, 1, 1], [], []>, transpose_lhs_hint = false} : vector<512x514xbf16>, vector<514x64xbf16>, vector<512x64xf32> -> vector<512x64xf32>
    %add3A_459 = vector.broadcast %get3A_50 : vector<1x64xf32> to vector<512x64xf32>
    %add3A_460 = arith.addf %dot_general3A_458, %add3A_459 : vector<512x64xf32>
    %mul3A_461 = arith.constant 5.000000e-01 : f32
    %mul3A_462 = vector.broadcast %mul3A_461 : f32 to vector<512x64xf32>
    %mul3A_463 = arith.mulf %mul3A_462, %add3A_460 : vector<512x64xf32>
    %mul3A_464 = arith.constant 5.000000e-01 : f32
    %mul3A_465 = vector.broadcast %mul3A_464 : f32 to vector<512x64xf32>
    %mul3A_466 = arith.mulf %mul3A_465, %add3A_460 : vector<512x64xf32>
    %tanh3A_467 = math.tanh %mul3A_466 : vector<512x64xf32>
    %add3A_468 = arith.constant 1.000000e+00 : f32
    %add3A_469 = vector.broadcast %add3A_468 : f32 to vector<512x64xf32>
    %add3A_470 = arith.addf %tanh3A_467, %add3A_469 : vector<512x64xf32>
    %mul3A_471 = arith.mulf %mul3A_463, %add3A_470 : vector<512x64xf32>
    %add3A_472 = arith.addf %add3A_411, %mul3A_471 : vector<512x64xf32>
    %reduce_min3A_473 = arith.constant dense<0x7F800000> : vector<512xf32>
    %reduce_min3A_474 = vector.multi_reduction <minimumf>, %select_n3A_439, %reduce_min3A_473 [1] : vector<512x2048xf32> to vector<512xf32>
    %broadcast_in_dim3A_475 = vector.shape_cast %reduce_min3A_474 : vector<512xf32> to vector<512x1xf32>
    %eq3A_476 = vector.broadcast %broadcast_in_dim3A_475 : vector<512x1xf32> to vector<512x2048xf32>
    %eq3A_477 = arith.cmpf oeq, %select_n3A_439, %eq3A_476 : vector<512x2048xf32>
    %jit3A_478 = arith.constant 2048 : i32
    %broadcast_in_dim3A_479 = vector.broadcast %jit3A_478 : i32 to vector<512x2048xi32>
    %select_n3A_480 = arith.select %eq3A_477, %iota3A, %broadcast_in_dim3A_479 : vector<512x2048xi1>, vector<512x2048xi32>
    %reduce_min3A_481 = arith.constant dense<2147483647> : vector<512xi32>
    %reduce_min3A_482 = vector.multi_reduction <minsi>, %select_n3A_480, %reduce_min3A_481 [1] : vector<512x2048xi32> to vector<512xi32>
    %broadcast_in_dim3A_483 = vector.shape_cast %reduce_min3A_482 : vector<512xi32> to vector<512x1xi32>
    %swap3A_484 = arith.constant 0 : index
    %swap3A_485 = arith.constant 0 : index
    %swap3A_486 = arith.constant 7 : index
    %swap3A_487 = vector.load %arg15[%swap3A_484, %swap3A_485, %swap3A_486] : memref<1x512x16xi32, #tpu.memory_space<vmem>>, vector<1x512x1xi32>
    %swap3A_488 = vector.shape_cast %swap3A_487 : vector<1x512x1xi32> to vector<512x1xi32>
    %swap3A_489 = vector.shape_cast %broadcast_in_dim3A_483 : vector<512x1xi32> to vector<1x512x1xi32>
    tpu.vector_store %arg15[%swap3A_484, %swap3A_485, %swap3A_486], %swap3A_489 {strides = array<i32>} : memref<1x512x16xi32, #tpu.memory_space<vmem>>, vector<1x512x1xi32>,
    %swap3A_490 = arith.constant 0 : index
    %swap3A_491 = arith.constant 0 : index
    %swap3A_492 = arith.constant 7 : index
    %swap3A_493 = vector.load %arg16[%swap3A_490, %swap3A_491, %swap3A_492] : memref<1x512x16xf32, #tpu.memory_space<vmem>>, vector<1x512x1xf32>
    %swap3A_494 = vector.shape_cast %swap3A_493 : vector<1x512x1xf32> to vector<512x1xf32>
    %swap3A_495 = vector.shape_cast %broadcast_in_dim3A_475 : vector<512x1xf32> to vector<1x512x1xf32>
    tpu.vector_store %arg16[%swap3A_490, %swap3A_491, %swap3A_492], %swap3A_495 {strides = array<i32>} : memref<1x512x16xf32, #tpu.memory_space<vmem>>, vector<1x512x1xf32>,
    %eq3A_496 = vector.broadcast %broadcast_in_dim3A_483 : vector<512x1xi32> to vector<512x2048xi32>
    %eq3A_497 = arith.cmpi eq, %iota3A, %eq3A_496 : vector<512x2048xi32>
    %jit3A_498 = arith.constant 0x7F800000 : f32
    %broadcast_in_dim3A_499 = vector.broadcast %jit3A_498 : f32 to vector<512x2048xf32>
    %select_n3A_500 = arith.select %eq3A_497, %broadcast_in_dim3A_499, %select_n3A_439 : vector<512x2048xi1>, vector<512x2048xf32>
    %mul3A_501 = vector.broadcast %broadcast_in_dim3A_475 : vector<512x1xf32> to vector<512x514xf32>
    %mul3A_502 = vector.broadcast %get3A_44 : vector<1x514xf32> to vector<512x514xf32>
    %mul3A_503 = arith.mulf %mul3A_501, %mul3A_502 : vector<512x514xf32>
    %add3A_504 = vector.broadcast %add3A_41 : vector<1x514xf32> to vector<512x514xf32>
    %add3A_505 = arith.addf %add3A_504, %mul3A_503 : vector<512x514xf32>
    %mul3A_506 = arith.constant 5.000000e-01 : f32
    %mul3A_507 = vector.broadcast %mul3A_506 : f32 to vector<512x514xf32>
    %mul3A_508 = arith.mulf %mul3A_507, %add3A_505 : vector<512x514xf32>
    %mul3A_509 = arith.constant 5.000000e-01 : f32
    %mul3A_510 = vector.broadcast %mul3A_509 : f32 to vector<512x514xf32>
    %mul3A_511 = arith.mulf %mul3A_510, %add3A_505 : vector<512x514xf32>
    %tanh3A_512 = math.tanh %mul3A_511 : vector<512x514xf32>
    %add3A_513 = arith.constant 1.000000e+00 : f32
    %add3A_514 = vector.broadcast %add3A_513 : f32 to vector<512x514xf32>
    %add3A_515 = arith.addf %tanh3A_512, %add3A_514 : vector<512x514xf32>
    %mul3A_516 = arith.mulf %mul3A_508, %add3A_515 : vector<512x514xf32>
    %convert_element_type3A_517 = arith.truncf %mul3A_516 : vector<512x514xf32> to vector<512x514xbf16>
    %dot_general3A_518 = arith.constant dense<0.000000e+00> : vector<512x64xf32>
    %dot_general3A_519 = tpu.matmul %convert_element_type3A_517, %get3A_47, %dot_general3A_518 {dimension_numbers = #tpu.dot_dimension_numbers<[1], [0], [0], [1], [0, 0, 1, 1], [], []>, transpose_lhs_hint = false} : vector<512x514xbf16>, vector<514x64xbf16>, vector<512x64xf32> -> vector<512x64xf32>
    %add3A_520 = vector.broadcast %get3A_50 : vector<1x64xf32> to vector<512x64xf32>
    %add3A_521 = arith.addf %dot_general3A_519, %add3A_520 : vector<512x64xf32>
    %mul3A_522 = arith.constant 5.000000e-01 : f32
    %mul3A_523 = vector.broadcast %mul3A_522 : f32 to vector<512x64xf32>
    %mul3A_524 = arith.mulf %mul3A_523, %add3A_521 : vector<512x64xf32>
    %mul3A_525 = arith.constant 5.000000e-01 : f32
    %mul3A_526 = vector.broadcast %mul3A_525 : f32 to vector<512x64xf32>
    %mul3A_527 = arith.mulf %mul3A_526, %add3A_521 : vector<512x64xf32>
    %tanh3A_528 = math.tanh %mul3A_527 : vector<512x64xf32>
    %add3A_529 = arith.constant 1.000000e+00 : f32
    %add3A_530 = vector.broadcast %add3A_529 : f32 to vector<512x64xf32>
    %add3A_531 = arith.addf %tanh3A_528, %add3A_530 : vector<512x64xf32>
    %mul3A_532 = arith.mulf %mul3A_524, %add3A_531 : vector<512x64xf32>
    %add3A_533 = arith.addf %add3A_472, %mul3A_532 : vector<512x64xf32>
    %reduce_min3A_534 = arith.constant dense<0x7F800000> : vector<512xf32>
    %reduce_min3A_535 = vector.multi_reduction <minimumf>, %select_n3A_500, %reduce_min3A_534 [1] : vector<512x2048xf32> to vector<512xf32>
    %broadcast_in_dim3A_536 = vector.shape_cast %reduce_min3A_535 : vector<512xf32> to vector<512x1xf32>
    %eq3A_537 = vector.broadcast %broadcast_in_dim3A_536 : vector<512x1xf32> to vector<512x2048xf32>
    %eq3A_538 = arith.cmpf oeq, %select_n3A_500, %eq3A_537 : vector<512x2048xf32>
    %jit3A_539 = arith.constant 2048 : i32
    %broadcast_in_dim3A_540 = vector.broadcast %jit3A_539 : i32 to vector<512x2048xi32>
    %select_n3A_541 = arith.select %eq3A_538, %iota3A, %broadcast_in_dim3A_540 : vector<512x2048xi1>, vector<512x2048xi32>
    %reduce_min3A_542 = arith.constant dense<2147483647> : vector<512xi32>
    %reduce_min3A_543 = vector.multi_reduction <minsi>, %select_n3A_541, %reduce_min3A_542 [1] : vector<512x2048xi32> to vector<512xi32>
    %broadcast_in_dim3A_544 = vector.shape_cast %reduce_min3A_543 : vector<512xi32> to vector<512x1xi32>
    %swap3A_545 = arith.constant 0 : index
    %swap3A_546 = arith.constant 0 : index
    %swap3A_547 = arith.constant 8 : index
    %swap3A_548 = vector.load %arg15[%swap3A_545, %swap3A_546, %swap3A_547] : memref<1x512x16xi32, #tpu.memory_space<vmem>>, vector<1x512x1xi32>
    %swap3A_549 = vector.shape_cast %swap3A_548 : vector<1x512x1xi32> to vector<512x1xi32>
    %swap3A_550 = vector.shape_cast %broadcast_in_dim3A_544 : vector<512x1xi32> to vector<1x512x1xi32>
    tpu.vector_store %arg15[%swap3A_545, %swap3A_546, %swap3A_547], %swap3A_550 {strides = array<i32>} : memref<1x512x16xi32, #tpu.memory_space<vmem>>, vector<1x512x1xi32>,
    %swap3A_551 = arith.constant 0 : index
    %swap3A_552 = arith.constant 0 : index
    %swap3A_553 = arith.constant 8 : index
    %swap3A_554 = vector.load %arg16[%swap3A_551, %swap3A_552, %swap3A_553] : memref<1x512x16xf32, #tpu.memory_space<vmem>>, vector<1x512x1xf32>
    %swap3A_555 = vector.shape_cast %swap3A_554 : vector<1x512x1xf32> to vector<512x1xf32>
    %swap3A_556 = vector.shape_cast %broadcast_in_dim3A_536 : vector<512x1xf32> to vector<1x512x1xf32>
    tpu.vector_store %arg16[%swap3A_551, %swap3A_552, %swap3A_553], %swap3A_556 {strides = array<i32>} : memref<1x512x16xf32, #tpu.memory_space<vmem>>, vector<1x512x1xf32>,
    %eq3A_557 = vector.broadcast %broadcast_in_dim3A_544 : vector<512x1xi32> to vector<512x2048xi32>
    %eq3A_558 = arith.cmpi eq, %iota3A, %eq3A_557 : vector<512x2048xi32>
    %jit3A_559 = arith.constant 0x7F800000 : f32
    %broadcast_in_dim3A_560 = vector.broadcast %jit3A_559 : f32 to vector<512x2048xf32>
    %select_n3A_561 = arith.select %eq3A_558, %broadcast_in_dim3A_560, %select_n3A_500 : vector<512x2048xi1>, vector<512x2048xf32>
    %mul3A_562 = vector.broadcast %broadcast_in_dim3A_536 : vector<512x1xf32> to vector<512x514xf32>
    %mul3A_563 = vector.broadcast %get3A_44 : vector<1x514xf32> to vector<512x514xf32>
    %mul3A_564 = arith.mulf %mul3A_562, %mul3A_563 : vector<512x514xf32>
    %add3A_565 = vector.broadcast %add3A_41 : vector<1x514xf32> to vector<512x514xf32>
    %add3A_566 = arith.addf %add3A_565, %mul3A_564 : vector<512x514xf32>
    %mul3A_567 = arith.constant 5.000000e-01 : f32
    %mul3A_568 = vector.broadcast %mul3A_567 : f32 to vector<512x514xf32>
    %mul3A_569 = arith.mulf %mul3A_568, %add3A_566 : vector<512x514xf32>
    %mul3A_570 = arith.constant 5.000000e-01 : f32
    %mul3A_571 = vector.broadcast %mul3A_570 : f32 to vector<512x514xf32>
    %mul3A_572 = arith.mulf %mul3A_571, %add3A_566 : vector<512x514xf32>
    %tanh3A_573 = math.tanh %mul3A_572 : vector<512x514xf32>
    %add3A_574 = arith.constant 1.000000e+00 : f32
    %add3A_575 = vector.broadcast %add3A_574 : f32 to vector<512x514xf32>
    %add3A_576 = arith.addf %tanh3A_573, %add3A_575 : vector<512x514xf32>
    %mul3A_577 = arith.mulf %mul3A_569, %add3A_576 : vector<512x514xf32>
    %convert_element_type3A_578 = arith.truncf %mul3A_577 : vector<512x514xf32> to vector<512x514xbf16>
    %dot_general3A_579 = arith.constant dense<0.000000e+00> : vector<512x64xf32>
    %dot_general3A_580 = tpu.matmul %convert_element_type3A_578, %get3A_47, %dot_general3A_579 {dimension_numbers = #tpu.dot_dimension_numbers<[1], [0], [0], [1], [0, 0, 1, 1], [], []>, transpose_lhs_hint = false} : vector<512x514xbf16>, vector<514x64xbf16>, vector<512x64xf32> -> vector<512x64xf32>
    %add3A_581 = vector.broadcast %get3A_50 : vector<1x64xf32> to vector<512x64xf32>
    %add3A_582 = arith.addf %dot_general3A_580, %add3A_581 : vector<512x64xf32>
    %mul3A_583 = arith.constant 5.000000e-01 : f32
    %mul3A_584 = vector.broadcast %mul3A_583 : f32 to vector<512x64xf32>
    %mul3A_585 = arith.mulf %mul3A_584, %add3A_582 : vector<512x64xf32>
    %mul3A_586 = arith.constant 5.000000e-01 : f32
    %mul3A_587 = vector.broadcast %mul3A_586 : f32 to vector<512x64xf32>
    %mul3A_588 = arith.mulf %mul3A_587, %add3A_582 : vector<512x64xf32>
    %tanh3A_589 = math.tanh %mul3A_588 : vector<512x64xf32>
    %add3A_590 = arith.constant 1.000000e+00 : f32
    %add3A_591 = vector.broadcast %add3A_590 : f32 to vector<512x64xf32>
    %add3A_592 = arith.addf %tanh3A_589, %add3A_591 : vector<512x64xf32>
    %mul3A_593 = arith.mulf %mul3A_585, %add3A_592 : vector<512x64xf32>
    %add3A_594 = arith.addf %add3A_533, %mul3A_593 : vector<512x64xf32>
    %reduce_min3A_595 = arith.constant dense<0x7F800000> : vector<512xf32>
    %reduce_min3A_596 = vector.multi_reduction <minimumf>, %select_n3A_561, %reduce_min3A_595 [1] : vector<512x2048xf32> to vector<512xf32>
    %broadcast_in_dim3A_597 = vector.shape_cast %reduce_min3A_596 : vector<512xf32> to vector<512x1xf32>
    %eq3A_598 = vector.broadcast %broadcast_in_dim3A_597 : vector<512x1xf32> to vector<512x2048xf32>
    %eq3A_599 = arith.cmpf oeq, %select_n3A_561, %eq3A_598 : vector<512x2048xf32>
    %jit3A_600 = arith.constant 2048 : i32
    %broadcast_in_dim3A_601 = vector.broadcast %jit3A_600 : i32 to vector<512x2048xi32>
    %select_n3A_602 = arith.select %eq3A_599, %iota3A, %broadcast_in_dim3A_601 : vector<512x2048xi1>, vector<512x2048xi32>
    %reduce_min3A_603 = arith.constant dense<2147483647> : vector<512xi32>
    %reduce_min3A_604 = vector.multi_reduction <minsi>, %select_n3A_602, %reduce_min3A_603 [1] : vector<512x2048xi32> to vector<512xi32>
    %broadcast_in_dim3A_605 = vector.shape_cast %reduce_min3A_604 : vector<512xi32> to vector<512x1xi32>
    %swap3A_606 = arith.constant 0 : index
    %swap3A_607 = arith.constant 0 : index
    %swap3A_608 = arith.constant 9 : index
    %swap3A_609 = vector.load %arg15[%swap3A_606, %swap3A_607, %swap3A_608] : memref<1x512x16xi32, #tpu.memory_space<vmem>>, vector<1x512x1xi32>
    %swap3A_610 = vector.shape_cast %swap3A_609 : vector<1x512x1xi32> to vector<512x1xi32>
    %swap3A_611 = vector.shape_cast %broadcast_in_dim3A_605 : vector<512x1xi32> to vector<1x512x1xi32>
    tpu.vector_store %arg15[%swap3A_606, %swap3A_607, %swap3A_608], %swap3A_611 {strides = array<i32>} : memref<1x512x16xi32, #tpu.memory_space<vmem>>, vector<1x512x1xi32>,
    %swap3A_612 = arith.constant 0 : index
    %swap3A_613 = arith.constant 0 : index
    %swap3A_614 = arith.constant 9 : index
    %swap3A_615 = vector.load %arg16[%swap3A_612, %swap3A_613, %swap3A_614] : memref<1x512x16xf32, #tpu.memory_space<vmem>>, vector<1x512x1xf32>
    %swap3A_616 = vector.shape_cast %swap3A_615 : vector<1x512x1xf32> to vector<512x1xf32>
    %swap3A_617 = vector.shape_cast %broadcast_in_dim3A_597 : vector<512x1xf32> to vector<1x512x1xf32>
    tpu.vector_store %arg16[%swap3A_612, %swap3A_613, %swap3A_614], %swap3A_617 {strides = array<i32>} : memref<1x512x16xf32, #tpu.memory_space<vmem>>, vector<1x512x1xf32>,
    %mul3A_618 = vector.broadcast %broadcast_in_dim3A_597 : vector<512x1xf32> to vector<512x514xf32>
    %mul3A_619 = vector.broadcast %get3A_44 : vector<1x514xf32> to vector<512x514xf32>
    %mul3A_620 = arith.mulf %mul3A_618, %mul3A_619 : vector<512x514xf32>
    %add3A_621 = vector.broadcast %add3A_41 : vector<1x514xf32> to vector<512x514xf32>
    %add3A_622 = arith.addf %add3A_621, %mul3A_620 : vector<512x514xf32>
    %mul3A_623 = arith.constant 5.000000e-01 : f32
    %mul3A_624 = vector.broadcast %mul3A_623 : f32 to vector<512x514xf32>
    %mul3A_625 = arith.mulf %mul3A_624, %add3A_622 : vector<512x514xf32>
    %mul3A_626 = arith.constant 5.000000e-01 : f32
    %mul3A_627 = vector.broadcast %mul3A_626 : f32 to vector<512x514xf32>
    %mul3A_628 = arith.mulf %mul3A_627, %add3A_622 : vector<512x514xf32>
    %tanh3A_629 = math.tanh %mul3A_628 : vector<512x514xf32>
    %add3A_630 = arith.constant 1.000000e+00 : f32
    %add3A_631 = vector.broadcast %add3A_630 : f32 to vector<512x514xf32>
    %add3A_632 = arith.addf %tanh3A_629, %add3A_631 : vector<512x514xf32>
    %mul3A_633 = arith.mulf %mul3A_625, %add3A_632 : vector<512x514xf32>
    %convert_element_type3A_634 = arith.truncf %mul3A_633 : vector<512x514xf32> to vector<512x514xbf16>
    %dot_general3A_635 = arith.constant dense<0.000000e+00> : vector<512x64xf32>
    %dot_general3A_636 = tpu.matmul %convert_element_type3A_634, %get3A_47, %dot_general3A_635 {dimension_numbers = #tpu.dot_dimension_numbers<[1], [0], [0], [1], [0, 0, 1, 1], [], []>, transpose_lhs_hint = false} : vector<512x514xbf16>, vector<514x64xbf16>, vector<512x64xf32> -> vector<512x64xf32>
    %add3A_637 = vector.broadcast %get3A_50 : vector<1x64xf32> to vector<512x64xf32>
    %add3A_638 = arith.addf %dot_general3A_636, %add3A_637 : vector<512x64xf32>
    %mul3A_639 = arith.constant 5.000000e-01 : f32
    %mul3A_640 = vector.broadcast %mul3A_639 : f32 to vector<512x64xf32>
    %mul3A_641 = arith.mulf %mul3A_640, %add3A_638 : vector<512x64xf32>
    %mul3A_642 = arith.constant 5.000000e-01 : f32
    %mul3A_643 = vector.broadcast %mul3A_642 : f32 to vector<512x64xf32>
    %mul3A_644 = arith.mulf %mul3A_643, %add3A_638 : vector<512x64xf32>
    %tanh3A_645 = math.tanh %mul3A_644 : vector<512x64xf32>
    %add3A_646 = arith.constant 1.000000e+00 : f32
    %add3A_647 = vector.broadcast %add3A_646 : f32 to vector<512x64xf32>
    %add3A_648 = arith.addf %tanh3A_645, %add3A_647 : vector<512x64xf32>
    %mul3A_649 = arith.mulf %mul3A_641, %add3A_648 : vector<512x64xf32>
    %add3A_650 = arith.addf %add3A_594, %mul3A_649 : vector<512x64xf32>
    %get3A_651 = arith.constant 0 : index
    %get3A_652 = arith.constant 0 : index
    %get3A_653 = vector.load %arg10[%get3A_651, %get3A_652] : memref<128x256xbf16, #tpu.memory_space<vmem>>, vector<128x256xbf16>
    %dot_general3A_654 = arith.constant dense<0.000000e+00> : vector<1x256xf32>
    %dot_general3A_655 = tpu.matmul %convert_element_type3A, %get3A_653, %dot_general3A_654 {dimension_numbers = #tpu.dot_dimension_numbers<[1], [0], [0], [1], [0, 0, 1, 1], [], []>, transpose_lhs_hint = false} : vector<1x128xbf16>, vector<128x256xbf16>, vector<1x256xf32> -> vector<1x256xf32>
    %convert_element_type3A_656 = arith.truncf %add3A_650 : vector<512x64xf32> to vector<512x64xbf16>
    %get3A_657 = arith.constant 0 : index
    %get3A_658 = arith.constant 0 : index
    %get3A_659 = vector.load %arg11[%get3A_657, %get3A_658] : memref<64x256xbf16, #tpu.memory_space<vmem>>, vector<64x256xbf16>
    %dot_general3A_660 = arith.constant dense<0.000000e+00> : vector<512x256xf32>
    %dot_general3A_661 = tpu.matmul %convert_element_type3A_656, %get3A_659, %dot_general3A_660 {dimension_numbers = #tpu.dot_dimension_numbers<[1], [0], [0], [1], [0, 0, 1, 1], [], []>, transpose_lhs_hint = false} : vector<512x64xbf16>, vector<64x256xbf16>, vector<512x256xf32> -> vector<512x256xf32>
    %add3A_662 = vector.broadcast %dot_general3A_655 : vector<1x256xf32> to vector<512x256xf32>
    %add3A_663 = arith.addf %add3A_662, %dot_general3A_661 : vector<512x256xf32>
    %get3A_664 = arith.constant 0 : index
    %get3A_665 = arith.constant 0 : index
    %get3A_666 = vector.load %arg12[%get3A_664, %get3A_665] : memref<1x256xf32, #tpu.memory_space<vmem>>, vector<1x256xf32>
    %add3A_667 = vector.broadcast %get3A_666 : vector<1x256xf32> to vector<512x256xf32>
    %add3A_668 = arith.addf %add3A_663, %add3A_667 : vector<512x256xf32>
    %mul3A_669 = arith.constant 5.000000e-01 : f32
    %mul3A_670 = vector.broadcast %mul3A_669 : f32 to vector<512x256xf32>
    %mul3A_671 = arith.mulf %mul3A_670, %add3A_668 : vector<512x256xf32>
    %mul3A_672 = arith.constant 5.000000e-01 : f32
    %mul3A_673 = vector.broadcast %mul3A_672 : f32 to vector<512x256xf32>
    %mul3A_674 = arith.mulf %mul3A_673, %add3A_668 : vector<512x256xf32>
    %tanh3A_675 = math.tanh %mul3A_674 : vector<512x256xf32>
    %add3A_676 = arith.constant 1.000000e+00 : f32
    %add3A_677 = vector.broadcast %add3A_676 : f32 to vector<512x256xf32>
    %add3A_678 = arith.addf %tanh3A_675, %add3A_677 : vector<512x256xf32>
    %mul3A_679 = arith.mulf %mul3A_671, %add3A_678 : vector<512x256xf32>
    %convert_element_type3A_680 = arith.truncf %mul3A_679 : vector<512x256xf32> to vector<512x256xbf16>
    %get3A_681 = arith.constant 0 : index
    %get3A_682 = arith.constant 0 : index
    %get3A_683 = vector.load %arg13[%get3A_681, %get3A_682] : memref<256x128xbf16, #tpu.memory_space<vmem>>, vector<256x128xbf16>
    %dot_general3A_684 = arith.constant dense<0.000000e+00> : vector<512x128xf32>
    %dot_general3A_685 = tpu.matmul %convert_element_type3A_680, %get3A_683, %dot_general3A_684 {dimension_numbers = #tpu.dot_dimension_numbers<[1], [0], [0], [1], [0, 0, 1, 1], [], []>, transpose_lhs_hint = false} : vector<512x256xbf16>, vector<256x128xbf16>, vector<512x128xf32> -> vector<512x128xf32>
    %get3A_686 = arith.constant 0 : index
    %get3A_687 = arith.constant 0 : index
    %get3A_688 = vector.load %arg14[%get3A_686, %get3A_687] : memref<1x128xf32, #tpu.memory_space<vmem>>, vector<1x128xf32>
    %add3A_689 = vector.broadcast %get3A_688 : vector<1x128xf32> to vector<512x128xf32>
    %add3A_690 = arith.addf %dot_general3A_685, %add3A_689 : vector<512x128xf32>
    %add3A_691 = vector.broadcast %get3A_27 : vector<1x128xf32> to vector<512x128xf32>
    %add3A_692 = arith.addf %add3A_690, %add3A_691 : vector<512x128xf32>
    %swap3A_693 = arith.constant 0 : index
    %swap3A_694 = arith.constant 0 : index
    %swap3A_695 = arith.constant 0 : index
    %swap3A_696 = vector.load %arg17[%swap3A_693, %swap3A_694, %swap3A_695] : memref<1x512x128xf32, #tpu.memory_space<vmem>>, vector<1x512x128xf32>
    %swap3A_697 = vector.shape_cast %swap3A_696 : vector<1x512x128xf32> to vector<512x128xf32>
    %swap3A_698 = vector.shape_cast %add3A_692 : vector<512x128xf32> to vector<1x512x128xf32>
    tpu.vector_store %arg17[%swap3A_693, %swap3A_694, %swap3A_695], %swap3A_698 {strides = array<i32>} : memref<1x512x128xf32, #tpu.memory_space<vmem>>, vector<1x512x128xf32>,
    return
  }
  func.func @transform_0(%arg0: i32) -> (i32, i32, i32) {
    %c0_i32 = arith.constant 0 : i32
    %c0_i32_0 = arith.constant 0 : i32
    %c0_i32_1 = arith.constant 0 : i32
    return %c0_i32, %arg0, %c0_i32_0 : i32, i32, i32
  }
  func.func @transform_1(%arg0: i32) -> (i32, i32, i32) {
    %c0_i32 = arith.constant 0 : i32
    %c0_i32_0 = arith.constant 0 : i32
    %c0_i32_1 = arith.constant 0 : i32
    %c0_i32_2 = arith.constant 0 : i32
    return %c0_i32, %c0_i32_0, %c0_i32_1 : i32, i32, i32
  }
  func.func @transform_2(%arg0: i32) -> (i32, i32) {
    %c0_i32 = arith.constant 0 : i32
    %c0_i32_0 = arith.constant 0 : i32
    %c0_i32_1 = arith.constant 0 : i32
    return %c0_i32, %c0_i32_0 : i32, i32
  }
  func.func @transform_3(%arg0: i32) -> (i32, i32) {
    %c0_i32 = arith.constant 0 : i32
    %c0_i32_0 = arith.constant 0 : i32
    %c0_i32_1 = arith.constant 0 : i32
    return %c0_i32, %c0_i32_0 : i32, i32
  }
  func.func @transform_4(%arg0: i32) -> (i32, i32) {
    %c0_i32 = arith.constant 0 : i32
    %c0_i32_0 = arith.constant 0 : i32
    %c0_i32_1 = arith.constant 0 : i32
    return %c0_i32, %c0_i32_0 : i32, i32
  }
  func.func @transform_5(%arg0: i32) -> (i32, i32) {
    %c0_i32 = arith.constant 0 : i32
    %c0_i32_0 = arith.constant 0 : i32
    %c0_i32_1 = arith.constant 0 : i32
    return %c0_i32, %c0_i32_0 : i32, i32
  }
  func.func @transform_6(%arg0: i32) -> (i32, i32) {
    %c0_i32 = arith.constant 0 : i32
    %c0_i32_0 = arith.constant 0 : i32
    %c0_i32_1 = arith.constant 0 : i32
    return %c0_i32, %c0_i32_0 : i32, i32
  }
  func.func @transform_7(%arg0: i32) -> (i32, i32) {
    %c0_i32 = arith.constant 0 : i32
    %c0_i32_0 = arith.constant 0 : i32
    %c0_i32_1 = arith.constant 0 : i32
    return %c0_i32, %c0_i32_0 : i32, i32
  }
  func.func @transform_8(%arg0: i32) -> (i32, i32) {
    %c0_i32 = arith.constant 0 : i32
    %c0_i32_0 = arith.constant 0 : i32
    %c0_i32_1 = arith.constant 0 : i32
    return %c0_i32, %c0_i32_0 : i32, i32
  }
  func.func @transform_9(%arg0: i32) -> (i32, i32) {
    %c0_i32 = arith.constant 0 : i32
    %c0_i32_0 = arith.constant 0 : i32
    %c0_i32_1 = arith.constant 0 : i32
    return %c0_i32, %c0_i32_0 : i32, i32
  }
  func.func @transform_10(%arg0: i32) -> (i32, i32) {
    %c0_i32 = arith.constant 0 : i32
    %c0_i32_0 = arith.constant 0 : i32
    %c0_i32_1 = arith.constant 0 : i32
    return %c0_i32, %c0_i32_0 : i32, i32
  }
  func.func @transform_11(%arg0: i32) -> (i32, i32) {
    %c0_i32 = arith.constant 0 : i32
    %c0_i32_0 = arith.constant 0 : i32
    %c0_i32_1 = arith.constant 0 : i32
    return %c0_i32, %c0_i32_0 : i32, i32
  }
  func.func @transform_12(%arg0: i32) -> (i32, i32) {
    %c0_i32 = arith.constant 0 : i32
    %c0_i32_0 = arith.constant 0 : i32
    %c0_i32_1 = arith.constant 0 : i32
    return %c0_i32, %c0_i32_0 : i32, i32
  }
  func.func @transform_13(%arg0: i32) -> (i32, i32) {
    %c0_i32 = arith.constant 0 : i32
    %c0_i32_0 = arith.constant 0 : i32
    %c0_i32_1 = arith.constant 0 : i32
    return %c0_i32, %c0_i32_0 : i32, i32
  }
  func.func @transform_14(%arg0: i32) -> (i32, i32, i32) {
    %c0_i32 = arith.constant 0 : i32
    %c0_i32_0 = arith.constant 0 : i32
    %c0_i32_1 = arith.constant 0 : i32
    return %c0_i32, %arg0, %c0_i32_0 : i32, i32, i32
  }
  func.func @transform_15(%arg0: i32) -> (i32, i32, i32) {
    %c0_i32 = arith.constant 0 : i32
    %c0_i32_0 = arith.constant 0 : i32
    %c0_i32_1 = arith.constant 0 : i32
    return %c0_i32, %arg0, %c0_i32_0 : i32, i32, i32
  }
  func.func @transform_16(%arg0: i32) -> (i32, i32, i32) {
    %c0_i32 = arith.constant 0 : i32
    %c0_i32_0 = arith.constant 0 : i32
    %c0_i32_1 = arith.constant 0 : i32
    return %c0_i32, %arg0, %c0_i32_0 : i32, i32, i32
  }
}

module attributes {stable_mosaic.version = 14 : i64} {
  func.func @_layer_body(%arg0: i32, %arg1: memref<1x512x128xf32, #tpu.memory_space<vmem>>, %arg2: memref<1x10x512x128xf32, #tpu.memory_space<vmem>>, %arg3: memref<1x512x16xf32, #tpu.memory_space<vmem>>, %arg4: memref<128x514xbf16, #tpu.memory_space<vmem>>, %arg5: memref<128x514xbf16, #tpu.memory_space<vmem>>, %arg6: memref<1x514xf32, #tpu.memory_space<vmem>>, %arg7: memref<1x514xf32, #tpu.memory_space<vmem>>, %arg8: memref<514x64xbf16, #tpu.memory_space<vmem>>, %arg9: memref<1x64xf32, #tpu.memory_space<vmem>>, %arg10: memref<128x256xbf16, #tpu.memory_space<vmem>>, %arg11: memref<64x256xbf16, #tpu.memory_space<vmem>>, %arg12: memref<1x256xf32, #tpu.memory_space<vmem>>, %arg13: memref<256x128xbf16, #tpu.memory_space<vmem>>, %arg14: memref<1x128xf32, #tpu.memory_space<vmem>>, %arg15: memref<1x512x128xf32, #tpu.memory_space<vmem>>) attributes {dimension_semantics = [#tpu.dimension_semantics<arbitrary>], iteration_bounds = array<i64: 4>, scalar_prefetch = 0 : i64, scratch_operands = 0 : i64, tpu.core_type = #tpu.core_type<tc>, window_params = [{transform_indices = @transform_0, window_bounds = array<i64: 1, 512, 128>}, {transform_indices = @transform_1, window_bounds = array<i64: 1, 10, 512, 128>}, {transform_indices = @transform_2, window_bounds = array<i64: 1, 512, 16>}, {pipeline_mode = #tpu.pipeline_mode<synchronous>, transform_indices = @transform_3, window_bounds = array<i64: 128, 514>}, {pipeline_mode = #tpu.pipeline_mode<synchronous>, transform_indices = @transform_4, window_bounds = array<i64: 128, 514>}, {pipeline_mode = #tpu.pipeline_mode<synchronous>, transform_indices = @transform_5, window_bounds = array<i64: 1, 514>}, {pipeline_mode = #tpu.pipeline_mode<synchronous>, transform_indices = @transform_6, window_bounds = array<i64: 1, 514>}, {pipeline_mode = #tpu.pipeline_mode<synchronous>, transform_indices = @transform_7, window_bounds = array<i64: 514, 64>}, {pipeline_mode = #tpu.pipeline_mode<synchronous>, transform_indices = @transform_8, window_bounds = array<i64: 1, 64>}, {pipeline_mode = #tpu.pipeline_mode<synchronous>, transform_indices = @transform_9, window_bounds = array<i64: 128, 256>}, {pipeline_mode = #tpu.pipeline_mode<synchronous>, transform_indices = @transform_10, window_bounds = array<i64: 64, 256>}, {pipeline_mode = #tpu.pipeline_mode<synchronous>, transform_indices = @transform_11, window_bounds = array<i64: 1, 256>}, {pipeline_mode = #tpu.pipeline_mode<synchronous>, transform_indices = @transform_12, window_bounds = array<i64: 256, 128>}, {pipeline_mode = #tpu.pipeline_mode<synchronous>, transform_indices = @transform_13, window_bounds = array<i64: 1, 128>}, {transform_indices = @transform_14, window_bounds = array<i64: 1, 512, 128>}]} {
    %get3A = arith.constant 0 : index
    %get3A_0 = arith.constant 0 : index
    %get3A_1 = arith.constant 0 : index
    %get3A_2 = vector.load %arg1[%get3A, %get3A_0, %get3A_1] : memref<1x512x128xf32, #tpu.memory_space<vmem>>, vector<1x512x128xf32>
    %get3A_3 = vector.shape_cast %get3A_2 : vector<1x512x128xf32> to vector<512x128xf32>
    %convert_element_type3A = arith.truncf %get3A_3 : vector<512x128xf32> to vector<512x128xbf16>
    %get3A_4 = arith.constant 0 : index
    %get3A_5 = arith.constant 0 : index
    %get3A_6 = vector.load %arg4[%get3A_4, %get3A_5] : memref<128x514xbf16, #tpu.memory_space<vmem>>, vector<128x514xbf16>
    %dot_general3A = arith.constant dense<0.000000e+00> : vector<512x514xf32>
    %dot_general3A_7 = tpu.matmul %convert_element_type3A, %get3A_6, %dot_general3A {dimension_numbers = #tpu.dot_dimension_numbers<[1], [0], [0], [1], [0, 0, 1, 1], [], []>, transpose_lhs_hint = false} : vector<512x128xbf16>, vector<128x514xbf16>, vector<512x514xf32> -> vector<512x514xf32>
    %get3A_8 = arith.constant 0 : index
    %get3A_9 = arith.constant 0 : index
    %get3A_10 = vector.load %arg7[%get3A_8, %get3A_9] : memref<1x514xf32, #tpu.memory_space<vmem>>, vector<1x514xf32>
    %add3A = vector.broadcast %get3A_10 : vector<1x514xf32> to vector<512x514xf32>
    %add3A_11 = arith.addf %dot_general3A_7, %add3A : vector<512x514xf32>
    %get3A_12 = arith.constant 0 : index
    %get3A_13 = arith.constant 0 : index
    %get3A_14 = vector.load %arg5[%get3A_12, %get3A_13] : memref<128x514xbf16, #tpu.memory_space<vmem>>, vector<128x514xbf16>
    %get3A_15 = arith.constant 0 : index
    %get3A_16 = arith.constant 0 : index
    %get3A_17 = vector.load %arg6[%get3A_15, %get3A_16] : memref<1x514xf32, #tpu.memory_space<vmem>>, vector<1x514xf32>
    %get3A_18 = arith.constant 0 : index
    %get3A_19 = arith.constant 0 : index
    %get3A_20 = vector.load %arg8[%get3A_18, %get3A_19] : memref<514x64xbf16, #tpu.memory_space<vmem>>, vector<514x64xbf16>
    %get3A_21 = arith.constant 0 : index
    %get3A_22 = arith.constant 0 : index
    %get3A_23 = vector.load %arg9[%get3A_21, %get3A_22] : memref<1x64xf32, #tpu.memory_space<vmem>>, vector<1x64xf32>
    %broadcast_in_dim3A = arith.constant 0.000000e+00 : f32
    %broadcast_in_dim3A_24 = vector.broadcast %broadcast_in_dim3A : f32 to vector<512x64xf32>
    %get3A_25 = arith.constant 0 : index
    %get3A_26 = arith.constant 0 : index
    %get3A_27 = arith.constant 0 : index
    %get3A_28 = arith.constant 0 : index
    %get3A_29 = vector.load %arg2[%get3A_25, %get3A_26, %get3A_27, %get3A_28] : memref<1x10x512x128xf32, #tpu.memory_space<vmem>>, vector<1x1x512x128xf32>
    %get3A_30 = vector.shape_cast %get3A_29 : vector<1x1x512x128xf32> to vector<512x128xf32>
    %convert_element_type3A_31 = arith.truncf %get3A_30 : vector<512x128xf32> to vector<512x128xbf16>
    %dot_general3A_32 = arith.constant dense<0.000000e+00> : vector<512x514xf32>
    %dot_general3A_33 = tpu.matmul %convert_element_type3A_31, %get3A_14, %dot_general3A_32 {dimension_numbers = #tpu.dot_dimension_numbers<[1], [0], [0], [1], [0, 0, 1, 1], [], []>, transpose_lhs_hint = false} : vector<512x128xbf16>, vector<128x514xbf16>, vector<512x514xf32> -> vector<512x514xf32>
    %add3A_34 = arith.addf %add3A_11, %dot_general3A_33 : vector<512x514xf32>
    %get3A_35 = arith.constant 0 : index
    %get3A_36 = arith.constant 0 : index
    %get3A_37 = arith.constant 0 : index
    %get3A_38 = vector.load %arg3[%get3A_35, %get3A_36, %get3A_37] : memref<1x512x16xf32, #tpu.memory_space<vmem>>, vector<1x512x1xf32>
    %get3A_39 = vector.shape_cast %get3A_38 : vector<1x512x1xf32> to vector<512x1xf32>
    %mul3A = vector.broadcast %get3A_39 : vector<512x1xf32> to vector<512x514xf32>
    %mul3A_40 = vector.broadcast %get3A_17 : vector<1x514xf32> to vector<512x514xf32>
    %mul3A_41 = arith.mulf %mul3A, %mul3A_40 : vector<512x514xf32>
    %add3A_42 = arith.addf %add3A_34, %mul3A_41 : vector<512x514xf32>
    %mul3A_43 = arith.constant 5.000000e-01 : f32
    %mul3A_44 = vector.broadcast %mul3A_43 : f32 to vector<512x514xf32>
    %mul3A_45 = arith.mulf %mul3A_44, %add3A_42 : vector<512x514xf32>
    %mul3A_46 = arith.constant 5.000000e-01 : f32
    %mul3A_47 = vector.broadcast %mul3A_46 : f32 to vector<512x514xf32>
    %mul3A_48 = arith.mulf %mul3A_47, %add3A_42 : vector<512x514xf32>
    %tanh3A = math.tanh %mul3A_48 : vector<512x514xf32>
    %add3A_49 = arith.constant 1.000000e+00 : f32
    %add3A_50 = vector.broadcast %add3A_49 : f32 to vector<512x514xf32>
    %add3A_51 = arith.addf %tanh3A, %add3A_50 : vector<512x514xf32>
    %mul3A_52 = arith.mulf %mul3A_45, %add3A_51 : vector<512x514xf32>
    %convert_element_type3A_53 = arith.truncf %mul3A_52 : vector<512x514xf32> to vector<512x514xbf16>
    %dot_general3A_54 = arith.constant dense<0.000000e+00> : vector<512x64xf32>
    %dot_general3A_55 = tpu.matmul %convert_element_type3A_53, %get3A_20, %dot_general3A_54 {dimension_numbers = #tpu.dot_dimension_numbers<[1], [0], [0], [1], [0, 0, 1, 1], [], []>, transpose_lhs_hint = false} : vector<512x514xbf16>, vector<514x64xbf16>, vector<512x64xf32> -> vector<512x64xf32>
    %add3A_56 = vector.broadcast %get3A_23 : vector<1x64xf32> to vector<512x64xf32>
    %add3A_57 = arith.addf %dot_general3A_55, %add3A_56 : vector<512x64xf32>
    %mul3A_58 = arith.constant 5.000000e-01 : f32
    %mul3A_59 = vector.broadcast %mul3A_58 : f32 to vector<512x64xf32>
    %mul3A_60 = arith.mulf %mul3A_59, %add3A_57 : vector<512x64xf32>
    %mul3A_61 = arith.constant 5.000000e-01 : f32
    %mul3A_62 = vector.broadcast %mul3A_61 : f32 to vector<512x64xf32>
    %mul3A_63 = arith.mulf %mul3A_62, %add3A_57 : vector<512x64xf32>
    %tanh3A_64 = math.tanh %mul3A_63 : vector<512x64xf32>
    %add3A_65 = arith.constant 1.000000e+00 : f32
    %add3A_66 = vector.broadcast %add3A_65 : f32 to vector<512x64xf32>
    %add3A_67 = arith.addf %tanh3A_64, %add3A_66 : vector<512x64xf32>
    %mul3A_68 = arith.mulf %mul3A_60, %add3A_67 : vector<512x64xf32>
    %add3A_69 = arith.addf %broadcast_in_dim3A_24, %mul3A_68 : vector<512x64xf32>
    %get3A_70 = arith.constant 0 : index
    %get3A_71 = arith.constant 1 : index
    %get3A_72 = arith.constant 0 : index
    %get3A_73 = arith.constant 0 : index
    %get3A_74 = vector.load %arg2[%get3A_70, %get3A_71, %get3A_72, %get3A_73] : memref<1x10x512x128xf32, #tpu.memory_space<vmem>>, vector<1x1x512x128xf32>
    %get3A_75 = vector.shape_cast %get3A_74 : vector<1x1x512x128xf32> to vector<512x128xf32>
    %convert_element_type3A_76 = arith.truncf %get3A_75 : vector<512x128xf32> to vector<512x128xbf16>
    %dot_general3A_77 = arith.constant dense<0.000000e+00> : vector<512x514xf32>
    %dot_general3A_78 = tpu.matmul %convert_element_type3A_76, %get3A_14, %dot_general3A_77 {dimension_numbers = #tpu.dot_dimension_numbers<[1], [0], [0], [1], [0, 0, 1, 1], [], []>, transpose_lhs_hint = false} : vector<512x128xbf16>, vector<128x514xbf16>, vector<512x514xf32> -> vector<512x514xf32>
    %add3A_79 = arith.addf %add3A_11, %dot_general3A_78 : vector<512x514xf32>
    %get3A_80 = arith.constant 0 : index
    %get3A_81 = arith.constant 0 : index
    %get3A_82 = arith.constant 1 : index
    %get3A_83 = vector.load %arg3[%get3A_80, %get3A_81, %get3A_82] : memref<1x512x16xf32, #tpu.memory_space<vmem>>, vector<1x512x1xf32>
    %get3A_84 = vector.shape_cast %get3A_83 : vector<1x512x1xf32> to vector<512x1xf32>
    %mul3A_85 = vector.broadcast %get3A_84 : vector<512x1xf32> to vector<512x514xf32>
    %mul3A_86 = vector.broadcast %get3A_17 : vector<1x514xf32> to vector<512x514xf32>
    %mul3A_87 = arith.mulf %mul3A_85, %mul3A_86 : vector<512x514xf32>
    %add3A_88 = arith.addf %add3A_79, %mul3A_87 : vector<512x514xf32>
    %mul3A_89 = arith.constant 5.000000e-01 : f32
    %mul3A_90 = vector.broadcast %mul3A_89 : f32 to vector<512x514xf32>
    %mul3A_91 = arith.mulf %mul3A_90, %add3A_88 : vector<512x514xf32>
    %mul3A_92 = arith.constant 5.000000e-01 : f32
    %mul3A_93 = vector.broadcast %mul3A_92 : f32 to vector<512x514xf32>
    %mul3A_94 = arith.mulf %mul3A_93, %add3A_88 : vector<512x514xf32>
    %tanh3A_95 = math.tanh %mul3A_94 : vector<512x514xf32>
    %add3A_96 = arith.constant 1.000000e+00 : f32
    %add3A_97 = vector.broadcast %add3A_96 : f32 to vector<512x514xf32>
    %add3A_98 = arith.addf %tanh3A_95, %add3A_97 : vector<512x514xf32>
    %mul3A_99 = arith.mulf %mul3A_91, %add3A_98 : vector<512x514xf32>
    %convert_element_type3A_100 = arith.truncf %mul3A_99 : vector<512x514xf32> to vector<512x514xbf16>
    %dot_general3A_101 = arith.constant dense<0.000000e+00> : vector<512x64xf32>
    %dot_general3A_102 = tpu.matmul %convert_element_type3A_100, %get3A_20, %dot_general3A_101 {dimension_numbers = #tpu.dot_dimension_numbers<[1], [0], [0], [1], [0, 0, 1, 1], [], []>, transpose_lhs_hint = false} : vector<512x514xbf16>, vector<514x64xbf16>, vector<512x64xf32> -> vector<512x64xf32>
    %add3A_103 = vector.broadcast %get3A_23 : vector<1x64xf32> to vector<512x64xf32>
    %add3A_104 = arith.addf %dot_general3A_102, %add3A_103 : vector<512x64xf32>
    %mul3A_105 = arith.constant 5.000000e-01 : f32
    %mul3A_106 = vector.broadcast %mul3A_105 : f32 to vector<512x64xf32>
    %mul3A_107 = arith.mulf %mul3A_106, %add3A_104 : vector<512x64xf32>
    %mul3A_108 = arith.constant 5.000000e-01 : f32
    %mul3A_109 = vector.broadcast %mul3A_108 : f32 to vector<512x64xf32>
    %mul3A_110 = arith.mulf %mul3A_109, %add3A_104 : vector<512x64xf32>
    %tanh3A_111 = math.tanh %mul3A_110 : vector<512x64xf32>
    %add3A_112 = arith.constant 1.000000e+00 : f32
    %add3A_113 = vector.broadcast %add3A_112 : f32 to vector<512x64xf32>
    %add3A_114 = arith.addf %tanh3A_111, %add3A_113 : vector<512x64xf32>
    %mul3A_115 = arith.mulf %mul3A_107, %add3A_114 : vector<512x64xf32>
    %add3A_116 = arith.addf %add3A_69, %mul3A_115 : vector<512x64xf32>
    %get3A_117 = arith.constant 0 : index
    %get3A_118 = arith.constant 2 : index
    %get3A_119 = arith.constant 0 : index
    %get3A_120 = arith.constant 0 : index
    %get3A_121 = vector.load %arg2[%get3A_117, %get3A_118, %get3A_119, %get3A_120] : memref<1x10x512x128xf32, #tpu.memory_space<vmem>>, vector<1x1x512x128xf32>
    %get3A_122 = vector.shape_cast %get3A_121 : vector<1x1x512x128xf32> to vector<512x128xf32>
    %convert_element_type3A_123 = arith.truncf %get3A_122 : vector<512x128xf32> to vector<512x128xbf16>
    %dot_general3A_124 = arith.constant dense<0.000000e+00> : vector<512x514xf32>
    %dot_general3A_125 = tpu.matmul %convert_element_type3A_123, %get3A_14, %dot_general3A_124 {dimension_numbers = #tpu.dot_dimension_numbers<[1], [0], [0], [1], [0, 0, 1, 1], [], []>, transpose_lhs_hint = false} : vector<512x128xbf16>, vector<128x514xbf16>, vector<512x514xf32> -> vector<512x514xf32>
    %add3A_126 = arith.addf %add3A_11, %dot_general3A_125 : vector<512x514xf32>
    %get3A_127 = arith.constant 0 : index
    %get3A_128 = arith.constant 0 : index
    %get3A_129 = arith.constant 2 : index
    %get3A_130 = vector.load %arg3[%get3A_127, %get3A_128, %get3A_129] : memref<1x512x16xf32, #tpu.memory_space<vmem>>, vector<1x512x1xf32>
    %get3A_131 = vector.shape_cast %get3A_130 : vector<1x512x1xf32> to vector<512x1xf32>
    %mul3A_132 = vector.broadcast %get3A_131 : vector<512x1xf32> to vector<512x514xf32>
    %mul3A_133 = vector.broadcast %get3A_17 : vector<1x514xf32> to vector<512x514xf32>
    %mul3A_134 = arith.mulf %mul3A_132, %mul3A_133 : vector<512x514xf32>
    %add3A_135 = arith.addf %add3A_126, %mul3A_134 : vector<512x514xf32>
    %mul3A_136 = arith.constant 5.000000e-01 : f32
    %mul3A_137 = vector.broadcast %mul3A_136 : f32 to vector<512x514xf32>
    %mul3A_138 = arith.mulf %mul3A_137, %add3A_135 : vector<512x514xf32>
    %mul3A_139 = arith.constant 5.000000e-01 : f32
    %mul3A_140 = vector.broadcast %mul3A_139 : f32 to vector<512x514xf32>
    %mul3A_141 = arith.mulf %mul3A_140, %add3A_135 : vector<512x514xf32>
    %tanh3A_142 = math.tanh %mul3A_141 : vector<512x514xf32>
    %add3A_143 = arith.constant 1.000000e+00 : f32
    %add3A_144 = vector.broadcast %add3A_143 : f32 to vector<512x514xf32>
    %add3A_145 = arith.addf %tanh3A_142, %add3A_144 : vector<512x514xf32>
    %mul3A_146 = arith.mulf %mul3A_138, %add3A_145 : vector<512x514xf32>
    %convert_element_type3A_147 = arith.truncf %mul3A_146 : vector<512x514xf32> to vector<512x514xbf16>
    %dot_general3A_148 = arith.constant dense<0.000000e+00> : vector<512x64xf32>
    %dot_general3A_149 = tpu.matmul %convert_element_type3A_147, %get3A_20, %dot_general3A_148 {dimension_numbers = #tpu.dot_dimension_numbers<[1], [0], [0], [1], [0, 0, 1, 1], [], []>, transpose_lhs_hint = false} : vector<512x514xbf16>, vector<514x64xbf16>, vector<512x64xf32> -> vector<512x64xf32>
    %add3A_150 = vector.broadcast %get3A_23 : vector<1x64xf32> to vector<512x64xf32>
    %add3A_151 = arith.addf %dot_general3A_149, %add3A_150 : vector<512x64xf32>
    %mul3A_152 = arith.constant 5.000000e-01 : f32
    %mul3A_153 = vector.broadcast %mul3A_152 : f32 to vector<512x64xf32>
    %mul3A_154 = arith.mulf %mul3A_153, %add3A_151 : vector<512x64xf32>
    %mul3A_155 = arith.constant 5.000000e-01 : f32
    %mul3A_156 = vector.broadcast %mul3A_155 : f32 to vector<512x64xf32>
    %mul3A_157 = arith.mulf %mul3A_156, %add3A_151 : vector<512x64xf32>
    %tanh3A_158 = math.tanh %mul3A_157 : vector<512x64xf32>
    %add3A_159 = arith.constant 1.000000e+00 : f32
    %add3A_160 = vector.broadcast %add3A_159 : f32 to vector<512x64xf32>
    %add3A_161 = arith.addf %tanh3A_158, %add3A_160 : vector<512x64xf32>
    %mul3A_162 = arith.mulf %mul3A_154, %add3A_161 : vector<512x64xf32>
    %add3A_163 = arith.addf %add3A_116, %mul3A_162 : vector<512x64xf32>
    %get3A_164 = arith.constant 0 : index
    %get3A_165 = arith.constant 3 : index
    %get3A_166 = arith.constant 0 : index
    %get3A_167 = arith.constant 0 : index
    %get3A_168 = vector.load %arg2[%get3A_164, %get3A_165, %get3A_166, %get3A_167] : memref<1x10x512x128xf32, #tpu.memory_space<vmem>>, vector<1x1x512x128xf32>
    %get3A_169 = vector.shape_cast %get3A_168 : vector<1x1x512x128xf32> to vector<512x128xf32>
    %convert_element_type3A_170 = arith.truncf %get3A_169 : vector<512x128xf32> to vector<512x128xbf16>
    %dot_general3A_171 = arith.constant dense<0.000000e+00> : vector<512x514xf32>
    %dot_general3A_172 = tpu.matmul %convert_element_type3A_170, %get3A_14, %dot_general3A_171 {dimension_numbers = #tpu.dot_dimension_numbers<[1], [0], [0], [1], [0, 0, 1, 1], [], []>, transpose_lhs_hint = false} : vector<512x128xbf16>, vector<128x514xbf16>, vector<512x514xf32> -> vector<512x514xf32>
    %add3A_173 = arith.addf %add3A_11, %dot_general3A_172 : vector<512x514xf32>
    %get3A_174 = arith.constant 0 : index
    %get3A_175 = arith.constant 0 : index
    %get3A_176 = arith.constant 3 : index
    %get3A_177 = vector.load %arg3[%get3A_174, %get3A_175, %get3A_176] : memref<1x512x16xf32, #tpu.memory_space<vmem>>, vector<1x512x1xf32>
    %get3A_178 = vector.shape_cast %get3A_177 : vector<1x512x1xf32> to vector<512x1xf32>
    %mul3A_179 = vector.broadcast %get3A_178 : vector<512x1xf32> to vector<512x514xf32>
    %mul3A_180 = vector.broadcast %get3A_17 : vector<1x514xf32> to vector<512x514xf32>
    %mul3A_181 = arith.mulf %mul3A_179, %mul3A_180 : vector<512x514xf32>
    %add3A_182 = arith.addf %add3A_173, %mul3A_181 : vector<512x514xf32>
    %mul3A_183 = arith.constant 5.000000e-01 : f32
    %mul3A_184 = vector.broadcast %mul3A_183 : f32 to vector<512x514xf32>
    %mul3A_185 = arith.mulf %mul3A_184, %add3A_182 : vector<512x514xf32>
    %mul3A_186 = arith.constant 5.000000e-01 : f32
    %mul3A_187 = vector.broadcast %mul3A_186 : f32 to vector<512x514xf32>
    %mul3A_188 = arith.mulf %mul3A_187, %add3A_182 : vector<512x514xf32>
    %tanh3A_189 = math.tanh %mul3A_188 : vector<512x514xf32>
    %add3A_190 = arith.constant 1.000000e+00 : f32
    %add3A_191 = vector.broadcast %add3A_190 : f32 to vector<512x514xf32>
    %add3A_192 = arith.addf %tanh3A_189, %add3A_191 : vector<512x514xf32>
    %mul3A_193 = arith.mulf %mul3A_185, %add3A_192 : vector<512x514xf32>
    %convert_element_type3A_194 = arith.truncf %mul3A_193 : vector<512x514xf32> to vector<512x514xbf16>
    %dot_general3A_195 = arith.constant dense<0.000000e+00> : vector<512x64xf32>
    %dot_general3A_196 = tpu.matmul %convert_element_type3A_194, %get3A_20, %dot_general3A_195 {dimension_numbers = #tpu.dot_dimension_numbers<[1], [0], [0], [1], [0, 0, 1, 1], [], []>, transpose_lhs_hint = false} : vector<512x514xbf16>, vector<514x64xbf16>, vector<512x64xf32> -> vector<512x64xf32>
    %add3A_197 = vector.broadcast %get3A_23 : vector<1x64xf32> to vector<512x64xf32>
    %add3A_198 = arith.addf %dot_general3A_196, %add3A_197 : vector<512x64xf32>
    %mul3A_199 = arith.constant 5.000000e-01 : f32
    %mul3A_200 = vector.broadcast %mul3A_199 : f32 to vector<512x64xf32>
    %mul3A_201 = arith.mulf %mul3A_200, %add3A_198 : vector<512x64xf32>
    %mul3A_202 = arith.constant 5.000000e-01 : f32
    %mul3A_203 = vector.broadcast %mul3A_202 : f32 to vector<512x64xf32>
    %mul3A_204 = arith.mulf %mul3A_203, %add3A_198 : vector<512x64xf32>
    %tanh3A_205 = math.tanh %mul3A_204 : vector<512x64xf32>
    %add3A_206 = arith.constant 1.000000e+00 : f32
    %add3A_207 = vector.broadcast %add3A_206 : f32 to vector<512x64xf32>
    %add3A_208 = arith.addf %tanh3A_205, %add3A_207 : vector<512x64xf32>
    %mul3A_209 = arith.mulf %mul3A_201, %add3A_208 : vector<512x64xf32>
    %add3A_210 = arith.addf %add3A_163, %mul3A_209 : vector<512x64xf32>
    %get3A_211 = arith.constant 0 : index
    %get3A_212 = arith.constant 4 : index
    %get3A_213 = arith.constant 0 : index
    %get3A_214 = arith.constant 0 : index
    %get3A_215 = vector.load %arg2[%get3A_211, %get3A_212, %get3A_213, %get3A_214] : memref<1x10x512x128xf32, #tpu.memory_space<vmem>>, vector<1x1x512x128xf32>
    %get3A_216 = vector.shape_cast %get3A_215 : vector<1x1x512x128xf32> to vector<512x128xf32>
    %convert_element_type3A_217 = arith.truncf %get3A_216 : vector<512x128xf32> to vector<512x128xbf16>
    %dot_general3A_218 = arith.constant dense<0.000000e+00> : vector<512x514xf32>
    %dot_general3A_219 = tpu.matmul %convert_element_type3A_217, %get3A_14, %dot_general3A_218 {dimension_numbers = #tpu.dot_dimension_numbers<[1], [0], [0], [1], [0, 0, 1, 1], [], []>, transpose_lhs_hint = false} : vector<512x128xbf16>, vector<128x514xbf16>, vector<512x514xf32> -> vector<512x514xf32>
    %add3A_220 = arith.addf %add3A_11, %dot_general3A_219 : vector<512x514xf32>
    %get3A_221 = arith.constant 0 : index
    %get3A_222 = arith.constant 0 : index
    %get3A_223 = arith.constant 4 : index
    %get3A_224 = vector.load %arg3[%get3A_221, %get3A_222, %get3A_223] : memref<1x512x16xf32, #tpu.memory_space<vmem>>, vector<1x512x1xf32>
    %get3A_225 = vector.shape_cast %get3A_224 : vector<1x512x1xf32> to vector<512x1xf32>
    %mul3A_226 = vector.broadcast %get3A_225 : vector<512x1xf32> to vector<512x514xf32>
    %mul3A_227 = vector.broadcast %get3A_17 : vector<1x514xf32> to vector<512x514xf32>
    %mul3A_228 = arith.mulf %mul3A_226, %mul3A_227 : vector<512x514xf32>
    %add3A_229 = arith.addf %add3A_220, %mul3A_228 : vector<512x514xf32>
    %mul3A_230 = arith.constant 5.000000e-01 : f32
    %mul3A_231 = vector.broadcast %mul3A_230 : f32 to vector<512x514xf32>
    %mul3A_232 = arith.mulf %mul3A_231, %add3A_229 : vector<512x514xf32>
    %mul3A_233 = arith.constant 5.000000e-01 : f32
    %mul3A_234 = vector.broadcast %mul3A_233 : f32 to vector<512x514xf32>
    %mul3A_235 = arith.mulf %mul3A_234, %add3A_229 : vector<512x514xf32>
    %tanh3A_236 = math.tanh %mul3A_235 : vector<512x514xf32>
    %add3A_237 = arith.constant 1.000000e+00 : f32
    %add3A_238 = vector.broadcast %add3A_237 : f32 to vector<512x514xf32>
    %add3A_239 = arith.addf %tanh3A_236, %add3A_238 : vector<512x514xf32>
    %mul3A_240 = arith.mulf %mul3A_232, %add3A_239 : vector<512x514xf32>
    %convert_element_type3A_241 = arith.truncf %mul3A_240 : vector<512x514xf32> to vector<512x514xbf16>
    %dot_general3A_242 = arith.constant dense<0.000000e+00> : vector<512x64xf32>
    %dot_general3A_243 = tpu.matmul %convert_element_type3A_241, %get3A_20, %dot_general3A_242 {dimension_numbers = #tpu.dot_dimension_numbers<[1], [0], [0], [1], [0, 0, 1, 1], [], []>, transpose_lhs_hint = false} : vector<512x514xbf16>, vector<514x64xbf16>, vector<512x64xf32> -> vector<512x64xf32>
    %add3A_244 = vector.broadcast %get3A_23 : vector<1x64xf32> to vector<512x64xf32>
    %add3A_245 = arith.addf %dot_general3A_243, %add3A_244 : vector<512x64xf32>
    %mul3A_246 = arith.constant 5.000000e-01 : f32
    %mul3A_247 = vector.broadcast %mul3A_246 : f32 to vector<512x64xf32>
    %mul3A_248 = arith.mulf %mul3A_247, %add3A_245 : vector<512x64xf32>
    %mul3A_249 = arith.constant 5.000000e-01 : f32
    %mul3A_250 = vector.broadcast %mul3A_249 : f32 to vector<512x64xf32>
    %mul3A_251 = arith.mulf %mul3A_250, %add3A_245 : vector<512x64xf32>
    %tanh3A_252 = math.tanh %mul3A_251 : vector<512x64xf32>
    %add3A_253 = arith.constant 1.000000e+00 : f32
    %add3A_254 = vector.broadcast %add3A_253 : f32 to vector<512x64xf32>
    %add3A_255 = arith.addf %tanh3A_252, %add3A_254 : vector<512x64xf32>
    %mul3A_256 = arith.mulf %mul3A_248, %add3A_255 : vector<512x64xf32>
    %add3A_257 = arith.addf %add3A_210, %mul3A_256 : vector<512x64xf32>
    %get3A_258 = arith.constant 0 : index
    %get3A_259 = arith.constant 5 : index
    %get3A_260 = arith.constant 0 : index
    %get3A_261 = arith.constant 0 : index
    %get3A_262 = vector.load %arg2[%get3A_258, %get3A_259, %get3A_260, %get3A_261] : memref<1x10x512x128xf32, #tpu.memory_space<vmem>>, vector<1x1x512x128xf32>
    %get3A_263 = vector.shape_cast %get3A_262 : vector<1x1x512x128xf32> to vector<512x128xf32>
    %convert_element_type3A_264 = arith.truncf %get3A_263 : vector<512x128xf32> to vector<512x128xbf16>
    %dot_general3A_265 = arith.constant dense<0.000000e+00> : vector<512x514xf32>
    %dot_general3A_266 = tpu.matmul %convert_element_type3A_264, %get3A_14, %dot_general3A_265 {dimension_numbers = #tpu.dot_dimension_numbers<[1], [0], [0], [1], [0, 0, 1, 1], [], []>, transpose_lhs_hint = false} : vector<512x128xbf16>, vector<128x514xbf16>, vector<512x514xf32> -> vector<512x514xf32>
    %add3A_267 = arith.addf %add3A_11, %dot_general3A_266 : vector<512x514xf32>
    %get3A_268 = arith.constant 0 : index
    %get3A_269 = arith.constant 0 : index
    %get3A_270 = arith.constant 5 : index
    %get3A_271 = vector.load %arg3[%get3A_268, %get3A_269, %get3A_270] : memref<1x512x16xf32, #tpu.memory_space<vmem>>, vector<1x512x1xf32>
    %get3A_272 = vector.shape_cast %get3A_271 : vector<1x512x1xf32> to vector<512x1xf32>
    %mul3A_273 = vector.broadcast %get3A_272 : vector<512x1xf32> to vector<512x514xf32>
    %mul3A_274 = vector.broadcast %get3A_17 : vector<1x514xf32> to vector<512x514xf32>
    %mul3A_275 = arith.mulf %mul3A_273, %mul3A_274 : vector<512x514xf32>
    %add3A_276 = arith.addf %add3A_267, %mul3A_275 : vector<512x514xf32>
    %mul3A_277 = arith.constant 5.000000e-01 : f32
    %mul3A_278 = vector.broadcast %mul3A_277 : f32 to vector<512x514xf32>
    %mul3A_279 = arith.mulf %mul3A_278, %add3A_276 : vector<512x514xf32>
    %mul3A_280 = arith.constant 5.000000e-01 : f32
    %mul3A_281 = vector.broadcast %mul3A_280 : f32 to vector<512x514xf32>
    %mul3A_282 = arith.mulf %mul3A_281, %add3A_276 : vector<512x514xf32>
    %tanh3A_283 = math.tanh %mul3A_282 : vector<512x514xf32>
    %add3A_284 = arith.constant 1.000000e+00 : f32
    %add3A_285 = vector.broadcast %add3A_284 : f32 to vector<512x514xf32>
    %add3A_286 = arith.addf %tanh3A_283, %add3A_285 : vector<512x514xf32>
    %mul3A_287 = arith.mulf %mul3A_279, %add3A_286 : vector<512x514xf32>
    %convert_element_type3A_288 = arith.truncf %mul3A_287 : vector<512x514xf32> to vector<512x514xbf16>
    %dot_general3A_289 = arith.constant dense<0.000000e+00> : vector<512x64xf32>
    %dot_general3A_290 = tpu.matmul %convert_element_type3A_288, %get3A_20, %dot_general3A_289 {dimension_numbers = #tpu.dot_dimension_numbers<[1], [0], [0], [1], [0, 0, 1, 1], [], []>, transpose_lhs_hint = false} : vector<512x514xbf16>, vector<514x64xbf16>, vector<512x64xf32> -> vector<512x64xf32>
    %add3A_291 = vector.broadcast %get3A_23 : vector<1x64xf32> to vector<512x64xf32>
    %add3A_292 = arith.addf %dot_general3A_290, %add3A_291 : vector<512x64xf32>
    %mul3A_293 = arith.constant 5.000000e-01 : f32
    %mul3A_294 = vector.broadcast %mul3A_293 : f32 to vector<512x64xf32>
    %mul3A_295 = arith.mulf %mul3A_294, %add3A_292 : vector<512x64xf32>
    %mul3A_296 = arith.constant 5.000000e-01 : f32
    %mul3A_297 = vector.broadcast %mul3A_296 : f32 to vector<512x64xf32>
    %mul3A_298 = arith.mulf %mul3A_297, %add3A_292 : vector<512x64xf32>
    %tanh3A_299 = math.tanh %mul3A_298 : vector<512x64xf32>
    %add3A_300 = arith.constant 1.000000e+00 : f32
    %add3A_301 = vector.broadcast %add3A_300 : f32 to vector<512x64xf32>
    %add3A_302 = arith.addf %tanh3A_299, %add3A_301 : vector<512x64xf32>
    %mul3A_303 = arith.mulf %mul3A_295, %add3A_302 : vector<512x64xf32>
    %add3A_304 = arith.addf %add3A_257, %mul3A_303 : vector<512x64xf32>
    %get3A_305 = arith.constant 0 : index
    %get3A_306 = arith.constant 6 : index
    %get3A_307 = arith.constant 0 : index
    %get3A_308 = arith.constant 0 : index
    %get3A_309 = vector.load %arg2[%get3A_305, %get3A_306, %get3A_307, %get3A_308] : memref<1x10x512x128xf32, #tpu.memory_space<vmem>>, vector<1x1x512x128xf32>
    %get3A_310 = vector.shape_cast %get3A_309 : vector<1x1x512x128xf32> to vector<512x128xf32>
    %convert_element_type3A_311 = arith.truncf %get3A_310 : vector<512x128xf32> to vector<512x128xbf16>
    %dot_general3A_312 = arith.constant dense<0.000000e+00> : vector<512x514xf32>
    %dot_general3A_313 = tpu.matmul %convert_element_type3A_311, %get3A_14, %dot_general3A_312 {dimension_numbers = #tpu.dot_dimension_numbers<[1], [0], [0], [1], [0, 0, 1, 1], [], []>, transpose_lhs_hint = false} : vector<512x128xbf16>, vector<128x514xbf16>, vector<512x514xf32> -> vector<512x514xf32>
    %add3A_314 = arith.addf %add3A_11, %dot_general3A_313 : vector<512x514xf32>
    %get3A_315 = arith.constant 0 : index
    %get3A_316 = arith.constant 0 : index
    %get3A_317 = arith.constant 6 : index
    %get3A_318 = vector.load %arg3[%get3A_315, %get3A_316, %get3A_317] : memref<1x512x16xf32, #tpu.memory_space<vmem>>, vector<1x512x1xf32>
    %get3A_319 = vector.shape_cast %get3A_318 : vector<1x512x1xf32> to vector<512x1xf32>
    %mul3A_320 = vector.broadcast %get3A_319 : vector<512x1xf32> to vector<512x514xf32>
    %mul3A_321 = vector.broadcast %get3A_17 : vector<1x514xf32> to vector<512x514xf32>
    %mul3A_322 = arith.mulf %mul3A_320, %mul3A_321 : vector<512x514xf32>
    %add3A_323 = arith.addf %add3A_314, %mul3A_322 : vector<512x514xf32>
    %mul3A_324 = arith.constant 5.000000e-01 : f32
    %mul3A_325 = vector.broadcast %mul3A_324 : f32 to vector<512x514xf32>
    %mul3A_326 = arith.mulf %mul3A_325, %add3A_323 : vector<512x514xf32>
    %mul3A_327 = arith.constant 5.000000e-01 : f32
    %mul3A_328 = vector.broadcast %mul3A_327 : f32 to vector<512x514xf32>
    %mul3A_329 = arith.mulf %mul3A_328, %add3A_323 : vector<512x514xf32>
    %tanh3A_330 = math.tanh %mul3A_329 : vector<512x514xf32>
    %add3A_331 = arith.constant 1.000000e+00 : f32
    %add3A_332 = vector.broadcast %add3A_331 : f32 to vector<512x514xf32>
    %add3A_333 = arith.addf %tanh3A_330, %add3A_332 : vector<512x514xf32>
    %mul3A_334 = arith.mulf %mul3A_326, %add3A_333 : vector<512x514xf32>
    %convert_element_type3A_335 = arith.truncf %mul3A_334 : vector<512x514xf32> to vector<512x514xbf16>
    %dot_general3A_336 = arith.constant dense<0.000000e+00> : vector<512x64xf32>
    %dot_general3A_337 = tpu.matmul %convert_element_type3A_335, %get3A_20, %dot_general3A_336 {dimension_numbers = #tpu.dot_dimension_numbers<[1], [0], [0], [1], [0, 0, 1, 1], [], []>, transpose_lhs_hint = false} : vector<512x514xbf16>, vector<514x64xbf16>, vector<512x64xf32> -> vector<512x64xf32>
    %add3A_338 = vector.broadcast %get3A_23 : vector<1x64xf32> to vector<512x64xf32>
    %add3A_339 = arith.addf %dot_general3A_337, %add3A_338 : vector<512x64xf32>
    %mul3A_340 = arith.constant 5.000000e-01 : f32
    %mul3A_341 = vector.broadcast %mul3A_340 : f32 to vector<512x64xf32>
    %mul3A_342 = arith.mulf %mul3A_341, %add3A_339 : vector<512x64xf32>
    %mul3A_343 = arith.constant 5.000000e-01 : f32
    %mul3A_344 = vector.broadcast %mul3A_343 : f32 to vector<512x64xf32>
    %mul3A_345 = arith.mulf %mul3A_344, %add3A_339 : vector<512x64xf32>
    %tanh3A_346 = math.tanh %mul3A_345 : vector<512x64xf32>
    %add3A_347 = arith.constant 1.000000e+00 : f32
    %add3A_348 = vector.broadcast %add3A_347 : f32 to vector<512x64xf32>
    %add3A_349 = arith.addf %tanh3A_346, %add3A_348 : vector<512x64xf32>
    %mul3A_350 = arith.mulf %mul3A_342, %add3A_349 : vector<512x64xf32>
    %add3A_351 = arith.addf %add3A_304, %mul3A_350 : vector<512x64xf32>
    %get3A_352 = arith.constant 0 : index
    %get3A_353 = arith.constant 7 : index
    %get3A_354 = arith.constant 0 : index
    %get3A_355 = arith.constant 0 : index
    %get3A_356 = vector.load %arg2[%get3A_352, %get3A_353, %get3A_354, %get3A_355] : memref<1x10x512x128xf32, #tpu.memory_space<vmem>>, vector<1x1x512x128xf32>
    %get3A_357 = vector.shape_cast %get3A_356 : vector<1x1x512x128xf32> to vector<512x128xf32>
    %convert_element_type3A_358 = arith.truncf %get3A_357 : vector<512x128xf32> to vector<512x128xbf16>
    %dot_general3A_359 = arith.constant dense<0.000000e+00> : vector<512x514xf32>
    %dot_general3A_360 = tpu.matmul %convert_element_type3A_358, %get3A_14, %dot_general3A_359 {dimension_numbers = #tpu.dot_dimension_numbers<[1], [0], [0], [1], [0, 0, 1, 1], [], []>, transpose_lhs_hint = false} : vector<512x128xbf16>, vector<128x514xbf16>, vector<512x514xf32> -> vector<512x514xf32>
    %add3A_361 = arith.addf %add3A_11, %dot_general3A_360 : vector<512x514xf32>
    %get3A_362 = arith.constant 0 : index
    %get3A_363 = arith.constant 0 : index
    %get3A_364 = arith.constant 7 : index
    %get3A_365 = vector.load %arg3[%get3A_362, %get3A_363, %get3A_364] : memref<1x512x16xf32, #tpu.memory_space<vmem>>, vector<1x512x1xf32>
    %get3A_366 = vector.shape_cast %get3A_365 : vector<1x512x1xf32> to vector<512x1xf32>
    %mul3A_367 = vector.broadcast %get3A_366 : vector<512x1xf32> to vector<512x514xf32>
    %mul3A_368 = vector.broadcast %get3A_17 : vector<1x514xf32> to vector<512x514xf32>
    %mul3A_369 = arith.mulf %mul3A_367, %mul3A_368 : vector<512x514xf32>
    %add3A_370 = arith.addf %add3A_361, %mul3A_369 : vector<512x514xf32>
    %mul3A_371 = arith.constant 5.000000e-01 : f32
    %mul3A_372 = vector.broadcast %mul3A_371 : f32 to vector<512x514xf32>
    %mul3A_373 = arith.mulf %mul3A_372, %add3A_370 : vector<512x514xf32>
    %mul3A_374 = arith.constant 5.000000e-01 : f32
    %mul3A_375 = vector.broadcast %mul3A_374 : f32 to vector<512x514xf32>
    %mul3A_376 = arith.mulf %mul3A_375, %add3A_370 : vector<512x514xf32>
    %tanh3A_377 = math.tanh %mul3A_376 : vector<512x514xf32>
    %add3A_378 = arith.constant 1.000000e+00 : f32
    %add3A_379 = vector.broadcast %add3A_378 : f32 to vector<512x514xf32>
    %add3A_380 = arith.addf %tanh3A_377, %add3A_379 : vector<512x514xf32>
    %mul3A_381 = arith.mulf %mul3A_373, %add3A_380 : vector<512x514xf32>
    %convert_element_type3A_382 = arith.truncf %mul3A_381 : vector<512x514xf32> to vector<512x514xbf16>
    %dot_general3A_383 = arith.constant dense<0.000000e+00> : vector<512x64xf32>
    %dot_general3A_384 = tpu.matmul %convert_element_type3A_382, %get3A_20, %dot_general3A_383 {dimension_numbers = #tpu.dot_dimension_numbers<[1], [0], [0], [1], [0, 0, 1, 1], [], []>, transpose_lhs_hint = false} : vector<512x514xbf16>, vector<514x64xbf16>, vector<512x64xf32> -> vector<512x64xf32>
    %add3A_385 = vector.broadcast %get3A_23 : vector<1x64xf32> to vector<512x64xf32>
    %add3A_386 = arith.addf %dot_general3A_384, %add3A_385 : vector<512x64xf32>
    %mul3A_387 = arith.constant 5.000000e-01 : f32
    %mul3A_388 = vector.broadcast %mul3A_387 : f32 to vector<512x64xf32>
    %mul3A_389 = arith.mulf %mul3A_388, %add3A_386 : vector<512x64xf32>
    %mul3A_390 = arith.constant 5.000000e-01 : f32
    %mul3A_391 = vector.broadcast %mul3A_390 : f32 to vector<512x64xf32>
    %mul3A_392 = arith.mulf %mul3A_391, %add3A_386 : vector<512x64xf32>
    %tanh3A_393 = math.tanh %mul3A_392 : vector<512x64xf32>
    %add3A_394 = arith.constant 1.000000e+00 : f32
    %add3A_395 = vector.broadcast %add3A_394 : f32 to vector<512x64xf32>
    %add3A_396 = arith.addf %tanh3A_393, %add3A_395 : vector<512x64xf32>
    %mul3A_397 = arith.mulf %mul3A_389, %add3A_396 : vector<512x64xf32>
    %add3A_398 = arith.addf %add3A_351, %mul3A_397 : vector<512x64xf32>
    %get3A_399 = arith.constant 0 : index
    %get3A_400 = arith.constant 8 : index
    %get3A_401 = arith.constant 0 : index
    %get3A_402 = arith.constant 0 : index
    %get3A_403 = vector.load %arg2[%get3A_399, %get3A_400, %get3A_401, %get3A_402] : memref<1x10x512x128xf32, #tpu.memory_space<vmem>>, vector<1x1x512x128xf32>
    %get3A_404 = vector.shape_cast %get3A_403 : vector<1x1x512x128xf32> to vector<512x128xf32>
    %convert_element_type3A_405 = arith.truncf %get3A_404 : vector<512x128xf32> to vector<512x128xbf16>
    %dot_general3A_406 = arith.constant dense<0.000000e+00> : vector<512x514xf32>
    %dot_general3A_407 = tpu.matmul %convert_element_type3A_405, %get3A_14, %dot_general3A_406 {dimension_numbers = #tpu.dot_dimension_numbers<[1], [0], [0], [1], [0, 0, 1, 1], [], []>, transpose_lhs_hint = false} : vector<512x128xbf16>, vector<128x514xbf16>, vector<512x514xf32> -> vector<512x514xf32>
    %add3A_408 = arith.addf %add3A_11, %dot_general3A_407 : vector<512x514xf32>
    %get3A_409 = arith.constant 0 : index
    %get3A_410 = arith.constant 0 : index
    %get3A_411 = arith.constant 8 : index
    %get3A_412 = vector.load %arg3[%get3A_409, %get3A_410, %get3A_411] : memref<1x512x16xf32, #tpu.memory_space<vmem>>, vector<1x512x1xf32>
    %get3A_413 = vector.shape_cast %get3A_412 : vector<1x512x1xf32> to vector<512x1xf32>
    %mul3A_414 = vector.broadcast %get3A_413 : vector<512x1xf32> to vector<512x514xf32>
    %mul3A_415 = vector.broadcast %get3A_17 : vector<1x514xf32> to vector<512x514xf32>
    %mul3A_416 = arith.mulf %mul3A_414, %mul3A_415 : vector<512x514xf32>
    %add3A_417 = arith.addf %add3A_408, %mul3A_416 : vector<512x514xf32>
    %mul3A_418 = arith.constant 5.000000e-01 : f32
    %mul3A_419 = vector.broadcast %mul3A_418 : f32 to vector<512x514xf32>
    %mul3A_420 = arith.mulf %mul3A_419, %add3A_417 : vector<512x514xf32>
    %mul3A_421 = arith.constant 5.000000e-01 : f32
    %mul3A_422 = vector.broadcast %mul3A_421 : f32 to vector<512x514xf32>
    %mul3A_423 = arith.mulf %mul3A_422, %add3A_417 : vector<512x514xf32>
    %tanh3A_424 = math.tanh %mul3A_423 : vector<512x514xf32>
    %add3A_425 = arith.constant 1.000000e+00 : f32
    %add3A_426 = vector.broadcast %add3A_425 : f32 to vector<512x514xf32>
    %add3A_427 = arith.addf %tanh3A_424, %add3A_426 : vector<512x514xf32>
    %mul3A_428 = arith.mulf %mul3A_420, %add3A_427 : vector<512x514xf32>
    %convert_element_type3A_429 = arith.truncf %mul3A_428 : vector<512x514xf32> to vector<512x514xbf16>
    %dot_general3A_430 = arith.constant dense<0.000000e+00> : vector<512x64xf32>
    %dot_general3A_431 = tpu.matmul %convert_element_type3A_429, %get3A_20, %dot_general3A_430 {dimension_numbers = #tpu.dot_dimension_numbers<[1], [0], [0], [1], [0, 0, 1, 1], [], []>, transpose_lhs_hint = false} : vector<512x514xbf16>, vector<514x64xbf16>, vector<512x64xf32> -> vector<512x64xf32>
    %add3A_432 = vector.broadcast %get3A_23 : vector<1x64xf32> to vector<512x64xf32>
    %add3A_433 = arith.addf %dot_general3A_431, %add3A_432 : vector<512x64xf32>
    %mul3A_434 = arith.constant 5.000000e-01 : f32
    %mul3A_435 = vector.broadcast %mul3A_434 : f32 to vector<512x64xf32>
    %mul3A_436 = arith.mulf %mul3A_435, %add3A_433 : vector<512x64xf32>
    %mul3A_437 = arith.constant 5.000000e-01 : f32
    %mul3A_438 = vector.broadcast %mul3A_437 : f32 to vector<512x64xf32>
    %mul3A_439 = arith.mulf %mul3A_438, %add3A_433 : vector<512x64xf32>
    %tanh3A_440 = math.tanh %mul3A_439 : vector<512x64xf32>
    %add3A_441 = arith.constant 1.000000e+00 : f32
    %add3A_442 = vector.broadcast %add3A_441 : f32 to vector<512x64xf32>
    %add3A_443 = arith.addf %tanh3A_440, %add3A_442 : vector<512x64xf32>
    %mul3A_444 = arith.mulf %mul3A_436, %add3A_443 : vector<512x64xf32>
    %add3A_445 = arith.addf %add3A_398, %mul3A_444 : vector<512x64xf32>
    %get3A_446 = arith.constant 0 : index
    %get3A_447 = arith.constant 9 : index
    %get3A_448 = arith.constant 0 : index
    %get3A_449 = arith.constant 0 : index
    %get3A_450 = vector.load %arg2[%get3A_446, %get3A_447, %get3A_448, %get3A_449] : memref<1x10x512x128xf32, #tpu.memory_space<vmem>>, vector<1x1x512x128xf32>
    %get3A_451 = vector.shape_cast %get3A_450 : vector<1x1x512x128xf32> to vector<512x128xf32>
    %convert_element_type3A_452 = arith.truncf %get3A_451 : vector<512x128xf32> to vector<512x128xbf16>
    %dot_general3A_453 = arith.constant dense<0.000000e+00> : vector<512x514xf32>
    %dot_general3A_454 = tpu.matmul %convert_element_type3A_452, %get3A_14, %dot_general3A_453 {dimension_numbers = #tpu.dot_dimension_numbers<[1], [0], [0], [1], [0, 0, 1, 1], [], []>, transpose_lhs_hint = false} : vector<512x128xbf16>, vector<128x514xbf16>, vector<512x514xf32> -> vector<512x514xf32>
    %add3A_455 = arith.addf %add3A_11, %dot_general3A_454 : vector<512x514xf32>
    %get3A_456 = arith.constant 0 : index
    %get3A_457 = arith.constant 0 : index
    %get3A_458 = arith.constant 9 : index
    %get3A_459 = vector.load %arg3[%get3A_456, %get3A_457, %get3A_458] : memref<1x512x16xf32, #tpu.memory_space<vmem>>, vector<1x512x1xf32>
    %get3A_460 = vector.shape_cast %get3A_459 : vector<1x512x1xf32> to vector<512x1xf32>
    %mul3A_461 = vector.broadcast %get3A_460 : vector<512x1xf32> to vector<512x514xf32>
    %mul3A_462 = vector.broadcast %get3A_17 : vector<1x514xf32> to vector<512x514xf32>
    %mul3A_463 = arith.mulf %mul3A_461, %mul3A_462 : vector<512x514xf32>
    %add3A_464 = arith.addf %add3A_455, %mul3A_463 : vector<512x514xf32>
    %mul3A_465 = arith.constant 5.000000e-01 : f32
    %mul3A_466 = vector.broadcast %mul3A_465 : f32 to vector<512x514xf32>
    %mul3A_467 = arith.mulf %mul3A_466, %add3A_464 : vector<512x514xf32>
    %mul3A_468 = arith.constant 5.000000e-01 : f32
    %mul3A_469 = vector.broadcast %mul3A_468 : f32 to vector<512x514xf32>
    %mul3A_470 = arith.mulf %mul3A_469, %add3A_464 : vector<512x514xf32>
    %tanh3A_471 = math.tanh %mul3A_470 : vector<512x514xf32>
    %add3A_472 = arith.constant 1.000000e+00 : f32
    %add3A_473 = vector.broadcast %add3A_472 : f32 to vector<512x514xf32>
    %add3A_474 = arith.addf %tanh3A_471, %add3A_473 : vector<512x514xf32>
    %mul3A_475 = arith.mulf %mul3A_467, %add3A_474 : vector<512x514xf32>
    %convert_element_type3A_476 = arith.truncf %mul3A_475 : vector<512x514xf32> to vector<512x514xbf16>
    %dot_general3A_477 = arith.constant dense<0.000000e+00> : vector<512x64xf32>
    %dot_general3A_478 = tpu.matmul %convert_element_type3A_476, %get3A_20, %dot_general3A_477 {dimension_numbers = #tpu.dot_dimension_numbers<[1], [0], [0], [1], [0, 0, 1, 1], [], []>, transpose_lhs_hint = false} : vector<512x514xbf16>, vector<514x64xbf16>, vector<512x64xf32> -> vector<512x64xf32>
    %add3A_479 = vector.broadcast %get3A_23 : vector<1x64xf32> to vector<512x64xf32>
    %add3A_480 = arith.addf %dot_general3A_478, %add3A_479 : vector<512x64xf32>
    %mul3A_481 = arith.constant 5.000000e-01 : f32
    %mul3A_482 = vector.broadcast %mul3A_481 : f32 to vector<512x64xf32>
    %mul3A_483 = arith.mulf %mul3A_482, %add3A_480 : vector<512x64xf32>
    %mul3A_484 = arith.constant 5.000000e-01 : f32
    %mul3A_485 = vector.broadcast %mul3A_484 : f32 to vector<512x64xf32>
    %mul3A_486 = arith.mulf %mul3A_485, %add3A_480 : vector<512x64xf32>
    %tanh3A_487 = math.tanh %mul3A_486 : vector<512x64xf32>
    %add3A_488 = arith.constant 1.000000e+00 : f32
    %add3A_489 = vector.broadcast %add3A_488 : f32 to vector<512x64xf32>
    %add3A_490 = arith.addf %tanh3A_487, %add3A_489 : vector<512x64xf32>
    %mul3A_491 = arith.mulf %mul3A_483, %add3A_490 : vector<512x64xf32>
    %add3A_492 = arith.addf %add3A_445, %mul3A_491 : vector<512x64xf32>
    %get3A_493 = arith.constant 0 : index
    %get3A_494 = arith.constant 0 : index
    %get3A_495 = vector.load %arg10[%get3A_493, %get3A_494] : memref<128x256xbf16, #tpu.memory_space<vmem>>, vector<128x256xbf16>
    %dot_general3A_496 = arith.constant dense<0.000000e+00> : vector<512x256xf32>
    %dot_general3A_497 = tpu.matmul %convert_element_type3A, %get3A_495, %dot_general3A_496 {dimension_numbers = #tpu.dot_dimension_numbers<[1], [0], [0], [1], [0, 0, 1, 1], [], []>, transpose_lhs_hint = false} : vector<512x128xbf16>, vector<128x256xbf16>, vector<512x256xf32> -> vector<512x256xf32>
    %convert_element_type3A_498 = arith.truncf %add3A_492 : vector<512x64xf32> to vector<512x64xbf16>
    %get3A_499 = arith.constant 0 : index
    %get3A_500 = arith.constant 0 : index
    %get3A_501 = vector.load %arg11[%get3A_499, %get3A_500] : memref<64x256xbf16, #tpu.memory_space<vmem>>, vector<64x256xbf16>
    %dot_general3A_502 = arith.constant dense<0.000000e+00> : vector<512x256xf32>
    %dot_general3A_503 = tpu.matmul %convert_element_type3A_498, %get3A_501, %dot_general3A_502 {dimension_numbers = #tpu.dot_dimension_numbers<[1], [0], [0], [1], [0, 0, 1, 1], [], []>, transpose_lhs_hint = false} : vector<512x64xbf16>, vector<64x256xbf16>, vector<512x256xf32> -> vector<512x256xf32>
    %add3A_504 = arith.addf %dot_general3A_497, %dot_general3A_503 : vector<512x256xf32>
    %get3A_505 = arith.constant 0 : index
    %get3A_506 = arith.constant 0 : index
    %get3A_507 = vector.load %arg12[%get3A_505, %get3A_506] : memref<1x256xf32, #tpu.memory_space<vmem>>, vector<1x256xf32>
    %add3A_508 = vector.broadcast %get3A_507 : vector<1x256xf32> to vector<512x256xf32>
    %add3A_509 = arith.addf %add3A_504, %add3A_508 : vector<512x256xf32>
    %mul3A_510 = arith.constant 5.000000e-01 : f32
    %mul3A_511 = vector.broadcast %mul3A_510 : f32 to vector<512x256xf32>
    %mul3A_512 = arith.mulf %mul3A_511, %add3A_509 : vector<512x256xf32>
    %mul3A_513 = arith.constant 5.000000e-01 : f32
    %mul3A_514 = vector.broadcast %mul3A_513 : f32 to vector<512x256xf32>
    %mul3A_515 = arith.mulf %mul3A_514, %add3A_509 : vector<512x256xf32>
    %tanh3A_516 = math.tanh %mul3A_515 : vector<512x256xf32>
    %add3A_517 = arith.constant 1.000000e+00 : f32
    %add3A_518 = vector.broadcast %add3A_517 : f32 to vector<512x256xf32>
    %add3A_519 = arith.addf %tanh3A_516, %add3A_518 : vector<512x256xf32>
    %mul3A_520 = arith.mulf %mul3A_512, %add3A_519 : vector<512x256xf32>
    %convert_element_type3A_521 = arith.truncf %mul3A_520 : vector<512x256xf32> to vector<512x256xbf16>
    %get3A_522 = arith.constant 0 : index
    %get3A_523 = arith.constant 0 : index
    %get3A_524 = vector.load %arg13[%get3A_522, %get3A_523] : memref<256x128xbf16, #tpu.memory_space<vmem>>, vector<256x128xbf16>
    %dot_general3A_525 = arith.constant dense<0.000000e+00> : vector<512x128xf32>
    %dot_general3A_526 = tpu.matmul %convert_element_type3A_521, %get3A_524, %dot_general3A_525 {dimension_numbers = #tpu.dot_dimension_numbers<[1], [0], [0], [1], [0, 0, 1, 1], [], []>, transpose_lhs_hint = false} : vector<512x256xbf16>, vector<256x128xbf16>, vector<512x128xf32> -> vector<512x128xf32>
    %get3A_527 = arith.constant 0 : index
    %get3A_528 = arith.constant 0 : index
    %get3A_529 = vector.load %arg14[%get3A_527, %get3A_528] : memref<1x128xf32, #tpu.memory_space<vmem>>, vector<1x128xf32>
    %add3A_530 = vector.broadcast %get3A_529 : vector<1x128xf32> to vector<512x128xf32>
    %add3A_531 = arith.addf %dot_general3A_526, %add3A_530 : vector<512x128xf32>
    %add3A_532 = arith.addf %add3A_531, %get3A_3 : vector<512x128xf32>
    %swap3A = arith.constant 0 : index
    %swap3A_533 = arith.constant 0 : index
    %swap3A_534 = arith.constant 0 : index
    %swap3A_535 = vector.load %arg15[%swap3A, %swap3A_533, %swap3A_534] : memref<1x512x128xf32, #tpu.memory_space<vmem>>, vector<1x512x128xf32>
    %swap3A_536 = vector.shape_cast %swap3A_535 : vector<1x512x128xf32> to vector<512x128xf32>
    %swap3A_537 = vector.shape_cast %add3A_532 : vector<512x128xf32> to vector<1x512x128xf32>
    tpu.vector_store %arg15[%swap3A, %swap3A_533, %swap3A_534], %swap3A_537 {strides = array<i32>} : memref<1x512x128xf32, #tpu.memory_space<vmem>>, vector<1x512x128xf32>,
    return
  }
  func.func @transform_0(%arg0: i32) -> (i32, i32, i32) {
    %c0_i32 = arith.constant 0 : i32
    %c0_i32_0 = arith.constant 0 : i32
    %c0_i32_1 = arith.constant 0 : i32
    return %c0_i32, %arg0, %c0_i32_0 : i32, i32, i32
  }
  func.func @transform_1(%arg0: i32) -> (i32, i32, i32, i32) {
    %c0_i32 = arith.constant 0 : i32
    %c0_i32_0 = arith.constant 0 : i32
    %c0_i32_1 = arith.constant 0 : i32
    %c0_i32_2 = arith.constant 0 : i32
    return %c0_i32, %c0_i32_0, %arg0, %c0_i32_1 : i32, i32, i32, i32
  }
  func.func @transform_2(%arg0: i32) -> (i32, i32, i32) {
    %c0_i32 = arith.constant 0 : i32
    %c0_i32_0 = arith.constant 0 : i32
    %c0_i32_1 = arith.constant 0 : i32
    return %c0_i32, %arg0, %c0_i32_0 : i32, i32, i32
  }
  func.func @transform_3(%arg0: i32) -> (i32, i32) {
    %c0_i32 = arith.constant 0 : i32
    %c0_i32_0 = arith.constant 0 : i32
    %c0_i32_1 = arith.constant 0 : i32
    return %c0_i32, %c0_i32_0 : i32, i32
  }
  func.func @transform_4(%arg0: i32) -> (i32, i32) {
    %c0_i32 = arith.constant 0 : i32
    %c0_i32_0 = arith.constant 0 : i32
    %c0_i32_1 = arith.constant 0 : i32
    return %c0_i32, %c0_i32_0 : i32, i32
  }
  func.func @transform_5(%arg0: i32) -> (i32, i32) {
    %c0_i32 = arith.constant 0 : i32
    %c0_i32_0 = arith.constant 0 : i32
    %c0_i32_1 = arith.constant 0 : i32
    return %c0_i32, %c0_i32_0 : i32, i32
  }
  func.func @transform_6(%arg0: i32) -> (i32, i32) {
    %c0_i32 = arith.constant 0 : i32
    %c0_i32_0 = arith.constant 0 : i32
    %c0_i32_1 = arith.constant 0 : i32
    return %c0_i32, %c0_i32_0 : i32, i32
  }
  func.func @transform_7(%arg0: i32) -> (i32, i32) {
    %c0_i32 = arith.constant 0 : i32
    %c0_i32_0 = arith.constant 0 : i32
    %c0_i32_1 = arith.constant 0 : i32
    return %c0_i32, %c0_i32_0 : i32, i32
  }
  func.func @transform_8(%arg0: i32) -> (i32, i32) {
    %c0_i32 = arith.constant 0 : i32
    %c0_i32_0 = arith.constant 0 : i32
    %c0_i32_1 = arith.constant 0 : i32
    return %c0_i32, %c0_i32_0 : i32, i32
  }
  func.func @transform_9(%arg0: i32) -> (i32, i32) {
    %c0_i32 = arith.constant 0 : i32
    %c0_i32_0 = arith.constant 0 : i32
    %c0_i32_1 = arith.constant 0 : i32
    return %c0_i32, %c0_i32_0 : i32, i32
  }
  func.func @transform_10(%arg0: i32) -> (i32, i32) {
    %c0_i32 = arith.constant 0 : i32
    %c0_i32_0 = arith.constant 0 : i32
    %c0_i32_1 = arith.constant 0 : i32
    return %c0_i32, %c0_i32_0 : i32, i32
  }
  func.func @transform_11(%arg0: i32) -> (i32, i32) {
    %c0_i32 = arith.constant 0 : i32
    %c0_i32_0 = arith.constant 0 : i32
    %c0_i32_1 = arith.constant 0 : i32
    return %c0_i32, %c0_i32_0 : i32, i32
  }
  func.func @transform_12(%arg0: i32) -> (i32, i32) {
    %c0_i32 = arith.constant 0 : i32
    %c0_i32_0 = arith.constant 0 : i32
    %c0_i32_1 = arith.constant 0 : i32
    return %c0_i32, %c0_i32_0 : i32, i32
  }
  func.func @transform_13(%arg0: i32) -> (i32, i32) {
    %c0_i32 = arith.constant 0 : i32
    %c0_i32_0 = arith.constant 0 : i32
    %c0_i32_1 = arith.constant 0 : i32
    return %c0_i32, %c0_i32_0 : i32, i32
  }
  func.func @transform_14(%arg0: i32) -> (i32, i32, i32) {
    %c0_i32 = arith.constant 0 : i32
    %c0_i32_0 = arith.constant 0 : i32
    %c0_i32_1 = arith.constant 0 : i32
    return %c0_i32, %arg0, %c0_i32_0 : i32, i32, i32
  }
}

module attributes {stable_mosaic.version = 14 : i64} {
  func.func @_layer_body(%arg0: i32, %arg1: memref<1x512x128xf32, #tpu.memory_space<vmem>>, %arg2: memref<1x10x512x128xf32, #tpu.memory_space<vmem>>, %arg3: memref<1x512x16xf32, #tpu.memory_space<vmem>>, %arg4: memref<128x514xbf16, #tpu.memory_space<vmem>>, %arg5: memref<128x514xbf16, #tpu.memory_space<vmem>>, %arg6: memref<1x514xf32, #tpu.memory_space<vmem>>, %arg7: memref<1x514xf32, #tpu.memory_space<vmem>>, %arg8: memref<514x64xbf16, #tpu.memory_space<vmem>>, %arg9: memref<1x64xf32, #tpu.memory_space<vmem>>, %arg10: memref<128x256xbf16, #tpu.memory_space<vmem>>, %arg11: memref<64x256xbf16, #tpu.memory_space<vmem>>, %arg12: memref<1x256xf32, #tpu.memory_space<vmem>>, %arg13: memref<256x128xbf16, #tpu.memory_space<vmem>>, %arg14: memref<1x128xf32, #tpu.memory_space<vmem>>, %arg15: memref<1x128xf32, #tpu.memory_space<vmem>>, %arg16: memref<1x128xf32, #tpu.memory_space<vmem>>, %arg17: memref<1x512x128xf32, #tpu.memory_space<vmem>>) attributes {dimension_semantics = [#tpu.dimension_semantics<arbitrary>], iteration_bounds = array<i64: 4>, scalar_prefetch = 0 : i64, scratch_operands = 0 : i64, tpu.core_type = #tpu.core_type<tc>, window_params = [{transform_indices = @transform_0, window_bounds = array<i64: 1, 512, 128>}, {transform_indices = @transform_1, window_bounds = array<i64: 1, 10, 512, 128>}, {transform_indices = @transform_2, window_bounds = array<i64: 1, 512, 16>}, {pipeline_mode = #tpu.pipeline_mode<synchronous>, transform_indices = @transform_3, window_bounds = array<i64: 128, 514>}, {pipeline_mode = #tpu.pipeline_mode<synchronous>, transform_indices = @transform_4, window_bounds = array<i64: 128, 514>}, {pipeline_mode = #tpu.pipeline_mode<synchronous>, transform_indices = @transform_5, window_bounds = array<i64: 1, 514>}, {pipeline_mode = #tpu.pipeline_mode<synchronous>, transform_indices = @transform_6, window_bounds = array<i64: 1, 514>}, {pipeline_mode = #tpu.pipeline_mode<synchronous>, transform_indices = @transform_7, window_bounds = array<i64: 514, 64>}, {pipeline_mode = #tpu.pipeline_mode<synchronous>, transform_indices = @transform_8, window_bounds = array<i64: 1, 64>}, {pipeline_mode = #tpu.pipeline_mode<synchronous>, transform_indices = @transform_9, window_bounds = array<i64: 128, 256>}, {pipeline_mode = #tpu.pipeline_mode<synchronous>, transform_indices = @transform_10, window_bounds = array<i64: 64, 256>}, {pipeline_mode = #tpu.pipeline_mode<synchronous>, transform_indices = @transform_11, window_bounds = array<i64: 1, 256>}, {pipeline_mode = #tpu.pipeline_mode<synchronous>, transform_indices = @transform_12, window_bounds = array<i64: 256, 128>}, {pipeline_mode = #tpu.pipeline_mode<synchronous>, transform_indices = @transform_13, window_bounds = array<i64: 1, 128>}, {pipeline_mode = #tpu.pipeline_mode<synchronous>, transform_indices = @transform_14, window_bounds = array<i64: 1, 128>}, {pipeline_mode = #tpu.pipeline_mode<synchronous>, transform_indices = @transform_15, window_bounds = array<i64: 1, 128>}, {transform_indices = @transform_16, window_bounds = array<i64: 1, 512, 128>}]} {
    %get3A = arith.constant 0 : index
    %get3A_0 = arith.constant 0 : index
    %get3A_1 = arith.constant 0 : index
    %get3A_2 = vector.load %arg1[%get3A, %get3A_0, %get3A_1] : memref<1x512x128xf32, #tpu.memory_space<vmem>>, vector<1x512x128xf32>
    %get3A_3 = vector.shape_cast %get3A_2 : vector<1x512x128xf32> to vector<512x128xf32>
    %convert_element_type3A = arith.truncf %get3A_3 : vector<512x128xf32> to vector<512x128xbf16>
    %get3A_4 = arith.constant 0 : index
    %get3A_5 = arith.constant 0 : index
    %get3A_6 = vector.load %arg4[%get3A_4, %get3A_5] : memref<128x514xbf16, #tpu.memory_space<vmem>>, vector<128x514xbf16>
    %dot_general3A = arith.constant dense<0.000000e+00> : vector<512x514xf32>
    %dot_general3A_7 = tpu.matmul %convert_element_type3A, %get3A_6, %dot_general3A {dimension_numbers = #tpu.dot_dimension_numbers<[1], [0], [0], [1], [0, 0, 1, 1], [], []>, transpose_lhs_hint = false} : vector<512x128xbf16>, vector<128x514xbf16>, vector<512x514xf32> -> vector<512x514xf32>
    %get3A_8 = arith.constant 0 : index
    %get3A_9 = arith.constant 0 : index
    %get3A_10 = vector.load %arg7[%get3A_8, %get3A_9] : memref<1x514xf32, #tpu.memory_space<vmem>>, vector<1x514xf32>
    %add3A = vector.broadcast %get3A_10 : vector<1x514xf32> to vector<512x514xf32>
    %add3A_11 = arith.addf %dot_general3A_7, %add3A : vector<512x514xf32>
    %get3A_12 = arith.constant 0 : index
    %get3A_13 = arith.constant 0 : index
    %get3A_14 = vector.load %arg5[%get3A_12, %get3A_13] : memref<128x514xbf16, #tpu.memory_space<vmem>>, vector<128x514xbf16>
    %get3A_15 = arith.constant 0 : index
    %get3A_16 = arith.constant 0 : index
    %get3A_17 = vector.load %arg6[%get3A_15, %get3A_16] : memref<1x514xf32, #tpu.memory_space<vmem>>, vector<1x514xf32>
    %get3A_18 = arith.constant 0 : index
    %get3A_19 = arith.constant 0 : index
    %get3A_20 = vector.load %arg8[%get3A_18, %get3A_19] : memref<514x64xbf16, #tpu.memory_space<vmem>>, vector<514x64xbf16>
    %get3A_21 = arith.constant 0 : index
    %get3A_22 = arith.constant 0 : index
    %get3A_23 = vector.load %arg9[%get3A_21, %get3A_22] : memref<1x64xf32, #tpu.memory_space<vmem>>, vector<1x64xf32>
    %broadcast_in_dim3A = arith.constant 0.000000e+00 : f32
    %broadcast_in_dim3A_24 = vector.broadcast %broadcast_in_dim3A : f32 to vector<512x64xf32>
    %get3A_25 = arith.constant 0 : index
    %get3A_26 = arith.constant 0 : index
    %get3A_27 = arith.constant 0 : index
    %get3A_28 = arith.constant 0 : index
    %get3A_29 = vector.load %arg2[%get3A_25, %get3A_26, %get3A_27, %get3A_28] : memref<1x10x512x128xf32, #tpu.memory_space<vmem>>, vector<1x1x512x128xf32>
    %get3A_30 = vector.shape_cast %get3A_29 : vector<1x1x512x128xf32> to vector<512x128xf32>
    %convert_element_type3A_31 = arith.truncf %get3A_30 : vector<512x128xf32> to vector<512x128xbf16>
    %dot_general3A_32 = arith.constant dense<0.000000e+00> : vector<512x514xf32>
    %dot_general3A_33 = tpu.matmul %convert_element_type3A_31, %get3A_14, %dot_general3A_32 {dimension_numbers = #tpu.dot_dimension_numbers<[1], [0], [0], [1], [0, 0, 1, 1], [], []>, transpose_lhs_hint = false} : vector<512x128xbf16>, vector<128x514xbf16>, vector<512x514xf32> -> vector<512x514xf32>
    %add3A_34 = arith.addf %add3A_11, %dot_general3A_33 : vector<512x514xf32>
    %get3A_35 = arith.constant 0 : index
    %get3A_36 = arith.constant 0 : index
    %get3A_37 = arith.constant 0 : index
    %get3A_38 = vector.load %arg3[%get3A_35, %get3A_36, %get3A_37] : memref<1x512x16xf32, #tpu.memory_space<vmem>>, vector<1x512x1xf32>
    %get3A_39 = vector.shape_cast %get3A_38 : vector<1x512x1xf32> to vector<512x1xf32>
    %mul3A = vector.broadcast %get3A_39 : vector<512x1xf32> to vector<512x514xf32>
    %mul3A_40 = vector.broadcast %get3A_17 : vector<1x514xf32> to vector<512x514xf32>
    %mul3A_41 = arith.mulf %mul3A, %mul3A_40 : vector<512x514xf32>
    %add3A_42 = arith.addf %add3A_34, %mul3A_41 : vector<512x514xf32>
    %mul3A_43 = arith.constant 5.000000e-01 : f32
    %mul3A_44 = vector.broadcast %mul3A_43 : f32 to vector<512x514xf32>
    %mul3A_45 = arith.mulf %mul3A_44, %add3A_42 : vector<512x514xf32>
    %mul3A_46 = arith.constant 5.000000e-01 : f32
    %mul3A_47 = vector.broadcast %mul3A_46 : f32 to vector<512x514xf32>
    %mul3A_48 = arith.mulf %mul3A_47, %add3A_42 : vector<512x514xf32>
    %tanh3A = math.tanh %mul3A_48 : vector<512x514xf32>
    %add3A_49 = arith.constant 1.000000e+00 : f32
    %add3A_50 = vector.broadcast %add3A_49 : f32 to vector<512x514xf32>
    %add3A_51 = arith.addf %tanh3A, %add3A_50 : vector<512x514xf32>
    %mul3A_52 = arith.mulf %mul3A_45, %add3A_51 : vector<512x514xf32>
    %convert_element_type3A_53 = arith.truncf %mul3A_52 : vector<512x514xf32> to vector<512x514xbf16>
    %dot_general3A_54 = arith.constant dense<0.000000e+00> : vector<512x64xf32>
    %dot_general3A_55 = tpu.matmul %convert_element_type3A_53, %get3A_20, %dot_general3A_54 {dimension_numbers = #tpu.dot_dimension_numbers<[1], [0], [0], [1], [0, 0, 1, 1], [], []>, transpose_lhs_hint = false} : vector<512x514xbf16>, vector<514x64xbf16>, vector<512x64xf32> -> vector<512x64xf32>
    %add3A_56 = vector.broadcast %get3A_23 : vector<1x64xf32> to vector<512x64xf32>
    %add3A_57 = arith.addf %dot_general3A_55, %add3A_56 : vector<512x64xf32>
    %mul3A_58 = arith.constant 5.000000e-01 : f32
    %mul3A_59 = vector.broadcast %mul3A_58 : f32 to vector<512x64xf32>
    %mul3A_60 = arith.mulf %mul3A_59, %add3A_57 : vector<512x64xf32>
    %mul3A_61 = arith.constant 5.000000e-01 : f32
    %mul3A_62 = vector.broadcast %mul3A_61 : f32 to vector<512x64xf32>
    %mul3A_63 = arith.mulf %mul3A_62, %add3A_57 : vector<512x64xf32>
    %tanh3A_64 = math.tanh %mul3A_63 : vector<512x64xf32>
    %add3A_65 = arith.constant 1.000000e+00 : f32
    %add3A_66 = vector.broadcast %add3A_65 : f32 to vector<512x64xf32>
    %add3A_67 = arith.addf %tanh3A_64, %add3A_66 : vector<512x64xf32>
    %mul3A_68 = arith.mulf %mul3A_60, %add3A_67 : vector<512x64xf32>
    %add3A_69 = arith.addf %broadcast_in_dim3A_24, %mul3A_68 : vector<512x64xf32>
    %get3A_70 = arith.constant 0 : index
    %get3A_71 = arith.constant 1 : index
    %get3A_72 = arith.constant 0 : index
    %get3A_73 = arith.constant 0 : index
    %get3A_74 = vector.load %arg2[%get3A_70, %get3A_71, %get3A_72, %get3A_73] : memref<1x10x512x128xf32, #tpu.memory_space<vmem>>, vector<1x1x512x128xf32>
    %get3A_75 = vector.shape_cast %get3A_74 : vector<1x1x512x128xf32> to vector<512x128xf32>
    %convert_element_type3A_76 = arith.truncf %get3A_75 : vector<512x128xf32> to vector<512x128xbf16>
    %dot_general3A_77 = arith.constant dense<0.000000e+00> : vector<512x514xf32>
    %dot_general3A_78 = tpu.matmul %convert_element_type3A_76, %get3A_14, %dot_general3A_77 {dimension_numbers = #tpu.dot_dimension_numbers<[1], [0], [0], [1], [0, 0, 1, 1], [], []>, transpose_lhs_hint = false} : vector<512x128xbf16>, vector<128x514xbf16>, vector<512x514xf32> -> vector<512x514xf32>
    %add3A_79 = arith.addf %add3A_11, %dot_general3A_78 : vector<512x514xf32>
    %get3A_80 = arith.constant 0 : index
    %get3A_81 = arith.constant 0 : index
    %get3A_82 = arith.constant 1 : index
    %get3A_83 = vector.load %arg3[%get3A_80, %get3A_81, %get3A_82] : memref<1x512x16xf32, #tpu.memory_space<vmem>>, vector<1x512x1xf32>
    %get3A_84 = vector.shape_cast %get3A_83 : vector<1x512x1xf32> to vector<512x1xf32>
    %mul3A_85 = vector.broadcast %get3A_84 : vector<512x1xf32> to vector<512x514xf32>
    %mul3A_86 = vector.broadcast %get3A_17 : vector<1x514xf32> to vector<512x514xf32>
    %mul3A_87 = arith.mulf %mul3A_85, %mul3A_86 : vector<512x514xf32>
    %add3A_88 = arith.addf %add3A_79, %mul3A_87 : vector<512x514xf32>
    %mul3A_89 = arith.constant 5.000000e-01 : f32
    %mul3A_90 = vector.broadcast %mul3A_89 : f32 to vector<512x514xf32>
    %mul3A_91 = arith.mulf %mul3A_90, %add3A_88 : vector<512x514xf32>
    %mul3A_92 = arith.constant 5.000000e-01 : f32
    %mul3A_93 = vector.broadcast %mul3A_92 : f32 to vector<512x514xf32>
    %mul3A_94 = arith.mulf %mul3A_93, %add3A_88 : vector<512x514xf32>
    %tanh3A_95 = math.tanh %mul3A_94 : vector<512x514xf32>
    %add3A_96 = arith.constant 1.000000e+00 : f32
    %add3A_97 = vector.broadcast %add3A_96 : f32 to vector<512x514xf32>
    %add3A_98 = arith.addf %tanh3A_95, %add3A_97 : vector<512x514xf32>
    %mul3A_99 = arith.mulf %mul3A_91, %add3A_98 : vector<512x514xf32>
    %convert_element_type3A_100 = arith.truncf %mul3A_99 : vector<512x514xf32> to vector<512x514xbf16>
    %dot_general3A_101 = arith.constant dense<0.000000e+00> : vector<512x64xf32>
    %dot_general3A_102 = tpu.matmul %convert_element_type3A_100, %get3A_20, %dot_general3A_101 {dimension_numbers = #tpu.dot_dimension_numbers<[1], [0], [0], [1], [0, 0, 1, 1], [], []>, transpose_lhs_hint = false} : vector<512x514xbf16>, vector<514x64xbf16>, vector<512x64xf32> -> vector<512x64xf32>
    %add3A_103 = vector.broadcast %get3A_23 : vector<1x64xf32> to vector<512x64xf32>
    %add3A_104 = arith.addf %dot_general3A_102, %add3A_103 : vector<512x64xf32>
    %mul3A_105 = arith.constant 5.000000e-01 : f32
    %mul3A_106 = vector.broadcast %mul3A_105 : f32 to vector<512x64xf32>
    %mul3A_107 = arith.mulf %mul3A_106, %add3A_104 : vector<512x64xf32>
    %mul3A_108 = arith.constant 5.000000e-01 : f32
    %mul3A_109 = vector.broadcast %mul3A_108 : f32 to vector<512x64xf32>
    %mul3A_110 = arith.mulf %mul3A_109, %add3A_104 : vector<512x64xf32>
    %tanh3A_111 = math.tanh %mul3A_110 : vector<512x64xf32>
    %add3A_112 = arith.constant 1.000000e+00 : f32
    %add3A_113 = vector.broadcast %add3A_112 : f32 to vector<512x64xf32>
    %add3A_114 = arith.addf %tanh3A_111, %add3A_113 : vector<512x64xf32>
    %mul3A_115 = arith.mulf %mul3A_107, %add3A_114 : vector<512x64xf32>
    %add3A_116 = arith.addf %add3A_69, %mul3A_115 : vector<512x64xf32>
    %get3A_117 = arith.constant 0 : index
    %get3A_118 = arith.constant 2 : index
    %get3A_119 = arith.constant 0 : index
    %get3A_120 = arith.constant 0 : index
    %get3A_121 = vector.load %arg2[%get3A_117, %get3A_118, %get3A_119, %get3A_120] : memref<1x10x512x128xf32, #tpu.memory_space<vmem>>, vector<1x1x512x128xf32>
    %get3A_122 = vector.shape_cast %get3A_121 : vector<1x1x512x128xf32> to vector<512x128xf32>
    %convert_element_type3A_123 = arith.truncf %get3A_122 : vector<512x128xf32> to vector<512x128xbf16>
    %dot_general3A_124 = arith.constant dense<0.000000e+00> : vector<512x514xf32>
    %dot_general3A_125 = tpu.matmul %convert_element_type3A_123, %get3A_14, %dot_general3A_124 {dimension_numbers = #tpu.dot_dimension_numbers<[1], [0], [0], [1], [0, 0, 1, 1], [], []>, transpose_lhs_hint = false} : vector<512x128xbf16>, vector<128x514xbf16>, vector<512x514xf32> -> vector<512x514xf32>
    %add3A_126 = arith.addf %add3A_11, %dot_general3A_125 : vector<512x514xf32>
    %get3A_127 = arith.constant 0 : index
    %get3A_128 = arith.constant 0 : index
    %get3A_129 = arith.constant 2 : index
    %get3A_130 = vector.load %arg3[%get3A_127, %get3A_128, %get3A_129] : memref<1x512x16xf32, #tpu.memory_space<vmem>>, vector<1x512x1xf32>
    %get3A_131 = vector.shape_cast %get3A_130 : vector<1x512x1xf32> to vector<512x1xf32>
    %mul3A_132 = vector.broadcast %get3A_131 : vector<512x1xf32> to vector<512x514xf32>
    %mul3A_133 = vector.broadcast %get3A_17 : vector<1x514xf32> to vector<512x514xf32>
    %mul3A_134 = arith.mulf %mul3A_132, %mul3A_133 : vector<512x514xf32>
    %add3A_135 = arith.addf %add3A_126, %mul3A_134 : vector<512x514xf32>
    %mul3A_136 = arith.constant 5.000000e-01 : f32
    %mul3A_137 = vector.broadcast %mul3A_136 : f32 to vector<512x514xf32>
    %mul3A_138 = arith.mulf %mul3A_137, %add3A_135 : vector<512x514xf32>
    %mul3A_139 = arith.constant 5.000000e-01 : f32
    %mul3A_140 = vector.broadcast %mul3A_139 : f32 to vector<512x514xf32>
    %mul3A_141 = arith.mulf %mul3A_140, %add3A_135 : vector<512x514xf32>
    %tanh3A_142 = math.tanh %mul3A_141 : vector<512x514xf32>
    %add3A_143 = arith.constant 1.000000e+00 : f32
    %add3A_144 = vector.broadcast %add3A_143 : f32 to vector<512x514xf32>
    %add3A_145 = arith.addf %tanh3A_142, %add3A_144 : vector<512x514xf32>
    %mul3A_146 = arith.mulf %mul3A_138, %add3A_145 : vector<512x514xf32>
    %convert_element_type3A_147 = arith.truncf %mul3A_146 : vector<512x514xf32> to vector<512x514xbf16>
    %dot_general3A_148 = arith.constant dense<0.000000e+00> : vector<512x64xf32>
    %dot_general3A_149 = tpu.matmul %convert_element_type3A_147, %get3A_20, %dot_general3A_148 {dimension_numbers = #tpu.dot_dimension_numbers<[1], [0], [0], [1], [0, 0, 1, 1], [], []>, transpose_lhs_hint = false} : vector<512x514xbf16>, vector<514x64xbf16>, vector<512x64xf32> -> vector<512x64xf32>
    %add3A_150 = vector.broadcast %get3A_23 : vector<1x64xf32> to vector<512x64xf32>
    %add3A_151 = arith.addf %dot_general3A_149, %add3A_150 : vector<512x64xf32>
    %mul3A_152 = arith.constant 5.000000e-01 : f32
    %mul3A_153 = vector.broadcast %mul3A_152 : f32 to vector<512x64xf32>
    %mul3A_154 = arith.mulf %mul3A_153, %add3A_151 : vector<512x64xf32>
    %mul3A_155 = arith.constant 5.000000e-01 : f32
    %mul3A_156 = vector.broadcast %mul3A_155 : f32 to vector<512x64xf32>
    %mul3A_157 = arith.mulf %mul3A_156, %add3A_151 : vector<512x64xf32>
    %tanh3A_158 = math.tanh %mul3A_157 : vector<512x64xf32>
    %add3A_159 = arith.constant 1.000000e+00 : f32
    %add3A_160 = vector.broadcast %add3A_159 : f32 to vector<512x64xf32>
    %add3A_161 = arith.addf %tanh3A_158, %add3A_160 : vector<512x64xf32>
    %mul3A_162 = arith.mulf %mul3A_154, %add3A_161 : vector<512x64xf32>
    %add3A_163 = arith.addf %add3A_116, %mul3A_162 : vector<512x64xf32>
    %get3A_164 = arith.constant 0 : index
    %get3A_165 = arith.constant 3 : index
    %get3A_166 = arith.constant 0 : index
    %get3A_167 = arith.constant 0 : index
    %get3A_168 = vector.load %arg2[%get3A_164, %get3A_165, %get3A_166, %get3A_167] : memref<1x10x512x128xf32, #tpu.memory_space<vmem>>, vector<1x1x512x128xf32>
    %get3A_169 = vector.shape_cast %get3A_168 : vector<1x1x512x128xf32> to vector<512x128xf32>
    %convert_element_type3A_170 = arith.truncf %get3A_169 : vector<512x128xf32> to vector<512x128xbf16>
    %dot_general3A_171 = arith.constant dense<0.000000e+00> : vector<512x514xf32>
    %dot_general3A_172 = tpu.matmul %convert_element_type3A_170, %get3A_14, %dot_general3A_171 {dimension_numbers = #tpu.dot_dimension_numbers<[1], [0], [0], [1], [0, 0, 1, 1], [], []>, transpose_lhs_hint = false} : vector<512x128xbf16>, vector<128x514xbf16>, vector<512x514xf32> -> vector<512x514xf32>
    %add3A_173 = arith.addf %add3A_11, %dot_general3A_172 : vector<512x514xf32>
    %get3A_174 = arith.constant 0 : index
    %get3A_175 = arith.constant 0 : index
    %get3A_176 = arith.constant 3 : index
    %get3A_177 = vector.load %arg3[%get3A_174, %get3A_175, %get3A_176] : memref<1x512x16xf32, #tpu.memory_space<vmem>>, vector<1x512x1xf32>
    %get3A_178 = vector.shape_cast %get3A_177 : vector<1x512x1xf32> to vector<512x1xf32>
    %mul3A_179 = vector.broadcast %get3A_178 : vector<512x1xf32> to vector<512x514xf32>
    %mul3A_180 = vector.broadcast %get3A_17 : vector<1x514xf32> to vector<512x514xf32>
    %mul3A_181 = arith.mulf %mul3A_179, %mul3A_180 : vector<512x514xf32>
    %add3A_182 = arith.addf %add3A_173, %mul3A_181 : vector<512x514xf32>
    %mul3A_183 = arith.constant 5.000000e-01 : f32
    %mul3A_184 = vector.broadcast %mul3A_183 : f32 to vector<512x514xf32>
    %mul3A_185 = arith.mulf %mul3A_184, %add3A_182 : vector<512x514xf32>
    %mul3A_186 = arith.constant 5.000000e-01 : f32
    %mul3A_187 = vector.broadcast %mul3A_186 : f32 to vector<512x514xf32>
    %mul3A_188 = arith.mulf %mul3A_187, %add3A_182 : vector<512x514xf32>
    %tanh3A_189 = math.tanh %mul3A_188 : vector<512x514xf32>
    %add3A_190 = arith.constant 1.000000e+00 : f32
    %add3A_191 = vector.broadcast %add3A_190 : f32 to vector<512x514xf32>
    %add3A_192 = arith.addf %tanh3A_189, %add3A_191 : vector<512x514xf32>
    %mul3A_193 = arith.mulf %mul3A_185, %add3A_192 : vector<512x514xf32>
    %convert_element_type3A_194 = arith.truncf %mul3A_193 : vector<512x514xf32> to vector<512x514xbf16>
    %dot_general3A_195 = arith.constant dense<0.000000e+00> : vector<512x64xf32>
    %dot_general3A_196 = tpu.matmul %convert_element_type3A_194, %get3A_20, %dot_general3A_195 {dimension_numbers = #tpu.dot_dimension_numbers<[1], [0], [0], [1], [0, 0, 1, 1], [], []>, transpose_lhs_hint = false} : vector<512x514xbf16>, vector<514x64xbf16>, vector<512x64xf32> -> vector<512x64xf32>
    %add3A_197 = vector.broadcast %get3A_23 : vector<1x64xf32> to vector<512x64xf32>
    %add3A_198 = arith.addf %dot_general3A_196, %add3A_197 : vector<512x64xf32>
    %mul3A_199 = arith.constant 5.000000e-01 : f32
    %mul3A_200 = vector.broadcast %mul3A_199 : f32 to vector<512x64xf32>
    %mul3A_201 = arith.mulf %mul3A_200, %add3A_198 : vector<512x64xf32>
    %mul3A_202 = arith.constant 5.000000e-01 : f32
    %mul3A_203 = vector.broadcast %mul3A_202 : f32 to vector<512x64xf32>
    %mul3A_204 = arith.mulf %mul3A_203, %add3A_198 : vector<512x64xf32>
    %tanh3A_205 = math.tanh %mul3A_204 : vector<512x64xf32>
    %add3A_206 = arith.constant 1.000000e+00 : f32
    %add3A_207 = vector.broadcast %add3A_206 : f32 to vector<512x64xf32>
    %add3A_208 = arith.addf %tanh3A_205, %add3A_207 : vector<512x64xf32>
    %mul3A_209 = arith.mulf %mul3A_201, %add3A_208 : vector<512x64xf32>
    %add3A_210 = arith.addf %add3A_163, %mul3A_209 : vector<512x64xf32>
    %get3A_211 = arith.constant 0 : index
    %get3A_212 = arith.constant 4 : index
    %get3A_213 = arith.constant 0 : index
    %get3A_214 = arith.constant 0 : index
    %get3A_215 = vector.load %arg2[%get3A_211, %get3A_212, %get3A_213, %get3A_214] : memref<1x10x512x128xf32, #tpu.memory_space<vmem>>, vector<1x1x512x128xf32>
    %get3A_216 = vector.shape_cast %get3A_215 : vector<1x1x512x128xf32> to vector<512x128xf32>
    %convert_element_type3A_217 = arith.truncf %get3A_216 : vector<512x128xf32> to vector<512x128xbf16>
    %dot_general3A_218 = arith.constant dense<0.000000e+00> : vector<512x514xf32>
    %dot_general3A_219 = tpu.matmul %convert_element_type3A_217, %get3A_14, %dot_general3A_218 {dimension_numbers = #tpu.dot_dimension_numbers<[1], [0], [0], [1], [0, 0, 1, 1], [], []>, transpose_lhs_hint = false} : vector<512x128xbf16>, vector<128x514xbf16>, vector<512x514xf32> -> vector<512x514xf32>
    %add3A_220 = arith.addf %add3A_11, %dot_general3A_219 : vector<512x514xf32>
    %get3A_221 = arith.constant 0 : index
    %get3A_222 = arith.constant 0 : index
    %get3A_223 = arith.constant 4 : index
    %get3A_224 = vector.load %arg3[%get3A_221, %get3A_222, %get3A_223] : memref<1x512x16xf32, #tpu.memory_space<vmem>>, vector<1x512x1xf32>
    %get3A_225 = vector.shape_cast %get3A_224 : vector<1x512x1xf32> to vector<512x1xf32>
    %mul3A_226 = vector.broadcast %get3A_225 : vector<512x1xf32> to vector<512x514xf32>
    %mul3A_227 = vector.broadcast %get3A_17 : vector<1x514xf32> to vector<512x514xf32>
    %mul3A_228 = arith.mulf %mul3A_226, %mul3A_227 : vector<512x514xf32>
    %add3A_229 = arith.addf %add3A_220, %mul3A_228 : vector<512x514xf32>
    %mul3A_230 = arith.constant 5.000000e-01 : f32
    %mul3A_231 = vector.broadcast %mul3A_230 : f32 to vector<512x514xf32>
    %mul3A_232 = arith.mulf %mul3A_231, %add3A_229 : vector<512x514xf32>
    %mul3A_233 = arith.constant 5.000000e-01 : f32
    %mul3A_234 = vector.broadcast %mul3A_233 : f32 to vector<512x514xf32>
    %mul3A_235 = arith.mulf %mul3A_234, %add3A_229 : vector<512x514xf32>
    %tanh3A_236 = math.tanh %mul3A_235 : vector<512x514xf32>
    %add3A_237 = arith.constant 1.000000e+00 : f32
    %add3A_238 = vector.broadcast %add3A_237 : f32 to vector<512x514xf32>
    %add3A_239 = arith.addf %tanh3A_236, %add3A_238 : vector<512x514xf32>
    %mul3A_240 = arith.mulf %mul3A_232, %add3A_239 : vector<512x514xf32>
    %convert_element_type3A_241 = arith.truncf %mul3A_240 : vector<512x514xf32> to vector<512x514xbf16>
    %dot_general3A_242 = arith.constant dense<0.000000e+00> : vector<512x64xf32>
    %dot_general3A_243 = tpu.matmul %convert_element_type3A_241, %get3A_20, %dot_general3A_242 {dimension_numbers = #tpu.dot_dimension_numbers<[1], [0], [0], [1], [0, 0, 1, 1], [], []>, transpose_lhs_hint = false} : vector<512x514xbf16>, vector<514x64xbf16>, vector<512x64xf32> -> vector<512x64xf32>
    %add3A_244 = vector.broadcast %get3A_23 : vector<1x64xf32> to vector<512x64xf32>
    %add3A_245 = arith.addf %dot_general3A_243, %add3A_244 : vector<512x64xf32>
    %mul3A_246 = arith.constant 5.000000e-01 : f32
    %mul3A_247 = vector.broadcast %mul3A_246 : f32 to vector<512x64xf32>
    %mul3A_248 = arith.mulf %mul3A_247, %add3A_245 : vector<512x64xf32>
    %mul3A_249 = arith.constant 5.000000e-01 : f32
    %mul3A_250 = vector.broadcast %mul3A_249 : f32 to vector<512x64xf32>
    %mul3A_251 = arith.mulf %mul3A_250, %add3A_245 : vector<512x64xf32>
    %tanh3A_252 = math.tanh %mul3A_251 : vector<512x64xf32>
    %add3A_253 = arith.constant 1.000000e+00 : f32
    %add3A_254 = vector.broadcast %add3A_253 : f32 to vector<512x64xf32>
    %add3A_255 = arith.addf %tanh3A_252, %add3A_254 : vector<512x64xf32>
    %mul3A_256 = arith.mulf %mul3A_248, %add3A_255 : vector<512x64xf32>
    %add3A_257 = arith.addf %add3A_210, %mul3A_256 : vector<512x64xf32>
    %get3A_258 = arith.constant 0 : index
    %get3A_259 = arith.constant 5 : index
    %get3A_260 = arith.constant 0 : index
    %get3A_261 = arith.constant 0 : index
    %get3A_262 = vector.load %arg2[%get3A_258, %get3A_259, %get3A_260, %get3A_261] : memref<1x10x512x128xf32, #tpu.memory_space<vmem>>, vector<1x1x512x128xf32>
    %get3A_263 = vector.shape_cast %get3A_262 : vector<1x1x512x128xf32> to vector<512x128xf32>
    %convert_element_type3A_264 = arith.truncf %get3A_263 : vector<512x128xf32> to vector<512x128xbf16>
    %dot_general3A_265 = arith.constant dense<0.000000e+00> : vector<512x514xf32>
    %dot_general3A_266 = tpu.matmul %convert_element_type3A_264, %get3A_14, %dot_general3A_265 {dimension_numbers = #tpu.dot_dimension_numbers<[1], [0], [0], [1], [0, 0, 1, 1], [], []>, transpose_lhs_hint = false} : vector<512x128xbf16>, vector<128x514xbf16>, vector<512x514xf32> -> vector<512x514xf32>
    %add3A_267 = arith.addf %add3A_11, %dot_general3A_266 : vector<512x514xf32>
    %get3A_268 = arith.constant 0 : index
    %get3A_269 = arith.constant 0 : index
    %get3A_270 = arith.constant 5 : index
    %get3A_271 = vector.load %arg3[%get3A_268, %get3A_269, %get3A_270] : memref<1x512x16xf32, #tpu.memory_space<vmem>>, vector<1x512x1xf32>
    %get3A_272 = vector.shape_cast %get3A_271 : vector<1x512x1xf32> to vector<512x1xf32>
    %mul3A_273 = vector.broadcast %get3A_272 : vector<512x1xf32> to vector<512x514xf32>
    %mul3A_274 = vector.broadcast %get3A_17 : vector<1x514xf32> to vector<512x514xf32>
    %mul3A_275 = arith.mulf %mul3A_273, %mul3A_274 : vector<512x514xf32>
    %add3A_276 = arith.addf %add3A_267, %mul3A_275 : vector<512x514xf32>
    %mul3A_277 = arith.constant 5.000000e-01 : f32
    %mul3A_278 = vector.broadcast %mul3A_277 : f32 to vector<512x514xf32>
    %mul3A_279 = arith.mulf %mul3A_278, %add3A_276 : vector<512x514xf32>
    %mul3A_280 = arith.constant 5.000000e-01 : f32
    %mul3A_281 = vector.broadcast %mul3A_280 : f32 to vector<512x514xf32>
    %mul3A_282 = arith.mulf %mul3A_281, %add3A_276 : vector<512x514xf32>
    %tanh3A_283 = math.tanh %mul3A_282 : vector<512x514xf32>
    %add3A_284 = arith.constant 1.000000e+00 : f32
    %add3A_285 = vector.broadcast %add3A_284 : f32 to vector<512x514xf32>
    %add3A_286 = arith.addf %tanh3A_283, %add3A_285 : vector<512x514xf32>
    %mul3A_287 = arith.mulf %mul3A_279, %add3A_286 : vector<512x514xf32>
    %convert_element_type3A_288 = arith.truncf %mul3A_287 : vector<512x514xf32> to vector<512x514xbf16>
    %dot_general3A_289 = arith.constant dense<0.000000e+00> : vector<512x64xf32>
    %dot_general3A_290 = tpu.matmul %convert_element_type3A_288, %get3A_20, %dot_general3A_289 {dimension_numbers = #tpu.dot_dimension_numbers<[1], [0], [0], [1], [0, 0, 1, 1], [], []>, transpose_lhs_hint = false} : vector<512x514xbf16>, vector<514x64xbf16>, vector<512x64xf32> -> vector<512x64xf32>
    %add3A_291 = vector.broadcast %get3A_23 : vector<1x64xf32> to vector<512x64xf32>
    %add3A_292 = arith.addf %dot_general3A_290, %add3A_291 : vector<512x64xf32>
    %mul3A_293 = arith.constant 5.000000e-01 : f32
    %mul3A_294 = vector.broadcast %mul3A_293 : f32 to vector<512x64xf32>
    %mul3A_295 = arith.mulf %mul3A_294, %add3A_292 : vector<512x64xf32>
    %mul3A_296 = arith.constant 5.000000e-01 : f32
    %mul3A_297 = vector.broadcast %mul3A_296 : f32 to vector<512x64xf32>
    %mul3A_298 = arith.mulf %mul3A_297, %add3A_292 : vector<512x64xf32>
    %tanh3A_299 = math.tanh %mul3A_298 : vector<512x64xf32>
    %add3A_300 = arith.constant 1.000000e+00 : f32
    %add3A_301 = vector.broadcast %add3A_300 : f32 to vector<512x64xf32>
    %add3A_302 = arith.addf %tanh3A_299, %add3A_301 : vector<512x64xf32>
    %mul3A_303 = arith.mulf %mul3A_295, %add3A_302 : vector<512x64xf32>
    %add3A_304 = arith.addf %add3A_257, %mul3A_303 : vector<512x64xf32>
    %get3A_305 = arith.constant 0 : index
    %get3A_306 = arith.constant 6 : index
    %get3A_307 = arith.constant 0 : index
    %get3A_308 = arith.constant 0 : index
    %get3A_309 = vector.load %arg2[%get3A_305, %get3A_306, %get3A_307, %get3A_308] : memref<1x10x512x128xf32, #tpu.memory_space<vmem>>, vector<1x1x512x128xf32>
    %get3A_310 = vector.shape_cast %get3A_309 : vector<1x1x512x128xf32> to vector<512x128xf32>
    %convert_element_type3A_311 = arith.truncf %get3A_310 : vector<512x128xf32> to vector<512x128xbf16>
    %dot_general3A_312 = arith.constant dense<0.000000e+00> : vector<512x514xf32>
    %dot_general3A_313 = tpu.matmul %convert_element_type3A_311, %get3A_14, %dot_general3A_312 {dimension_numbers = #tpu.dot_dimension_numbers<[1], [0], [0], [1], [0, 0, 1, 1], [], []>, transpose_lhs_hint = false} : vector<512x128xbf16>, vector<128x514xbf16>, vector<512x514xf32> -> vector<512x514xf32>
    %add3A_314 = arith.addf %add3A_11, %dot_general3A_313 : vector<512x514xf32>
    %get3A_315 = arith.constant 0 : index
    %get3A_316 = arith.constant 0 : index
    %get3A_317 = arith.constant 6 : index
    %get3A_318 = vector.load %arg3[%get3A_315, %get3A_316, %get3A_317] : memref<1x512x16xf32, #tpu.memory_space<vmem>>, vector<1x512x1xf32>
    %get3A_319 = vector.shape_cast %get3A_318 : vector<1x512x1xf32> to vector<512x1xf32>
    %mul3A_320 = vector.broadcast %get3A_319 : vector<512x1xf32> to vector<512x514xf32>
    %mul3A_321 = vector.broadcast %get3A_17 : vector<1x514xf32> to vector<512x514xf32>
    %mul3A_322 = arith.mulf %mul3A_320, %mul3A_321 : vector<512x514xf32>
    %add3A_323 = arith.addf %add3A_314, %mul3A_322 : vector<512x514xf32>
    %mul3A_324 = arith.constant 5.000000e-01 : f32
    %mul3A_325 = vector.broadcast %mul3A_324 : f32 to vector<512x514xf32>
    %mul3A_326 = arith.mulf %mul3A_325, %add3A_323 : vector<512x514xf32>
    %mul3A_327 = arith.constant 5.000000e-01 : f32
    %mul3A_328 = vector.broadcast %mul3A_327 : f32 to vector<512x514xf32>
    %mul3A_329 = arith.mulf %mul3A_328, %add3A_323 : vector<512x514xf32>
    %tanh3A_330 = math.tanh %mul3A_329 : vector<512x514xf32>
    %add3A_331 = arith.constant 1.000000e+00 : f32
    %add3A_332 = vector.broadcast %add3A_331 : f32 to vector<512x514xf32>
    %add3A_333 = arith.addf %tanh3A_330, %add3A_332 : vector<512x514xf32>
    %mul3A_334 = arith.mulf %mul3A_326, %add3A_333 : vector<512x514xf32>
    %convert_element_type3A_335 = arith.truncf %mul3A_334 : vector<512x514xf32> to vector<512x514xbf16>
    %dot_general3A_336 = arith.constant dense<0.000000e+00> : vector<512x64xf32>
    %dot_general3A_337 = tpu.matmul %convert_element_type3A_335, %get3A_20, %dot_general3A_336 {dimension_numbers = #tpu.dot_dimension_numbers<[1], [0], [0], [1], [0, 0, 1, 1], [], []>, transpose_lhs_hint = false} : vector<512x514xbf16>, vector<514x64xbf16>, vector<512x64xf32> -> vector<512x64xf32>
    %add3A_338 = vector.broadcast %get3A_23 : vector<1x64xf32> to vector<512x64xf32>
    %add3A_339 = arith.addf %dot_general3A_337, %add3A_338 : vector<512x64xf32>
    %mul3A_340 = arith.constant 5.000000e-01 : f32
    %mul3A_341 = vector.broadcast %mul3A_340 : f32 to vector<512x64xf32>
    %mul3A_342 = arith.mulf %mul3A_341, %add3A_339 : vector<512x64xf32>
    %mul3A_343 = arith.constant 5.000000e-01 : f32
    %mul3A_344 = vector.broadcast %mul3A_343 : f32 to vector<512x64xf32>
    %mul3A_345 = arith.mulf %mul3A_344, %add3A_339 : vector<512x64xf32>
    %tanh3A_346 = math.tanh %mul3A_345 : vector<512x64xf32>
    %add3A_347 = arith.constant 1.000000e+00 : f32
    %add3A_348 = vector.broadcast %add3A_347 : f32 to vector<512x64xf32>
    %add3A_349 = arith.addf %tanh3A_346, %add3A_348 : vector<512x64xf32>
    %mul3A_350 = arith.mulf %mul3A_342, %add3A_349 : vector<512x64xf32>
    %add3A_351 = arith.addf %add3A_304, %mul3A_350 : vector<512x64xf32>
    %get3A_352 = arith.constant 0 : index
    %get3A_353 = arith.constant 7 : index
    %get3A_354 = arith.constant 0 : index
    %get3A_355 = arith.constant 0 : index
    %get3A_356 = vector.load %arg2[%get3A_352, %get3A_353, %get3A_354, %get3A_355] : memref<1x10x512x128xf32, #tpu.memory_space<vmem>>, vector<1x1x512x128xf32>
    %get3A_357 = vector.shape_cast %get3A_356 : vector<1x1x512x128xf32> to vector<512x128xf32>
    %convert_element_type3A_358 = arith.truncf %get3A_357 : vector<512x128xf32> to vector<512x128xbf16>
    %dot_general3A_359 = arith.constant dense<0.000000e+00> : vector<512x514xf32>
    %dot_general3A_360 = tpu.matmul %convert_element_type3A_358, %get3A_14, %dot_general3A_359 {dimension_numbers = #tpu.dot_dimension_numbers<[1], [0], [0], [1], [0, 0, 1, 1], [], []>, transpose_lhs_hint = false} : vector<512x128xbf16>, vector<128x514xbf16>, vector<512x514xf32> -> vector<512x514xf32>
    %add3A_361 = arith.addf %add3A_11, %dot_general3A_360 : vector<512x514xf32>
    %get3A_362 = arith.constant 0 : index
    %get3A_363 = arith.constant 0 : index
    %get3A_364 = arith.constant 7 : index
    %get3A_365 = vector.load %arg3[%get3A_362, %get3A_363, %get3A_364] : memref<1x512x16xf32, #tpu.memory_space<vmem>>, vector<1x512x1xf32>
    %get3A_366 = vector.shape_cast %get3A_365 : vector<1x512x1xf32> to vector<512x1xf32>
    %mul3A_367 = vector.broadcast %get3A_366 : vector<512x1xf32> to vector<512x514xf32>
    %mul3A_368 = vector.broadcast %get3A_17 : vector<1x514xf32> to vector<512x514xf32>
    %mul3A_369 = arith.mulf %mul3A_367, %mul3A_368 : vector<512x514xf32>
    %add3A_370 = arith.addf %add3A_361, %mul3A_369 : vector<512x514xf32>
    %mul3A_371 = arith.constant 5.000000e-01 : f32
    %mul3A_372 = vector.broadcast %mul3A_371 : f32 to vector<512x514xf32>
    %mul3A_373 = arith.mulf %mul3A_372, %add3A_370 : vector<512x514xf32>
    %mul3A_374 = arith.constant 5.000000e-01 : f32
    %mul3A_375 = vector.broadcast %mul3A_374 : f32 to vector<512x514xf32>
    %mul3A_376 = arith.mulf %mul3A_375, %add3A_370 : vector<512x514xf32>
    %tanh3A_377 = math.tanh %mul3A_376 : vector<512x514xf32>
    %add3A_378 = arith.constant 1.000000e+00 : f32
    %add3A_379 = vector.broadcast %add3A_378 : f32 to vector<512x514xf32>
    %add3A_380 = arith.addf %tanh3A_377, %add3A_379 : vector<512x514xf32>
    %mul3A_381 = arith.mulf %mul3A_373, %add3A_380 : vector<512x514xf32>
    %convert_element_type3A_382 = arith.truncf %mul3A_381 : vector<512x514xf32> to vector<512x514xbf16>
    %dot_general3A_383 = arith.constant dense<0.000000e+00> : vector<512x64xf32>
    %dot_general3A_384 = tpu.matmul %convert_element_type3A_382, %get3A_20, %dot_general3A_383 {dimension_numbers = #tpu.dot_dimension_numbers<[1], [0], [0], [1], [0, 0, 1, 1], [], []>, transpose_lhs_hint = false} : vector<512x514xbf16>, vector<514x64xbf16>, vector<512x64xf32> -> vector<512x64xf32>
    %add3A_385 = vector.broadcast %get3A_23 : vector<1x64xf32> to vector<512x64xf32>
    %add3A_386 = arith.addf %dot_general3A_384, %add3A_385 : vector<512x64xf32>
    %mul3A_387 = arith.constant 5.000000e-01 : f32
    %mul3A_388 = vector.broadcast %mul3A_387 : f32 to vector<512x64xf32>
    %mul3A_389 = arith.mulf %mul3A_388, %add3A_386 : vector<512x64xf32>
    %mul3A_390 = arith.constant 5.000000e-01 : f32
    %mul3A_391 = vector.broadcast %mul3A_390 : f32 to vector<512x64xf32>
    %mul3A_392 = arith.mulf %mul3A_391, %add3A_386 : vector<512x64xf32>
    %tanh3A_393 = math.tanh %mul3A_392 : vector<512x64xf32>
    %add3A_394 = arith.constant 1.000000e+00 : f32
    %add3A_395 = vector.broadcast %add3A_394 : f32 to vector<512x64xf32>
    %add3A_396 = arith.addf %tanh3A_393, %add3A_395 : vector<512x64xf32>
    %mul3A_397 = arith.mulf %mul3A_389, %add3A_396 : vector<512x64xf32>
    %add3A_398 = arith.addf %add3A_351, %mul3A_397 : vector<512x64xf32>
    %get3A_399 = arith.constant 0 : index
    %get3A_400 = arith.constant 8 : index
    %get3A_401 = arith.constant 0 : index
    %get3A_402 = arith.constant 0 : index
    %get3A_403 = vector.load %arg2[%get3A_399, %get3A_400, %get3A_401, %get3A_402] : memref<1x10x512x128xf32, #tpu.memory_space<vmem>>, vector<1x1x512x128xf32>
    %get3A_404 = vector.shape_cast %get3A_403 : vector<1x1x512x128xf32> to vector<512x128xf32>
    %convert_element_type3A_405 = arith.truncf %get3A_404 : vector<512x128xf32> to vector<512x128xbf16>
    %dot_general3A_406 = arith.constant dense<0.000000e+00> : vector<512x514xf32>
    %dot_general3A_407 = tpu.matmul %convert_element_type3A_405, %get3A_14, %dot_general3A_406 {dimension_numbers = #tpu.dot_dimension_numbers<[1], [0], [0], [1], [0, 0, 1, 1], [], []>, transpose_lhs_hint = false} : vector<512x128xbf16>, vector<128x514xbf16>, vector<512x514xf32> -> vector<512x514xf32>
    %add3A_408 = arith.addf %add3A_11, %dot_general3A_407 : vector<512x514xf32>
    %get3A_409 = arith.constant 0 : index
    %get3A_410 = arith.constant 0 : index
    %get3A_411 = arith.constant 8 : index
    %get3A_412 = vector.load %arg3[%get3A_409, %get3A_410, %get3A_411] : memref<1x512x16xf32, #tpu.memory_space<vmem>>, vector<1x512x1xf32>
    %get3A_413 = vector.shape_cast %get3A_412 : vector<1x512x1xf32> to vector<512x1xf32>
    %mul3A_414 = vector.broadcast %get3A_413 : vector<512x1xf32> to vector<512x514xf32>
    %mul3A_415 = vector.broadcast %get3A_17 : vector<1x514xf32> to vector<512x514xf32>
    %mul3A_416 = arith.mulf %mul3A_414, %mul3A_415 : vector<512x514xf32>
    %add3A_417 = arith.addf %add3A_408, %mul3A_416 : vector<512x514xf32>
    %mul3A_418 = arith.constant 5.000000e-01 : f32
    %mul3A_419 = vector.broadcast %mul3A_418 : f32 to vector<512x514xf32>
    %mul3A_420 = arith.mulf %mul3A_419, %add3A_417 : vector<512x514xf32>
    %mul3A_421 = arith.constant 5.000000e-01 : f32
    %mul3A_422 = vector.broadcast %mul3A_421 : f32 to vector<512x514xf32>
    %mul3A_423 = arith.mulf %mul3A_422, %add3A_417 : vector<512x514xf32>
    %tanh3A_424 = math.tanh %mul3A_423 : vector<512x514xf32>
    %add3A_425 = arith.constant 1.000000e+00 : f32
    %add3A_426 = vector.broadcast %add3A_425 : f32 to vector<512x514xf32>
    %add3A_427 = arith.addf %tanh3A_424, %add3A_426 : vector<512x514xf32>
    %mul3A_428 = arith.mulf %mul3A_420, %add3A_427 : vector<512x514xf32>
    %convert_element_type3A_429 = arith.truncf %mul3A_428 : vector<512x514xf32> to vector<512x514xbf16>
    %dot_general3A_430 = arith.constant dense<0.000000e+00> : vector<512x64xf32>
    %dot_general3A_431 = tpu.matmul %convert_element_type3A_429, %get3A_20, %dot_general3A_430 {dimension_numbers = #tpu.dot_dimension_numbers<[1], [0], [0], [1], [0, 0, 1, 1], [], []>, transpose_lhs_hint = false} : vector<512x514xbf16>, vector<514x64xbf16>, vector<512x64xf32> -> vector<512x64xf32>
    %add3A_432 = vector.broadcast %get3A_23 : vector<1x64xf32> to vector<512x64xf32>
    %add3A_433 = arith.addf %dot_general3A_431, %add3A_432 : vector<512x64xf32>
    %mul3A_434 = arith.constant 5.000000e-01 : f32
    %mul3A_435 = vector.broadcast %mul3A_434 : f32 to vector<512x64xf32>
    %mul3A_436 = arith.mulf %mul3A_435, %add3A_433 : vector<512x64xf32>
    %mul3A_437 = arith.constant 5.000000e-01 : f32
    %mul3A_438 = vector.broadcast %mul3A_437 : f32 to vector<512x64xf32>
    %mul3A_439 = arith.mulf %mul3A_438, %add3A_433 : vector<512x64xf32>
    %tanh3A_440 = math.tanh %mul3A_439 : vector<512x64xf32>
    %add3A_441 = arith.constant 1.000000e+00 : f32
    %add3A_442 = vector.broadcast %add3A_441 : f32 to vector<512x64xf32>
    %add3A_443 = arith.addf %tanh3A_440, %add3A_442 : vector<512x64xf32>
    %mul3A_444 = arith.mulf %mul3A_436, %add3A_443 : vector<512x64xf32>
    %add3A_445 = arith.addf %add3A_398, %mul3A_444 : vector<512x64xf32>
    %get3A_446 = arith.constant 0 : index
    %get3A_447 = arith.constant 9 : index
    %get3A_448 = arith.constant 0 : index
    %get3A_449 = arith.constant 0 : index
    %get3A_450 = vector.load %arg2[%get3A_446, %get3A_447, %get3A_448, %get3A_449] : memref<1x10x512x128xf32, #tpu.memory_space<vmem>>, vector<1x1x512x128xf32>
    %get3A_451 = vector.shape_cast %get3A_450 : vector<1x1x512x128xf32> to vector<512x128xf32>
    %convert_element_type3A_452 = arith.truncf %get3A_451 : vector<512x128xf32> to vector<512x128xbf16>
    %dot_general3A_453 = arith.constant dense<0.000000e+00> : vector<512x514xf32>
    %dot_general3A_454 = tpu.matmul %convert_element_type3A_452, %get3A_14, %dot_general3A_453 {dimension_numbers = #tpu.dot_dimension_numbers<[1], [0], [0], [1], [0, 0, 1, 1], [], []>, transpose_lhs_hint = false} : vector<512x128xbf16>, vector<128x514xbf16>, vector<512x514xf32> -> vector<512x514xf32>
    %add3A_455 = arith.addf %add3A_11, %dot_general3A_454 : vector<512x514xf32>
    %get3A_456 = arith.constant 0 : index
    %get3A_457 = arith.constant 0 : index
    %get3A_458 = arith.constant 9 : index
    %get3A_459 = vector.load %arg3[%get3A_456, %get3A_457, %get3A_458] : memref<1x512x16xf32, #tpu.memory_space<vmem>>, vector<1x512x1xf32>
    %get3A_460 = vector.shape_cast %get3A_459 : vector<1x512x1xf32> to vector<512x1xf32>
    %mul3A_461 = vector.broadcast %get3A_460 : vector<512x1xf32> to vector<512x514xf32>
    %mul3A_462 = vector.broadcast %get3A_17 : vector<1x514xf32> to vector<512x514xf32>
    %mul3A_463 = arith.mulf %mul3A_461, %mul3A_462 : vector<512x514xf32>
    %add3A_464 = arith.addf %add3A_455, %mul3A_463 : vector<512x514xf32>
    %mul3A_465 = arith.constant 5.000000e-01 : f32
    %mul3A_466 = vector.broadcast %mul3A_465 : f32 to vector<512x514xf32>
    %mul3A_467 = arith.mulf %mul3A_466, %add3A_464 : vector<512x514xf32>
    %mul3A_468 = arith.constant 5.000000e-01 : f32
    %mul3A_469 = vector.broadcast %mul3A_468 : f32 to vector<512x514xf32>
    %mul3A_470 = arith.mulf %mul3A_469, %add3A_464 : vector<512x514xf32>
    %tanh3A_471 = math.tanh %mul3A_470 : vector<512x514xf32>
    %add3A_472 = arith.constant 1.000000e+00 : f32
    %add3A_473 = vector.broadcast %add3A_472 : f32 to vector<512x514xf32>
    %add3A_474 = arith.addf %tanh3A_471, %add3A_473 : vector<512x514xf32>
    %mul3A_475 = arith.mulf %mul3A_467, %add3A_474 : vector<512x514xf32>
    %convert_element_type3A_476 = arith.truncf %mul3A_475 : vector<512x514xf32> to vector<512x514xbf16>
    %dot_general3A_477 = arith.constant dense<0.000000e+00> : vector<512x64xf32>
    %dot_general3A_478 = tpu.matmul %convert_element_type3A_476, %get3A_20, %dot_general3A_477 {dimension_numbers = #tpu.dot_dimension_numbers<[1], [0], [0], [1], [0, 0, 1, 1], [], []>, transpose_lhs_hint = false} : vector<512x514xbf16>, vector<514x64xbf16>, vector<512x64xf32> -> vector<512x64xf32>
    %add3A_479 = vector.broadcast %get3A_23 : vector<1x64xf32> to vector<512x64xf32>
    %add3A_480 = arith.addf %dot_general3A_478, %add3A_479 : vector<512x64xf32>
    %mul3A_481 = arith.constant 5.000000e-01 : f32
    %mul3A_482 = vector.broadcast %mul3A_481 : f32 to vector<512x64xf32>
    %mul3A_483 = arith.mulf %mul3A_482, %add3A_480 : vector<512x64xf32>
    %mul3A_484 = arith.constant 5.000000e-01 : f32
    %mul3A_485 = vector.broadcast %mul3A_484 : f32 to vector<512x64xf32>
    %mul3A_486 = arith.mulf %mul3A_485, %add3A_480 : vector<512x64xf32>
    %tanh3A_487 = math.tanh %mul3A_486 : vector<512x64xf32>
    %add3A_488 = arith.constant 1.000000e+00 : f32
    %add3A_489 = vector.broadcast %add3A_488 : f32 to vector<512x64xf32>
    %add3A_490 = arith.addf %tanh3A_487, %add3A_489 : vector<512x64xf32>
    %mul3A_491 = arith.mulf %mul3A_483, %add3A_490 : vector<512x64xf32>
    %add3A_492 = arith.addf %add3A_445, %mul3A_491 : vector<512x64xf32>
    %get3A_493 = arith.constant 0 : index
    %get3A_494 = arith.constant 0 : index
    %get3A_495 = vector.load %arg10[%get3A_493, %get3A_494] : memref<128x256xbf16, #tpu.memory_space<vmem>>, vector<128x256xbf16>
    %dot_general3A_496 = arith.constant dense<0.000000e+00> : vector<512x256xf32>
    %dot_general3A_497 = tpu.matmul %convert_element_type3A, %get3A_495, %dot_general3A_496 {dimension_numbers = #tpu.dot_dimension_numbers<[1], [0], [0], [1], [0, 0, 1, 1], [], []>, transpose_lhs_hint = false} : vector<512x128xbf16>, vector<128x256xbf16>, vector<512x256xf32> -> vector<512x256xf32>
    %convert_element_type3A_498 = arith.truncf %add3A_492 : vector<512x64xf32> to vector<512x64xbf16>
    %get3A_499 = arith.constant 0 : index
    %get3A_500 = arith.constant 0 : index
    %get3A_501 = vector.load %arg11[%get3A_499, %get3A_500] : memref<64x256xbf16, #tpu.memory_space<vmem>>, vector<64x256xbf16>
    %dot_general3A_502 = arith.constant dense<0.000000e+00> : vector<512x256xf32>
    %dot_general3A_503 = tpu.matmul %convert_element_type3A_498, %get3A_501, %dot_general3A_502 {dimension_numbers = #tpu.dot_dimension_numbers<[1], [0], [0], [1], [0, 0, 1, 1], [], []>, transpose_lhs_hint = false} : vector<512x64xbf16>, vector<64x256xbf16>, vector<512x256xf32> -> vector<512x256xf32>
    %add3A_504 = arith.addf %dot_general3A_497, %dot_general3A_503 : vector<512x256xf32>
    %get3A_505 = arith.constant 0 : index
    %get3A_506 = arith.constant 0 : index
    %get3A_507 = vector.load %arg12[%get3A_505, %get3A_506] : memref<1x256xf32, #tpu.memory_space<vmem>>, vector<1x256xf32>
    %add3A_508 = vector.broadcast %get3A_507 : vector<1x256xf32> to vector<512x256xf32>
    %add3A_509 = arith.addf %add3A_504, %add3A_508 : vector<512x256xf32>
    %mul3A_510 = arith.constant 5.000000e-01 : f32
    %mul3A_511 = vector.broadcast %mul3A_510 : f32 to vector<512x256xf32>
    %mul3A_512 = arith.mulf %mul3A_511, %add3A_509 : vector<512x256xf32>
    %mul3A_513 = arith.constant 5.000000e-01 : f32
    %mul3A_514 = vector.broadcast %mul3A_513 : f32 to vector<512x256xf32>
    %mul3A_515 = arith.mulf %mul3A_514, %add3A_509 : vector<512x256xf32>
    %tanh3A_516 = math.tanh %mul3A_515 : vector<512x256xf32>
    %add3A_517 = arith.constant 1.000000e+00 : f32
    %add3A_518 = vector.broadcast %add3A_517 : f32 to vector<512x256xf32>
    %add3A_519 = arith.addf %tanh3A_516, %add3A_518 : vector<512x256xf32>
    %mul3A_520 = arith.mulf %mul3A_512, %add3A_519 : vector<512x256xf32>
    %convert_element_type3A_521 = arith.truncf %mul3A_520 : vector<512x256xf32> to vector<512x256xbf16>
    %get3A_522 = arith.constant 0 : index
    %get3A_523 = arith.constant 0 : index
    %get3A_524 = vector.load %arg13[%get3A_522, %get3A_523] : memref<256x128xbf16, #tpu.memory_space<vmem>>, vector<256x128xbf16>
    %dot_general3A_525 = arith.constant dense<0.000000e+00> : vector<512x128xf32>
    %dot_general3A_526 = tpu.matmul %convert_element_type3A_521, %get3A_524, %dot_general3A_525 {dimension_numbers = #tpu.dot_dimension_numbers<[1], [0], [0], [1], [0, 0, 1, 1], [], []>, transpose_lhs_hint = false} : vector<512x256xbf16>, vector<256x128xbf16>, vector<512x128xf32> -> vector<512x128xf32>
    %get3A_527 = arith.constant 0 : index
    %get3A_528 = arith.constant 0 : index
    %get3A_529 = vector.load %arg14[%get3A_527, %get3A_528] : memref<1x128xf32, #tpu.memory_space<vmem>>, vector<1x128xf32>
    %add3A_530 = vector.broadcast %get3A_529 : vector<1x128xf32> to vector<512x128xf32>
    %add3A_531 = arith.addf %dot_general3A_526, %add3A_530 : vector<512x128xf32>
    %add3A_532 = arith.addf %add3A_531, %get3A_3 : vector<512x128xf32>
    %reduce_sum3A = arith.constant dense<0.000000e+00> : vector<512xf32>
    %reduce_sum3A_533 = vector.multi_reduction <add>, %add3A_532, %reduce_sum3A [1] : vector<512x128xf32> to vector<512xf32>
    %broadcast_in_dim3A_534 = vector.shape_cast %reduce_sum3A_533 : vector<512xf32> to vector<512x1xf32>
    %div3A = arith.constant 1.280000e+02 : f32
    %div3A_535 = vector.broadcast %div3A : f32 to vector<512x1xf32>
    %div3A_536 = arith.divf %broadcast_in_dim3A_534, %div3A_535 : vector<512x1xf32>
    %sub3A = vector.broadcast %div3A_536 : vector<512x1xf32> to vector<512x128xf32>
    %sub3A_537 = arith.subf %add3A_532, %sub3A : vector<512x128xf32>
    %integer_pow3A = arith.mulf %sub3A_537, %sub3A_537 : vector<512x128xf32>
    %reduce_sum3A_538 = arith.constant dense<0.000000e+00> : vector<512xf32>
    %reduce_sum3A_539 = vector.multi_reduction <add>, %integer_pow3A, %reduce_sum3A_538 [1] : vector<512x128xf32> to vector<512xf32>
    %broadcast_in_dim3A_540 = vector.shape_cast %reduce_sum3A_539 : vector<512xf32> to vector<512x1xf32>
    %div3A_541 = arith.constant 1.280000e+02 : f32
    %div3A_542 = vector.broadcast %div3A_541 : f32 to vector<512x1xf32>
    %div3A_543 = arith.divf %broadcast_in_dim3A_540, %div3A_542 : vector<512x1xf32>
    %sub3A_544 = vector.broadcast %div3A_536 : vector<512x1xf32> to vector<512x128xf32>
    %sub3A_545 = arith.subf %add3A_532, %sub3A_544 : vector<512x128xf32>
    %add3A_546 = arith.constant 9.99999974E-6 : f32
    %add3A_547 = vector.broadcast %add3A_546 : f32 to vector<512x1xf32>
    %add3A_548 = arith.addf %div3A_543, %add3A_547 : vector<512x1xf32>
    %rsqrt3A = math.rsqrt %add3A_548 : vector<512x1xf32>
    %mul3A_549 = vector.broadcast %rsqrt3A : vector<512x1xf32> to vector<512x128xf32>
    %mul3A_550 = arith.mulf %sub3A_545, %mul3A_549 : vector<512x128xf32>
    %get3A_551 = arith.constant 0 : index
    %get3A_552 = arith.constant 0 : index
    %get3A_553 = vector.load %arg15[%get3A_551, %get3A_552] : memref<1x128xf32, #tpu.memory_space<vmem>>, vector<1x128xf32>
    %mul3A_554 = vector.broadcast %get3A_553 : vector<1x128xf32> to vector<512x128xf32>
    %mul3A_555 = arith.mulf %mul3A_550, %mul3A_554 : vector<512x128xf32>
    %get3A_556 = arith.constant 0 : index
    %get3A_557 = arith.constant 0 : index
    %get3A_558 = vector.load %arg16[%get3A_556, %get3A_557] : memref<1x128xf32, #tpu.memory_space<vmem>>, vector<1x128xf32>
    %add3A_559 = vector.broadcast %get3A_558 : vector<1x128xf32> to vector<512x128xf32>
    %add3A_560 = arith.addf %mul3A_555, %add3A_559 : vector<512x128xf32>
    %swap3A = arith.constant 0 : index
    %swap3A_561 = arith.constant 0 : index
    %swap3A_562 = arith.constant 0 : index
    %swap3A_563 = vector.load %arg17[%swap3A, %swap3A_561, %swap3A_562] : memref<1x512x128xf32, #tpu.memory_space<vmem>>, vector<1x512x128xf32>
    %swap3A_564 = vector.shape_cast %swap3A_563 : vector<1x512x128xf32> to vector<512x128xf32>
    %swap3A_565 = vector.shape_cast %add3A_560 : vector<512x128xf32> to vector<1x512x128xf32>
    tpu.vector_store %arg17[%swap3A, %swap3A_561, %swap3A_562], %swap3A_565 {strides = array<i32>} : memref<1x512x128xf32, #tpu.memory_space<vmem>>, vector<1x512x128xf32>,
    return
  }
  func.func @transform_0(%arg0: i32) -> (i32, i32, i32) {
    %c0_i32 = arith.constant 0 : i32
    %c0_i32_0 = arith.constant 0 : i32
    %c0_i32_1 = arith.constant 0 : i32
    return %c0_i32, %arg0, %c0_i32_0 : i32, i32, i32
  }
  func.func @transform_1(%arg0: i32) -> (i32, i32, i32, i32) {
    %c0_i32 = arith.constant 0 : i32
    %c0_i32_0 = arith.constant 0 : i32
    %c0_i32_1 = arith.constant 0 : i32
    %c0_i32_2 = arith.constant 0 : i32
    return %c0_i32, %c0_i32_0, %arg0, %c0_i32_1 : i32, i32, i32, i32
  }
  func.func @transform_2(%arg0: i32) -> (i32, i32, i32) {
    %c0_i32 = arith.constant 0 : i32
    %c0_i32_0 = arith.constant 0 : i32
    %c0_i32_1 = arith.constant 0 : i32
    return %c0_i32, %arg0, %c0_i32_0 : i32, i32, i32
  }
  func.func @transform_3(%arg0: i32) -> (i32, i32) {
    %c0_i32 = arith.constant 0 : i32
    %c0_i32_0 = arith.constant 0 : i32
    %c0_i32_1 = arith.constant 0 : i32
    return %c0_i32, %c0_i32_0 : i32, i32
  }
  func.func @transform_4(%arg0: i32) -> (i32, i32) {
    %c0_i32 = arith.constant 0 : i32
    %c0_i32_0 = arith.constant 0 : i32
    %c0_i32_1 = arith.constant 0 : i32
    return %c0_i32, %c0_i32_0 : i32, i32
  }
  func.func @transform_5(%arg0: i32) -> (i32, i32) {
    %c0_i32 = arith.constant 0 : i32
    %c0_i32_0 = arith.constant 0 : i32
    %c0_i32_1 = arith.constant 0 : i32
    return %c0_i32, %c0_i32_0 : i32, i32
  }
  func.func @transform_6(%arg0: i32) -> (i32, i32) {
    %c0_i32 = arith.constant 0 : i32
    %c0_i32_0 = arith.constant 0 : i32
    %c0_i32_1 = arith.constant 0 : i32
    return %c0_i32, %c0_i32_0 : i32, i32
  }
  func.func @transform_7(%arg0: i32) -> (i32, i32) {
    %c0_i32 = arith.constant 0 : i32
    %c0_i32_0 = arith.constant 0 : i32
    %c0_i32_1 = arith.constant 0 : i32
    return %c0_i32, %c0_i32_0 : i32, i32
  }
  func.func @transform_8(%arg0: i32) -> (i32, i32) {
    %c0_i32 = arith.constant 0 : i32
    %c0_i32_0 = arith.constant 0 : i32
    %c0_i32_1 = arith.constant 0 : i32
    return %c0_i32, %c0_i32_0 : i32, i32
  }
  func.func @transform_9(%arg0: i32) -> (i32, i32) {
    %c0_i32 = arith.constant 0 : i32
    %c0_i32_0 = arith.constant 0 : i32
    %c0_i32_1 = arith.constant 0 : i32
    return %c0_i32, %c0_i32_0 : i32, i32
  }
  func.func @transform_10(%arg0: i32) -> (i32, i32) {
    %c0_i32 = arith.constant 0 : i32
    %c0_i32_0 = arith.constant 0 : i32
    %c0_i32_1 = arith.constant 0 : i32
    return %c0_i32, %c0_i32_0 : i32, i32
  }
  func.func @transform_11(%arg0: i32) -> (i32, i32) {
    %c0_i32 = arith.constant 0 : i32
    %c0_i32_0 = arith.constant 0 : i32
    %c0_i32_1 = arith.constant 0 : i32
    return %c0_i32, %c0_i32_0 : i32, i32
  }
  func.func @transform_12(%arg0: i32) -> (i32, i32) {
    %c0_i32 = arith.constant 0 : i32
    %c0_i32_0 = arith.constant 0 : i32
    %c0_i32_1 = arith.constant 0 : i32
    return %c0_i32, %c0_i32_0 : i32, i32
  }
  func.func @transform_13(%arg0: i32) -> (i32, i32) {
    %c0_i32 = arith.constant 0 : i32
    %c0_i32_0 = arith.constant 0 : i32
    %c0_i32_1 = arith.constant 0 : i32
    return %c0_i32, %c0_i32_0 : i32, i32
  }
  func.func @transform_14(%arg0: i32) -> (i32, i32) {
    %c0_i32 = arith.constant 0 : i32
    %c0_i32_0 = arith.constant 0 : i32
    %c0_i32_1 = arith.constant 0 : i32
    return %c0_i32, %c0_i32_0 : i32, i32
  }
  func.func @transform_15(%arg0: i32) -> (i32, i32) {
    %c0_i32 = arith.constant 0 : i32
    %c0_i32_0 = arith.constant 0 : i32
    %c0_i32_1 = arith.constant 0 : i32
    return %c0_i32, %c0_i32_0 : i32, i32
  }
  func.func @transform_16(%arg0: i32) -> (i32, i32, i32) {
    %c0_i32 = arith.constant 0 : i32
    %c0_i32_0 = arith.constant 0 : i32
    %c0_i32_1 = arith.constant 0 : i32
    return %c0_i32, %arg0, %c0_i32_0 : i32, i32, i32
  }
}

</mosaic_0001>

<sc_bundles>
// kernel: kernel.12.cloned.1.call-start
scs
__scs_entry_jumppad:
0x0: {  	(pc) =	sbr.rel $0x88, $3  }
0x1: {  	(tag) =	ssettag $0x0;
	lr =	simm.s32 $0x1  }
0x2: {  	[smem:$0x3F85] =	sst lr;
	_ =	strace $0xD0000000  }
0x3: {  	_ = 	snop  }
0x4: {  	_ = 	snop  }
0x5: {  	_ = 	snop  }
0x6: {  	_ = 	snop  }
0x7: {  	_ = 	snop  }
__scs_overlays_trampoline_lowered:
0x8: {  	[smem:$0x3F94] =	sst s0  }
0x9: {  	[smem:$0x3F95] =	sst s1  }
0xa: {  	[smem:$0x3F96] =	sst s2  }
0xb: {  	[smem:$0x3F97] =	sst s3  }
0xc: {  	[smem:$0x3F98] =	sst s4  }
0xd: {  	[smem:$0x3F99] =	sst s5  }
0xe: {  	[smem:$0x3F9A] =	sst s6  }
0xf: {  	[smem:$0x3F9B] =	sst s7  }
0x10: {  	[smem:$0x3F9C] =	sst s8  }
0x11: {  	[smem:$0x3F9D] =	sst s9;
	s0 =	simm.s32 @!p0 $0x0  }
0x12: {  	s1 =	sld [smem:$0x3F83];
	s0 =	simm.s32 @p0 $0x1  }
0x13: {  	[smem:$0x3F9E] =	sst s0;
	s0 =	simm.s32 @!p1 $0x0  }
0x14: {  	s2 =	sld [smem:$0x3F82];
	s0 =	simm.s32 @p1 $0x1  }
0x15: {  	[smem:$0x3F9F] =	sst s0;
	s0 =	simm.s32 @!p2 $0x0  }
0x16: {  	s3 =	sld [smem:$0x3FDB];
	s0 =	simm.s32 @p2 $0x1  }
0x17: {  	s4 =	simm.s32 $0x1BF5;
	[smem:$0x3FA1] =	sst s0  }
0x18: {  	s0 =	sld [smem:$0x3F84];
	_ =	swait.ge [sflag:s4], $0x0  }
0x19: {  	s7 =	sld [smem:$0x3F85]  }
0x1a: {  	s8 =	sadd.s32 $0xFFFFE003, lr  }
0x1b: {  	s9 =	sadd.s32 $0xFFFFFEF7, lr;
	s5 =	simm.s32 $0xFFFFFFFF;
	p2 =	slt.u32 s8, $0xFFFFF086  }
0x1c: {  	p1 =	slt.u32 s9, $0xF7A;
	s5 =	simm.s32 @!p2 $0x0  }
0x1d: {  	s5 =	simm.s32 @p1 $0x1;
	p0 =	seq.s32 s7, s2  }
0x1e: {  	s7 =	smul.u32 @!p0 $0xF7A, s2;
	p2 =	seq.s32 @!p0 s5, $0x0  }
0x1f: {  	s9 =	smul.u32 $0xF7A, s1;
	s8 =	simm.s32 @!p0 $0x1BF5;
	p2 =	por !p2, p0  }
0x20: {  	[sflag:s8] =	ssyncset.s32 @!p0 $0xFFFFF086;
	s6 =	sadd.s32 @!p0 s3, s7;
	s7 =	simm.s32 @!p0 $0x108  }
0x21: {  	s3 =	sadd.s32 s3, s9;
	s6 =	sadd.s32 @!p0 $0x88, s6;
	s7 =	simm.s32 @p2 $0x1082  }
0x22: {  	[simem:s7], [sflag:s8] =	dma.local @!p0 [hbm:s6], $0xF7A  }
0x23: {  	s9 =	sor.u32 $0xD0000000, s2;
	s6 =	simm.s32 $0x108;
	_ =	swait.ge @!p0 [sflag:s8], $0x0  }
0x24: {  	s3 =	sadd.s32 $0x88, s3;
	s6 =	simm.s32 @!p1 $0x1082;
	[sflag:s4] =	ssyncset.s32 $0xFFFFF086  }
0x25: {  	[simem:s6], [sflag:s4] =	dma.local [hbm:s3], $0xF7A  }
0x26: {  	[smem:$0x3F85] =	sst s1;
	(tag) =	ssettag s2;
	_ =	strace s9  }
0x27: {  	s1 =	sld [smem:$0x3F95]  }
0x28: {  	s2 =	sld [smem:$0x3F96]  }
0x29: {  	s4 =	sld [smem:$0x3F98]  }
0x2a: {  	p0 =	seq.s32 s5, $0x0;
	s5 =	sld [smem:$0x3F99]  }
0x2b: {  	s6 =	sld [smem:$0x3F9A]  }
0x2c: {  	s7 =	sld [smem:$0x3F9B]  }
0x2d: {  	s3 =	simm.s32 $0x108;
	s8 =	sld [smem:$0x3F9C]  }
0x2e: {  	s3 =	simm.s32 @!p0 $0x1082;
	s9 =	sld [smem:$0x3F9D]  }
0x2f: {  	lr =	sadd.s32 s0, s3;
	s0 =	sld [smem:$0x3F94]  }
0x30: {  	s3 =	sld [smem:$0x3F97]  }
0x31: {  	[smem:$0x3FA0] =	sst s10  }
0x32: {  	s10 =	sld [smem:$0x3F9E];
	_ =	sdelay $0x3  }
0x33: {  	p0 =	seq.s32 s10, $0x1;
	s10 =	sld [smem:$0x3FA0];
	_ =	sdelay $0x3  }
0x34: {  	[smem:$0x3FA0] =	sst s10  }
0x35: {  	s10 =	sld [smem:$0x3F9F];
	_ =	sdelay $0x3  }
0x36: {  	p1 =	seq.s32 s10, $0x1;
	s10 =	sld [smem:$0x3FA0];
	_ =	sdelay $0x3  }
0x37: {  	[smem:$0x3FA0] =	sst s10  }
0x38: {  	s10 =	sld [smem:$0x3FA1]  }
0x39: {  	_ = 	snop;
	(pc) =	sbr.ind lr, $3  }
0x3a: {  	_ = 	snop  }
0x3b: {  	_ = 	snop  }
0x3c: {  	p2 =	seq.s32 s10, $0x1;
	s10 =	sld [smem:$0x3FA0]  }
0x3d: {  	_ =	shalt  }
0x3e: {  	_ =	shalt  }
0x3f: {  	_ =	shalt  }
0x40: {  	_ =	shalt  }
0x41: {  	_ =	shalt  }
0x42: {  	_ =	shalt  }
0x43: {  	_ =	shalt  }
0x44: {  	_ =	shalt  }
0x45: {  	_ =	shalt  }
0x46: {  	_ =	shalt  }
0x47: {  	_ =	shalt  }
0x48: {  	_ =	shalt  }
0x49: {  	_ =	shalt  }
0x4a: {  	_ =	shalt  }
0x4b: {  	_ =	shalt  }
0x4c: {  	_ =	shalt  }
0x4d: {  	_ =	shalt  }
0x4e: {  	_ =	shalt  }
0x4f: {  	_ =	shalt  }
0x50: {  	_ =	shalt  }
0x51: {  	_ =	shalt  }
0x52: {  	_ =	shalt  }
0x53: {  	_ =	shalt  }
0x54: {  	_ =	shalt  }
0x55: {  	_ =	shalt  }
0x56: {  	_ =	shalt  }
0x57: {  	_ =	shalt  }
0x58: {  	_ =	shalt  }
0x59: {  	_ =	shalt  }
0x5a: {  	_ =	shalt  }
0x5b: {  	_ =	shalt  }
0x5c: {  	_ =	shalt  }
0x5d: {  	_ =	shalt  }
0x5e: {  	_ =	shalt  }
0x5f: {  	_ =	shalt  }
0x60: {  	_ =	shalt  }
0x61: {  	_ =	shalt  }
0x62: {  	_ =	shalt  }
0x63: {  	_ =	shalt  }
0x64: {  	_ =	shalt  }
0x65: {  	_ =	shalt  }
0x66: {  	_ =	shalt  }
0x67: {  	_ =	shalt  }
0x68: {  	_ =	shalt  }
0x69: {  	_ =	shalt  }
0x6a: {  	_ =	shalt  }
0x6b: {  	_ =	shalt  }
0x6c: {  	_ =	shalt  }
0x6d: {  	_ =	shalt  }
0x6e: {  	_ =	shalt  }
0x6f: {  	_ =	shalt  }
0x70: {  	_ =	shalt  }
0x71: {  	_ =	shalt  }
0x72: {  	_ =	shalt  }
0x73: {  	_ =	shalt  }
0x74: {  	_ =	shalt  }
0x75: {  	_ =	shalt  }
0x76: {  	_ =	shalt  }
0x77: {  	_ =	shalt  }
0x78: {  	_ =	shalt  }
0x79: {  	_ =	shalt  }
0x7a: {  	_ =	shalt  }
0x7b: {  	_ =	shalt  }
0x7c: {  	_ =	shalt  }
0x7d: {  	_ =	shalt  }
0x7e: {  	_ =	shalt  }
0x7f: {  	_ =	shalt  }
0x80: {  	_ =	shalt  }
0x81: {  	_ =	shalt  }
0x82: {  	_ =	shalt  }
0x83: {  	_ =	shalt  }
0x84: {  	_ =	shalt  }
0x85: {  	_ =	shalt  }
0x86: {  	_ =	shalt  }
0x87: {  	_ =	shalt  }
.Lfunc_end0:
.L_simem_size_0:
called_computation_lowered:
.L_overlay_start_0:
0x88: {  	s2 =	sld [smem:$0x3FD9]  }
0x89: {  	s3 =	sld [smem:$0x3FFE];
	_ =	sdelay $0x1  }
0x8a: {  	s1 =	srdreg.scid  }
0x8b: {  	s0 =	sand.u32 $0x1, s1  }
0x8c: {  	s16 =	sshll.u32 s0, $0xA;
	s2 =	sadd.s32 s3, s2  }
0x8d: {  	s2 =	sadd.s32 s2, s16  }
0x8e: {  	[smem:$0x3FAC] =	sst s2  }
0x8f: {  	_ = 	snop  }
0x90: {  	(tm) =	ssettm $0x1  }
0x91: {  	s17 =	sld [smem:$0x3FFB];
	_ =	sdelay $0x3  }
0x92: {  	_ =	strace s17  }
0x93: {  	s2 =	sld [smem:$0x3FFC];
	_ =	sdelay $0x3  }
0x94: {  	_ =	strace s2  }
0x95: {  	s2 =	sld [smem:$0x3FFD];
	_ =	sdelay $0x3  }
0x96: {  	_ =	strace s2  }
0x97: {  	_ =	strace $0x8FFFFFFF  }
0x98: {  	s18 =	sld [smem:$0x3FDB];
	_ =	sdelay $0x1  }
0x99: {  	s19 =	simm.s32 $_scs_section_size  }
0x9a: {  	s4 =	simm.s32 $_size__tile_overlayer_lowered;
	s5 =	simm.s32 $_tile_overlayer_lowered  }
0x9b: {  	s22 =	simm.s32 $0x1BFF;
	s21 =	sshll.u32 s5, $0x1;
	s2 =	sadd.s32 s19, s18  }
0x9c: {  	s6 =	simm.s32 $0x0;
	s20 =	sshll.u32 s4, $0x1;
	s4 =	sadd.s32 s21, s2  }
0x9d: {  	[timem:s6], [sflag:s22] =	dma.local [hbm:s4], s20  }
0x9e: {  	_ =	swait.ge [sflag:s22], s20  }
0x9f: {  	s3 =	ssub.s32 $0x0, s20;
	[sflag:s22] =	ssyncset.done $0x0  }
0xa0: {  	[sflag:s22] =	ssyncadd.s32 s3;
	_ =	sdelay $0x1  }
0xa1: {  	s23 =	simm.s32 $0x1B8B  }
0xa2: {  	_ =	swait.ge [sflag:s23], $0x1  }
0xa3: {  	[sflag:s23] =	ssyncset.done $0x0  }
0xa4: {  	s25 =	simm.s32 $0x1B8E;
	s24 =	sld [smem:$0x3FFE];
	[sflag:s23] =	ssyncadd.s32 $0xFFFFFFFF  }
0xa5: {  	s26 =	simm.s32 $execute0_lowered;
	[smem:$0x3FD2] =	sst s25  }
0xa6: {  	s4 =	sshll.u32 s26, $0x1;
	_ =	strace $0x80000046;
	[dreg:$0x1] =	wrdreg $0xFFFFFFFF  }
0xa7: {  	s28 =	simm.s32 $_size_execute0_lowered;
	s2 =	sadd.s32 s2, s4;
	[dreg:$0x0] =	wrdreg $0x0  }
0xa8: {  	s4 =	sshll.u32 s28, $0x1;
	[dreg:$0x2] =	wrdreg s2  }
0xa9: {  	[dreg:$0x3] =	wrdreg s4  }
0xaa: {  	[dreg:$0x4] =	wrdreg $0xC0  }
0xab: {  	_ =	task [dreg:s6], $0x5FFFF  }
0xac: {  	[dreg:$0x1] =	wrdreg $0xFFFFFFFF  }
0xad: {  	[dreg:$0x0] =	wrdreg $0x60  }
0xae: {  	[dreg:$0x2] =	wrdreg s24  }
0xaf: {  	[dreg:$0x3] =	wrdreg $0xA  }
0xb0: {  	_ =	task.clear_ibuf [dreg:s6], $0x4FFFF;
	_ =	strace $0x90000046  }
0xb1: {  	s29 =	simm.s32 $0xA;
	_ =	strace $0x80000048  }
0xb2: {  	_ =	swait.ge [sflag:s29], $0x1  }
0xb3: {  	[sflag:s29] =	ssyncadd.s32 $0xFFFFFFFF  }
0xb4: {  	_ =	strace $0x90000048  }
0xb5: {  	_ =	sfence  }
0xb6: {  	s30 =	sld [smem:$0x0];
	_ =	sdelay $0x2  }
0xb7: {  	s31 =	sshll.u32 s1, $0xD;
	s1 =	sshrl.u32 s1, $0x2  }
0xb8: {  	s3 =	sand.u32 $0x4000, s31;
	s1 =	sadd.s32 s1, s30  }
0xb9: {  	s0 =	sor.u32 s3, s0;
	s1 =	sshll.u32 s1, $0x11  }
0xba: {  	s0 =	sor.u32 s1, s0  }
0xbb: {  	s0 =	sadd.s32 $0x8F2B, s0  }
0xbc: {  	[sflag:s0] =	ssyncadd.remote.s32 $0x1  }
0xbd: {  	_ =	sfence.sel $0xFFFF  }
0xbe: {  	[dreg:$0x0] =	wrdreg $0xFFFFFFFF;
	(pc) =	sbr.abs _section_cstart, $3  }
0xbf: {  	[dreg:$0x1] =	wrdreg $0xFFFFFFFF  }
0xc0: {  	_ =	task.clear_ibuf [dreg:s6], $0x2FFFF;
	_ =	strace $0x9FFFFFFF  }
0xc1: {  	(tm) =	ssettm $0x7FFFFFFF  }
tec
execute0_lowered:
.L_overlay_start_1:
0x0: {  	(tag) =	ssettag $0x1  }
0x1: {  	s1 =	srdreg.scid;
	s0 =	stileid.u32  }
0x2: {  	s18 =	sand.u32 $0x1, s1;
	s30 =	sshll.u32 s0, $0x1  }
0x3: {  	s10 =	rddreg [dreg:$0x0];
	s11 =	sor.u32 s18, s30  }
0x4: {  	s2 =	simm.s32 $0x0;
	s1 =	rddreg [dreg:$0x1];
	s3 =	sshll.u32 s11, $0x7  }
0x5: {  	[smem:$0x7FF] =	sst s2;
	s3 =	sadd.s32 s3, s10  }
0x6: {  	_ =	strace $0x80000047;
	s4 =	sadd.s32 $0xEA00, s3;
	s3 =	simm.s32 $0x3  }
0x7: {  	[tilespmem:s2], [sflag:$0x3] =	stream.linear.gather [hbm4b:s4+s2], $0x280, $0x38;
	[tilespmem:$0x8400] =	vst v63  }
0x8: {  	_ =	swait.ge [sflag:s3], $0x280  }
0x9: {  	s6 =	simm.s32 $0x80;
	[sflag:s3] =	ssyncset.done $0x0  }
0xa: {  	s7 =	simm.s32 $0x400;
	s5 =	sadd.s32 $0x6A00, s10;
	[sflag:s3] =	ssyncadd.s32 $0xFFFFFD80  }
0xb: {  	[tilespmem:s7], [sflag:$0x1] =	stream.indirect.gather [hbm4b:s5+s6], $0x80, s2, s6, $0xb8;
	[tilespmem:$0x8400] =	vst v63  }
0xc: {  	s8 =	simm.s32 $0x4400;
	s9 =	simm.s32 $0x1  }
0xd: {  	[tilespmem:s8], [sflag:$0x2] =	stream.indirect.gather [hbm4b:s5+s6], $0x80, s6, s6, $0xb8;
	[tilespmem:$0x8400] =	vst v63  }
0xe: {  	s12 =	smul.u32 $0x2800, s11;
	_ =	swait.ge [sflag:s9], $0x4000  }
0xf: {  	s13 =	sadd.s32 $0xFA00, s10;
	[sflag:s9] =	ssyncset.done $0x0  }
0x10: {  	s10 =	sadd.s32 s13, s12;
	[sflag:s9] =	ssyncadd.s32 $0xFFFFC000  }
0x11: {  	[hbm4b:s10+s2] =	stream.linear.scatter [tilespmem:s7], [sflag:$0x3], $0x4000, $0x38;
	[tilespmem:$0x8400] =	vst v63  }
0x12: {  	_ =	swait.ge [sflag:s3], $0x4000  }
0x13: {  	s14 =	smul.u32 $0x14000, s11;
	[sflag:s3] =	ssyncset.done $0x0  }
0x14: {  	s11 =	simm.s32 $0x100;
	s12 =	simm.s32 $0x2;
	[sflag:s3] =	ssyncadd.s32 $0xFFFFC000  }
0x15: {  	[tilespmem:s7], [sflag:$0x1] =	stream.indirect.gather [hbm4b:s5+s6], $0x80, s11, s6, $0xb8;
	[tilespmem:$0x8400] =	vst v63  }
0x16: {  	s14 =	sshrl.u32 s14, $0x3;
	_ =	swait.ge [sflag:s12], $0x4000  }
0x17: {  	s19 =	sadd.s32 s13, s14;
	[sflag:s12] =	ssyncset.done $0x0  }
0x18: {  	s13 =	sadd.s32 $0x800, s19;
	[sflag:s12] =	ssyncadd.s32 $0xFFFFC000  }
0x19: {  	[hbm4b:s13+s2] =	stream.linear.scatter [tilespmem:s8], [sflag:$0x3], $0x4000, $0x38;
	[tilespmem:$0x8400] =	vst v63  }
0x1a: {  	_ =	swait.ge [sflag:s3], $0x4000  }
0x1b: {  	[sflag:s3] =	ssyncset.done $0x0  }
0x1c: {  	s14 =	simm.s32 $0x180;
	[sflag:s3] =	ssyncadd.s32 $0xFFFFC000  }
0x1d: {  	[tilespmem:s8], [sflag:$0x2] =	stream.indirect.gather [hbm4b:s5+s6], $0x80, s14, s6, $0xb8;
	[tilespmem:$0x8400] =	vst v63  }
0x1e: {  	_ =	swait.ge [sflag:s9], $0x4000  }
0x1f: {  	[sflag:s9] =	ssyncset.done $0x0  }
0x20: {  	s15 =	sadd.s32 $0x1000, s19;
	[sflag:s9] =	ssyncadd.s32 $0xFFFFC000  }
0x21: {  	[hbm4b:s15+s2] =	stream.linear.scatter [tilespmem:s7], [sflag:$0x3], $0x4000, $0x38;
	[tilespmem:$0x8400] =	vst v63  }
0x22: {  	_ =	swait.ge [sflag:s3], $0x4000  }
0x23: {  	[sflag:s3] =	ssyncset.done $0x0  }
0x24: {  	s16 =	simm.s32 $0x200;
	[sflag:s3] =	ssyncadd.s32 $0xFFFFC000  }
0x25: {  	[tilespmem:s7], [sflag:$0x1] =	stream.indirect.gather [hbm4b:s5+s6], $0x80, s16, s6, $0xb8;
	[tilespmem:$0x8400] =	vst v63  }
0x26: {  	_ =	swait.ge [sflag:s12], $0x4000  }
0x27: {  	[sflag:s12] =	ssyncset.done $0x0  }
0x28: {  	s18 =	ssub.s32 $0x2, s18;
	s17 =	sadd.s32 $0x1800, s19;
	[sflag:s12] =	ssyncadd.s32 $0xFFFFC000  }
0x29: {  	[hbm4b:s17+s2] =	stream.linear.scatter [tilespmem:s8], [sflag:$0x3], $0x4000, $0x38;
	[tilespmem:$0x8400] =	vst v63  }
0x2a: {  	s20 =	sshrl.u32 s18, $0x1;
	_ =	swait.ge [sflag:s3], $0x4000  }
0x2b: {  	s20 =	ssub.s32 s18, s20;
	[sflag:s3] =	ssyncset.done $0x0  }
0x2c: {  	s31 =	smax.u32 s20, $0x1;
	[sflag:s3] =	ssyncadd.s32 $0xFFFFC000  }
0x2d: {  	p0 =	sne.s32 s31, $0x1;
	_ =	swait.ge [sflag:s9], $0x4000  }
.Ltmp0:
0x2e: {  	[sflag:s9] =	ssyncset.done $0x0;
	(pc) =	sbr.rel @!p0 .LBB2_2-.Ltmp0, $4  }
0x2f: {  	s18 =	sadd.s32 $0x2000, s19;
	[sflag:s9] =	ssyncadd.s32 $0xFFFFC000  }
0x30: {  	[hbm4b:s18+s2] =	stream.linear.scatter [tilespmem:s7], [sflag:$0x3], $0x4000, $0x38;
	[tilespmem:$0x8400] =	vst v63  }
0x31: {  	_ =	swait.ge [sflag:s3], $0x4000  }
0x32: {  	s19 =	sadd.s32 $0xFFFFFFFF, s31;
	[sflag:s3] =	ssyncset.done $0x0  }
.LBB2_1:
0x33: {  	p0 =	sne.s32 s19, $0x1;
	s19 =	sadd.s32 $0xFFFFFFFF, s19;
	[sflag:s3] =	ssyncadd.s32 $0xFFFFC000  }
0x34: {  	[tilespmem:s2], [sflag:$0x3] =	stream.linear.gather [hbm4b:s4+s2], $0x280, $0x38;
	[tilespmem:$0x8400] =	vst v63  }
0x35: {  	_ =	swait.ge [sflag:s3], $0x280  }
0x36: {  	[sflag:s3] =	ssyncset.done $0x0  }
0x37: {  	[sflag:s3] =	ssyncadd.s32 $0xFFFFFD80  }
0x38: {  	[tilespmem:s7], [sflag:$0x1] =	stream.indirect.gather [hbm4b:s5+s6], $0x80, s2, s6, $0xb8;
	[tilespmem:$0x8400] =	vst v63  }
0x39: {  	_ = 	snop  }
0x3a: {  	[tilespmem:s8], [sflag:$0x2] =	stream.indirect.gather [hbm4b:s5+s6], $0x80, s6, s6, $0xb8;
	[tilespmem:$0x8400] =	vst v63  }
0x3b: {  	_ =	swait.ge [sflag:s9], $0x4000  }
0x3c: {  	[sflag:s9] =	ssyncset.done $0x0  }
0x3d: {  	[sflag:s9] =	ssyncadd.s32 $0xFFFFC000  }
0x3e: {  	[hbm4b:s10+s2] =	stream.linear.scatter [tilespmem:s7], [sflag:$0x3], $0x4000, $0x38;
	[tilespmem:$0x8400] =	vst v63  }
0x3f: {  	_ =	swait.ge [sflag:s3], $0x4000  }
0x40: {  	[sflag:s3] =	ssyncset.done $0x0  }
0x41: {  	[sflag:s3] =	ssyncadd.s32 $0xFFFFC000  }
0x42: {  	[tilespmem:s7], [sflag:$0x1] =	stream.indirect.gather [hbm4b:s5+s6], $0x80, s11, s6, $0xb8;
	[tilespmem:$0x8400] =	vst v63  }
0x43: {  	_ =	swait.ge [sflag:s12], $0x4000  }
0x44: {  	[sflag:s12] =	ssyncset.done $0x0  }
0x45: {  	[sflag:s12] =	ssyncadd.s32 $0xFFFFC000  }
0x46: {  	[hbm4b:s13+s2] =	stream.linear.scatter [tilespmem:s8], [sflag:$0x3], $0x4000, $0x38;
	[tilespmem:$0x8400] =	vst v63  }
0x47: {  	_ =	swait.ge [sflag:s3], $0x4000  }
0x48: {  	[sflag:s3] =	ssyncset.done $0x0  }
0x49: {  	[sflag:s3] =	ssyncadd.s32 $0xFFFFC000  }
0x4a: {  	[tilespmem:s8], [sflag:$0x2] =	stream.indirect.gather [hbm4b:s5+s6], $0x80, s14, s6, $0xb8;
	[tilespmem:$0x8400] =	vst v63  }
0x4b: {  	_ =	swait.ge [sflag:s9], $0x4000  }
0x4c: {  	[sflag:s9] =	ssyncset.done $0x0  }
0x4d: {  	[sflag:s9] =	ssyncadd.s32 $0xFFFFC000  }
0x4e: {  	[hbm4b:s15+s2] =	stream.linear.scatter [tilespmem:s7], [sflag:$0x3], $0x4000, $0x38;
	[tilespmem:$0x8400] =	vst v63  }
0x4f: {  	_ =	swait.ge [sflag:s3], $0x4000  }
0x50: {  	[sflag:s3] =	ssyncset.done $0x0  }
0x51: {  	[sflag:s3] =	ssyncadd.s32 $0xFFFFC000  }
0x52: {  	[tilespmem:s7], [sflag:$0x1] =	stream.indirect.gather [hbm4b:s5+s6], $0x80, s16, s6, $0xb8;
	[tilespmem:$0x8400] =	vst v63  }
0x53: {  	_ =	swait.ge [sflag:s12], $0x4000  }
0x54: {  	[sflag:s12] =	ssyncset.done $0x0  }
0x55: {  	[sflag:s12] =	ssyncadd.s32 $0xFFFFC000  }
0x56: {  	[hbm4b:s17+s2] =	stream.linear.scatter [tilespmem:s8], [sflag:$0x3], $0x4000, $0x38;
	[tilespmem:$0x8400] =	vst v63  }
0x57: {  	_ =	swait.ge [sflag:s3], $0x4000  }
0x58: {  	[sflag:s3] =	ssyncset.done $0x0  }
0x59: {  	[sflag:s3] =	ssyncadd.s32 $0xFFFFC000  }
0x5a: {  	_ =	swait.ge [sflag:s9], $0x4000  }
.Ltmp1:
0x5b: {  	[sflag:s9] =	ssyncset.done $0x0;
	(pc) =	sbr.rel @p0 .LBB2_1-.Ltmp1, $4  }
0x5c: {  	[sflag:s9] =	ssyncadd.s32 $0xFFFFC000  }
0x5d: {  	[hbm4b:s18+s2] =	stream.linear.scatter [tilespmem:s7], [sflag:$0x3], $0x4000, $0x38;
	[tilespmem:$0x8400] =	vst v63  }
0x5e: {  	_ =	swait.ge [sflag:s3], $0x4000  }
0x5f: {  	[sflag:s3] =	ssyncset.done $0x0  }
.LBB2_2:
0x60: {  	[sflag:s3] =	ssyncadd.s32 $0xFFFFC000  }
0x61: {  	_ =	sfence.sel $0x180000  }
0x62: {  	[bflag:$0x0] =	sbarrier.arrive $0xFFFF  }
0x63: {  	p0 =	sne.s32 s0, $0x0;
	_ =	strace $0x90000047  }
0x64: {  	s0 =	sadd.s32 @!p0 $0x100000, s1;
	[bflag:$0x2] =	sbarrier.arrive $0xFFFF  }
0x65: {  	[sflag:s0] =	ssyncadd.tile.s32 @!p0 $0x1;
	_ =	shalt  }
.Lfunc_end2:
_tile_overlayer_lowered:
.L_overlay_start_2:
0x66: {  	(tag) =	ssettag $0x2  }
0x67: {  	s0 =	rddreg [dreg:$0x0];
	s2 =	stileid.u32  }
0x68: {  	s1 =	rddreg [dreg:$0x1];
	p0 =	sne.s32 s2, $0x0  }
0x69: {  	s3 =	rddreg [dreg:$0x2];
	[bflag:$0x3] =	sbarrier.arrive $0xFFFF;
	s2 =	simm.s32 @!p0 $0x1C03  }
0x6a: {  	[timem:s3], [sflag:s2] =	dma.local @!p0 [hbm:s0], s1  }
0x6b: {  	s0 =	simm.s32 @!p0 $0x3  }
0x6c: {  	_ =	swait.ge @!p0 [sflag:s0], s1  }
0x6d: {  	s1 =	ssub.s32 @!p0 $0x0, s1;
	[sflag:s0] =	ssyncset.done @!p0 $0x0  }
0x6e: {  	[sflag:s0] =	ssyncadd.s32 @!p0 s1  }
0x6f: {  	[bflag:$0x3] =	sbarrier.arrive $0xFFFF  }
0x70: {  	_ =	shalt  }

// kernel: kernel.15.cloned.1.call-start
scs
__scs_entry_jumppad:
0x0: {  	(pc) =	sbr.rel $0x88, $3  }
0x1: {  	(tag) =	ssettag $0x0;
	lr =	simm.s32 $0x1  }
0x2: {  	[smem:$0x3F85] =	sst lr;
	_ =	strace $0xD0000000  }
0x3: {  	_ = 	snop  }
0x4: {  	_ = 	snop  }
0x5: {  	_ = 	snop  }
0x6: {  	_ = 	snop  }
0x7: {  	_ = 	snop  }
__scs_overlays_trampoline_lowered:
0x8: {  	[smem:$0x3F94] =	sst s0  }
0x9: {  	[smem:$0x3F95] =	sst s1  }
0xa: {  	[smem:$0x3F96] =	sst s2  }
0xb: {  	[smem:$0x3F97] =	sst s3  }
0xc: {  	[smem:$0x3F98] =	sst s4  }
0xd: {  	[smem:$0x3F99] =	sst s5  }
0xe: {  	[smem:$0x3F9A] =	sst s6  }
0xf: {  	[smem:$0x3F9B] =	sst s7  }
0x10: {  	[smem:$0x3F9C] =	sst s8  }
0x11: {  	[smem:$0x3F9D] =	sst s9;
	s0 =	simm.s32 @!p0 $0x0  }
0x12: {  	s1 =	sld [smem:$0x3F83];
	s0 =	simm.s32 @p0 $0x1  }
0x13: {  	[smem:$0x3F9E] =	sst s0;
	s0 =	simm.s32 @!p1 $0x0  }
0x14: {  	s2 =	sld [smem:$0x3F82];
	s0 =	simm.s32 @p1 $0x1  }
0x15: {  	[smem:$0x3F9F] =	sst s0;
	s0 =	simm.s32 @!p2 $0x0  }
0x16: {  	s3 =	sld [smem:$0x3FDB];
	s0 =	simm.s32 @p2 $0x1  }
0x17: {  	s4 =	simm.s32 $0x1BF5;
	[smem:$0x3FA1] =	sst s0  }
0x18: {  	s0 =	sld [smem:$0x3F84];
	_ =	swait.ge [sflag:s4], $0x0  }
0x19: {  	s7 =	sld [smem:$0x3F85]  }
0x1a: {  	s8 =	sadd.s32 $0xFFFFE003, lr  }
0x1b: {  	s9 =	sadd.s32 $0xFFFFFEF7, lr;
	s5 =	simm.s32 $0xFFFFFFFF;
	p2 =	slt.u32 s8, $0xFFFFF086  }
0x1c: {  	p1 =	slt.u32 s9, $0xF7A;
	s5 =	simm.s32 @!p2 $0x0  }
0x1d: {  	s5 =	simm.s32 @p1 $0x1;
	p0 =	seq.s32 s7, s2  }
0x1e: {  	s7 =	smul.u32 @!p0 $0xF7A, s2;
	p2 =	seq.s32 @!p0 s5, $0x0  }
0x1f: {  	s9 =	smul.u32 $0xF7A, s1;
	s8 =	simm.s32 @!p0 $0x1BF5;
	p2 =	por !p2, p0  }
0x20: {  	[sflag:s8] =	ssyncset.s32 @!p0 $0xFFFFF086;
	s6 =	sadd.s32 @!p0 s3, s7;
	s7 =	simm.s32 @!p0 $0x108  }
0x21: {  	s3 =	sadd.s32 s3, s9;
	s6 =	sadd.s32 @!p0 $0x88, s6;
	s7 =	simm.s32 @p2 $0x1082  }
0x22: {  	[simem:s7], [sflag:s8] =	dma.local @!p0 [hbm:s6], $0xF7A  }
0x23: {  	s9 =	sor.u32 $0xD0000000, s2;
	s6 =	simm.s32 $0x108;
	_ =	swait.ge @!p0 [sflag:s8], $0x0  }
0x24: {  	s3 =	sadd.s32 $0x88, s3;
	s6 =	simm.s32 @!p1 $0x1082;
	[sflag:s4] =	ssyncset.s32 $0xFFFFF086  }
0x25: {  	[simem:s6], [sflag:s4] =	dma.local [hbm:s3], $0xF7A  }
0x26: {  	[smem:$0x3F85] =	sst s1;
	(tag) =	ssettag s2;
	_ =	strace s9  }
0x27: {  	s1 =	sld [smem:$0x3F95]  }
0x28: {  	s2 =	sld [smem:$0x3F96]  }
0x29: {  	s4 =	sld [smem:$0x3F98]  }
0x2a: {  	p0 =	seq.s32 s5, $0x0;
	s5 =	sld [smem:$0x3F99]  }
0x2b: {  	s6 =	sld [smem:$0x3F9A]  }
0x2c: {  	s7 =	sld [smem:$0x3F9B]  }
0x2d: {  	s3 =	simm.s32 $0x108;
	s8 =	sld [smem:$0x3F9C]  }
0x2e: {  	s3 =	simm.s32 @!p0 $0x1082;
	s9 =	sld [smem:$0x3F9D]  }
0x2f: {  	lr =	sadd.s32 s0, s3;
	s0 =	sld [smem:$0x3F94]  }
0x30: {  	s3 =	sld [smem:$0x3F97]  }
0x31: {  	[smem:$0x3FA0] =	sst s10  }
0x32: {  	s10 =	sld [smem:$0x3F9E];
	_ =	sdelay $0x3  }
0x33: {  	p0 =	seq.s32 s10, $0x1;
	s10 =	sld [smem:$0x3FA0];
	_ =	sdelay $0x3  }
0x34: {  	[smem:$0x3FA0] =	sst s10  }
0x35: {  	s10 =	sld [smem:$0x3F9F];
	_ =	sdelay $0x3  }
0x36: {  	p1 =	seq.s32 s10, $0x1;
	s10 =	sld [smem:$0x3FA0];
	_ =	sdelay $0x3  }
0x37: {  	[smem:$0x3FA0] =	sst s10  }
0x38: {  	s10 =	sld [smem:$0x3FA1]  }
0x39: {  	_ = 	snop;
	(pc) =	sbr.ind lr, $3  }
0x3a: {  	_ = 	snop  }
0x3b: {  	_ = 	snop  }
0x3c: {  	p2 =	seq.s32 s10, $0x1;
	s10 =	sld [smem:$0x3FA0]  }
0x3d: {  	_ =	shalt  }
0x3e: {  	_ =	shalt  }
0x3f: {  	_ =	shalt  }
0x40: {  	_ =	shalt  }
0x41: {  	_ =	shalt  }
0x42: {  	_ =	shalt  }
0x43: {  	_ =	shalt  }
0x44: {  	_ =	shalt  }
0x45: {  	_ =	shalt  }
0x46: {  	_ =	shalt  }
0x47: {  	_ =	shalt  }
0x48: {  	_ =	shalt  }
0x49: {  	_ =	shalt  }
0x4a: {  	_ =	shalt  }
0x4b: {  	_ =	shalt  }
0x4c: {  	_ =	shalt  }
0x4d: {  	_ =	shalt  }
0x4e: {  	_ =	shalt  }
0x4f: {  	_ =	shalt  }
0x50: {  	_ =	shalt  }
0x51: {  	_ =	shalt  }
0x52: {  	_ =	shalt  }
0x53: {  	_ =	shalt  }
0x54: {  	_ =	shalt  }
0x55: {  	_ =	shalt  }
0x56: {  	_ =	shalt  }
0x57: {  	_ =	shalt  }
0x58: {  	_ =	shalt  }
0x59: {  	_ =	shalt  }
0x5a: {  	_ =	shalt  }
0x5b: {  	_ =	shalt  }
0x5c: {  	_ =	shalt  }
0x5d: {  	_ =	shalt  }
0x5e: {  	_ =	shalt  }
0x5f: {  	_ =	shalt  }
0x60: {  	_ =	shalt  }
0x61: {  	_ =	shalt  }
0x62: {  	_ =	shalt  }
0x63: {  	_ =	shalt  }
0x64: {  	_ =	shalt  }
0x65: {  	_ =	shalt  }
0x66: {  	_ =	shalt  }
0x67: {  	_ =	shalt  }
0x68: {  	_ =	shalt  }
0x69: {  	_ =	shalt  }
0x6a: {  	_ =	shalt  }
0x6b: {  	_ =	shalt  }
0x6c: {  	_ =	shalt  }
0x6d: {  	_ =	shalt  }
0x6e: {  	_ =	shalt  }
0x6f: {  	_ =	shalt  }
0x70: {  	_ =	shalt  }
0x71: {  	_ =	shalt  }
0x72: {  	_ =	shalt  }
0x73: {  	_ =	shalt  }
0x74: {  	_ =	shalt  }
0x75: {  	_ =	shalt  }
0x76: {  	_ =	shalt  }
0x77: {  	_ =	shalt  }
0x78: {  	_ =	shalt  }
0x79: {  	_ =	shalt  }
0x7a: {  	_ =	shalt  }
0x7b: {  	_ =	shalt  }
0x7c: {  	_ =	shalt  }
0x7d: {  	_ =	shalt  }
0x7e: {  	_ =	shalt  }
0x7f: {  	_ =	shalt  }
0x80: {  	_ =	shalt  }
0x81: {  	_ =	shalt  }
0x82: {  	_ =	shalt  }
0x83: {  	_ =	shalt  }
0x84: {  	_ =	shalt  }
0x85: {  	_ =	shalt  }
0x86: {  	_ =	shalt  }
0x87: {  	_ =	shalt  }
.Lfunc_end0:
.L_simem_size_0:
called_computation.1_lowered:
.L_overlay_start_0:
0x88: {  	s2 =	sld [smem:$0x3FD9]  }
0x89: {  	s3 =	sld [smem:$0x3FFE];
	_ =	sdelay $0x1  }
0x8a: {  	s1 =	srdreg.scid  }
0x8b: {  	s0 =	sand.u32 $0x1, s1  }
0x8c: {  	s17 =	sshll.u32 s0, $0xA;
	s2 =	sadd.s32 s3, s2  }
0x8d: {  	s2 =	sadd.s32 s2, s17  }
0x8e: {  	[smem:$0x3FAC] =	sst s2  }
0x8f: {  	_ = 	snop  }
0x90: {  	s18 =	sld [smem:$0x3FD0];
	(tm) =	ssettm $0x1  }
0x91: {  	s19 =	sld [smem:$0x3FFB];
	_ =	sdelay $0x3  }
0x92: {  	_ =	strace s19  }
0x93: {  	s2 =	sld [smem:$0x3FFC];
	_ =	sdelay $0x3  }
0x94: {  	_ =	strace s2  }
0x95: {  	s2 =	sld [smem:$0x3FFD];
	_ =	sdelay $0x3  }
0x96: {  	_ =	strace s2  }
0x97: {  	_ =	strace $0x8FFFFFFF  }
0x98: {  	s20 =	sld [smem:$0x3FDB];
	_ =	sdelay $0x1  }
0x99: {  	s4 =	simm.s32 $_scs_section_size  }
0x9a: {  	s5 =	simm.s32 $_size__tile_overlayer_lowered;
	s6 =	simm.s32 $_tile_overlayer_lowered  }
0x9b: {  	s7 =	simm.s32 $0x1BFF;
	s21 =	sshll.u32 s6, $0x1;
	s4 =	sadd.s32 s4, s20  }
0x9c: {  	s22 =	simm.s32 $0x0;
	s5 =	sshll.u32 s5, $0x1;
	s6 =	sadd.s32 s21, s4  }
0x9d: {  	[timem:s22], [sflag:s7] =	dma.local [hbm:s6], s5  }
0x9e: {  	_ =	swait.ge [sflag:s7], s5  }
0x9f: {  	s5 =	ssub.s32 $0x0, s5;
	[sflag:s7] =	ssyncset.done $0x0  }
0xa0: {  	[sflag:s7] =	ssyncadd.s32 s5;
	_ =	sdelay $0x1  }
0xa1: {  	s23 =	simm.s32 $0x1B8B  }
0xa2: {  	_ =	swait.ge [sflag:s23], $0x1  }
0xa3: {  	[sflag:s23] =	ssyncset.done $0x0  }
0xa4: {  	[sflag:s23] =	ssyncadd.s32 $0xFFFFFFFF  }
0xa5: {  	s5 =	sld [smem:$0x0]  }
0xa6: {  	s6 =	sand.u32 $0xFFFFFFFE, s1  }
0xa7: {  	p0 =	sne.s32 s1, s6  }
0xa8: {  	s6 =	sshll.u32 @p0 s6, $0xE  }
0xa9: {  	s6 =	sadd.s32 @p0 $0x11B8D, s6;
	s7 =	sshll.u32 @p0 s5, $0x11  }
0xaa: {  	s6 =	sor.u32 @p0 s7, s6  }
0xab: {  	[sflag:s6] =	ssyncadd.remote.s32 @p0 $0x1;
	_ =	sdelay $0x1  }
0xac: {  	s6 =	simm.s32 @p0 $0x1B8D  }
0xad: {  	_ =	swait.eq @p0 [sflag:s6], $0x1  }
0xae: {  	[sflag:s6] =	ssyncadd.s32 @p0 $0xFFFFFFFF  }
0xaf: {  	s7 =	sshll.u32 @!p0 s1, $0xE  }
0xb0: {  	s7 =	sor.u32 @!p0 $0x4000, s7;
	s6 =	simm.s32 @!p0 $0x1B8D  }
0xb1: {  	s5 =	sshll.u32 @!p0 s5, $0x11;
	s7 =	sadd.s32 @!p0 $0x11B8D, s7;
	_ =	swait.eq @!p0 [sflag:s6], $0x1  }
0xb2: {  	s5 =	sor.u32 @!p0 s5, s7;
	[sflag:s6] =	ssyncadd.s32 @!p0 $0xFFFFFFFF  }
0xb3: {  	s25 =	simm.s32 $0x1B8E;
	s24 =	sld [smem:$0x3FFE];
	[sflag:s5] =	ssyncadd.remote.s32 @!p0 $0x1  }
0xb4: {  	s26 =	simm.s32 $execute0_lowered;
	[smem:$0x3FD2] =	sst s25  }
0xb5: {  	s6 =	sshll.u32 s26, $0x1;
	_ =	strace $0x80000049;
	[dreg:$0x1] =	wrdreg $0xFFFFFFFF  }
0xb6: {  	s28 =	simm.s32 $_size_execute0_lowered;
	s4 =	sadd.s32 s4, s6;
	[dreg:$0x0] =	wrdreg $0x0  }
0xb7: {  	s6 =	sshll.u32 s28, $0x1;
	[dreg:$0x2] =	wrdreg s4  }
0xb8: {  	[dreg:$0x3] =	wrdreg s6  }
0xb9: {  	[dreg:$0x4] =	wrdreg $0xC0  }
0xba: {  	_ =	task [dreg:s22], $0x5FFFF  }
0xbb: {  	[dreg:$0x1] =	wrdreg $0xFFFFFFFF  }
0xbc: {  	[dreg:$0x0] =	wrdreg $0x60  }
0xbd: {  	[dreg:$0x2] =	wrdreg s18  }
0xbe: {  	[dreg:$0x3] =	wrdreg s24  }
0xbf: {  	[dreg:$0x4] =	wrdreg $0x9  }
0xc0: {  	_ =	task.clear_ibuf [dreg:s22], $0x5FFFF;
	_ =	strace $0x90000049  }
0xc1: {  	s29 =	simm.s32 $0x9;
	_ =	strace $0x8000004B  }
0xc2: {  	_ =	swait.ge [sflag:s29], $0x1  }
0xc3: {  	[sflag:s29] =	ssyncadd.s32 $0xFFFFFFFF  }
0xc4: {  	_ =	strace $0x9000004B  }
0xc5: {  	_ =	sfence  }
0xc6: {  	s30 =	sld [smem:$0x0];
	_ =	sdelay $0x2  }
0xc7: {  	s31 =	sshll.u32 s1, $0xD;
	s1 =	sshrl.u32 s1, $0x2  }
0xc8: {  	s4 =	sand.u32 $0x4000, s31;
	s1 =	sadd.s32 s1, s30  }
0xc9: {  	s0 =	sor.u32 s4, s0;
	s1 =	sshll.u32 s1, $0x11  }
0xca: {  	s0 =	sor.u32 s1, s0  }
0xcb: {  	s0 =	sadd.s32 $0x8F2B, s0  }
0xcc: {  	[sflag:s0] =	ssyncadd.remote.s32 $0x1  }
0xcd: {  	_ =	sfence.sel $0xFFFF  }
0xce: {  	[dreg:$0x0] =	wrdreg $0xFFFFFFFF;
	(pc) =	sbr.abs _section_cstart, $3  }
0xcf: {  	[dreg:$0x1] =	wrdreg $0xFFFFFFFF  }
0xd0: {  	_ =	task.clear_ibuf [dreg:s22], $0x2FFFF;
	_ =	strace $0x9FFFFFFF  }
0xd1: {  	(tm) =	ssettm $0x7FFFFFFF  }
tec
execute0_lowered:
.L_overlay_start_1:
0x0: {  	(tag) =	ssettag $0x1  }
0x1: {  	s1 =	srdreg.scid;
	s0 =	stileid.u32  }
0x2: {  	s2 =	rddreg [dreg:$0x0];
	s18 =	sand.u32 $0x1, s1;
	s30 =	sshll.u32 s0, $0x1  }
0x3: {  	s10 =	rddreg [dreg:$0x1];
	s11 =	sor.u32 s18, s30  }
0x4: {  	s3 =	simm.s32 $0x0;
	s1 =	rddreg [dreg:$0x2];
	s4 =	sshll.u32 s11, $0x7  }
0x5: {  	[smem:$0x7FF] =	sst s3;
	s4 =	sadd.s32 s4, s10  }
0x6: {  	_ =	strace $0x8000004A;
	s5 =	sadd.s32 $0x5FA00, s4;
	s4 =	simm.s32 $0x3  }
0x7: {  	[tilespmem:s3], [sflag:$0x3] =	stream.linear.gather [hbm4b:s5+s3], $0x280, $0x38;
	[tilespmem:$0x8400] =	vst v63  }
0x8: {  	_ =	swait.ge [sflag:s4], $0x280  }
0x9: {  	[sflag:s4] =	ssyncset.done $0x0  }
0xa: {  	s6 =	simm.s32 $0x80;
	s7 =	simm.s32 $0x400;
	[sflag:s4] =	ssyncadd.s32 $0xFFFFFD80  }
0xb: {  	[tilespmem:s7], [sflag:$0x1] =	stream.indirect.gather [hbm4b:s2+s6], $0x80, s3, s6, $0xb8;
	[tilespmem:$0x8400] =	vst v63  }
0xc: {  	s8 =	simm.s32 $0x4400;
	s9 =	simm.s32 $0x1  }
0xd: {  	[tilespmem:s8], [sflag:$0x2] =	stream.indirect.gather [hbm4b:s2+s6], $0x80, s6, s6, $0xb8;
	[tilespmem:$0x8400] =	vst v63  }
0xe: {  	s12 =	smul.u32 $0x2800, s11;
	_ =	swait.ge [sflag:s9], $0x4000  }
0xf: {  	s13 =	sadd.s32 $0x60A00, s10;
	[sflag:s9] =	ssyncset.done $0x0  }
0x10: {  	s10 =	sadd.s32 s13, s12;
	[sflag:s9] =	ssyncadd.s32 $0xFFFFC000  }
0x11: {  	[hbm4b:s10+s3] =	stream.linear.scatter [tilespmem:s7], [sflag:$0x3], $0x4000, $0x38;
	[tilespmem:$0x8400] =	vst v63  }
0x12: {  	_ =	swait.ge [sflag:s4], $0x4000  }
0x13: {  	s14 =	smul.u32 $0x14000, s11;
	[sflag:s4] =	ssyncset.done $0x0  }
0x14: {  	s11 =	simm.s32 $0x100;
	s12 =	simm.s32 $0x2;
	[sflag:s4] =	ssyncadd.s32 $0xFFFFC000  }
0x15: {  	[tilespmem:s7], [sflag:$0x1] =	stream.indirect.gather [hbm4b:s2+s6], $0x80, s11, s6, $0xb8;
	[tilespmem:$0x8400] =	vst v63  }
0x16: {  	s14 =	sshrl.u32 s14, $0x3;
	_ =	swait.ge [sflag:s12], $0x4000  }
0x17: {  	s19 =	sadd.s32 s13, s14;
	[sflag:s12] =	ssyncset.done $0x0  }
0x18: {  	s13 =	sadd.s32 $0x800, s19;
	[sflag:s12] =	ssyncadd.s32 $0xFFFFC000  }
0x19: {  	[hbm4b:s13+s3] =	stream.linear.scatter [tilespmem:s8], [sflag:$0x3], $0x4000, $0x38;
	[tilespmem:$0x8400] =	vst v63  }
0x1a: {  	_ =	swait.ge [sflag:s4], $0x4000  }
0x1b: {  	[sflag:s4] =	ssyncset.done $0x0  }
0x1c: {  	s14 =	simm.s32 $0x180;
	[sflag:s4] =	ssyncadd.s32 $0xFFFFC000  }
0x1d: {  	[tilespmem:s8], [sflag:$0x2] =	stream.indirect.gather [hbm4b:s2+s6], $0x80, s14, s6, $0xb8;
	[tilespmem:$0x8400] =	vst v63  }
0x1e: {  	_ =	swait.ge [sflag:s9], $0x4000  }
0x1f: {  	[sflag:s9] =	ssyncset.done $0x0  }
0x20: {  	s15 =	sadd.s32 $0x1000, s19;
	[sflag:s9] =	ssyncadd.s32 $0xFFFFC000  }
0x21: {  	[hbm4b:s15+s3] =	stream.linear.scatter [tilespmem:s7], [sflag:$0x3], $0x4000, $0x38;
	[tilespmem:$0x8400] =	vst v63  }
0x22: {  	_ =	swait.ge [sflag:s4], $0x4000  }
0x23: {  	[sflag:s4] =	ssyncset.done $0x0  }
0x24: {  	s16 =	simm.s32 $0x200;
	[sflag:s4] =	ssyncadd.s32 $0xFFFFC000  }
0x25: {  	[tilespmem:s7], [sflag:$0x1] =	stream.indirect.gather [hbm4b:s2+s6], $0x80, s16, s6, $0xb8;
	[tilespmem:$0x8400] =	vst v63  }
0x26: {  	_ =	swait.ge [sflag:s12], $0x4000  }
0x27: {  	[sflag:s12] =	ssyncset.done $0x0  }
0x28: {  	s18 =	ssub.s32 $0x2, s18;
	s17 =	sadd.s32 $0x1800, s19;
	[sflag:s12] =	ssyncadd.s32 $0xFFFFC000  }
0x29: {  	[hbm4b:s17+s3] =	stream.linear.scatter [tilespmem:s8], [sflag:$0x3], $0x4000, $0x38;
	[tilespmem:$0x8400] =	vst v63  }
0x2a: {  	s20 =	sshrl.u32 s18, $0x1;
	_ =	swait.ge [sflag:s4], $0x4000  }
0x2b: {  	s20 =	ssub.s32 s18, s20;
	[sflag:s4] =	ssyncset.done $0x0  }
0x2c: {  	s31 =	smax.u32 s20, $0x1;
	[sflag:s4] =	ssyncadd.s32 $0xFFFFC000  }
0x2d: {  	p0 =	sne.s32 s31, $0x1;
	_ =	swait.ge [sflag:s9], $0x4000  }
.Ltmp0:
0x2e: {  	[sflag:s9] =	ssyncset.done $0x0;
	(pc) =	sbr.rel @!p0 .LBB2_2-.Ltmp0, $4  }
0x2f: {  	s18 =	sadd.s32 $0x2000, s19;
	[sflag:s9] =	ssyncadd.s32 $0xFFFFC000  }
0x30: {  	[hbm4b:s18+s3] =	stream.linear.scatter [tilespmem:s7], [sflag:$0x3], $0x4000, $0x38;
	[tilespmem:$0x8400] =	vst v63  }
0x31: {  	_ =	swait.ge [sflag:s4], $0x4000  }
0x32: {  	s19 =	sadd.s32 $0xFFFFFFFF, s31;
	[sflag:s4] =	ssyncset.done $0x0  }
.LBB2_1:
0x33: {  	p0 =	sne.s32 s19, $0x1;
	s19 =	sadd.s32 $0xFFFFFFFF, s19;
	[sflag:s4] =	ssyncadd.s32 $0xFFFFC000  }
0x34: {  	[tilespmem:s3], [sflag:$0x3] =	stream.linear.gather [hbm4b:s5+s3], $0x280, $0x38;
	[tilespmem:$0x8400] =	vst v63  }
0x35: {  	_ =	swait.ge [sflag:s4], $0x280  }
0x36: {  	[sflag:s4] =	ssyncset.done $0x0  }
0x37: {  	[sflag:s4] =	ssyncadd.s32 $0xFFFFFD80  }
0x38: {  	[tilespmem:s7], [sflag:$0x1] =	stream.indirect.gather [hbm4b:s2+s6], $0x80, s3, s6, $0xb8;
	[tilespmem:$0x8400] =	vst v63  }
0x39: {  	_ = 	snop  }
0x3a: {  	[tilespmem:s8], [sflag:$0x2] =	stream.indirect.gather [hbm4b:s2+s6], $0x80, s6, s6, $0xb8;
	[tilespmem:$0x8400] =	vst v63  }
0x3b: {  	_ =	swait.ge [sflag:s9], $0x4000  }
0x3c: {  	[sflag:s9] =	ssyncset.done $0x0  }
0x3d: {  	[sflag:s9] =	ssyncadd.s32 $0xFFFFC000  }
0x3e: {  	[hbm4b:s10+s3] =	stream.linear.scatter [tilespmem:s7], [sflag:$0x3], $0x4000, $0x38;
	[tilespmem:$0x8400] =	vst v63  }
0x3f: {  	_ =	swait.ge [sflag:s4], $0x4000  }
0x40: {  	[sflag:s4] =	ssyncset.done $0x0  }
0x41: {  	[sflag:s4] =	ssyncadd.s32 $0xFFFFC000  }
0x42: {  	[tilespmem:s7], [sflag:$0x1] =	stream.indirect.gather [hbm4b:s2+s6], $0x80, s11, s6, $0xb8;
	[tilespmem:$0x8400] =	vst v63  }
0x43: {  	_ =	swait.ge [sflag:s12], $0x4000  }
0x44: {  	[sflag:s12] =	ssyncset.done $0x0  }
0x45: {  	[sflag:s12] =	ssyncadd.s32 $0xFFFFC000  }
0x46: {  	[hbm4b:s13+s3] =	stream.linear.scatter [tilespmem:s8], [sflag:$0x3], $0x4000, $0x38;
	[tilespmem:$0x8400] =	vst v63  }
0x47: {  	_ =	swait.ge [sflag:s4], $0x4000  }
0x48: {  	[sflag:s4] =	ssyncset.done $0x0  }
0x49: {  	[sflag:s4] =	ssyncadd.s32 $0xFFFFC000  }
0x4a: {  	[tilespmem:s8], [sflag:$0x2] =	stream.indirect.gather [hbm4b:s2+s6], $0x80, s14, s6, $0xb8;
	[tilespmem:$0x8400] =	vst v63  }
0x4b: {  	_ =	swait.ge [sflag:s9], $0x4000  }
0x4c: {  	[sflag:s9] =	ssyncset.done $0x0  }
0x4d: {  	[sflag:s9] =	ssyncadd.s32 $0xFFFFC000  }
0x4e: {  	[hbm4b:s15+s3] =	stream.linear.scatter [tilespmem:s7], [sflag:$0x3], $0x4000, $0x38;
	[tilespmem:$0x8400] =	vst v63  }
0x4f: {  	_ =	swait.ge [sflag:s4], $0x4000  }
0x50: {  	[sflag:s4] =	ssyncset.done $0x0  }
0x51: {  	[sflag:s4] =	ssyncadd.s32 $0xFFFFC000  }
0x52: {  	[tilespmem:s7], [sflag:$0x1] =	stream.indirect.gather [hbm4b:s2+s6], $0x80, s16, s6, $0xb8;
	[tilespmem:$0x8400] =	vst v63  }
0x53: {  	_ =	swait.ge [sflag:s12], $0x4000  }
0x54: {  	[sflag:s12] =	ssyncset.done $0x0  }
0x55: {  	[sflag:s12] =	ssyncadd.s32 $0xFFFFC000  }
0x56: {  	[hbm4b:s17+s3] =	stream.linear.scatter [tilespmem:s8], [sflag:$0x3], $0x4000, $0x38;
	[tilespmem:$0x8400] =	vst v63  }
0x57: {  	_ =	swait.ge [sflag:s4], $0x4000  }
0x58: {  	[sflag:s4] =	ssyncset.done $0x0  }
0x59: {  	[sflag:s4] =	ssyncadd.s32 $0xFFFFC000  }
0x5a: {  	_ =	swait.ge [sflag:s9], $0x4000  }
.Ltmp1:
0x5b: {  	[sflag:s9] =	ssyncset.done $0x0;
	(pc) =	sbr.rel @p0 .LBB2_1-.Ltmp1, $4  }
0x5c: {  	[sflag:s9] =	ssyncadd.s32 $0xFFFFC000  }
0x5d: {  	[hbm4b:s18+s3] =	stream.linear.scatter [tilespmem:s7], [sflag:$0x3], $0x4000, $0x38;
	[tilespmem:$0x8400] =	vst v63  }
0x5e: {  	_ =	swait.ge [sflag:s4], $0x4000  }
0x5f: {  	[sflag:s4] =	ssyncset.done $0x0  }
.LBB2_2:
0x60: {  	[sflag:s4] =	ssyncadd.s32 $0xFFFFC000  }
0x61: {  	_ =	sfence.sel $0x180000  }
0x62: {  	[bflag:$0x0] =	sbarrier.arrive $0xFFFF  }
0x63: {  	p0 =	sne.s32 s0, $0x0;
	_ =	strace $0x9000004A  }
0x64: {  	s0 =	sadd.s32 @!p0 $0x100000, s1;
	[bflag:$0x2] =	sbarrier.arrive $0xFFFF  }
0x65: {  	[sflag:s0] =	ssyncadd.tile.s32 @!p0 $0x1;
	_ =	shalt  }
.Lfunc_end2:
_tile_overlayer_lowered:
.L_overlay_start_2:
0x66: {  	(tag) =	ssettag $0x2  }
0x67: {  	s0 =	rddreg [dreg:$0x0];
	s2 =	stileid.u32  }
0x68: {  	s1 =	rddreg [dreg:$0x1];
	p0 =	sne.s32 s2, $0x0  }
0x69: {  	s3 =	rddreg [dreg:$0x2];
	[bflag:$0x3] =	sbarrier.arrive $0xFFFF;
	s2 =	simm.s32 @!p0 $0x1C03  }
0x6a: {  	[timem:s3], [sflag:s2] =	dma.local @!p0 [hbm:s0], s1  }
0x6b: {  	s0 =	simm.s32 @!p0 $0x3  }
0x6c: {  	_ =	swait.ge @!p0 [sflag:s0], s1  }
0x6d: {  	s1 =	ssub.s32 @!p0 $0x0, s1;
	[sflag:s0] =	ssyncset.done @!p0 $0x0  }
0x6e: {  	[sflag:s0] =	ssyncadd.s32 @!p0 s1  }
0x6f: {  	[bflag:$0x3] =	sbarrier.arrive $0xFFFF  }
0x70: {  	_ =	shalt  }

// kernel: kernel.18.cloned.1.call-start
scs
__scs_entry_jumppad:
0x0: {  	(pc) =	sbr.rel $0x88, $3  }
0x1: {  	(tag) =	ssettag $0x0;
	lr =	simm.s32 $0x1  }
0x2: {  	[smem:$0x3F85] =	sst lr;
	_ =	strace $0xD0000000  }
0x3: {  	_ = 	snop  }
0x4: {  	_ = 	snop  }
0x5: {  	_ = 	snop  }
0x6: {  	_ = 	snop  }
0x7: {  	_ = 	snop  }
__scs_overlays_trampoline_lowered:
0x8: {  	[smem:$0x3F94] =	sst s0  }
0x9: {  	[smem:$0x3F95] =	sst s1  }
0xa: {  	[smem:$0x3F96] =	sst s2  }
0xb: {  	[smem:$0x3F97] =	sst s3  }
0xc: {  	[smem:$0x3F98] =	sst s4  }
0xd: {  	[smem:$0x3F99] =	sst s5  }
0xe: {  	[smem:$0x3F9A] =	sst s6  }
0xf: {  	[smem:$0x3F9B] =	sst s7  }
0x10: {  	[smem:$0x3F9C] =	sst s8  }
0x11: {  	[smem:$0x3F9D] =	sst s9;
	s0 =	simm.s32 @!p0 $0x0  }
0x12: {  	s1 =	sld [smem:$0x3F83];
	s0 =	simm.s32 @p0 $0x1  }
0x13: {  	[smem:$0x3F9E] =	sst s0;
	s0 =	simm.s32 @!p1 $0x0  }
0x14: {  	s2 =	sld [smem:$0x3F82];
	s0 =	simm.s32 @p1 $0x1  }
0x15: {  	[smem:$0x3F9F] =	sst s0;
	s0 =	simm.s32 @!p2 $0x0  }
0x16: {  	s3 =	sld [smem:$0x3FDB];
	s0 =	simm.s32 @p2 $0x1  }
0x17: {  	s4 =	simm.s32 $0x1BF5;
	[smem:$0x3FA1] =	sst s0  }
0x18: {  	s0 =	sld [smem:$0x3F84];
	_ =	swait.ge [sflag:s4], $0x0  }
0x19: {  	s7 =	sld [smem:$0x3F85]  }
0x1a: {  	s8 =	sadd.s32 $0xFFFFE003, lr  }
0x1b: {  	s9 =	sadd.s32 $0xFFFFFEF7, lr;
	s5 =	simm.s32 $0xFFFFFFFF;
	p2 =	slt.u32 s8, $0xFFFFF086  }
0x1c: {  	p1 =	slt.u32 s9, $0xF7A;
	s5 =	simm.s32 @!p2 $0x0  }
0x1d: {  	s5 =	simm.s32 @p1 $0x1;
	p0 =	seq.s32 s7, s2  }
0x1e: {  	s7 =	smul.u32 @!p0 $0xF7A, s2;
	p2 =	seq.s32 @!p0 s5, $0x0  }
0x1f: {  	s9 =	smul.u32 $0xF7A, s1;
	s8 =	simm.s32 @!p0 $0x1BF5;
	p2 =	por !p2, p0  }
0x20: {  	[sflag:s8] =	ssyncset.s32 @!p0 $0xFFFFF086;
	s6 =	sadd.s32 @!p0 s3, s7;
	s7 =	simm.s32 @!p0 $0x108  }
0x21: {  	s3 =	sadd.s32 s3, s9;
	s6 =	sadd.s32 @!p0 $0x88, s6;
	s7 =	simm.s32 @p2 $0x1082  }
0x22: {  	[simem:s7], [sflag:s8] =	dma.local @!p0 [hbm:s6], $0xF7A  }
0x23: {  	s9 =	sor.u32 $0xD0000000, s2;
	s6 =	simm.s32 $0x108;
	_ =	swait.ge @!p0 [sflag:s8], $0x0  }
0x24: {  	s3 =	sadd.s32 $0x88, s3;
	s6 =	simm.s32 @!p1 $0x1082;
	[sflag:s4] =	ssyncset.s32 $0xFFFFF086  }
0x25: {  	[simem:s6], [sflag:s4] =	dma.local [hbm:s3], $0xF7A  }
0x26: {  	[smem:$0x3F85] =	sst s1;
	(tag) =	ssettag s2;
	_ =	strace s9  }
0x27: {  	s1 =	sld [smem:$0x3F95]  }
0x28: {  	s2 =	sld [smem:$0x3F96]  }
0x29: {  	s4 =	sld [smem:$0x3F98]  }
0x2a: {  	p0 =	seq.s32 s5, $0x0;
	s5 =	sld [smem:$0x3F99]  }
0x2b: {  	s6 =	sld [smem:$0x3F9A]  }
0x2c: {  	s7 =	sld [smem:$0x3F9B]  }
0x2d: {  	s3 =	simm.s32 $0x108;
	s8 =	sld [smem:$0x3F9C]  }
0x2e: {  	s3 =	simm.s32 @!p0 $0x1082;
	s9 =	sld [smem:$0x3F9D]  }
0x2f: {  	lr =	sadd.s32 s0, s3;
	s0 =	sld [smem:$0x3F94]  }
0x30: {  	s3 =	sld [smem:$0x3F97]  }
0x31: {  	[smem:$0x3FA0] =	sst s10  }
0x32: {  	s10 =	sld [smem:$0x3F9E];
	_ =	sdelay $0x3  }
0x33: {  	p0 =	seq.s32 s10, $0x1;
	s10 =	sld [smem:$0x3FA0];
	_ =	sdelay $0x3  }
0x34: {  	[smem:$0x3FA0] =	sst s10  }
0x35: {  	s10 =	sld [smem:$0x3F9F];
	_ =	sdelay $0x3  }
0x36: {  	p1 =	seq.s32 s10, $0x1;
	s10 =	sld [smem:$0x3FA0];
	_ =	sdelay $0x3  }
0x37: {  	[smem:$0x3FA0] =	sst s10  }
0x38: {  	s10 =	sld [smem:$0x3FA1]  }
0x39: {  	_ = 	snop;
	(pc) =	sbr.ind lr, $3  }
0x3a: {  	_ = 	snop  }
0x3b: {  	_ = 	snop  }
0x3c: {  	p2 =	seq.s32 s10, $0x1;
	s10 =	sld [smem:$0x3FA0]  }
0x3d: {  	_ =	shalt  }
0x3e: {  	_ =	shalt  }
0x3f: {  	_ =	shalt  }
0x40: {  	_ =	shalt  }
0x41: {  	_ =	shalt  }
0x42: {  	_ =	shalt  }
0x43: {  	_ =	shalt  }
0x44: {  	_ =	shalt  }
0x45: {  	_ =	shalt  }
0x46: {  	_ =	shalt  }
0x47: {  	_ =	shalt  }
0x48: {  	_ =	shalt  }
0x49: {  	_ =	shalt  }
0x4a: {  	_ =	shalt  }
0x4b: {  	_ =	shalt  }
0x4c: {  	_ =	shalt  }
0x4d: {  	_ =	shalt  }
0x4e: {  	_ =	shalt  }
0x4f: {  	_ =	shalt  }
0x50: {  	_ =	shalt  }
0x51: {  	_ =	shalt  }
0x52: {  	_ =	shalt  }
0x53: {  	_ =	shalt  }
0x54: {  	_ =	shalt  }
0x55: {  	_ =	shalt  }
0x56: {  	_ =	shalt  }
0x57: {  	_ =	shalt  }
0x58: {  	_ =	shalt  }
0x59: {  	_ =	shalt  }
0x5a: {  	_ =	shalt  }
0x5b: {  	_ =	shalt  }
0x5c: {  	_ =	shalt  }
0x5d: {  	_ =	shalt  }
0x5e: {  	_ =	shalt  }
0x5f: {  	_ =	shalt  }
0x60: {  	_ =	shalt  }
0x61: {  	_ =	shalt  }
0x62: {  	_ =	shalt  }
0x63: {  	_ =	shalt  }
0x64: {  	_ =	shalt  }
0x65: {  	_ =	shalt  }
0x66: {  	_ =	shalt  }
0x67: {  	_ =	shalt  }
0x68: {  	_ =	shalt  }
0x69: {  	_ =	shalt  }
0x6a: {  	_ =	shalt  }
0x6b: {  	_ =	shalt  }
0x6c: {  	_ =	shalt  }
0x6d: {  	_ =	shalt  }
0x6e: {  	_ =	shalt  }
0x6f: {  	_ =	shalt  }
0x70: {  	_ =	shalt  }
0x71: {  	_ =	shalt  }
0x72: {  	_ =	shalt  }
0x73: {  	_ =	shalt  }
0x74: {  	_ =	shalt  }
0x75: {  	_ =	shalt  }
0x76: {  	_ =	shalt  }
0x77: {  	_ =	shalt  }
0x78: {  	_ =	shalt  }
0x79: {  	_ =	shalt  }
0x7a: {  	_ =	shalt  }
0x7b: {  	_ =	shalt  }
0x7c: {  	_ =	shalt  }
0x7d: {  	_ =	shalt  }
0x7e: {  	_ =	shalt  }
0x7f: {  	_ =	shalt  }
0x80: {  	_ =	shalt  }
0x81: {  	_ =	shalt  }
0x82: {  	_ =	shalt  }
0x83: {  	_ =	shalt  }
0x84: {  	_ =	shalt  }
0x85: {  	_ =	shalt  }
0x86: {  	_ =	shalt  }
0x87: {  	_ =	shalt  }
.Lfunc_end0:
.L_simem_size_0:
called_computation.2_lowered:
.L_overlay_start_0:
0x88: {  	s2 =	sld [smem:$0x3FD9]  }
0x89: {  	s3 =	sld [smem:$0x3FFE];
	_ =	sdelay $0x1  }
0x8a: {  	s1 =	srdreg.scid  }
0x8b: {  	s0 =	sand.u32 $0x1, s1  }
0x8c: {  	s17 =	sshll.u32 s0, $0xA;
	s2 =	sadd.s32 s3, s2  }
0x8d: {  	s2 =	sadd.s32 s2, s17  }
0x8e: {  	[smem:$0x3FAC] =	sst s2  }
0x8f: {  	_ = 	snop  }
0x90: {  	(tm) =	ssettm $0x1  }
0x91: {  	s18 =	sld [smem:$0x3FFB];
	_ =	sdelay $0x3  }
0x92: {  	_ =	strace s18  }
0x93: {  	s2 =	sld [smem:$0x3FFC];
	_ =	sdelay $0x3  }
0x94: {  	_ =	strace s2  }
0x95: {  	s2 =	sld [smem:$0x3FFD];
	_ =	sdelay $0x3  }
0x96: {  	_ =	strace s2  }
0x97: {  	_ =	strace $0x8FFFFFFF  }
0x98: {  	s19 =	sld [smem:$0x3FDB];
	_ =	sdelay $0x1  }
0x99: {  	s20 =	simm.s32 $_scs_section_size  }
0x9a: {  	s4 =	simm.s32 $_size__tile_overlayer_lowered;
	s5 =	simm.s32 $_tile_overlayer_lowered  }
0x9b: {  	s6 =	simm.s32 $0x1BFF;
	s21 =	sshll.u32 s5, $0x1;
	s3 =	sadd.s32 s20, s19  }
0x9c: {  	s22 =	simm.s32 $0x0;
	s4 =	sshll.u32 s4, $0x1;
	s5 =	sadd.s32 s21, s3  }
0x9d: {  	[timem:s22], [sflag:s6] =	dma.local [hbm:s5], s4  }
0x9e: {  	_ =	swait.ge [sflag:s6], s4  }
0x9f: {  	s4 =	ssub.s32 $0x0, s4;
	[sflag:s6] =	ssyncset.done $0x0  }
0xa0: {  	[sflag:s6] =	ssyncadd.s32 s4;
	_ =	sdelay $0x1  }
0xa1: {  	s23 =	simm.s32 $0x1B8B  }
0xa2: {  	_ =	swait.ge [sflag:s23], $0x1  }
0xa3: {  	[sflag:s23] =	ssyncset.done $0x0  }
0xa4: {  	[sflag:s23] =	ssyncadd.s32 $0xFFFFFFFF  }
0xa5: {  	s4 =	sld [smem:$0x0]  }
0xa6: {  	s5 =	sand.u32 $0xFFFFFFFE, s1  }
0xa7: {  	p0 =	sne.s32 s1, s5  }
0xa8: {  	s5 =	sshll.u32 @p0 s5, $0xE  }
0xa9: {  	s5 =	sadd.s32 @p0 $0x11B8D, s5;
	s6 =	sshll.u32 @p0 s4, $0x11  }
0xaa: {  	s5 =	sor.u32 @p0 s6, s5  }
0xab: {  	[sflag:s5] =	ssyncadd.remote.s32 @p0 $0x1;
	_ =	sdelay $0x1  }
0xac: {  	s5 =	simm.s32 @p0 $0x1B8D  }
0xad: {  	_ =	swait.eq @p0 [sflag:s5], $0x1  }
0xae: {  	[sflag:s5] =	ssyncadd.s32 @p0 $0xFFFFFFFF  }
0xaf: {  	s6 =	sshll.u32 @!p0 s1, $0xE  }
0xb0: {  	s6 =	sor.u32 @!p0 $0x4000, s6;
	s5 =	simm.s32 @!p0 $0x1B8D  }
0xb1: {  	s4 =	sshll.u32 @!p0 s4, $0x11;
	s6 =	sadd.s32 @!p0 $0x11B8D, s6;
	_ =	swait.eq @!p0 [sflag:s5], $0x1  }
0xb2: {  	s4 =	sor.u32 @!p0 s4, s6;
	[sflag:s5] =	ssyncadd.s32 @!p0 $0xFFFFFFFF  }
0xb3: {  	s25 =	simm.s32 $0x1B8E;
	s24 =	sld [smem:$0x3FFE];
	[sflag:s4] =	ssyncadd.remote.s32 @!p0 $0x1  }
0xb4: {  	s26 =	simm.s32 $execute0_lowered;
	[smem:$0x3FD2] =	sst s25  }
0xb5: {  	s5 =	sshll.u32 s26, $0x1;
	_ =	strace $0x8000004C;
	[dreg:$0x1] =	wrdreg $0xFFFFFFFF  }
0xb6: {  	s28 =	simm.s32 $_size_execute0_lowered;
	s3 =	sadd.s32 s3, s5;
	[dreg:$0x0] =	wrdreg $0x0  }
0xb7: {  	s5 =	sshll.u32 s28, $0x1;
	[dreg:$0x2] =	wrdreg s3  }
0xb8: {  	[dreg:$0x3] =	wrdreg s5  }
0xb9: {  	[dreg:$0x4] =	wrdreg $0xC0  }
0xba: {  	_ =	task [dreg:s22], $0x5FFFF  }
0xbb: {  	[dreg:$0x1] =	wrdreg $0xFFFFFFFF  }
0xbc: {  	[dreg:$0x0] =	wrdreg $0x60  }
0xbd: {  	[dreg:$0x2] =	wrdreg s24  }
0xbe: {  	[dreg:$0x3] =	wrdreg $0xA  }
0xbf: {  	_ =	task.clear_ibuf [dreg:s22], $0x4FFFF;
	_ =	strace $0x9000004C  }
0xc0: {  	s29 =	simm.s32 $0xA;
	_ =	strace $0x8000004E  }
0xc1: {  	_ =	swait.ge [sflag:s29], $0x1  }
0xc2: {  	[sflag:s29] =	ssyncadd.s32 $0xFFFFFFFF  }
0xc3: {  	_ =	strace $0x9000004E  }
0xc4: {  	_ =	sfence  }
0xc5: {  	s30 =	sld [smem:$0x0];
	_ =	sdelay $0x2  }
0xc6: {  	s31 =	sshll.u32 s1, $0xD;
	s1 =	sshrl.u32 s1, $0x2  }
0xc7: {  	s4 =	sand.u32 $0x4000, s31;
	s1 =	sadd.s32 s1, s30  }
0xc8: {  	s0 =	sor.u32 s4, s0;
	s1 =	sshll.u32 s1, $0x11  }
0xc9: {  	s0 =	sor.u32 s1, s0  }
0xca: {  	s0 =	sadd.s32 $0x8F2B, s0  }
0xcb: {  	[sflag:s0] =	ssyncadd.remote.s32 $0x1  }
0xcc: {  	_ =	sfence.sel $0xFFFF  }
0xcd: {  	[dreg:$0x0] =	wrdreg $0xFFFFFFFF;
	(pc) =	sbr.abs _section_cstart, $3  }
0xce: {  	[dreg:$0x1] =	wrdreg $0xFFFFFFFF  }
0xcf: {  	_ =	task.clear_ibuf [dreg:s22], $0x2FFFF;
	_ =	strace $0x9FFFFFFF  }
0xd0: {  	(tm) =	ssettm $0x7FFFFFFF  }
0xd1: {  	_ =	shalt  }
tec
execute0_lowered:
.L_overlay_start_1:
0x0: {  	(tag) =	ssettag $0x1  }
0x1: {  	s1 =	srdreg.scid;
	s0 =	stileid.u32  }
0x2: {  	s18 =	sand.u32 $0x1, s1;
	s30 =	sshll.u32 s0, $0x1  }
0x3: {  	s10 =	rddreg [dreg:$0x0];
	s11 =	sor.u32 s18, s30  }
0x4: {  	s2 =	simm.s32 $0x0;
	s1 =	rddreg [dreg:$0x1];
	s3 =	sshll.u32 s11, $0x7  }
0x5: {  	[smem:$0x7FF] =	sst s2;
	s3 =	sadd.s32 s3, s10  }
0x6: {  	_ =	strace $0x8000004D;
	s4 =	sadd.s32 $0xEA00, s3;
	s3 =	simm.s32 $0x3  }
0x7: {  	[tilespmem:s2], [sflag:$0x3] =	stream.linear.gather [hbm4b:s4+s2], $0x280, $0x38;
	[tilespmem:$0x8400] =	vst v63  }
0x8: {  	_ =	swait.ge [sflag:s3], $0x280  }
0x9: {  	s6 =	simm.s32 $0x80;
	[sflag:s3] =	ssyncset.done $0x0  }
0xa: {  	s7 =	simm.s32 $0x400;
	s5 =	sadd.s32 $0x6A00, s10;
	[sflag:s3] =	ssyncadd.s32 $0xFFFFFD80  }
0xb: {  	[tilespmem:s7], [sflag:$0x1] =	stream.indirect.gather [hbm4b:s5+s6], $0x80, s2, s6, $0xb8;
	[tilespmem:$0x8400] =	vst v63  }
0xc: {  	s8 =	simm.s32 $0x4400;
	s9 =	simm.s32 $0x1  }
0xd: {  	[tilespmem:s8], [sflag:$0x2] =	stream.indirect.gather [hbm4b:s5+s6], $0x80, s6, s6, $0xb8;
	[tilespmem:$0x8400] =	vst v63  }
0xe: {  	s12 =	smul.u32 $0x2800, s11;
	_ =	swait.ge [sflag:s9], $0x4000  }
0xf: {  	s13 =	sadd.s32 $0xFA00, s10;
	[sflag:s9] =	ssyncset.done $0x0  }
0x10: {  	s10 =	sadd.s32 s13, s12;
	[sflag:s9] =	ssyncadd.s32 $0xFFFFC000  }
0x11: {  	[hbm4b:s10+s2] =	stream.linear.scatter [tilespmem:s7], [sflag:$0x3], $0x4000, $0x38;
	[tilespmem:$0x8400] =	vst v63  }
0x12: {  	_ =	swait.ge [sflag:s3], $0x4000  }
0x13: {  	s14 =	smul.u32 $0x14000, s11;
	[sflag:s3] =	ssyncset.done $0x0  }
0x14: {  	s11 =	simm.s32 $0x100;
	s12 =	simm.s32 $0x2;
	[sflag:s3] =	ssyncadd.s32 $0xFFFFC000  }
0x15: {  	[tilespmem:s7], [sflag:$0x1] =	stream.indirect.gather [hbm4b:s5+s6], $0x80, s11, s6, $0xb8;
	[tilespmem:$0x8400] =	vst v63  }
0x16: {  	s14 =	sshrl.u32 s14, $0x3;
	_ =	swait.ge [sflag:s12], $0x4000  }
0x17: {  	s19 =	sadd.s32 s13, s14;
	[sflag:s12] =	ssyncset.done $0x0  }
0x18: {  	s13 =	sadd.s32 $0x800, s19;
	[sflag:s12] =	ssyncadd.s32 $0xFFFFC000  }
0x19: {  	[hbm4b:s13+s2] =	stream.linear.scatter [tilespmem:s8], [sflag:$0x3], $0x4000, $0x38;
	[tilespmem:$0x8400] =	vst v63  }
0x1a: {  	_ =	swait.ge [sflag:s3], $0x4000  }
0x1b: {  	[sflag:s3] =	ssyncset.done $0x0  }
0x1c: {  	s14 =	simm.s32 $0x180;
	[sflag:s3] =	ssyncadd.s32 $0xFFFFC000  }
0x1d: {  	[tilespmem:s8], [sflag:$0x2] =	stream.indirect.gather [hbm4b:s5+s6], $0x80, s14, s6, $0xb8;
	[tilespmem:$0x8400] =	vst v63  }
0x1e: {  	_ =	swait.ge [sflag:s9], $0x4000  }
0x1f: {  	[sflag:s9] =	ssyncset.done $0x0  }
0x20: {  	s15 =	sadd.s32 $0x1000, s19;
	[sflag:s9] =	ssyncadd.s32 $0xFFFFC000  }
0x21: {  	[hbm4b:s15+s2] =	stream.linear.scatter [tilespmem:s7], [sflag:$0x3], $0x4000, $0x38;
	[tilespmem:$0x8400] =	vst v63  }
0x22: {  	_ =	swait.ge [sflag:s3], $0x4000  }
0x23: {  	[sflag:s3] =	ssyncset.done $0x0  }
0x24: {  	s16 =	simm.s32 $0x200;
	[sflag:s3] =	ssyncadd.s32 $0xFFFFC000  }
0x25: {  	[tilespmem:s7], [sflag:$0x1] =	stream.indirect.gather [hbm4b:s5+s6], $0x80, s16, s6, $0xb8;
	[tilespmem:$0x8400] =	vst v63  }
0x26: {  	_ =	swait.ge [sflag:s12], $0x4000  }
0x27: {  	[sflag:s12] =	ssyncset.done $0x0  }
0x28: {  	s18 =	ssub.s32 $0x2, s18;
	s17 =	sadd.s32 $0x1800, s19;
	[sflag:s12] =	ssyncadd.s32 $0xFFFFC000  }
0x29: {  	[hbm4b:s17+s2] =	stream.linear.scatter [tilespmem:s8], [sflag:$0x3], $0x4000, $0x38;
	[tilespmem:$0x8400] =	vst v63  }
0x2a: {  	s20 =	sshrl.u32 s18, $0x1;
	_ =	swait.ge [sflag:s3], $0x4000  }
0x2b: {  	s20 =	ssub.s32 s18, s20;
	[sflag:s3] =	ssyncset.done $0x0  }
0x2c: {  	s31 =	smax.u32 s20, $0x1;
	[sflag:s3] =	ssyncadd.s32 $0xFFFFC000  }
0x2d: {  	p0 =	sne.s32 s31, $0x1;
	_ =	swait.ge [sflag:s9], $0x4000  }
.Ltmp0:
0x2e: {  	[sflag:s9] =	ssyncset.done $0x0;
	(pc) =	sbr.rel @!p0 .LBB2_2-.Ltmp0, $4  }
0x2f: {  	s18 =	sadd.s32 $0x2000, s19;
	[sflag:s9] =	ssyncadd.s32 $0xFFFFC000  }
0x30: {  	[hbm4b:s18+s2] =	stream.linear.scatter [tilespmem:s7], [sflag:$0x3], $0x4000, $0x38;
	[tilespmem:$0x8400] =	vst v63  }
0x31: {  	_ =	swait.ge [sflag:s3], $0x4000  }
0x32: {  	s19 =	sadd.s32 $0xFFFFFFFF, s31;
	[sflag:s3] =	ssyncset.done $0x0  }
.LBB2_1:
0x33: {  	p0 =	sne.s32 s19, $0x1;
	s19 =	sadd.s32 $0xFFFFFFFF, s19;
	[sflag:s3] =	ssyncadd.s32 $0xFFFFC000  }
0x34: {  	[tilespmem:s2], [sflag:$0x3] =	stream.linear.gather [hbm4b:s4+s2], $0x280, $0x38;
	[tilespmem:$0x8400] =	vst v63  }
0x35: {  	_ =	swait.ge [sflag:s3], $0x280  }
0x36: {  	[sflag:s3] =	ssyncset.done $0x0  }
0x37: {  	[sflag:s3] =	ssyncadd.s32 $0xFFFFFD80  }
0x38: {  	[tilespmem:s7], [sflag:$0x1] =	stream.indirect.gather [hbm4b:s5+s6], $0x80, s2, s6, $0xb8;
	[tilespmem:$0x8400] =	vst v63  }
0x39: {  	_ = 	snop  }
0x3a: {  	[tilespmem:s8], [sflag:$0x2] =	stream.indirect.gather [hbm4b:s5+s6], $0x80, s6, s6, $0xb8;
	[tilespmem:$0x8400] =	vst v63  }
0x3b: {  	_ =	swait.ge [sflag:s9], $0x4000  }
0x3c: {  	[sflag:s9] =	ssyncset.done $0x0  }
0x3d: {  	[sflag:s9] =	ssyncadd.s32 $0xFFFFC000  }
0x3e: {  	[hbm4b:s10+s2] =	stream.linear.scatter [tilespmem:s7], [sflag:$0x3], $0x4000, $0x38;
	[tilespmem:$0x8400] =	vst v63  }
0x3f: {  	_ =	swait.ge [sflag:s3], $0x4000  }
0x40: {  	[sflag:s3] =	ssyncset.done $0x0  }
0x41: {  	[sflag:s3] =	ssyncadd.s32 $0xFFFFC000  }
0x42: {  	[tilespmem:s7], [sflag:$0x1] =	stream.indirect.gather [hbm4b:s5+s6], $0x80, s11, s6, $0xb8;
	[tilespmem:$0x8400] =	vst v63  }
0x43: {  	_ =	swait.ge [sflag:s12], $0x4000  }
0x44: {  	[sflag:s12] =	ssyncset.done $0x0  }
0x45: {  	[sflag:s12] =	ssyncadd.s32 $0xFFFFC000  }
0x46: {  	[hbm4b:s13+s2] =	stream.linear.scatter [tilespmem:s8], [sflag:$0x3], $0x4000, $0x38;
	[tilespmem:$0x8400] =	vst v63  }
0x47: {  	_ =	swait.ge [sflag:s3], $0x4000  }
0x48: {  	[sflag:s3] =	ssyncset.done $0x0  }
0x49: {  	[sflag:s3] =	ssyncadd.s32 $0xFFFFC000  }
0x4a: {  	[tilespmem:s8], [sflag:$0x2] =	stream.indirect.gather [hbm4b:s5+s6], $0x80, s14, s6, $0xb8;
	[tilespmem:$0x8400] =	vst v63  }
0x4b: {  	_ =	swait.ge [sflag:s9], $0x4000  }
0x4c: {  	[sflag:s9] =	ssyncset.done $0x0  }
0x4d: {  	[sflag:s9] =	ssyncadd.s32 $0xFFFFC000  }
0x4e: {  	[hbm4b:s15+s2] =	stream.linear.scatter [tilespmem:s7], [sflag:$0x3], $0x4000, $0x38;
	[tilespmem:$0x8400] =	vst v63  }
0x4f: {  	_ =	swait.ge [sflag:s3], $0x4000  }
0x50: {  	[sflag:s3] =	ssyncset.done $0x0  }
0x51: {  	[sflag:s3] =	ssyncadd.s32 $0xFFFFC000  }
0x52: {  	[tilespmem:s7], [sflag:$0x1] =	stream.indirect.gather [hbm4b:s5+s6], $0x80, s16, s6, $0xb8;
	[tilespmem:$0x8400] =	vst v63  }
0x53: {  	_ =	swait.ge [sflag:s12], $0x4000  }
0x54: {  	[sflag:s12] =	ssyncset.done $0x0  }
0x55: {  	[sflag:s12] =	ssyncadd.s32 $0xFFFFC000  }
0x56: {  	[hbm4b:s17+s2] =	stream.linear.scatter [tilespmem:s8], [sflag:$0x3], $0x4000, $0x38;
	[tilespmem:$0x8400] =	vst v63  }
0x57: {  	_ =	swait.ge [sflag:s3], $0x4000  }
0x58: {  	[sflag:s3] =	ssyncset.done $0x0  }
0x59: {  	[sflag:s3] =	ssyncadd.s32 $0xFFFFC000  }
0x5a: {  	_ =	swait.ge [sflag:s9], $0x4000  }
.Ltmp1:
0x5b: {  	[sflag:s9] =	ssyncset.done $0x0;
	(pc) =	sbr.rel @p0 .LBB2_1-.Ltmp1, $4  }
0x5c: {  	[sflag:s9] =	ssyncadd.s32 $0xFFFFC000  }
0x5d: {  	[hbm4b:s18+s2] =	stream.linear.scatter [tilespmem:s7], [sflag:$0x3], $0x4000, $0x38;
	[tilespmem:$0x8400] =	vst v63  }
0x5e: {  	_ =	swait.ge [sflag:s3], $0x4000  }
0x5f: {  	[sflag:s3] =	ssyncset.done $0x0  }
.LBB2_2:
0x60: {  	[sflag:s3] =	ssyncadd.s32 $0xFFFFC000  }
0x61: {  	_ =	sfence.sel $0x180000  }
0x62: {  	[bflag:$0x0] =	sbarrier.arrive $0xFFFF  }
0x63: {  	p0 =	sne.s32 s0, $0x0;
	_ =	strace $0x9000004D  }
0x64: {  	s0 =	sadd.s32 @!p0 $0x100000, s1;
	[bflag:$0x2] =	sbarrier.arrive $0xFFFF  }
0x65: {  	[sflag:s0] =	ssyncadd.tile.s32 @!p0 $0x1;
	_ =	shalt  }
.Lfunc_end2:
_tile_overlayer_lowered:
.L_overlay_start_2:
0x66: {  	(tag) =	ssettag $0x2  }
0x67: {  	s0 =	rddreg [dreg:$0x0];
	s2 =	stileid.u32  }
0x68: {  	s1 =	rddreg [dreg:$0x1];
	p0 =	sne.s32 s2, $0x0  }
0x69: {  	s3 =	rddreg [dreg:$0x2];
	[bflag:$0x3] =	sbarrier.arrive $0xFFFF;
	s2 =	simm.s32 @!p0 $0x1C03  }
0x6a: {  	[timem:s3], [sflag:s2] =	dma.local @!p0 [hbm:s0], s1  }
0x6b: {  	s0 =	simm.s32 @!p0 $0x3  }
0x6c: {  	_ =	swait.ge @!p0 [sflag:s0], s1  }
0x6d: {  	s1 =	ssub.s32 @!p0 $0x0, s1;
	[sflag:s0] =	ssyncset.done @!p0 $0x0  }
0x6e: {  	[sflag:s0] =	ssyncadd.s32 @!p0 s1  }
0x6f: {  	[bflag:$0x3] =	sbarrier.arrive $0xFFFF  }
0x70: {  	_ =	shalt  }

// kernel: kernel.21.cloned.1.call-start
scs
__scs_entry_jumppad:
0x0: {  	(pc) =	sbr.rel $0x88, $3  }
0x1: {  	(tag) =	ssettag $0x0;
	lr =	simm.s32 $0x1  }
0x2: {  	[smem:$0x3F85] =	sst lr;
	_ =	strace $0xD0000000  }
0x3: {  	_ = 	snop  }
0x4: {  	_ = 	snop  }
0x5: {  	_ = 	snop  }
0x6: {  	_ = 	snop  }
0x7: {  	_ = 	snop  }
__scs_overlays_trampoline_lowered:
0x8: {  	[smem:$0x3F94] =	sst s0  }
0x9: {  	[smem:$0x3F95] =	sst s1  }
0xa: {  	[smem:$0x3F96] =	sst s2  }
0xb: {  	[smem:$0x3F97] =	sst s3  }
0xc: {  	[smem:$0x3F98] =	sst s4  }
0xd: {  	[smem:$0x3F99] =	sst s5  }
0xe: {  	[smem:$0x3F9A] =	sst s6  }
0xf: {  	[smem:$0x3F9B] =	sst s7  }
0x10: {  	[smem:$0x3F9C] =	sst s8  }
0x11: {  	[smem:$0x3F9D] =	sst s9;
	s0 =	simm.s32 @!p0 $0x0  }
0x12: {  	s1 =	sld [smem:$0x3F83];
	s0 =	simm.s32 @p0 $0x1  }
0x13: {  	[smem:$0x3F9E] =	sst s0;
	s0 =	simm.s32 @!p1 $0x0  }
0x14: {  	s2 =	sld [smem:$0x3F82];
	s0 =	simm.s32 @p1 $0x1  }
0x15: {  	[smem:$0x3F9F] =	sst s0;
	s0 =	simm.s32 @!p2 $0x0  }
0x16: {  	s3 =	sld [smem:$0x3FDB];
	s0 =	simm.s32 @p2 $0x1  }
0x17: {  	s4 =	simm.s32 $0x1BF5;
	[smem:$0x3FA1] =	sst s0  }
0x18: {  	s0 =	sld [smem:$0x3F84];
	_ =	swait.ge [sflag:s4], $0x0  }
0x19: {  	s7 =	sld [smem:$0x3F85]  }
0x1a: {  	s8 =	sadd.s32 $0xFFFFE003, lr  }
0x1b: {  	s9 =	sadd.s32 $0xFFFFFEF7, lr;
	s5 =	simm.s32 $0xFFFFFFFF;
	p2 =	slt.u32 s8, $0xFFFFF086  }
0x1c: {  	p1 =	slt.u32 s9, $0xF7A;
	s5 =	simm.s32 @!p2 $0x0  }
0x1d: {  	s5 =	simm.s32 @p1 $0x1;
	p0 =	seq.s32 s7, s2  }
0x1e: {  	s7 =	smul.u32 @!p0 $0xF7A, s2;
	p2 =	seq.s32 @!p0 s5, $0x0  }
0x1f: {  	s9 =	smul.u32 $0xF7A, s1;
	s8 =	simm.s32 @!p0 $0x1BF5;
	p2 =	por !p2, p0  }
0x20: {  	[sflag:s8] =	ssyncset.s32 @!p0 $0xFFFFF086;
	s6 =	sadd.s32 @!p0 s3, s7;
	s7 =	simm.s32 @!p0 $0x108  }
0x21: {  	s3 =	sadd.s32 s3, s9;
	s6 =	sadd.s32 @!p0 $0x88, s6;
	s7 =	simm.s32 @p2 $0x1082  }
0x22: {  	[simem:s7], [sflag:s8] =	dma.local @!p0 [hbm:s6], $0xF7A  }
0x23: {  	s9 =	sor.u32 $0xD0000000, s2;
	s6 =	simm.s32 $0x108;
	_ =	swait.ge @!p0 [sflag:s8], $0x0  }
0x24: {  	s3 =	sadd.s32 $0x88, s3;
	s6 =	simm.s32 @!p1 $0x1082;
	[sflag:s4] =	ssyncset.s32 $0xFFFFF086  }
0x25: {  	[simem:s6], [sflag:s4] =	dma.local [hbm:s3], $0xF7A  }
0x26: {  	[smem:$0x3F85] =	sst s1;
	(tag) =	ssettag s2;
	_ =	strace s9  }
0x27: {  	s1 =	sld [smem:$0x3F95]  }
0x28: {  	s2 =	sld [smem:$0x3F96]  }
0x29: {  	s4 =	sld [smem:$0x3F98]  }
0x2a: {  	p0 =	seq.s32 s5, $0x0;
	s5 =	sld [smem:$0x3F99]  }
0x2b: {  	s6 =	sld [smem:$0x3F9A]  }
0x2c: {  	s7 =	sld [smem:$0x3F9B]  }
0x2d: {  	s3 =	simm.s32 $0x108;
	s8 =	sld [smem:$0x3F9C]  }
0x2e: {  	s3 =	simm.s32 @!p0 $0x1082;
	s9 =	sld [smem:$0x3F9D]  }
0x2f: {  	lr =	sadd.s32 s0, s3;
	s0 =	sld [smem:$0x3F94]  }
0x30: {  	s3 =	sld [smem:$0x3F97]  }
0x31: {  	[smem:$0x3FA0] =	sst s10  }
0x32: {  	s10 =	sld [smem:$0x3F9E];
	_ =	sdelay $0x3  }
0x33: {  	p0 =	seq.s32 s10, $0x1;
	s10 =	sld [smem:$0x3FA0];
	_ =	sdelay $0x3  }
0x34: {  	[smem:$0x3FA0] =	sst s10  }
0x35: {  	s10 =	sld [smem:$0x3F9F];
	_ =	sdelay $0x3  }
0x36: {  	p1 =	seq.s32 s10, $0x1;
	s10 =	sld [smem:$0x3FA0];
	_ =	sdelay $0x3  }
0x37: {  	[smem:$0x3FA0] =	sst s10  }
0x38: {  	s10 =	sld [smem:$0x3FA1]  }
0x39: {  	_ = 	snop;
	(pc) =	sbr.ind lr, $3  }
0x3a: {  	_ = 	snop  }
0x3b: {  	_ = 	snop  }
0x3c: {  	p2 =	seq.s32 s10, $0x1;
	s10 =	sld [smem:$0x3FA0]  }
0x3d: {  	_ =	shalt  }
0x3e: {  	_ =	shalt  }
0x3f: {  	_ =	shalt  }
0x40: {  	_ =	shalt  }
0x41: {  	_ =	shalt  }
0x42: {  	_ =	shalt  }
0x43: {  	_ =	shalt  }
0x44: {  	_ =	shalt  }
0x45: {  	_ =	shalt  }
0x46: {  	_ =	shalt  }
0x47: {  	_ =	shalt  }
0x48: {  	_ =	shalt  }
0x49: {  	_ =	shalt  }
0x4a: {  	_ =	shalt  }
0x4b: {  	_ =	shalt  }
0x4c: {  	_ =	shalt  }
0x4d: {  	_ =	shalt  }
0x4e: {  	_ =	shalt  }
0x4f: {  	_ =	shalt  }
0x50: {  	_ =	shalt  }
0x51: {  	_ =	shalt  }
0x52: {  	_ =	shalt  }
0x53: {  	_ =	shalt  }
0x54: {  	_ =	shalt  }
0x55: {  	_ =	shalt  }
0x56: {  	_ =	shalt  }
0x57: {  	_ =	shalt  }
0x58: {  	_ =	shalt  }
0x59: {  	_ =	shalt  }
0x5a: {  	_ =	shalt  }
0x5b: {  	_ =	shalt  }
0x5c: {  	_ =	shalt  }
0x5d: {  	_ =	shalt  }
0x5e: {  	_ =	shalt  }
0x5f: {  	_ =	shalt  }
0x60: {  	_ =	shalt  }
0x61: {  	_ =	shalt  }
0x62: {  	_ =	shalt  }
0x63: {  	_ =	shalt  }
0x64: {  	_ =	shalt  }
0x65: {  	_ =	shalt  }
0x66: {  	_ =	shalt  }
0x67: {  	_ =	shalt  }
0x68: {  	_ =	shalt  }
0x69: {  	_ =	shalt  }
0x6a: {  	_ =	shalt  }
0x6b: {  	_ =	shalt  }
0x6c: {  	_ =	shalt  }
0x6d: {  	_ =	shalt  }
0x6e: {  	_ =	shalt  }
0x6f: {  	_ =	shalt  }
0x70: {  	_ =	shalt  }
0x71: {  	_ =	shalt  }
0x72: {  	_ =	shalt  }
0x73: {  	_ =	shalt  }
0x74: {  	_ =	shalt  }
0x75: {  	_ =	shalt  }
0x76: {  	_ =	shalt  }
0x77: {  	_ =	shalt  }
0x78: {  	_ =	shalt  }
0x79: {  	_ =	shalt  }
0x7a: {  	_ =	shalt  }
0x7b: {  	_ =	shalt  }
0x7c: {  	_ =	shalt  }
0x7d: {  	_ =	shalt  }
0x7e: {  	_ =	shalt  }
0x7f: {  	_ =	shalt  }
0x80: {  	_ =	shalt  }
0x81: {  	_ =	shalt  }
0x82: {  	_ =	shalt  }
0x83: {  	_ =	shalt  }
0x84: {  	_ =	shalt  }
0x85: {  	_ =	shalt  }
0x86: {  	_ =	shalt  }
0x87: {  	_ =	shalt  }
.Lfunc_end0:
.L_simem_size_0:
called_computation.3_lowered:
.L_overlay_start_0:
0x88: {  	s2 =	sld [smem:$0x3FD9]  }
0x89: {  	s3 =	sld [smem:$0x3FFE];
	_ =	sdelay $0x1  }
0x8a: {  	s1 =	srdreg.scid  }
0x8b: {  	s0 =	sand.u32 $0x1, s1  }
0x8c: {  	s17 =	sshll.u32 s0, $0xA;
	s2 =	sadd.s32 s3, s2  }
0x8d: {  	s2 =	sadd.s32 s2, s17  }
0x8e: {  	[smem:$0x3FAC] =	sst s2  }
0x8f: {  	_ = 	snop  }
0x90: {  	s18 =	sld [smem:$0x3FD0];
	(tm) =	ssettm $0x1  }
0x91: {  	s19 =	sld [smem:$0x3FFB];
	_ =	sdelay $0x3  }
0x92: {  	_ =	strace s19  }
0x93: {  	s2 =	sld [smem:$0x3FFC];
	_ =	sdelay $0x3  }
0x94: {  	_ =	strace s2  }
0x95: {  	s2 =	sld [smem:$0x3FFD];
	_ =	sdelay $0x3  }
0x96: {  	_ =	strace s2  }
0x97: {  	_ =	strace $0x8FFFFFFF  }
0x98: {  	s20 =	sld [smem:$0x3FDB];
	_ =	sdelay $0x1  }
0x99: {  	s4 =	simm.s32 $_scs_section_size  }
0x9a: {  	s5 =	simm.s32 $_size__tile_overlayer_lowered;
	s6 =	simm.s32 $_tile_overlayer_lowered  }
0x9b: {  	s7 =	simm.s32 $0x1BFF;
	s21 =	sshll.u32 s6, $0x1;
	s4 =	sadd.s32 s4, s20  }
0x9c: {  	s22 =	simm.s32 $0x0;
	s5 =	sshll.u32 s5, $0x1;
	s6 =	sadd.s32 s21, s4  }
0x9d: {  	[timem:s22], [sflag:s7] =	dma.local [hbm:s6], s5  }
0x9e: {  	_ =	swait.ge [sflag:s7], s5  }
0x9f: {  	s5 =	ssub.s32 $0x0, s5;
	[sflag:s7] =	ssyncset.done $0x0  }
0xa0: {  	[sflag:s7] =	ssyncadd.s32 s5;
	_ =	sdelay $0x1  }
0xa1: {  	s23 =	simm.s32 $0x1B8B  }
0xa2: {  	_ =	swait.ge [sflag:s23], $0x1  }
0xa3: {  	[sflag:s23] =	ssyncset.done $0x0  }
0xa4: {  	[sflag:s23] =	ssyncadd.s32 $0xFFFFFFFF  }
0xa5: {  	s5 =	sld [smem:$0x0]  }
0xa6: {  	s6 =	sand.u32 $0xFFFFFFFE, s1  }
0xa7: {  	p0 =	sne.s32 s1, s6  }
0xa8: {  	s6 =	sshll.u32 @p0 s6, $0xE  }
0xa9: {  	s6 =	sadd.s32 @p0 $0x11B8D, s6;
	s7 =	sshll.u32 @p0 s5, $0x11  }
0xaa: {  	s6 =	sor.u32 @p0 s7, s6  }
0xab: {  	[sflag:s6] =	ssyncadd.remote.s32 @p0 $0x1;
	_ =	sdelay $0x1  }
0xac: {  	s6 =	simm.s32 @p0 $0x1B8D  }
0xad: {  	_ =	swait.eq @p0 [sflag:s6], $0x1  }
0xae: {  	[sflag:s6] =	ssyncadd.s32 @p0 $0xFFFFFFFF  }
0xaf: {  	s7 =	sshll.u32 @!p0 s1, $0xE  }
0xb0: {  	s7 =	sor.u32 @!p0 $0x4000, s7;
	s6 =	simm.s32 @!p0 $0x1B8D  }
0xb1: {  	s5 =	sshll.u32 @!p0 s5, $0x11;
	s7 =	sadd.s32 @!p0 $0x11B8D, s7;
	_ =	swait.eq @!p0 [sflag:s6], $0x1  }
0xb2: {  	s5 =	sor.u32 @!p0 s5, s7;
	[sflag:s6] =	ssyncadd.s32 @!p0 $0xFFFFFFFF  }
0xb3: {  	s25 =	simm.s32 $0x1B8E;
	s24 =	sld [smem:$0x3FFE];
	[sflag:s5] =	ssyncadd.remote.s32 @!p0 $0x1  }
0xb4: {  	s26 =	simm.s32 $execute0_lowered;
	[smem:$0x3FD2] =	sst s25  }
0xb5: {  	s6 =	sshll.u32 s26, $0x1;
	_ =	strace $0x8000004F;
	[dreg:$0x1] =	wrdreg $0xFFFFFFFF  }
0xb6: {  	s28 =	simm.s32 $_size_execute0_lowered;
	s4 =	sadd.s32 s4, s6;
	[dreg:$0x0] =	wrdreg $0x0  }
0xb7: {  	s6 =	sshll.u32 s28, $0x1;
	[dreg:$0x2] =	wrdreg s4  }
0xb8: {  	[dreg:$0x3] =	wrdreg s6  }
0xb9: {  	[dreg:$0x4] =	wrdreg $0xC0  }
0xba: {  	_ =	task [dreg:s22], $0x5FFFF  }
0xbb: {  	[dreg:$0x1] =	wrdreg $0xFFFFFFFF  }
0xbc: {  	[dreg:$0x0] =	wrdreg $0x60  }
0xbd: {  	[dreg:$0x2] =	wrdreg s18  }
0xbe: {  	[dreg:$0x3] =	wrdreg s24  }
0xbf: {  	[dreg:$0x4] =	wrdreg $0x9  }
0xc0: {  	_ =	task.clear_ibuf [dreg:s22], $0x5FFFF;
	_ =	strace $0x9000004F  }
0xc1: {  	s29 =	simm.s32 $0x9;
	_ =	strace $0x80000051  }
0xc2: {  	_ =	swait.ge [sflag:s29], $0x1  }
0xc3: {  	[sflag:s29] =	ssyncadd.s32 $0xFFFFFFFF  }
0xc4: {  	_ =	strace $0x90000051  }
0xc5: {  	_ =	sfence  }
0xc6: {  	s30 =	sld [smem:$0x0];
	_ =	sdelay $0x2  }
0xc7: {  	s31 =	sshll.u32 s1, $0xD;
	s1 =	sshrl.u32 s1, $0x2  }
0xc8: {  	s4 =	sand.u32 $0x4000, s31;
	s1 =	sadd.s32 s1, s30  }
0xc9: {  	s0 =	sor.u32 s4, s0;
	s1 =	sshll.u32 s1, $0x11  }
0xca: {  	s0 =	sor.u32 s1, s0  }
0xcb: {  	s0 =	sadd.s32 $0x8F2B, s0  }
0xcc: {  	[sflag:s0] =	ssyncadd.remote.s32 $0x1  }
0xcd: {  	_ =	sfence.sel $0xFFFF  }
0xce: {  	[dreg:$0x0] =	wrdreg $0xFFFFFFFF;
	(pc) =	sbr.abs _section_cstart, $3  }
0xcf: {  	[dreg:$0x1] =	wrdreg $0xFFFFFFFF  }
0xd0: {  	_ =	task.clear_ibuf [dreg:s22], $0x2FFFF;
	_ =	strace $0x9FFFFFFF  }
0xd1: {  	(tm) =	ssettm $0x7FFFFFFF  }
tec
execute0_lowered:
.L_overlay_start_1:
0x0: {  	(tag) =	ssettag $0x1  }
0x1: {  	s1 =	srdreg.scid;
	s0 =	stileid.u32  }
0x2: {  	s2 =	rddreg [dreg:$0x0];
	s18 =	sand.u32 $0x1, s1;
	s30 =	sshll.u32 s0, $0x1  }
0x3: {  	s10 =	rddreg [dreg:$0x1];
	s11 =	sor.u32 s18, s30  }
0x4: {  	s3 =	simm.s32 $0x0;
	s1 =	rddreg [dreg:$0x2];
	s4 =	sshll.u32 s11, $0x7  }
0x5: {  	[smem:$0x7FF] =	sst s3;
	s4 =	sadd.s32 s4, s10  }
0x6: {  	_ =	strace $0x80000050;
	s5 =	sadd.s32 $0x5FA00, s4;
	s4 =	simm.s32 $0x3  }
0x7: {  	[tilespmem:s3], [sflag:$0x3] =	stream.linear.gather [hbm4b:s5+s3], $0x280, $0x38;
	[tilespmem:$0x8400] =	vst v63  }
0x8: {  	_ =	swait.ge [sflag:s4], $0x280  }
0x9: {  	[sflag:s4] =	ssyncset.done $0x0  }
0xa: {  	s6 =	simm.s32 $0x80;
	s7 =	simm.s32 $0x400;
	[sflag:s4] =	ssyncadd.s32 $0xFFFFFD80  }
0xb: {  	[tilespmem:s7], [sflag:$0x1] =	stream.indirect.gather [hbm4b:s2+s6], $0x80, s3, s6, $0xb8;
	[tilespmem:$0x8400] =	vst v63  }
0xc: {  	s8 =	simm.s32 $0x4400;
	s9 =	simm.s32 $0x1  }
0xd: {  	[tilespmem:s8], [sflag:$0x2] =	stream.indirect.gather [hbm4b:s2+s6], $0x80, s6, s6, $0xb8;
	[tilespmem:$0x8400] =	vst v63  }
0xe: {  	s12 =	smul.u32 $0x2800, s11;
	_ =	swait.ge [sflag:s9], $0x4000  }
0xf: {  	s13 =	sadd.s32 $0x60A00, s10;
	[sflag:s9] =	ssyncset.done $0x0  }
0x10: {  	s10 =	sadd.s32 s13, s12;
	[sflag:s9] =	ssyncadd.s32 $0xFFFFC000  }
0x11: {  	[hbm4b:s10+s3] =	stream.linear.scatter [tilespmem:s7], [sflag:$0x3], $0x4000, $0x38;
	[tilespmem:$0x8400] =	vst v63  }
0x12: {  	_ =	swait.ge [sflag:s4], $0x4000  }
0x13: {  	s14 =	smul.u32 $0x14000, s11;
	[sflag:s4] =	ssyncset.done $0x0  }
0x14: {  	s11 =	simm.s32 $0x100;
	s12 =	simm.s32 $0x2;
	[sflag:s4] =	ssyncadd.s32 $0xFFFFC000  }
0x15: {  	[tilespmem:s7], [sflag:$0x1] =	stream.indirect.gather [hbm4b:s2+s6], $0x80, s11, s6, $0xb8;
	[tilespmem:$0x8400] =	vst v63  }
0x16: {  	s14 =	sshrl.u32 s14, $0x3;
	_ =	swait.ge [sflag:s12], $0x4000  }
0x17: {  	s19 =	sadd.s32 s13, s14;
	[sflag:s12] =	ssyncset.done $0x0  }
0x18: {  	s13 =	sadd.s32 $0x800, s19;
	[sflag:s12] =	ssyncadd.s32 $0xFFFFC000  }
0x19: {  	[hbm4b:s13+s3] =	stream.linear.scatter [tilespmem:s8], [sflag:$0x3], $0x4000, $0x38;
	[tilespmem:$0x8400] =	vst v63  }
0x1a: {  	_ =	swait.ge [sflag:s4], $0x4000  }
0x1b: {  	[sflag:s4] =	ssyncset.done $0x0  }
0x1c: {  	s14 =	simm.s32 $0x180;
	[sflag:s4] =	ssyncadd.s32 $0xFFFFC000  }
0x1d: {  	[tilespmem:s8], [sflag:$0x2] =	stream.indirect.gather [hbm4b:s2+s6], $0x80, s14, s6, $0xb8;
	[tilespmem:$0x8400] =	vst v63  }
0x1e: {  	_ =	swait.ge [sflag:s9], $0x4000  }
0x1f: {  	[sflag:s9] =	ssyncset.done $0x0  }
0x20: {  	s15 =	sadd.s32 $0x1000, s19;
	[sflag:s9] =	ssyncadd.s32 $0xFFFFC000  }
0x21: {  	[hbm4b:s15+s3] =	stream.linear.scatter [tilespmem:s7], [sflag:$0x3], $0x4000, $0x38;
	[tilespmem:$0x8400] =	vst v63  }
0x22: {  	_ =	swait.ge [sflag:s4], $0x4000  }
0x23: {  	[sflag:s4] =	ssyncset.done $0x0  }
0x24: {  	s16 =	simm.s32 $0x200;
	[sflag:s4] =	ssyncadd.s32 $0xFFFFC000  }
0x25: {  	[tilespmem:s7], [sflag:$0x1] =	stream.indirect.gather [hbm4b:s2+s6], $0x80, s16, s6, $0xb8;
	[tilespmem:$0x8400] =	vst v63  }
0x26: {  	_ =	swait.ge [sflag:s12], $0x4000  }
0x27: {  	[sflag:s12] =	ssyncset.done $0x0  }
0x28: {  	s18 =	ssub.s32 $0x2, s18;
	s17 =	sadd.s32 $0x1800, s19;
	[sflag:s12] =	ssyncadd.s32 $0xFFFFC000  }
0x29: {  	[hbm4b:s17+s3] =	stream.linear.scatter [tilespmem:s8], [sflag:$0x3], $0x4000, $0x38;
	[tilespmem:$0x8400] =	vst v63  }
0x2a: {  	s20 =	sshrl.u32 s18, $0x1;
	_ =	swait.ge [sflag:s4], $0x4000  }
0x2b: {  	s20 =	ssub.s32 s18, s20;
	[sflag:s4] =	ssyncset.done $0x0  }
0x2c: {  	s31 =	smax.u32 s20, $0x1;
	[sflag:s4] =	ssyncadd.s32 $0xFFFFC000  }
0x2d: {  	p0 =	sne.s32 s31, $0x1;
	_ =	swait.ge [sflag:s9], $0x4000  }
.Ltmp0:
0x2e: {  	[sflag:s9] =	ssyncset.done $0x0;
	(pc) =	sbr.rel @!p0 .LBB2_2-.Ltmp0, $4  }
0x2f: {  	s18 =	sadd.s32 $0x2000, s19;
	[sflag:s9] =	ssyncadd.s32 $0xFFFFC000  }
0x30: {  	[hbm4b:s18+s3] =	stream.linear.scatter [tilespmem:s7], [sflag:$0x3], $0x4000, $0x38;
	[tilespmem:$0x8400] =	vst v63  }
0x31: {  	_ =	swait.ge [sflag:s4], $0x4000  }
0x32: {  	s19 =	sadd.s32 $0xFFFFFFFF, s31;
	[sflag:s4] =	ssyncset.done $0x0  }
.LBB2_1:
0x33: {  	p0 =	sne.s32 s19, $0x1;
	s19 =	sadd.s32 $0xFFFFFFFF, s19;
	[sflag:s4] =	ssyncadd.s32 $0xFFFFC000  }
0x34: {  	[tilespmem:s3], [sflag:$0x3] =	stream.linear.gather [hbm4b:s5+s3], $0x280, $0x38;
	[tilespmem:$0x8400] =	vst v63  }
0x35: {  	_ =	swait.ge [sflag:s4], $0x280  }
0x36: {  	[sflag:s4] =	ssyncset.done $0x0  }
0x37: {  	[sflag:s4] =	ssyncadd.s32 $0xFFFFFD80  }
0x38: {  	[tilespmem:s7], [sflag:$0x1] =	stream.indirect.gather [hbm4b:s2+s6], $0x80, s3, s6, $0xb8;
	[tilespmem:$0x8400] =	vst v63  }
0x39: {  	_ = 	snop  }
0x3a: {  	[tilespmem:s8], [sflag:$0x2] =	stream.indirect.gather [hbm4b:s2+s6], $0x80, s6, s6, $0xb8;
	[tilespmem:$0x8400] =	vst v63  }
0x3b: {  	_ =	swait.ge [sflag:s9], $0x4000  }
0x3c: {  	[sflag:s9] =	ssyncset.done $0x0  }
0x3d: {  	[sflag:s9] =	ssyncadd.s32 $0xFFFFC000  }
0x3e: {  	[hbm4b:s10+s3] =	stream.linear.scatter [tilespmem:s7], [sflag:$0x3], $0x4000, $0x38;
	[tilespmem:$0x8400] =	vst v63  }
0x3f: {  	_ =	swait.ge [sflag:s4], $0x4000  }
0x40: {  	[sflag:s4] =	ssyncset.done $0x0  }
0x41: {  	[sflag:s4] =	ssyncadd.s32 $0xFFFFC000  }
0x42: {  	[tilespmem:s7], [sflag:$0x1] =	stream.indirect.gather [hbm4b:s2+s6], $0x80, s11, s6, $0xb8;
	[tilespmem:$0x8400] =	vst v63  }
0x43: {  	_ =	swait.ge [sflag:s12], $0x4000  }
0x44: {  	[sflag:s12] =	ssyncset.done $0x0  }
0x45: {  	[sflag:s12] =	ssyncadd.s32 $0xFFFFC000  }
0x46: {  	[hbm4b:s13+s3] =	stream.linear.scatter [tilespmem:s8], [sflag:$0x3], $0x4000, $0x38;
	[tilespmem:$0x8400] =	vst v63  }
0x47: {  	_ =	swait.ge [sflag:s4], $0x4000  }
0x48: {  	[sflag:s4] =	ssyncset.done $0x0  }
0x49: {  	[sflag:s4] =	ssyncadd.s32 $0xFFFFC000  }
0x4a: {  	[tilespmem:s8], [sflag:$0x2] =	stream.indirect.gather [hbm4b:s2+s6], $0x80, s14, s6, $0xb8;
	[tilespmem:$0x8400] =	vst v63  }
0x4b: {  	_ =	swait.ge [sflag:s9], $0x4000  }
0x4c: {  	[sflag:s9] =	ssyncset.done $0x0  }
0x4d: {  	[sflag:s9] =	ssyncadd.s32 $0xFFFFC000  }
0x4e: {  	[hbm4b:s15+s3] =	stream.linear.scatter [tilespmem:s7], [sflag:$0x3], $0x4000, $0x38;
	[tilespmem:$0x8400] =	vst v63  }
0x4f: {  	_ =	swait.ge [sflag:s4], $0x4000  }
0x50: {  	[sflag:s4] =	ssyncset.done $0x0  }
0x51: {  	[sflag:s4] =	ssyncadd.s32 $0xFFFFC000  }
0x52: {  	[tilespmem:s7], [sflag:$0x1] =	stream.indirect.gather [hbm4b:s2+s6], $0x80, s16, s6, $0xb8;
	[tilespmem:$0x8400] =	vst v63  }
0x53: {  	_ =	swait.ge [sflag:s12], $0x4000  }
0x54: {  	[sflag:s12] =	ssyncset.done $0x0  }
0x55: {  	[sflag:s12] =	ssyncadd.s32 $0xFFFFC000  }
0x56: {  	[hbm4b:s17+s3] =	stream.linear.scatter [tilespmem:s8], [sflag:$0x3], $0x4000, $0x38;
	[tilespmem:$0x8400] =	vst v63  }
0x57: {  	_ =	swait.ge [sflag:s4], $0x4000  }
0x58: {  	[sflag:s4] =	ssyncset.done $0x0  }
0x59: {  	[sflag:s4] =	ssyncadd.s32 $0xFFFFC000  }
0x5a: {  	_ =	swait.ge [sflag:s9], $0x4000  }
.Ltmp1:
0x5b: {  	[sflag:s9] =	ssyncset.done $0x0;
	(pc) =	sbr.rel @p0 .LBB2_1-.Ltmp1, $4  }
0x5c: {  	[sflag:s9] =	ssyncadd.s32 $0xFFFFC000  }
0x5d: {  	[hbm4b:s18+s3] =	stream.linear.scatter [tilespmem:s7], [sflag:$0x3], $0x4000, $0x38;
	[tilespmem:$0x8400] =	vst v63  }
0x5e: {  	_ =	swait.ge [sflag:s4], $0x4000  }
0x5f: {  	[sflag:s4] =	ssyncset.done $0x0  }
.LBB2_2:
0x60: {  	[sflag:s4] =	ssyncadd.s32 $0xFFFFC000  }
0x61: {  	_ =	sfence.sel $0x180000  }
0x62: {  	[bflag:$0x0] =	sbarrier.arrive $0xFFFF  }
0x63: {  	p0 =	sne.s32 s0, $0x0;
	_ =	strace $0x90000050  }
0x64: {  	s0 =	sadd.s32 @!p0 $0x100000, s1;
	[bflag:$0x2] =	sbarrier.arrive $0xFFFF  }
0x65: {  	[sflag:s0] =	ssyncadd.tile.s32 @!p0 $0x1;
	_ =	shalt  }
.Lfunc_end2:
_tile_overlayer_lowered:
.L_overlay_start_2:
0x66: {  	(tag) =	ssettag $0x2  }
0x67: {  	s0 =	rddreg [dreg:$0x0];
	s2 =	stileid.u32  }
0x68: {  	s1 =	rddreg [dreg:$0x1];
	p0 =	sne.s32 s2, $0x0  }
0x69: {  	s3 =	rddreg [dreg:$0x2];
	[bflag:$0x3] =	sbarrier.arrive $0xFFFF;
	s2 =	simm.s32 @!p0 $0x1C03  }
0x6a: {  	[timem:s3], [sflag:s2] =	dma.local @!p0 [hbm:s0], s1  }
0x6b: {  	s0 =	simm.s32 @!p0 $0x3  }
0x6c: {  	_ =	swait.ge @!p0 [sflag:s0], s1  }
0x6d: {  	s1 =	ssub.s32 @!p0 $0x0, s1;
	[sflag:s0] =	ssyncset.done @!p0 $0x0  }
0x6e: {  	[sflag:s0] =	ssyncadd.s32 @!p0 s1  }
0x6f: {  	[bflag:$0x3] =	sbarrier.arrive $0xFFFF  }
0x70: {  	_ =	shalt  }

</sc_bundles>
